<compile_context>
chip_gen: v7x
topology: tpu7x:2x2x1
jax: 0.10.2.dev20260603
libtpu: 0.0.44.dev20260713+nightly
codegen_flags: <defaults>
</compile_context>

<pallas_src>
import functools

import jax
import jax.numpy as jnp
from jax import lax
from jax.experimental import pallas as pl
from jax.experimental.pallas import tpu as pltpu
from jax.experimental.pallas import tpu_sc as plsc

N = 10000
E = 320000
D = 128
L = 16
NC = 2
NS = 16
NW = NC * NS
NP = 10240
B = 80
EPW = E // NW
NB = EPW // B
NBUF_CNT = 3
NBUF_NOCNT = 4
RPT = NP // NS
RB = 640


def _sc_agg_body(with_count, table, src, dst, acc_out, cnt_out, acc_sh,
                 rows, sidx, didx, cntp, sems):
    c = lax.axis_index("c")
    s = lax.axis_index("s")
    wid = s * NC + c

    def zero_row(r, carry):
        for j in range(D // L):
            rows[0][r, pl.ds(j * L, L)] = jnp.zeros((L,), jnp.float32)
        return carry
    lax.fori_loop(0, B, zero_row, 0)
    t0 = pl.multiple_of(s * RPT, 8)
    for k in range(RPT // B):
        pltpu.sync_copy(rows[0], acc_sh.at[pl.ds(t0 + k * B, B)])
    if with_count:
        zl = jnp.zeros((L,), jnp.float32)
        for r in range(NP // L):
            cntp[pl.ds(r * L, L)] = zl
    plsc.subcore_barrier()

    e0 = wid * EPW
    ones_v = jnp.ones((L,), jnp.float32)
    nbuf = len(rows)

    def load_idx(b, base):
        pltpu.sync_copy(src.at[pl.ds(base, B)], sidx[b])
        pltpu.sync_copy(dst.at[pl.ds(base, B)], didx[b])

    def scat(b):
        pltpu.sync_copy(rows[b], acc_sh.at[didx[b]], add=True)
        if with_count:
            for j in range(B // L):
                dv = didx[b][pl.ds(j * L, L)]
                plsc.addupdate_scatter(cntp, [dv], ones_v)

    def step(k, carry):
        gs = []
        for b in range(nbuf):
            load_idx(b, pl.multiple_of(e0 + (nbuf * k + b) * B, 8))
            gs.append(pltpu.async_copy(table.at[sidx[b]], rows[b], sems[b]))
        for b in range(nbuf):
            gs[b].wait()
            scat(b)
        return carry
    lax.fori_loop(0, NB // nbuf, step, 0)
    for t in range(NB - (NB // nbuf) * nbuf):
        load_idx(0, pl.multiple_of(e0 + ((NB // nbuf) * nbuf + t) * B, 8))
        pltpu.async_copy(table.at[sidx[0]], rows[0], sems[0]).wait()
        scat(0)
    plsc.subcore_barrier()

    o0 = pl.multiple_of(c * NP + t0, 8)
    pltpu.sync_copy(acc_sh.at[pl.ds(t0, RPT)], acc_out.at[pl.ds(o0, RPT)])
    if with_count:
        pltpu.sync_copy(cntp, cnt_out.at[wid])


def _make_sc_agg(with_count):
    mesh = plsc.VectorSubcoreMesh(
        core_axis_name="c", subcore_axis_name="s", num_cores=NC, num_subcores=NS)
    out_type = [jax.ShapeDtypeStruct((NC * NP, D), jnp.float32)]
    if with_count:
        out_type.append(jax.ShapeDtypeStruct((NW, NP), jnp.float32))
    nbuf = NBUF_CNT if with_count else NBUF_NOCNT
    scratch = (
        [pltpu.VMEM_SHARED((NP, D), jnp.float32)]
        + [pltpu.VMEM((B, D), jnp.float32)] * nbuf
        + [pltpu.VMEM((B,), jnp.int32)] * nbuf
        + [pltpu.VMEM((B,), jnp.int32)] * nbuf
        + [pltpu.VMEM((NP if with_count else L,), jnp.float32)]
        + [pltpu.SemaphoreType.DMA] * nbuf
    )

    def body(table, src, dst, acc_out, *rest):
        if with_count:
            cnt_out = rest[0]
            rest = rest[1:]
        else:
            cnt_out = None
        acc_sh = rest[0]
        rows = list(rest[1:1 + nbuf])
        sidx = list(rest[1 + nbuf:1 + 2 * nbuf])
        didx = list(rest[1 + 2 * nbuf:1 + 3 * nbuf])
        cntp = rest[1 + 3 * nbuf]
        sems = list(rest[2 + 3 * nbuf:2 + 4 * nbuf])
        _sc_agg_body(with_count, table, src, dst, acc_out, cnt_out,
                     acc_sh, rows, sidx, didx, cntp, sems)

    return pl.kernel(
        body, out_type=out_type, mesh=mesh, scratch_types=scratch,
        compiler_params=pltpu.CompilerParams(needs_layout_passes=False))


_sc_agg_cnt = _make_sc_agg(True)
_sc_agg = _make_sc_agg(False)


def _tc_linear_body(relu, a0, a1, cnt, xr, wl, wr, br, out):
    csum = jnp.sum(cnt[...], axis=0)
    inv = 1.0 / jnp.maximum(csum, 1.0)
    mean = (a0[...] + a1[...]) * inv[:, None]
    y = jnp.dot(mean, wl[...], preferred_element_type=jnp.float32,
                precision=lax.Precision.HIGHEST)
    y = y + jnp.dot(xr[...], wr[...], preferred_element_type=jnp.float32,
                    precision=lax.Precision.HIGHEST)
    y = y + br[...]
    out[...] = jnp.maximum(y, 0.0) if relu else y


def _tc_linear(acc0, acc1, cnt, x, wlT, wrT, b, relu):
    blk = lambda r, c: pl.BlockSpec((r, c), lambda i: (i, 0))
    full = lambda r, c: pl.BlockSpec((r, c), lambda i: (0, 0))
    return pl.pallas_call(
        functools.partial(_tc_linear_body, relu),
        grid=(NP // RB,),
        in_specs=[blk(RB, D), blk(RB, D),
                  pl.BlockSpec((NW, RB), lambda i: (0, i)), blk(RB, D),
                  full(D, D), full(D, D), full(1, D)],
        out_specs=blk(RB, D),
        out_shape=jax.ShapeDtypeStruct((NP, D), jnp.float32),
    )(acc0, acc1, cnt, x, wlT, wrT, b)


def kernel(x, edge_index, W1_l, W1_r, b1, W2_l, W2_r, b2):
    src = edge_index[0].astype(jnp.int32)
    dst = edge_index[1].astype(jnp.int32)
    xp = jnp.concatenate([x, jnp.zeros((NP - N, D), jnp.float32)], axis=0)
    acc, cnt = _sc_agg_cnt(xp, src, dst)
    h = _tc_linear(acc[:NP], acc[NP:], cnt, xp,
                   W1_l.T, W1_r.T, b1[None, :], True)
    acc2, = _sc_agg(h, src, dst)
    out = _tc_linear(acc2[:NP], acc2[NP:], cnt, h,
                     W2_l.T, W2_r.T, b2[None, :], False)
    return out[:N]

# --- scband reference (transcript-rebuilt; emitter-appended) ---
"""Pipeline reference for scband-gnnencoder-11957188952733 (READ-ONLY COPY).

The authoritative reference and input builder live on the scoring server;
editing this copy changes nothing except your own understanding.
"""

import jax, jax.numpy as jnp
import numpy as np

N_NODES = 10000
N_EDGES = 320000
D_IN = 128
D_HID = 128
D_OUT = 128


def setup_inputs(seed: int = 0) -> dict:
    key = jax.random.key(seed)
    k_x, k_e, k1, k2, k3, k4 = jax.random.split(key, 6)
    x = jax.random.normal(k_x, (N_NODES, D_IN), dtype=jnp.float32)
    edge_index = jax.random.randint(k_e, (2, N_EDGES), 0, N_NODES, dtype=jnp.int64)
    s1 = 1.0 / np.sqrt(D_IN)
    s2 = 1.0 / np.sqrt(D_HID)
    W1_l = jax.random.uniform(k1, (D_HID, D_IN), dtype=jnp.float32, minval=-s1, maxval=s1)
    W1_r = jax.random.uniform(k2, (D_HID, D_IN), dtype=jnp.float32, minval=-s1, maxval=s1)
    b1 = jnp.zeros((D_HID,), dtype=jnp.float32)
    W2_l = jax.random.uniform(k3, (D_OUT, D_HID), dtype=jnp.float32, minval=-s2, maxval=s2)
    W2_r = jax.random.uniform(k4, (D_OUT, D_HID), dtype=jnp.float32, minval=-s2, maxval=s2)
    b2 = jnp.zeros((D_OUT,), dtype=jnp.float32)
    return {"x": x, "edge_index": edge_index, "W1_l": W1_l, "W1_r": W1_r, "b1": b1,
            "W2_l": W2_l, "W2_r": W2_r, "b2": b2}


def _sage_conv(x, src, dst, W_l, W_r, b):
    # messages = x[src]; mean-aggregate into dst nodes (PyG SAGEConv, aggr='mean')
    msg = jnp.take(x, src, axis=0)
    summed = jax.ops.segment_sum(msg, dst, num_segments=N_NODES)
    cnt = jax.ops.segment_sum(jnp.ones((src.shape[0],), dtype=x.dtype), dst, num_segments=N_NODES)
    mean = summed / jnp.clip(cnt, 1.0, None)[:, None]
    # out = lin_l(aggr) + lin_r(x) + bias
    return mean @ W_l.T + x @ W_r.T + b


def reference(x, edge_index, W1_l, W1_r, b1, W2_l, W2_r, b2):
    src = edge_index[0]
    dst = edge_index[1]
    h = _sage_conv(x, src, dst, W1_l, W1_r, b1)
    h = jax.nn.relu(h)
    out = _sage_conv(h, src, dst, W2_l, W2_r, b2)
    return out

if __name__ == "__main__":
    import jax
    _d = setup_inputs()
    print(jax.jit(kernel)(*tuple(_d.values())))

</pallas_src>

<mosaic_0001>
#map = affine_map<(d0, d1) -> (0, 0)>
#map1 = affine_map<(d0, d1) -> (0)>
module attributes {stable_mosaic.version = 14 : i64} {
  func.func @body(%arg0: i32, %arg1: i32, %arg2: memref<10240x128xf32, #tpu.memory_space<hbm>>, %arg3: memref<320000xi32, #tpu.memory_space<hbm>>, %arg4: memref<320000xi32, #tpu.memory_space<hbm>>, %arg5: memref<20480x128xf32, #tpu.memory_space<hbm>>, %arg6: memref<10240x128xf32, #tpu.memory_space<vmem_shared>>, %arg7: memref<80x128xf32, #tpu.memory_space<vmem>>, %arg8: memref<80x128xf32, #tpu.memory_space<vmem>>, %arg9: memref<80x128xf32, #tpu.memory_space<vmem>>, %arg10: memref<80x128xf32, #tpu.memory_space<vmem>>, %arg11: memref<80xi32, #tpu.memory_space<vmem>>, %arg12: memref<80xi32, #tpu.memory_space<vmem>>, %arg13: memref<80xi32, #tpu.memory_space<vmem>>, %arg14: memref<80xi32, #tpu.memory_space<vmem>>, %arg15: memref<80xi32, #tpu.memory_space<vmem>>, %arg16: memref<80xi32, #tpu.memory_space<vmem>>, %arg17: memref<80xi32, #tpu.memory_space<vmem>>, %arg18: memref<80xi32, #tpu.memory_space<vmem>>, %arg19: memref<16xf32, #tpu.memory_space<vmem>>, %arg20: memref<!tpu.dma_semaphore, #tpu.memory_space<semaphore_mem>>, %arg21: memref<!tpu.dma_semaphore, #tpu.memory_space<semaphore_mem>>, %arg22: memref<!tpu.dma_semaphore, #tpu.memory_space<semaphore_mem>>, %arg23: memref<!tpu.dma_semaphore, #tpu.memory_space<semaphore_mem>>) attributes {dimension_semantics = [#tpu.dimension_semantics<core_parallel>, #tpu.dimension_semantics<subcore_parallel>], iteration_bounds = array<i64: 2, 16>, scalar_prefetch = 0 : i64, scratch_operands = 18 : i64, tpu.core_type = #tpu.core_type<sc_vector_subcore>, window_params = [{transform_indices = #map}, {transform_indices = #map1}, {transform_indices = #map1}, {transform_indices = #map}]} {
    %mul3A = arith.constant 2 : i32
    %mul3A_0 = arith.muli %arg1, %mul3A : i32
    %add3A = arith.addi %mul3A_0, %arg0 : i32
    %scan3A = arith.constant 0 : i32
    %scan3A_1 = arith.constant 0 : i32
    %scan3A_2 = arith.constant 80 : i32
    %scan3A_3 = arith.addi %scan3A_1, %scan3A_2 : i32
    %scan3A_4 = arith.constant 1 : i32
    scf.for %scan3A_45 = %scan3A_1 to %scan3A_3 step %scan3A_4  : i32 {
      %broadcast_in_dim3A_46 = arith.constant 0.000000e+00 : f32
      %broadcast_in_dim3A_47 = vector.broadcast %broadcast_in_dim3A_46 : f32 to vector<16xf32>
      %swap3A = arith.index_cast %scan3A_45 : i32 to index
      %swap3A_48 = arith.constant 0 : index
      %swap3A_49 = tpu.vector_load %arg7[%swap3A, %swap3A_48] {strides = array<i32>} : memref<80x128xf32, #tpu.memory_space<vmem>>, vector<16xf32>,
      tpu.vector_store %arg7[%swap3A, %swap3A_48], %broadcast_in_dim3A_47 {strides = array<i32>} : memref<80x128xf32, #tpu.memory_space<vmem>>, vector<16xf32>,
      %broadcast_in_dim3A_50 = arith.constant 0.000000e+00 : f32
      %broadcast_in_dim3A_51 = vector.broadcast %broadcast_in_dim3A_50 : f32 to vector<16xf32>
      %swap3A_52 = arith.index_cast %scan3A_45 : i32 to index
      %swap3A_53 = arith.constant 16 : index
      %swap3A_54 = tpu.vector_load %arg7[%swap3A_52, %swap3A_53] {strides = array<i32>} : memref<80x128xf32, #tpu.memory_space<vmem>>, vector<16xf32>,
      tpu.vector_store %arg7[%swap3A_52, %swap3A_53], %broadcast_in_dim3A_51 {strides = array<i32>} : memref<80x128xf32, #tpu.memory_space<vmem>>, vector<16xf32>,
      %broadcast_in_dim3A_55 = arith.constant 0.000000e+00 : f32
      %broadcast_in_dim3A_56 = vector.broadcast %broadcast_in_dim3A_55 : f32 to vector<16xf32>
      %swap3A_57 = arith.index_cast %scan3A_45 : i32 to index
      %swap3A_58 = arith.constant 32 : index
      %swap3A_59 = tpu.vector_load %arg7[%swap3A_57, %swap3A_58] {strides = array<i32>} : memref<80x128xf32, #tpu.memory_space<vmem>>, vector<16xf32>,
      tpu.vector_store %arg7[%swap3A_57, %swap3A_58], %broadcast_in_dim3A_56 {strides = array<i32>} : memref<80x128xf32, #tpu.memory_space<vmem>>, vector<16xf32>,
      %broadcast_in_dim3A_60 = arith.constant 0.000000e+00 : f32
      %broadcast_in_dim3A_61 = vector.broadcast %broadcast_in_dim3A_60 : f32 to vector<16xf32>
      %swap3A_62 = arith.index_cast %scan3A_45 : i32 to index
      %swap3A_63 = arith.constant 48 : index
      %swap3A_64 = tpu.vector_load %arg7[%swap3A_62, %swap3A_63] {strides = array<i32>} : memref<80x128xf32, #tpu.memory_space<vmem>>, vector<16xf32>,
      tpu.vector_store %arg7[%swap3A_62, %swap3A_63], %broadcast_in_dim3A_61 {strides = array<i32>} : memref<80x128xf32, #tpu.memory_space<vmem>>, vector<16xf32>,
      %broadcast_in_dim3A_65 = arith.constant 0.000000e+00 : f32
      %broadcast_in_dim3A_66 = vector.broadcast %broadcast_in_dim3A_65 : f32 to vector<16xf32>
      %swap3A_67 = arith.index_cast %scan3A_45 : i32 to index
      %swap3A_68 = arith.constant 64 : index
      %swap3A_69 = tpu.vector_load %arg7[%swap3A_67, %swap3A_68] {strides = array<i32>} : memref<80x128xf32, #tpu.memory_space<vmem>>, vector<16xf32>,
      tpu.vector_store %arg7[%swap3A_67, %swap3A_68], %broadcast_in_dim3A_66 {strides = array<i32>} : memref<80x128xf32, #tpu.memory_space<vmem>>, vector<16xf32>,
      %broadcast_in_dim3A_70 = arith.constant 0.000000e+00 : f32
      %broadcast_in_dim3A_71 = vector.broadcast %broadcast_in_dim3A_70 : f32 to vector<16xf32>
      %swap3A_72 = arith.index_cast %scan3A_45 : i32 to index
      %swap3A_73 = arith.constant 80 : index
      %swap3A_74 = tpu.vector_load %arg7[%swap3A_72, %swap3A_73] {strides = array<i32>} : memref<80x128xf32, #tpu.memory_space<vmem>>, vector<16xf32>,
      tpu.vector_store %arg7[%swap3A_72, %swap3A_73], %broadcast_in_dim3A_71 {strides = array<i32>} : memref<80x128xf32, #tpu.memory_space<vmem>>, vector<16xf32>,
      %broadcast_in_dim3A_75 = arith.constant 0.000000e+00 : f32
      %broadcast_in_dim3A_76 = vector.broadcast %broadcast_in_dim3A_75 : f32 to vector<16xf32>
      %swap3A_77 = arith.index_cast %scan3A_45 : i32 to index
      %swap3A_78 = arith.constant 96 : index
      %swap3A_79 = tpu.vector_load %arg7[%swap3A_77, %swap3A_78] {strides = array<i32>} : memref<80x128xf32, #tpu.memory_space<vmem>>, vector<16xf32>,
      tpu.vector_store %arg7[%swap3A_77, %swap3A_78], %broadcast_in_dim3A_76 {strides = array<i32>} : memref<80x128xf32, #tpu.memory_space<vmem>>, vector<16xf32>,
      %broadcast_in_dim3A_80 = arith.constant 0.000000e+00 : f32
      %broadcast_in_dim3A_81 = vector.broadcast %broadcast_in_dim3A_80 : f32 to vector<16xf32>
      %swap3A_82 = arith.index_cast %scan3A_45 : i32 to index
      %swap3A_83 = arith.constant 112 : index
      %swap3A_84 = tpu.vector_load %arg7[%swap3A_82, %swap3A_83] {strides = array<i32>} : memref<80x128xf32, #tpu.memory_space<vmem>>, vector<16xf32>,
      tpu.vector_store %arg7[%swap3A_82, %swap3A_83], %broadcast_in_dim3A_81 {strides = array<i32>} : memref<80x128xf32, #tpu.memory_space<vmem>>, vector<16xf32>,
    }
    %scan3A_5 = arith.constant 80 : i32
    %mul3A_6 = arith.constant 640 : i32
    %mul3A_7 = arith.muli %arg1, %mul3A_6 : i32
    %multiple_of3A = tpu.assume_multiple %mul3A_7, 8 : i32
    %add3A_8 = arith.constant 0 : i32
    %add3A_9 = arith.addi %multiple_of3A, %add3A_8 : i32
    "tpu.region"() ({
      %run_scoped3A = tpu.sem_alloc : memref<!tpu.dma_semaphore, #tpu.memory_space<semaphore_mem>>
      %dma_start3A_45 = arith.constant 0 : i32
      %dma_start3A_46 = tpu.memref_slice %arg6[%add3A_9, %dma_start3A_45] : memref<10240x128xf32, #tpu.memory_space<vmem_shared>> -> memref<80x128xf32, #tpu.memory_space<vmem_shared>>
      %dma_start3A_47 = arith.constant 0 : i32
      %dma_start3A_48 = tpu.memref_slice %arg6[%add3A_9, %dma_start3A_47] : memref<10240x128xf32, #tpu.memory_space<vmem_shared>> -> memref<80x128xf32, #tpu.memory_space<vmem_shared>>
      tpu.enqueue_dma source(%arg7 : memref<80x128xf32, #tpu.memory_space<vmem>>) target(%dma_start3A_48 : memref<80x128xf32, #tpu.memory_space<vmem_shared>>) target_semaphore(%run_scoped3A : memref<!tpu.dma_semaphore, #tpu.memory_space<semaphore_mem>>)
      %dma_wait3A_49 = arith.constant 0 : i32
      %dma_wait3A_50 = tpu.memref_slice %arg6[%add3A_9, %dma_wait3A_49] : memref<10240x128xf32, #tpu.memory_space<vmem_shared>> -> memref<80x128xf32, #tpu.memory_space<vmem_shared>>
      %dma_wait3A_51 = arith.constant 0 : i32
      %dma_wait3A_52 = tpu.memref_slice %arg6[%add3A_9, %dma_wait3A_51] : memref<10240x128xf32, #tpu.memory_space<vmem_shared>> -> memref<80x128xf32, #tpu.memory_space<vmem_shared>>
      tpu.wait_dma2 semaphore(%run_scoped3A : memref<!tpu.dma_semaphore, #tpu.memory_space<semaphore_mem>>) src(%arg7 : memref<80x128xf32, #tpu.memory_space<vmem>>) dst(%dma_wait3A_52 : memref<80x128xf32, #tpu.memory_space<vmem_shared>>)
      tpu.yield
    }) : () -> ()
    %add3A_10 = arith.constant 80 : i32
    %add3A_11 = arith.addi %multiple_of3A, %add3A_10 : i32
    "tpu.region"() ({
      %run_scoped3A = tpu.sem_alloc : memref<!tpu.dma_semaphore, #tpu.memory_space<semaphore_mem>>
      %dma_start3A_45 = arith.constant 0 : i32
      %dma_start3A_46 = tpu.memref_slice %arg6[%add3A_11, %dma_start3A_45] : memref<10240x128xf32, #tpu.memory_space<vmem_shared>> -> memref<80x128xf32, #tpu.memory_space<vmem_shared>>
      %dma_start3A_47 = arith.constant 0 : i32
      %dma_start3A_48 = tpu.memref_slice %arg6[%add3A_11, %dma_start3A_47] : memref<10240x128xf32, #tpu.memory_space<vmem_shared>> -> memref<80x128xf32, #tpu.memory_space<vmem_shared>>
      tpu.enqueue_dma source(%arg7 : memref<80x128xf32, #tpu.memory_space<vmem>>) target(%dma_start3A_48 : memref<80x128xf32, #tpu.memory_space<vmem_shared>>) target_semaphore(%run_scoped3A : memref<!tpu.dma_semaphore, #tpu.memory_space<semaphore_mem>>)
      %dma_wait3A_49 = arith.constant 0 : i32
      %dma_wait3A_50 = tpu.memref_slice %arg6[%add3A_11, %dma_wait3A_49] : memref<10240x128xf32, #tpu.memory_space<vmem_shared>> -> memref<80x128xf32, #tpu.memory_space<vmem_shared>>
      %dma_wait3A_51 = arith.constant 0 : i32
      %dma_wait3A_52 = tpu.memref_slice %arg6[%add3A_11, %dma_wait3A_51] : memref<10240x128xf32, #tpu.memory_space<vmem_shared>> -> memref<80x128xf32, #tpu.memory_space<vmem_shared>>
      tpu.wait_dma2 semaphore(%run_scoped3A : memref<!tpu.dma_semaphore, #tpu.memory_space<semaphore_mem>>) src(%arg7 : memref<80x128xf32, #tpu.memory_space<vmem>>) dst(%dma_wait3A_52 : memref<80x128xf32, #tpu.memory_space<vmem_shared>>)
      tpu.yield
    }) : () -> ()
    %add3A_12 = arith.constant 160 : i32
    %add3A_13 = arith.addi %multiple_of3A, %add3A_12 : i32
    "tpu.region"() ({
      %run_scoped3A = tpu.sem_alloc : memref<!tpu.dma_semaphore, #tpu.memory_space<semaphore_mem>>
      %dma_start3A_45 = arith.constant 0 : i32
      %dma_start3A_46 = tpu.memref_slice %arg6[%add3A_13, %dma_start3A_45] : memref<10240x128xf32, #tpu.memory_space<vmem_shared>> -> memref<80x128xf32, #tpu.memory_space<vmem_shared>>
      %dma_start3A_47 = arith.constant 0 : i32
      %dma_start3A_48 = tpu.memref_slice %arg6[%add3A_13, %dma_start3A_47] : memref<10240x128xf32, #tpu.memory_space<vmem_shared>> -> memref<80x128xf32, #tpu.memory_space<vmem_shared>>
      tpu.enqueue_dma source(%arg7 : memref<80x128xf32, #tpu.memory_space<vmem>>) target(%dma_start3A_48 : memref<80x128xf32, #tpu.memory_space<vmem_shared>>) target_semaphore(%run_scoped3A : memref<!tpu.dma_semaphore, #tpu.memory_space<semaphore_mem>>)
      %dma_wait3A_49 = arith.constant 0 : i32
      %dma_wait3A_50 = tpu.memref_slice %arg6[%add3A_13, %dma_wait3A_49] : memref<10240x128xf32, #tpu.memory_space<vmem_shared>> -> memref<80x128xf32, #tpu.memory_space<vmem_shared>>
      %dma_wait3A_51 = arith.constant 0 : i32
      %dma_wait3A_52 = tpu.memref_slice %arg6[%add3A_13, %dma_wait3A_51] : memref<10240x128xf32, #tpu.memory_space<vmem_shared>> -> memref<80x128xf32, #tpu.memory_space<vmem_shared>>
      tpu.wait_dma2 semaphore(%run_scoped3A : memref<!tpu.dma_semaphore, #tpu.memory_space<semaphore_mem>>) src(%arg7 : memref<80x128xf32, #tpu.memory_space<vmem>>) dst(%dma_wait3A_52 : memref<80x128xf32, #tpu.memory_space<vmem_shared>>)
      tpu.yield
    }) : () -> ()
    %add3A_14 = arith.constant 240 : i32
    %add3A_15 = arith.addi %multiple_of3A, %add3A_14 : i32
    "tpu.region"() ({
      %run_scoped3A = tpu.sem_alloc : memref<!tpu.dma_semaphore, #tpu.memory_space<semaphore_mem>>
      %dma_start3A_45 = arith.constant 0 : i32
      %dma_start3A_46 = tpu.memref_slice %arg6[%add3A_15, %dma_start3A_45] : memref<10240x128xf32, #tpu.memory_space<vmem_shared>> -> memref<80x128xf32, #tpu.memory_space<vmem_shared>>
      %dma_start3A_47 = arith.constant 0 : i32
      %dma_start3A_48 = tpu.memref_slice %arg6[%add3A_15, %dma_start3A_47] : memref<10240x128xf32, #tpu.memory_space<vmem_shared>> -> memref<80x128xf32, #tpu.memory_space<vmem_shared>>
      tpu.enqueue_dma source(%arg7 : memref<80x128xf32, #tpu.memory_space<vmem>>) target(%dma_start3A_48 : memref<80x128xf32, #tpu.memory_space<vmem_shared>>) target_semaphore(%run_scoped3A : memref<!tpu.dma_semaphore, #tpu.memory_space<semaphore_mem>>)
      %dma_wait3A_49 = arith.constant 0 : i32
      %dma_wait3A_50 = tpu.memref_slice %arg6[%add3A_15, %dma_wait3A_49] : memref<10240x128xf32, #tpu.memory_space<vmem_shared>> -> memref<80x128xf32, #tpu.memory_space<vmem_shared>>
      %dma_wait3A_51 = arith.constant 0 : i32
      %dma_wait3A_52 = tpu.memref_slice %arg6[%add3A_15, %dma_wait3A_51] : memref<10240x128xf32, #tpu.memory_space<vmem_shared>> -> memref<80x128xf32, #tpu.memory_space<vmem_shared>>
      tpu.wait_dma2 semaphore(%run_scoped3A : memref<!tpu.dma_semaphore, #tpu.memory_space<semaphore_mem>>) src(%arg7 : memref<80x128xf32, #tpu.memory_space<vmem>>) dst(%dma_wait3A_52 : memref<80x128xf32, #tpu.memory_space<vmem_shared>>)
      tpu.yield
    }) : () -> ()
    %add3A_16 = arith.constant 320 : i32
    %add3A_17 = arith.addi %multiple_of3A, %add3A_16 : i32
    "tpu.region"() ({
      %run_scoped3A = tpu.sem_alloc : memref<!tpu.dma_semaphore, #tpu.memory_space<semaphore_mem>>
      %dma_start3A_45 = arith.constant 0 : i32
      %dma_start3A_46 = tpu.memref_slice %arg6[%add3A_17, %dma_start3A_45] : memref<10240x128xf32, #tpu.memory_space<vmem_shared>> -> memref<80x128xf32, #tpu.memory_space<vmem_shared>>
      %dma_start3A_47 = arith.constant 0 : i32
      %dma_start3A_48 = tpu.memref_slice %arg6[%add3A_17, %dma_start3A_47] : memref<10240x128xf32, #tpu.memory_space<vmem_shared>> -> memref<80x128xf32, #tpu.memory_space<vmem_shared>>
      tpu.enqueue_dma source(%arg7 : memref<80x128xf32, #tpu.memory_space<vmem>>) target(%dma_start3A_48 : memref<80x128xf32, #tpu.memory_space<vmem_shared>>) target_semaphore(%run_scoped3A : memref<!tpu.dma_semaphore, #tpu.memory_space<semaphore_mem>>)
      %dma_wait3A_49 = arith.constant 0 : i32
      %dma_wait3A_50 = tpu.memref_slice %arg6[%add3A_17, %dma_wait3A_49] : memref<10240x128xf32, #tpu.memory_space<vmem_shared>> -> memref<80x128xf32, #tpu.memory_space<vmem_shared>>
      %dma_wait3A_51 = arith.constant 0 : i32
      %dma_wait3A_52 = tpu.memref_slice %arg6[%add3A_17, %dma_wait3A_51] : memref<10240x128xf32, #tpu.memory_space<vmem_shared>> -> memref<80x128xf32, #tpu.memory_space<vmem_shared>>
      tpu.wait_dma2 semaphore(%run_scoped3A : memref<!tpu.dma_semaphore, #tpu.memory_space<semaphore_mem>>) src(%arg7 : memref<80x128xf32, #tpu.memory_space<vmem>>) dst(%dma_wait3A_52 : memref<80x128xf32, #tpu.memory_space<vmem_shared>>)
      tpu.yield
    }) : () -> ()
    %add3A_18 = arith.constant 400 : i32
    %add3A_19 = arith.addi %multiple_of3A, %add3A_18 : i32
    "tpu.region"() ({
      %run_scoped3A = tpu.sem_alloc : memref<!tpu.dma_semaphore, #tpu.memory_space<semaphore_mem>>
      %dma_start3A_45 = arith.constant 0 : i32
      %dma_start3A_46 = tpu.memref_slice %arg6[%add3A_19, %dma_start3A_45] : memref<10240x128xf32, #tpu.memory_space<vmem_shared>> -> memref<80x128xf32, #tpu.memory_space<vmem_shared>>
      %dma_start3A_47 = arith.constant 0 : i32
      %dma_start3A_48 = tpu.memref_slice %arg6[%add3A_19, %dma_start3A_47] : memref<10240x128xf32, #tpu.memory_space<vmem_shared>> -> memref<80x128xf32, #tpu.memory_space<vmem_shared>>
      tpu.enqueue_dma source(%arg7 : memref<80x128xf32, #tpu.memory_space<vmem>>) target(%dma_start3A_48 : memref<80x128xf32, #tpu.memory_space<vmem_shared>>) target_semaphore(%run_scoped3A : memref<!tpu.dma_semaphore, #tpu.memory_space<semaphore_mem>>)
      %dma_wait3A_49 = arith.constant 0 : i32
      %dma_wait3A_50 = tpu.memref_slice %arg6[%add3A_19, %dma_wait3A_49] : memref<10240x128xf32, #tpu.memory_space<vmem_shared>> -> memref<80x128xf32, #tpu.memory_space<vmem_shared>>
      %dma_wait3A_51 = arith.constant 0 : i32
      %dma_wait3A_52 = tpu.memref_slice %arg6[%add3A_19, %dma_wait3A_51] : memref<10240x128xf32, #tpu.memory_space<vmem_shared>> -> memref<80x128xf32, #tpu.memory_space<vmem_shared>>
      tpu.wait_dma2 semaphore(%run_scoped3A : memref<!tpu.dma_semaphore, #tpu.memory_space<semaphore_mem>>) src(%arg7 : memref<80x128xf32, #tpu.memory_space<vmem>>) dst(%dma_wait3A_52 : memref<80x128xf32, #tpu.memory_space<vmem_shared>>)
      tpu.yield
    }) : () -> ()
    %add3A_20 = arith.constant 480 : i32
    %add3A_21 = arith.addi %multiple_of3A, %add3A_20 : i32
    "tpu.region"() ({
      %run_scoped3A = tpu.sem_alloc : memref<!tpu.dma_semaphore, #tpu.memory_space<semaphore_mem>>
      %dma_start3A_45 = arith.constant 0 : i32
      %dma_start3A_46 = tpu.memref_slice %arg6[%add3A_21, %dma_start3A_45] : memref<10240x128xf32, #tpu.memory_space<vmem_shared>> -> memref<80x128xf32, #tpu.memory_space<vmem_shared>>
      %dma_start3A_47 = arith.constant 0 : i32
      %dma_start3A_48 = tpu.memref_slice %arg6[%add3A_21, %dma_start3A_47] : memref<10240x128xf32, #tpu.memory_space<vmem_shared>> -> memref<80x128xf32, #tpu.memory_space<vmem_shared>>
      tpu.enqueue_dma source(%arg7 : memref<80x128xf32, #tpu.memory_space<vmem>>) target(%dma_start3A_48 : memref<80x128xf32, #tpu.memory_space<vmem_shared>>) target_semaphore(%run_scoped3A : memref<!tpu.dma_semaphore, #tpu.memory_space<semaphore_mem>>)
      %dma_wait3A_49 = arith.constant 0 : i32
      %dma_wait3A_50 = tpu.memref_slice %arg6[%add3A_21, %dma_wait3A_49] : memref<10240x128xf32, #tpu.memory_space<vmem_shared>> -> memref<80x128xf32, #tpu.memory_space<vmem_shared>>
      %dma_wait3A_51 = arith.constant 0 : i32
      %dma_wait3A_52 = tpu.memref_slice %arg6[%add3A_21, %dma_wait3A_51] : memref<10240x128xf32, #tpu.memory_space<vmem_shared>> -> memref<80x128xf32, #tpu.memory_space<vmem_shared>>
      tpu.wait_dma2 semaphore(%run_scoped3A : memref<!tpu.dma_semaphore, #tpu.memory_space<semaphore_mem>>) src(%arg7 : memref<80x128xf32, #tpu.memory_space<vmem>>) dst(%dma_wait3A_52 : memref<80x128xf32, #tpu.memory_space<vmem_shared>>)
      tpu.yield
    }) : () -> ()
    %add3A_22 = arith.constant 560 : i32
    %add3A_23 = arith.addi %multiple_of3A, %add3A_22 : i32
    "tpu.region"() ({
      %run_scoped3A = tpu.sem_alloc : memref<!tpu.dma_semaphore, #tpu.memory_space<semaphore_mem>>
      %dma_start3A_45 = arith.constant 0 : i32
      %dma_start3A_46 = tpu.memref_slice %arg6[%add3A_23, %dma_start3A_45] : memref<10240x128xf32, #tpu.memory_space<vmem_shared>> -> memref<80x128xf32, #tpu.memory_space<vmem_shared>>
      %dma_start3A_47 = arith.constant 0 : i32
      %dma_start3A_48 = tpu.memref_slice %arg6[%add3A_23, %dma_start3A_47] : memref<10240x128xf32, #tpu.memory_space<vmem_shared>> -> memref<80x128xf32, #tpu.memory_space<vmem_shared>>
      tpu.enqueue_dma source(%arg7 : memref<80x128xf32, #tpu.memory_space<vmem>>) target(%dma_start3A_48 : memref<80x128xf32, #tpu.memory_space<vmem_shared>>) target_semaphore(%run_scoped3A : memref<!tpu.dma_semaphore, #tpu.memory_space<semaphore_mem>>)
      %dma_wait3A_49 = arith.constant 0 : i32
      %dma_wait3A_50 = tpu.memref_slice %arg6[%add3A_23, %dma_wait3A_49] : memref<10240x128xf32, #tpu.memory_space<vmem_shared>> -> memref<80x128xf32, #tpu.memory_space<vmem_shared>>
      %dma_wait3A_51 = arith.constant 0 : i32
      %dma_wait3A_52 = tpu.memref_slice %arg6[%add3A_23, %dma_wait3A_51] : memref<10240x128xf32, #tpu.memory_space<vmem_shared>> -> memref<80x128xf32, #tpu.memory_space<vmem_shared>>
      tpu.wait_dma2 semaphore(%run_scoped3A : memref<!tpu.dma_semaphore, #tpu.memory_space<semaphore_mem>>) src(%arg7 : memref<80x128xf32, #tpu.memory_space<vmem>>) dst(%dma_wait3A_52 : memref<80x128xf32, #tpu.memory_space<vmem_shared>>)
      tpu.yield
    }) : () -> ()
    %barrier3A = arith.constant 0 : index
    tpu.barrier barrier_id(%barrier3A)
    %mul3A_24 = arith.constant 10000 : i32
    %mul3A_25 = arith.muli %add3A, %mul3A_24 : i32
    %broadcast_in_dim3A = arith.constant 1.000000e+00 : f32
    %broadcast_in_dim3A_26 = vector.broadcast %broadcast_in_dim3A : f32 to vector<16xf32>
    %scan3A_27 = arith.constant 0 : i32
    %scan3A_28 = arith.constant 0 : i32
    %scan3A_29 = arith.constant 31 : i32
    %scan3A_30 = arith.addi %scan3A_28, %scan3A_29 : i32
    %scan3A_31 = arith.constant 1 : i32
    scf.for %scan3A_45 = %scan3A_28 to %scan3A_30 step %scan3A_31  : i32 {
      %mul3A_46 = arith.constant 4 : i32
      %mul3A_47 = arith.muli %mul3A_46, %scan3A_45 : i32
      %add3A_48 = arith.constant 0 : i32
      %add3A_49 = arith.addi %mul3A_47, %add3A_48 : i32
      %mul3A_50 = arith.constant 80 : i32
      %mul3A_51 = arith.muli %add3A_49, %mul3A_50 : i32
      %add3A_52 = arith.addi %mul3A_25, %mul3A_51 : i32
      %multiple_of3A_53 = tpu.assume_multiple %add3A_52, 8 : i32
      "tpu.region"() ({
        %run_scoped3A = tpu.sem_alloc : memref<!tpu.dma_semaphore, #tpu.memory_space<semaphore_mem>>
        %dma_start3A_102 = tpu.memref_slice %arg3[%multiple_of3A_53] : memref<320000xi32, #tpu.memory_space<hbm>> -> memref<80xi32, #tpu.memory_space<hbm>>
        %dma_start3A_103 = tpu.memref_slice %arg3[%multiple_of3A_53] : memref<320000xi32, #tpu.memory_space<hbm>> -> memref<80xi32, #tpu.memory_space<hbm>>
        tpu.enqueue_dma source(%dma_start3A_103 : memref<80xi32, #tpu.memory_space<hbm>>) target(%arg11 : memref<80xi32, #tpu.memory_space<vmem>>) target_semaphore(%run_scoped3A : memref<!tpu.dma_semaphore, #tpu.memory_space<semaphore_mem>>)
        %dma_wait3A_104 = tpu.memref_slice %arg3[%multiple_of3A_53] : memref<320000xi32, #tpu.memory_space<hbm>> -> memref<80xi32, #tpu.memory_space<hbm>>
        %dma_wait3A_105 = tpu.memref_slice %arg3[%multiple_of3A_53] : memref<320000xi32, #tpu.memory_space<hbm>> -> memref<80xi32, #tpu.memory_space<hbm>>
        tpu.wait_dma2 semaphore(%run_scoped3A : memref<!tpu.dma_semaphore, #tpu.memory_space<semaphore_mem>>) src(%dma_wait3A_105 : memref<80xi32, #tpu.memory_space<hbm>>) dst(%arg11 : memref<80xi32, #tpu.memory_space<vmem>>)
        tpu.yield
      }) : () -> ()
      "tpu.region"() ({
        %run_scoped3A = tpu.sem_alloc : memref<!tpu.dma_semaphore, #tpu.memory_space<semaphore_mem>>
        %dma_start3A_102 = tpu.memref_slice %arg4[%multiple_of3A_53] : memref<320000xi32, #tpu.memory_space<hbm>> -> memref<80xi32, #tpu.memory_space<hbm>>
        %dma_start3A_103 = tpu.memref_slice %arg4[%multiple_of3A_53] : memref<320000xi32, #tpu.memory_space<hbm>> -> memref<80xi32, #tpu.memory_space<hbm>>
        tpu.enqueue_dma source(%dma_start3A_103 : memref<80xi32, #tpu.memory_space<hbm>>) target(%arg15 : memref<80xi32, #tpu.memory_space<vmem>>) target_semaphore(%run_scoped3A : memref<!tpu.dma_semaphore, #tpu.memory_space<semaphore_mem>>)
        %dma_wait3A_104 = tpu.memref_slice %arg4[%multiple_of3A_53] : memref<320000xi32, #tpu.memory_space<hbm>> -> memref<80xi32, #tpu.memory_space<hbm>>
        %dma_wait3A_105 = tpu.memref_slice %arg4[%multiple_of3A_53] : memref<320000xi32, #tpu.memory_space<hbm>> -> memref<80xi32, #tpu.memory_space<hbm>>
        tpu.wait_dma2 semaphore(%run_scoped3A : memref<!tpu.dma_semaphore, #tpu.memory_space<semaphore_mem>>) src(%dma_wait3A_105 : memref<80xi32, #tpu.memory_space<hbm>>) dst(%arg15 : memref<80xi32, #tpu.memory_space<vmem>>)
        tpu.yield
      }) : () -> ()
      %dma_start3A_54 = arith.constant 0 : i32
      %dma_start3A_55 = arith.constant 0 : i32
      %dma_start3A_56 = tpu.memref_slice %arg2[%dma_start3A_54, %dma_start3A_55] : memref<10240x128xf32, #tpu.memory_space<hbm>> -> memref<10240x128xf32, #tpu.memory_space<hbm>>
      tpu.enqueue_indirect_dma source(%dma_start3A_56 : memref<10240x128xf32, #tpu.memory_space<hbm>>) target(%arg7 : memref<80x128xf32, #tpu.memory_space<vmem>>) offsets(%arg11 : memref<80xi32, #tpu.memory_space<vmem>>) semaphore(%arg20 : memref<!tpu.dma_semaphore, #tpu.memory_space<semaphore_mem>>)
      %mul3A_57 = arith.constant 4 : i32
      %mul3A_58 = arith.muli %mul3A_57, %scan3A_45 : i32
      %add3A_59 = arith.constant 1 : i32
      %add3A_60 = arith.addi %mul3A_58, %add3A_59 : i32
      %mul3A_61 = arith.constant 80 : i32
      %mul3A_62 = arith.muli %add3A_60, %mul3A_61 : i32
      %add3A_63 = arith.addi %mul3A_25, %mul3A_62 : i32
      %multiple_of3A_64 = tpu.assume_multiple %add3A_63, 8 : i32
      "tpu.region"() ({
        %run_scoped3A = tpu.sem_alloc : memref<!tpu.dma_semaphore, #tpu.memory_space<semaphore_mem>>
        %dma_start3A_102 = tpu.memref_slice %arg3[%multiple_of3A_64] : memref<320000xi32, #tpu.memory_space<hbm>> -> memref<80xi32, #tpu.memory_space<hbm>>
        %dma_start3A_103 = tpu.memref_slice %arg3[%multiple_of3A_64] : memref<320000xi32, #tpu.memory_space<hbm>> -> memref<80xi32, #tpu.memory_space<hbm>>
        tpu.enqueue_dma source(%dma_start3A_103 : memref<80xi32, #tpu.memory_space<hbm>>) target(%arg12 : memref<80xi32, #tpu.memory_space<vmem>>) target_semaphore(%run_scoped3A : memref<!tpu.dma_semaphore, #tpu.memory_space<semaphore_mem>>)
        %dma_wait3A_104 = tpu.memref_slice %arg3[%multiple_of3A_64] : memref<320000xi32, #tpu.memory_space<hbm>> -> memref<80xi32, #tpu.memory_space<hbm>>
        %dma_wait3A_105 = tpu.memref_slice %arg3[%multiple_of3A_64] : memref<320000xi32, #tpu.memory_space<hbm>> -> memref<80xi32, #tpu.memory_space<hbm>>
        tpu.wait_dma2 semaphore(%run_scoped3A : memref<!tpu.dma_semaphore, #tpu.memory_space<semaphore_mem>>) src(%dma_wait3A_105 : memref<80xi32, #tpu.memory_space<hbm>>) dst(%arg12 : memref<80xi32, #tpu.memory_space<vmem>>)
        tpu.yield
      }) : () -> ()
      "tpu.region"() ({
        %run_scoped3A = tpu.sem_alloc : memref<!tpu.dma_semaphore, #tpu.memory_space<semaphore_mem>>
        %dma_start3A_102 = tpu.memref_slice %arg4[%multiple_of3A_64] : memref<320000xi32, #tpu.memory_space<hbm>> -> memref<80xi32, #tpu.memory_space<hbm>>
        %dma_start3A_103 = tpu.memref_slice %arg4[%multiple_of3A_64] : memref<320000xi32, #tpu.memory_space<hbm>> -> memref<80xi32, #tpu.memory_space<hbm>>
        tpu.enqueue_dma source(%dma_start3A_103 : memref<80xi32, #tpu.memory_space<hbm>>) target(%arg16 : memref<80xi32, #tpu.memory_space<vmem>>) target_semaphore(%run_scoped3A : memref<!tpu.dma_semaphore, #tpu.memory_space<semaphore_mem>>)
        %dma_wait3A_104 = tpu.memref_slice %arg4[%multiple_of3A_64] : memref<320000xi32, #tpu.memory_space<hbm>> -> memref<80xi32, #tpu.memory_space<hbm>>
        %dma_wait3A_105 = tpu.memref_slice %arg4[%multiple_of3A_64] : memref<320000xi32, #tpu.memory_space<hbm>> -> memref<80xi32, #tpu.memory_space<hbm>>
        tpu.wait_dma2 semaphore(%run_scoped3A : memref<!tpu.dma_semaphore, #tpu.memory_space<semaphore_mem>>) src(%dma_wait3A_105 : memref<80xi32, #tpu.memory_space<hbm>>) dst(%arg16 : memref<80xi32, #tpu.memory_space<vmem>>)
        tpu.yield
      }) : () -> ()
      %dma_start3A_65 = arith.constant 0 : i32
      %dma_start3A_66 = arith.constant 0 : i32
      %dma_start3A_67 = tpu.memref_slice %arg2[%dma_start3A_65, %dma_start3A_66] : memref<10240x128xf32, #tpu.memory_space<hbm>> -> memref<10240x128xf32, #tpu.memory_space<hbm>>
      tpu.enqueue_indirect_dma source(%dma_start3A_67 : memref<10240x128xf32, #tpu.memory_space<hbm>>) target(%arg8 : memref<80x128xf32, #tpu.memory_space<vmem>>) offsets(%arg12 : memref<80xi32, #tpu.memory_space<vmem>>) semaphore(%arg21 : memref<!tpu.dma_semaphore, #tpu.memory_space<semaphore_mem>>)
      %mul3A_68 = arith.constant 4 : i32
      %mul3A_69 = arith.muli %mul3A_68, %scan3A_45 : i32
      %add3A_70 = arith.constant 2 : i32
      %add3A_71 = arith.addi %mul3A_69, %add3A_70 : i32
      %mul3A_72 = arith.constant 80 : i32
      %mul3A_73 = arith.muli %add3A_71, %mul3A_72 : i32
      %add3A_74 = arith.addi %mul3A_25, %mul3A_73 : i32
      %multiple_of3A_75 = tpu.assume_multiple %add3A_74, 8 : i32
      "tpu.region"() ({
        %run_scoped3A = tpu.sem_alloc : memref<!tpu.dma_semaphore, #tpu.memory_space<semaphore_mem>>
        %dma_start3A_102 = tpu.memref_slice %arg3[%multiple_of3A_75] : memref<320000xi32, #tpu.memory_space<hbm>> -> memref<80xi32, #tpu.memory_space<hbm>>
        %dma_start3A_103 = tpu.memref_slice %arg3[%multiple_of3A_75] : memref<320000xi32, #tpu.memory_space<hbm>> -> memref<80xi32, #tpu.memory_space<hbm>>
        tpu.enqueue_dma source(%dma_start3A_103 : memref<80xi32, #tpu.memory_space<hbm>>) target(%arg13 : memref<80xi32, #tpu.memory_space<vmem>>) target_semaphore(%run_scoped3A : memref<!tpu.dma_semaphore, #tpu.memory_space<semaphore_mem>>)
        %dma_wait3A_104 = tpu.memref_slice %arg3[%multiple_of3A_75] : memref<320000xi32, #tpu.memory_space<hbm>> -> memref<80xi32, #tpu.memory_space<hbm>>
        %dma_wait3A_105 = tpu.memref_slice %arg3[%multiple_of3A_75] : memref<320000xi32, #tpu.memory_space<hbm>> -> memref<80xi32, #tpu.memory_space<hbm>>
        tpu.wait_dma2 semaphore(%run_scoped3A : memref<!tpu.dma_semaphore, #tpu.memory_space<semaphore_mem>>) src(%dma_wait3A_105 : memref<80xi32, #tpu.memory_space<hbm>>) dst(%arg13 : memref<80xi32, #tpu.memory_space<vmem>>)
        tpu.yield
      }) : () -> ()
      "tpu.region"() ({
        %run_scoped3A = tpu.sem_alloc : memref<!tpu.dma_semaphore, #tpu.memory_space<semaphore_mem>>
        %dma_start3A_102 = tpu.memref_slice %arg4[%multiple_of3A_75] : memref<320000xi32, #tpu.memory_space<hbm>> -> memref<80xi32, #tpu.memory_space<hbm>>
        %dma_start3A_103 = tpu.memref_slice %arg4[%multiple_of3A_75] : memref<320000xi32, #tpu.memory_space<hbm>> -> memref<80xi32, #tpu.memory_space<hbm>>
        tpu.enqueue_dma source(%dma_start3A_103 : memref<80xi32, #tpu.memory_space<hbm>>) target(%arg17 : memref<80xi32, #tpu.memory_space<vmem>>) target_semaphore(%run_scoped3A : memref<!tpu.dma_semaphore, #tpu.memory_space<semaphore_mem>>)
        %dma_wait3A_104 = tpu.memref_slice %arg4[%multiple_of3A_75] : memref<320000xi32, #tpu.memory_space<hbm>> -> memref<80xi32, #tpu.memory_space<hbm>>
        %dma_wait3A_105 = tpu.memref_slice %arg4[%multiple_of3A_75] : memref<320000xi32, #tpu.memory_space<hbm>> -> memref<80xi32, #tpu.memory_space<hbm>>
        tpu.wait_dma2 semaphore(%run_scoped3A : memref<!tpu.dma_semaphore, #tpu.memory_space<semaphore_mem>>) src(%dma_wait3A_105 : memref<80xi32, #tpu.memory_space<hbm>>) dst(%arg17 : memref<80xi32, #tpu.memory_space<vmem>>)
        tpu.yield
      }) : () -> ()
      %dma_start3A_76 = arith.constant 0 : i32
      %dma_start3A_77 = arith.constant 0 : i32
      %dma_start3A_78 = tpu.memref_slice %arg2[%dma_start3A_76, %dma_start3A_77] : memref<10240x128xf32, #tpu.memory_space<hbm>> -> memref<10240x128xf32, #tpu.memory_space<hbm>>
      tpu.enqueue_indirect_dma source(%dma_start3A_78 : memref<10240x128xf32, #tpu.memory_space<hbm>>) target(%arg9 : memref<80x128xf32, #tpu.memory_space<vmem>>) offsets(%arg13 : memref<80xi32, #tpu.memory_space<vmem>>) semaphore(%arg22 : memref<!tpu.dma_semaphore, #tpu.memory_space<semaphore_mem>>)
      %mul3A_79 = arith.constant 4 : i32
      %mul3A_80 = arith.muli %mul3A_79, %scan3A_45 : i32
      %add3A_81 = arith.constant 3 : i32
      %add3A_82 = arith.addi %mul3A_80, %add3A_81 : i32
      %mul3A_83 = arith.constant 80 : i32
      %mul3A_84 = arith.muli %add3A_82, %mul3A_83 : i32
      %add3A_85 = arith.addi %mul3A_25, %mul3A_84 : i32
      %multiple_of3A_86 = tpu.assume_multiple %add3A_85, 8 : i32
      "tpu.region"() ({
        %run_scoped3A = tpu.sem_alloc : memref<!tpu.dma_semaphore, #tpu.memory_space<semaphore_mem>>
        %dma_start3A_102 = tpu.memref_slice %arg3[%multiple_of3A_86] : memref<320000xi32, #tpu.memory_space<hbm>> -> memref<80xi32, #tpu.memory_space<hbm>>
        %dma_start3A_103 = tpu.memref_slice %arg3[%multiple_of3A_86] : memref<320000xi32, #tpu.memory_space<hbm>> -> memref<80xi32, #tpu.memory_space<hbm>>
        tpu.enqueue_dma source(%dma_start3A_103 : memref<80xi32, #tpu.memory_space<hbm>>) target(%arg14 : memref<80xi32, #tpu.memory_space<vmem>>) target_semaphore(%run_scoped3A : memref<!tpu.dma_semaphore, #tpu.memory_space<semaphore_mem>>)
        %dma_wait3A_104 = tpu.memref_slice %arg3[%multiple_of3A_86] : memref<320000xi32, #tpu.memory_space<hbm>> -> memref<80xi32, #tpu.memory_space<hbm>>
        %dma_wait3A_105 = tpu.memref_slice %arg3[%multiple_of3A_86] : memref<320000xi32, #tpu.memory_space<hbm>> -> memref<80xi32, #tpu.memory_space<hbm>>
        tpu.wait_dma2 semaphore(%run_scoped3A : memref<!tpu.dma_semaphore, #tpu.memory_space<semaphore_mem>>) src(%dma_wait3A_105 : memref<80xi32, #tpu.memory_space<hbm>>) dst(%arg14 : memref<80xi32, #tpu.memory_space<vmem>>)
        tpu.yield
      }) : () -> ()
      "tpu.region"() ({
        %run_scoped3A = tpu.sem_alloc : memref<!tpu.dma_semaphore, #tpu.memory_space<semaphore_mem>>
        %dma_start3A_102 = tpu.memref_slice %arg4[%multiple_of3A_86] : memref<320000xi32, #tpu.memory_space<hbm>> -> memref<80xi32, #tpu.memory_space<hbm>>
        %dma_start3A_103 = tpu.memref_slice %arg4[%multiple_of3A_86] : memref<320000xi32, #tpu.memory_space<hbm>> -> memref<80xi32, #tpu.memory_space<hbm>>
        tpu.enqueue_dma source(%dma_start3A_103 : memref<80xi32, #tpu.memory_space<hbm>>) target(%arg18 : memref<80xi32, #tpu.memory_space<vmem>>) target_semaphore(%run_scoped3A : memref<!tpu.dma_semaphore, #tpu.memory_space<semaphore_mem>>)
        %dma_wait3A_104 = tpu.memref_slice %arg4[%multiple_of3A_86] : memref<320000xi32, #tpu.memory_space<hbm>> -> memref<80xi32, #tpu.memory_space<hbm>>
        %dma_wait3A_105 = tpu.memref_slice %arg4[%multiple_of3A_86] : memref<320000xi32, #tpu.memory_space<hbm>> -> memref<80xi32, #tpu.memory_space<hbm>>
        tpu.wait_dma2 semaphore(%run_scoped3A : memref<!tpu.dma_semaphore, #tpu.memory_space<semaphore_mem>>) src(%dma_wait3A_105 : memref<80xi32, #tpu.memory_space<hbm>>) dst(%arg18 : memref<80xi32, #tpu.memory_space<vmem>>)
        tpu.yield
      }) : () -> ()
      %dma_start3A_87 = arith.constant 0 : i32
      %dma_start3A_88 = arith.constant 0 : i32
      %dma_start3A_89 = tpu.memref_slice %arg2[%dma_start3A_87, %dma_start3A_88] : memref<10240x128xf32, #tpu.memory_space<hbm>> -> memref<10240x128xf32, #tpu.memory_space<hbm>>
      tpu.enqueue_indirect_dma source(%dma_start3A_89 : memref<10240x128xf32, #tpu.memory_space<hbm>>) target(%arg10 : memref<80x128xf32, #tpu.memory_space<vmem>>) offsets(%arg14 : memref<80xi32, #tpu.memory_space<vmem>>) semaphore(%arg23 : memref<!tpu.dma_semaphore, #tpu.memory_space<semaphore_mem>>)
      %dma_wait3A_90 = arith.constant 0 : i32
      %dma_wait3A_91 = arith.constant 0 : i32
      %dma_wait3A_92 = tpu.memref_slice %arg2[%dma_wait3A_90, %dma_wait3A_91] : memref<10240x128xf32, #tpu.memory_space<hbm>> -> memref<10240x128xf32, #tpu.memory_space<hbm>>
      tpu.wait_indirect_dma semaphore(%arg20 : memref<!tpu.dma_semaphore, #tpu.memory_space<semaphore_mem>>) src(%dma_wait3A_92 : memref<10240x128xf32, #tpu.memory_space<hbm>>) dst(%arg7 : memref<80x128xf32, #tpu.memory_space<vmem>>)
      "tpu.region"() ({
        %run_scoped3A = tpu.sem_alloc : memref<!tpu.dma_semaphore, #tpu.memory_space<semaphore_mem>>
        %dma_start3A_102 = arith.constant 0 : i32
        %dma_start3A_103 = arith.constant 0 : i32
        %dma_start3A_104 = tpu.memref_slice %arg6[%dma_start3A_102, %dma_start3A_103] : memref<10240x128xf32, #tpu.memory_space<vmem_shared>> -> memref<10240x128xf32, #tpu.memory_space<vmem_shared>>
        tpu.enqueue_indirect_dma source(%arg7 : memref<80x128xf32, #tpu.memory_space<vmem>>) target(%dma_start3A_104 : memref<10240x128xf32, #tpu.memory_space<vmem_shared>>) offsets(%arg15 : memref<80xi32, #tpu.memory_space<vmem>>) semaphore(%run_scoped3A : memref<!tpu.dma_semaphore, #tpu.memory_space<semaphore_mem>>) {add = true}
        %dma_wait3A_105 = arith.constant 0 : i32
        %dma_wait3A_106 = arith.constant 0 : i32
        %dma_wait3A_107 = tpu.memref_slice %arg6[%dma_wait3A_105, %dma_wait3A_106] : memref<10240x128xf32, #tpu.memory_space<vmem_shared>> -> memref<10240x128xf32, #tpu.memory_space<vmem_shared>>
        tpu.wait_indirect_dma semaphore(%run_scoped3A : memref<!tpu.dma_semaphore, #tpu.memory_space<semaphore_mem>>) src(%arg7 : memref<80x128xf32, #tpu.memory_space<vmem>>) dst(%dma_wait3A_107 : memref<10240x128xf32, #tpu.memory_space<vmem_shared>>)
        tpu.yield
      }) : () -> ()
      %dma_wait3A_93 = arith.constant 0 : i32
      %dma_wait3A_94 = arith.constant 0 : i32
      %dma_wait3A_95 = tpu.memref_slice %arg2[%dma_wait3A_93, %dma_wait3A_94] : memref<10240x128xf32, #tpu.memory_space<hbm>> -> memref<10240x128xf32, #tpu.memory_space<hbm>>
      tpu.wait_indirect_dma semaphore(%arg21 : memref<!tpu.dma_semaphore, #tpu.memory_space<semaphore_mem>>) src(%dma_wait3A_95 : memref<10240x128xf32, #tpu.memory_space<hbm>>) dst(%arg8 : memref<80x128xf32, #tpu.memory_space<vmem>>)
      "tpu.region"() ({
        %run_scoped3A = tpu.sem_alloc : memref<!tpu.dma_semaphore, #tpu.memory_space<semaphore_mem>>
        %dma_start3A_102 = arith.constant 0 : i32
        %dma_start3A_103 = arith.constant 0 : i32
        %dma_start3A_104 = tpu.memref_slice %arg6[%dma_start3A_102, %dma_start3A_103] : memref<10240x128xf32, #tpu.memory_space<vmem_shared>> -> memref<10240x128xf32, #tpu.memory_space<vmem_shared>>
        tpu.enqueue_indirect_dma source(%arg8 : memref<80x128xf32, #tpu.memory_space<vmem>>) target(%dma_start3A_104 : memref<10240x128xf32, #tpu.memory_space<vmem_shared>>) offsets(%arg16 : memref<80xi32, #tpu.memory_space<vmem>>) semaphore(%run_scoped3A : memref<!tpu.dma_semaphore, #tpu.memory_space<semaphore_mem>>) {add = true}
        %dma_wait3A_105 = arith.constant 0 : i32
        %dma_wait3A_106 = arith.constant 0 : i32
        %dma_wait3A_107 = tpu.memref_slice %arg6[%dma_wait3A_105, %dma_wait3A_106] : memref<10240x128xf32, #tpu.memory_space<vmem_shared>> -> memref<10240x128xf32, #tpu.memory_space<vmem_shared>>
        tpu.wait_indirect_dma semaphore(%run_scoped3A : memref<!tpu.dma_semaphore, #tpu.memory_space<semaphore_mem>>) src(%arg8 : memref<80x128xf32, #tpu.memory_space<vmem>>) dst(%dma_wait3A_107 : memref<10240x128xf32, #tpu.memory_space<vmem_shared>>)
        tpu.yield
      }) : () -> ()
      %dma_wait3A_96 = arith.constant 0 : i32
      %dma_wait3A_97 = arith.constant 0 : i32
      %dma_wait3A_98 = tpu.memref_slice %arg2[%dma_wait3A_96, %dma_wait3A_97] : memref<10240x128xf32, #tpu.memory_space<hbm>> -> memref<10240x128xf32, #tpu.memory_space<hbm>>
      tpu.wait_indirect_dma semaphore(%arg22 : memref<!tpu.dma_semaphore, #tpu.memory_space<semaphore_mem>>) src(%dma_wait3A_98 : memref<10240x128xf32, #tpu.memory_space<hbm>>) dst(%arg9 : memref<80x128xf32, #tpu.memory_space<vmem>>)
      "tpu.region"() ({
        %run_scoped3A = tpu.sem_alloc : memref<!tpu.dma_semaphore, #tpu.memory_space<semaphore_mem>>
        %dma_start3A_102 = arith.constant 0 : i32
        %dma_start3A_103 = arith.constant 0 : i32
        %dma_start3A_104 = tpu.memref_slice %arg6[%dma_start3A_102, %dma_start3A_103] : memref<10240x128xf32, #tpu.memory_space<vmem_shared>> -> memref<10240x128xf32, #tpu.memory_space<vmem_shared>>
        tpu.enqueue_indirect_dma source(%arg9 : memref<80x128xf32, #tpu.memory_space<vmem>>) target(%dma_start3A_104 : memref<10240x128xf32, #tpu.memory_space<vmem_shared>>) offsets(%arg17 : memref<80xi32, #tpu.memory_space<vmem>>) semaphore(%run_scoped3A : memref<!tpu.dma_semaphore, #tpu.memory_space<semaphore_mem>>) {add = true}
        %dma_wait3A_105 = arith.constant 0 : i32
        %dma_wait3A_106 = arith.constant 0 : i32
        %dma_wait3A_107 = tpu.memref_slice %arg6[%dma_wait3A_105, %dma_wait3A_106] : memref<10240x128xf32, #tpu.memory_space<vmem_shared>> -> memref<10240x128xf32, #tpu.memory_space<vmem_shared>>
        tpu.wait_indirect_dma semaphore(%run_scoped3A : memref<!tpu.dma_semaphore, #tpu.memory_space<semaphore_mem>>) src(%arg9 : memref<80x128xf32, #tpu.memory_space<vmem>>) dst(%dma_wait3A_107 : memref<10240x128xf32, #tpu.memory_space<vmem_shared>>)
        tpu.yield
      }) : () -> ()
      %dma_wait3A_99 = arith.constant 0 : i32
      %dma_wait3A_100 = arith.constant 0 : i32
      %dma_wait3A_101 = tpu.memref_slice %arg2[%dma_wait3A_99, %dma_wait3A_100] : memref<10240x128xf32, #tpu.memory_space<hbm>> -> memref<10240x128xf32, #tpu.memory_space<hbm>>
      tpu.wait_indirect_dma semaphore(%arg23 : memref<!tpu.dma_semaphore, #tpu.memory_space<semaphore_mem>>) src(%dma_wait3A_101 : memref<10240x128xf32, #tpu.memory_space<hbm>>) dst(%arg10 : memref<80x128xf32, #tpu.memory_space<vmem>>)
      "tpu.region"() ({
        %run_scoped3A = tpu.sem_alloc : memref<!tpu.dma_semaphore, #tpu.memory_space<semaphore_mem>>
        %dma_start3A_102 = arith.constant 0 : i32
        %dma_start3A_103 = arith.constant 0 : i32
        %dma_start3A_104 = tpu.memref_slice %arg6[%dma_start3A_102, %dma_start3A_103] : memref<10240x128xf32, #tpu.memory_space<vmem_shared>> -> memref<10240x128xf32, #tpu.memory_space<vmem_shared>>
        tpu.enqueue_indirect_dma source(%arg10 : memref<80x128xf32, #tpu.memory_space<vmem>>) target(%dma_start3A_104 : memref<10240x128xf32, #tpu.memory_space<vmem_shared>>) offsets(%arg18 : memref<80xi32, #tpu.memory_space<vmem>>) semaphore(%run_scoped3A : memref<!tpu.dma_semaphore, #tpu.memory_space<semaphore_mem>>) {add = true}
        %dma_wait3A_105 = arith.constant 0 : i32
        %dma_wait3A_106 = arith.constant 0 : i32
        %dma_wait3A_107 = tpu.memref_slice %arg6[%dma_wait3A_105, %dma_wait3A_106] : memref<10240x128xf32, #tpu.memory_space<vmem_shared>> -> memref<10240x128xf32, #tpu.memory_space<vmem_shared>>
        tpu.wait_indirect_dma semaphore(%run_scoped3A : memref<!tpu.dma_semaphore, #tpu.memory_space<semaphore_mem>>) src(%arg10 : memref<80x128xf32, #tpu.memory_space<vmem>>) dst(%dma_wait3A_107 : memref<10240x128xf32, #tpu.memory_space<vmem_shared>>)
        tpu.yield
      }) : () -> ()
    }
    %scan3A_32 = arith.constant 31 : i32
    %add3A_33 = arith.constant 9920 : i32
    %add3A_34 = arith.addi %mul3A_25, %add3A_33 : i32
    %multiple_of3A_35 = tpu.assume_multiple %add3A_34, 8 : i32
    "tpu.region"() ({
      %run_scoped3A = tpu.sem_alloc : memref<!tpu.dma_semaphore, #tpu.memory_space<semaphore_mem>>
      %dma_start3A_45 = tpu.memref_slice %arg3[%multiple_of3A_35] : memref<320000xi32, #tpu.memory_space<hbm>> -> memref<80xi32, #tpu.memory_space<hbm>>
      %dma_start3A_46 = tpu.memref_slice %arg3[%multiple_of3A_35] : memref<320000xi32, #tpu.memory_space<hbm>> -> memref<80xi32, #tpu.memory_space<hbm>>
      tpu.enqueue_dma source(%dma_start3A_46 : memref<80xi32, #tpu.memory_space<hbm>>) target(%arg11 : memref<80xi32, #tpu.memory_space<vmem>>) target_semaphore(%run_scoped3A : memref<!tpu.dma_semaphore, #tpu.memory_space<semaphore_mem>>)
      %dma_wait3A_47 = tpu.memref_slice %arg3[%multiple_of3A_35] : memref<320000xi32, #tpu.memory_space<hbm>> -> memref<80xi32, #tpu.memory_space<hbm>>
      %dma_wait3A_48 = tpu.memref_slice %arg3[%multiple_of3A_35] : memref<320000xi32, #tpu.memory_space<hbm>> -> memref<80xi32, #tpu.memory_space<hbm>>
      tpu.wait_dma2 semaphore(%run_scoped3A : memref<!tpu.dma_semaphore, #tpu.memory_space<semaphore_mem>>) src(%dma_wait3A_48 : memref<80xi32, #tpu.memory_space<hbm>>) dst(%arg11 : memref<80xi32, #tpu.memory_space<vmem>>)
      tpu.yield
    }) : () -> ()
    "tpu.region"() ({
      %run_scoped3A = tpu.sem_alloc : memref<!tpu.dma_semaphore, #tpu.memory_space<semaphore_mem>>
      %dma_start3A_45 = tpu.memref_slice %arg4[%multiple_of3A_35] : memref<320000xi32, #tpu.memory_space<hbm>> -> memref<80xi32, #tpu.memory_space<hbm>>
      %dma_start3A_46 = tpu.memref_slice %arg4[%multiple_of3A_35] : memref<320000xi32, #tpu.memory_space<hbm>> -> memref<80xi32, #tpu.memory_space<hbm>>
      tpu.enqueue_dma source(%dma_start3A_46 : memref<80xi32, #tpu.memory_space<hbm>>) target(%arg15 : memref<80xi32, #tpu.memory_space<vmem>>) target_semaphore(%run_scoped3A : memref<!tpu.dma_semaphore, #tpu.memory_space<semaphore_mem>>)
      %dma_wait3A_47 = tpu.memref_slice %arg4[%multiple_of3A_35] : memref<320000xi32, #tpu.memory_space<hbm>> -> memref<80xi32, #tpu.memory_space<hbm>>
      %dma_wait3A_48 = tpu.memref_slice %arg4[%multiple_of3A_35] : memref<320000xi32, #tpu.memory_space<hbm>> -> memref<80xi32, #tpu.memory_space<hbm>>
      tpu.wait_dma2 semaphore(%run_scoped3A : memref<!tpu.dma_semaphore, #tpu.memory_space<semaphore_mem>>) src(%dma_wait3A_48 : memref<80xi32, #tpu.memory_space<hbm>>) dst(%arg15 : memref<80xi32, #tpu.memory_space<vmem>>)
      tpu.yield
    }) : () -> ()
    %dma_start3A = arith.constant 0 : i32
    %dma_start3A_36 = arith.constant 0 : i32
    %dma_start3A_37 = tpu.memref_slice %arg2[%dma_start3A, %dma_start3A_36] : memref<10240x128xf32, #tpu.memory_space<hbm>> -> memref<10240x128xf32, #tpu.memory_space<hbm>>
    tpu.enqueue_indirect_dma source(%dma_start3A_37 : memref<10240x128xf32, #tpu.memory_space<hbm>>) target(%arg7 : memref<80x128xf32, #tpu.memory_space<vmem>>) offsets(%arg11 : memref<80xi32, #tpu.memory_space<vmem>>) semaphore(%arg20 : memref<!tpu.dma_semaphore, #tpu.memory_space<semaphore_mem>>)
    %dma_wait3A = arith.constant 0 : i32
    %dma_wait3A_38 = arith.constant 0 : i32
    %dma_wait3A_39 = tpu.memref_slice %arg2[%dma_wait3A, %dma_wait3A_38] : memref<10240x128xf32, #tpu.memory_space<hbm>> -> memref<10240x128xf32, #tpu.memory_space<hbm>>
    tpu.wait_indirect_dma semaphore(%arg20 : memref<!tpu.dma_semaphore, #tpu.memory_space<semaphore_mem>>) src(%dma_wait3A_39 : memref<10240x128xf32, #tpu.memory_space<hbm>>) dst(%arg7 : memref<80x128xf32, #tpu.memory_space<vmem>>)
    "tpu.region"() ({
      %run_scoped3A = tpu.sem_alloc : memref<!tpu.dma_semaphore, #tpu.memory_space<semaphore_mem>>
      %dma_start3A_45 = arith.constant 0 : i32
      %dma_start3A_46 = arith.constant 0 : i32
      %dma_start3A_47 = tpu.memref_slice %arg6[%dma_start3A_45, %dma_start3A_46] : memref<10240x128xf32, #tpu.memory_space<vmem_shared>> -> memref<10240x128xf32, #tpu.memory_space<vmem_shared>>
      tpu.enqueue_indirect_dma source(%arg7 : memref<80x128xf32, #tpu.memory_space<vmem>>) target(%dma_start3A_47 : memref<10240x128xf32, #tpu.memory_space<vmem_shared>>) offsets(%arg15 : memref<80xi32, #tpu.memory_space<vmem>>) semaphore(%run_scoped3A : memref<!tpu.dma_semaphore, #tpu.memory_space<semaphore_mem>>) {add = true}
      %dma_wait3A_48 = arith.constant 0 : i32
      %dma_wait3A_49 = arith.constant 0 : i32
      %dma_wait3A_50 = tpu.memref_slice %arg6[%dma_wait3A_48, %dma_wait3A_49] : memref<10240x128xf32, #tpu.memory_space<vmem_shared>> -> memref<10240x128xf32, #tpu.memory_space<vmem_shared>>
      tpu.wait_indirect_dma semaphore(%run_scoped3A : memref<!tpu.dma_semaphore, #tpu.memory_space<semaphore_mem>>) src(%arg7 : memref<80x128xf32, #tpu.memory_space<vmem>>) dst(%dma_wait3A_50 : memref<10240x128xf32, #tpu.memory_space<vmem_shared>>)
      tpu.yield
    }) : () -> ()
    %barrier3A_40 = arith.constant 0 : index
    tpu.barrier barrier_id(%barrier3A_40)
    %mul3A_41 = arith.constant 10240 : i32
    %mul3A_42 = arith.muli %arg0, %mul3A_41 : i32
    %add3A_43 = arith.addi %mul3A_42, %multiple_of3A : i32
    %multiple_of3A_44 = tpu.assume_multiple %add3A_43, 8 : i32
    "tpu.region"() ({
      %run_scoped3A = tpu.sem_alloc : memref<!tpu.dma_semaphore, #tpu.memory_space<semaphore_mem>>
      %dma_start3A_45 = arith.constant 0 : i32
      %dma_start3A_46 = tpu.memref_slice %arg5[%multiple_of3A_44, %dma_start3A_45] : memref<20480x128xf32, #tpu.memory_space<hbm>> -> memref<640x128xf32, #tpu.memory_space<hbm>>
      %dma_start3A_47 = arith.constant 0 : i32
      %dma_start3A_48 = tpu.memref_slice %arg6[%multiple_of3A, %dma_start3A_47] : memref<10240x128xf32, #tpu.memory_space<vmem_shared>> -> memref<640x128xf32, #tpu.memory_space<vmem_shared>>
      tpu.enqueue_dma source(%dma_start3A_48 : memref<640x128xf32, #tpu.memory_space<vmem_shared>>) target(%dma_start3A_46 : memref<640x128xf32, #tpu.memory_space<hbm>>) target_semaphore(%run_scoped3A : memref<!tpu.dma_semaphore, #tpu.memory_space<semaphore_mem>>)
      %dma_wait3A_49 = arith.constant 0 : i32
      %dma_wait3A_50 = tpu.memref_slice %arg5[%multiple_of3A_44, %dma_wait3A_49] : memref<20480x128xf32, #tpu.memory_space<hbm>> -> memref<640x128xf32, #tpu.memory_space<hbm>>
      %dma_wait3A_51 = arith.constant 0 : i32
      %dma_wait3A_52 = tpu.memref_slice %arg6[%multiple_of3A, %dma_wait3A_51] : memref<10240x128xf32, #tpu.memory_space<vmem_shared>> -> memref<640x128xf32, #tpu.memory_space<vmem_shared>>
      tpu.wait_dma2 semaphore(%run_scoped3A : memref<!tpu.dma_semaphore, #tpu.memory_space<semaphore_mem>>) src(%dma_wait3A_52 : memref<640x128xf32, #tpu.memory_space<vmem_shared>>) dst(%dma_wait3A_50 : memref<640x128xf32, #tpu.memory_space<hbm>>)
      tpu.yield
    }) : () -> ()
    return
  }
}

#map = affine_map<(d0, d1) -> (0, 0)>
#map1 = affine_map<(d0, d1) -> (0)>
module attributes {stable_mosaic.version = 14 : i64} {
  func.func @body(%arg0: i32, %arg1: i32, %arg2: memref<10240x128xf32, #tpu.memory_space<hbm>>, %arg3: memref<320000xi32, #tpu.memory_space<hbm>>, %arg4: memref<320000xi32, #tpu.memory_space<hbm>>, %arg5: memref<20480x128xf32, #tpu.memory_space<hbm>>, %arg6: memref<32x10240xf32, #tpu.memory_space<hbm>>, %arg7: memref<10240x128xf32, #tpu.memory_space<vmem_shared>>, %arg8: memref<80x128xf32, #tpu.memory_space<vmem>>, %arg9: memref<80x128xf32, #tpu.memory_space<vmem>>, %arg10: memref<80x128xf32, #tpu.memory_space<vmem>>, %arg11: memref<80xi32, #tpu.memory_space<vmem>>, %arg12: memref<80xi32, #tpu.memory_space<vmem>>, %arg13: memref<80xi32, #tpu.memory_space<vmem>>, %arg14: memref<80xi32, #tpu.memory_space<vmem>>, %arg15: memref<80xi32, #tpu.memory_space<vmem>>, %arg16: memref<80xi32, #tpu.memory_space<vmem>>, %arg17: memref<10240xf32, #tpu.memory_space<vmem>>, %arg18: memref<!tpu.dma_semaphore, #tpu.memory_space<semaphore_mem>>, %arg19: memref<!tpu.dma_semaphore, #tpu.memory_space<semaphore_mem>>, %arg20: memref<!tpu.dma_semaphore, #tpu.memory_space<semaphore_mem>>) attributes {dimension_semantics = [#tpu.dimension_semantics<core_parallel>, #tpu.dimension_semantics<subcore_parallel>], iteration_bounds = array<i64: 2, 16>, scalar_prefetch = 0 : i64, scratch_operands = 14 : i64, tpu.core_type = #tpu.core_type<sc_vector_subcore>, window_params = [{transform_indices = #map}, {transform_indices = #map1}, {transform_indices = #map1}, {transform_indices = #map}, {transform_indices = #map}]} {
    %mul3A = arith.constant 2 : i32
    %mul3A_0 = arith.muli %arg1, %mul3A : i32
    %add3A = arith.addi %mul3A_0, %arg0 : i32
    %scan3A = arith.constant 0 : i32
    %scan3A_1 = arith.constant 0 : i32
    %scan3A_2 = arith.constant 80 : i32
    %scan3A_3 = arith.addi %scan3A_1, %scan3A_2 : i32
    %scan3A_4 = arith.constant 1 : i32
    scf.for %scan3A_1354 = %scan3A_1 to %scan3A_3 step %scan3A_4  : i32 {
      %broadcast_in_dim3A_1355 = arith.constant 0.000000e+00 : f32
      %broadcast_in_dim3A_1356 = vector.broadcast %broadcast_in_dim3A_1355 : f32 to vector<16xf32>
      %swap3A_1357 = arith.index_cast %scan3A_1354 : i32 to index
      %swap3A_1358 = arith.constant 0 : index
      %swap3A_1359 = tpu.vector_load %arg8[%swap3A_1357, %swap3A_1358] {strides = array<i32>} : memref<80x128xf32, #tpu.memory_space<vmem>>, vector<16xf32>,
      tpu.vector_store %arg8[%swap3A_1357, %swap3A_1358], %broadcast_in_dim3A_1356 {strides = array<i32>} : memref<80x128xf32, #tpu.memory_space<vmem>>, vector<16xf32>,
      %broadcast_in_dim3A_1360 = arith.constant 0.000000e+00 : f32
      %broadcast_in_dim3A_1361 = vector.broadcast %broadcast_in_dim3A_1360 : f32 to vector<16xf32>
      %swap3A_1362 = arith.index_cast %scan3A_1354 : i32 to index
      %swap3A_1363 = arith.constant 16 : index
      %swap3A_1364 = tpu.vector_load %arg8[%swap3A_1362, %swap3A_1363] {strides = array<i32>} : memref<80x128xf32, #tpu.memory_space<vmem>>, vector<16xf32>,
      tpu.vector_store %arg8[%swap3A_1362, %swap3A_1363], %broadcast_in_dim3A_1361 {strides = array<i32>} : memref<80x128xf32, #tpu.memory_space<vmem>>, vector<16xf32>,
      %broadcast_in_dim3A_1365 = arith.constant 0.000000e+00 : f32
      %broadcast_in_dim3A_1366 = vector.broadcast %broadcast_in_dim3A_1365 : f32 to vector<16xf32>
      %swap3A_1367 = arith.index_cast %scan3A_1354 : i32 to index
      %swap3A_1368 = arith.constant 32 : index
      %swap3A_1369 = tpu.vector_load %arg8[%swap3A_1367, %swap3A_1368] {strides = array<i32>} : memref<80x128xf32, #tpu.memory_space<vmem>>, vector<16xf32>,
      tpu.vector_store %arg8[%swap3A_1367, %swap3A_1368], %broadcast_in_dim3A_1366 {strides = array<i32>} : memref<80x128xf32, #tpu.memory_space<vmem>>, vector<16xf32>,
      %broadcast_in_dim3A_1370 = arith.constant 0.000000e+00 : f32
      %broadcast_in_dim3A_1371 = vector.broadcast %broadcast_in_dim3A_1370 : f32 to vector<16xf32>
      %swap3A_1372 = arith.index_cast %scan3A_1354 : i32 to index
      %swap3A_1373 = arith.constant 48 : index
      %swap3A_1374 = tpu.vector_load %arg8[%swap3A_1372, %swap3A_1373] {strides = array<i32>} : memref<80x128xf32, #tpu.memory_space<vmem>>, vector<16xf32>,
      tpu.vector_store %arg8[%swap3A_1372, %swap3A_1373], %broadcast_in_dim3A_1371 {strides = array<i32>} : memref<80x128xf32, #tpu.memory_space<vmem>>, vector<16xf32>,
      %broadcast_in_dim3A_1375 = arith.constant 0.000000e+00 : f32
      %broadcast_in_dim3A_1376 = vector.broadcast %broadcast_in_dim3A_1375 : f32 to vector<16xf32>
      %swap3A_1377 = arith.index_cast %scan3A_1354 : i32 to index
      %swap3A_1378 = arith.constant 64 : index
      %swap3A_1379 = tpu.vector_load %arg8[%swap3A_1377, %swap3A_1378] {strides = array<i32>} : memref<80x128xf32, #tpu.memory_space<vmem>>, vector<16xf32>,
      tpu.vector_store %arg8[%swap3A_1377, %swap3A_1378], %broadcast_in_dim3A_1376 {strides = array<i32>} : memref<80x128xf32, #tpu.memory_space<vmem>>, vector<16xf32>,
      %broadcast_in_dim3A_1380 = arith.constant 0.000000e+00 : f32
      %broadcast_in_dim3A_1381 = vector.broadcast %broadcast_in_dim3A_1380 : f32 to vector<16xf32>
      %swap3A_1382 = arith.index_cast %scan3A_1354 : i32 to index
      %swap3A_1383 = arith.constant 80 : index
      %swap3A_1384 = tpu.vector_load %arg8[%swap3A_1382, %swap3A_1383] {strides = array<i32>} : memref<80x128xf32, #tpu.memory_space<vmem>>, vector<16xf32>,
      tpu.vector_store %arg8[%swap3A_1382, %swap3A_1383], %broadcast_in_dim3A_1381 {strides = array<i32>} : memref<80x128xf32, #tpu.memory_space<vmem>>, vector<16xf32>,
      %broadcast_in_dim3A_1385 = arith.constant 0.000000e+00 : f32
      %broadcast_in_dim3A_1386 = vector.broadcast %broadcast_in_dim3A_1385 : f32 to vector<16xf32>
      %swap3A_1387 = arith.index_cast %scan3A_1354 : i32 to index
      %swap3A_1388 = arith.constant 96 : index
      %swap3A_1389 = tpu.vector_load %arg8[%swap3A_1387, %swap3A_1388] {strides = array<i32>} : memref<80x128xf32, #tpu.memory_space<vmem>>, vector<16xf32>,
      tpu.vector_store %arg8[%swap3A_1387, %swap3A_1388], %broadcast_in_dim3A_1386 {strides = array<i32>} : memref<80x128xf32, #tpu.memory_space<vmem>>, vector<16xf32>,
      %broadcast_in_dim3A_1390 = arith.constant 0.000000e+00 : f32
      %broadcast_in_dim3A_1391 = vector.broadcast %broadcast_in_dim3A_1390 : f32 to vector<16xf32>
      %swap3A_1392 = arith.index_cast %scan3A_1354 : i32 to index
      %swap3A_1393 = arith.constant 112 : index
      %swap3A_1394 = tpu.vector_load %arg8[%swap3A_1392, %swap3A_1393] {strides = array<i32>} : memref<80x128xf32, #tpu.memory_space<vmem>>, vector<16xf32>,
      tpu.vector_store %arg8[%swap3A_1392, %swap3A_1393], %broadcast_in_dim3A_1391 {strides = array<i32>} : memref<80x128xf32, #tpu.memory_space<vmem>>, vector<16xf32>,
    }
    %scan3A_5 = arith.constant 80 : i32
    %mul3A_6 = arith.constant 640 : i32
    %mul3A_7 = arith.muli %arg1, %mul3A_6 : i32
    %multiple_of3A = tpu.assume_multiple %mul3A_7, 8 : i32
    %add3A_8 = arith.constant 0 : i32
    %add3A_9 = arith.addi %multiple_of3A, %add3A_8 : i32
    "tpu.region"() ({
      %run_scoped3A = tpu.sem_alloc : memref<!tpu.dma_semaphore, #tpu.memory_space<semaphore_mem>>
      %dma_start3A_1354 = arith.constant 0 : i32
      %dma_start3A_1355 = tpu.memref_slice %arg7[%add3A_9, %dma_start3A_1354] : memref<10240x128xf32, #tpu.memory_space<vmem_shared>> -> memref<80x128xf32, #tpu.memory_space<vmem_shared>>
      %dma_start3A_1356 = arith.constant 0 : i32
      %dma_start3A_1357 = tpu.memref_slice %arg7[%add3A_9, %dma_start3A_1356] : memref<10240x128xf32, #tpu.memory_space<vmem_shared>> -> memref<80x128xf32, #tpu.memory_space<vmem_shared>>
      tpu.enqueue_dma source(%arg8 : memref<80x128xf32, #tpu.memory_space<vmem>>) target(%dma_start3A_1357 : memref<80x128xf32, #tpu.memory_space<vmem_shared>>) target_semaphore(%run_scoped3A : memref<!tpu.dma_semaphore, #tpu.memory_space<semaphore_mem>>)
      %dma_wait3A_1358 = arith.constant 0 : i32
      %dma_wait3A_1359 = tpu.memref_slice %arg7[%add3A_9, %dma_wait3A_1358] : memref<10240x128xf32, #tpu.memory_space<vmem_shared>> -> memref<80x128xf32, #tpu.memory_space<vmem_shared>>
      %dma_wait3A_1360 = arith.constant 0 : i32
      %dma_wait3A_1361 = tpu.memref_slice %arg7[%add3A_9, %dma_wait3A_1360] : memref<10240x128xf32, #tpu.memory_space<vmem_shared>> -> memref<80x128xf32, #tpu.memory_space<vmem_shared>>
      tpu.wait_dma2 semaphore(%run_scoped3A : memref<!tpu.dma_semaphore, #tpu.memory_space<semaphore_mem>>) src(%arg8 : memref<80x128xf32, #tpu.memory_space<vmem>>) dst(%dma_wait3A_1361 : memref<80x128xf32, #tpu.memory_space<vmem_shared>>)
      tpu.yield
    }) : () -> ()
    %add3A_10 = arith.constant 80 : i32
    %add3A_11 = arith.addi %multiple_of3A, %add3A_10 : i32
    "tpu.region"() ({
      %run_scoped3A = tpu.sem_alloc : memref<!tpu.dma_semaphore, #tpu.memory_space<semaphore_mem>>
      %dma_start3A_1354 = arith.constant 0 : i32
      %dma_start3A_1355 = tpu.memref_slice %arg7[%add3A_11, %dma_start3A_1354] : memref<10240x128xf32, #tpu.memory_space<vmem_shared>> -> memref<80x128xf32, #tpu.memory_space<vmem_shared>>
      %dma_start3A_1356 = arith.constant 0 : i32
      %dma_start3A_1357 = tpu.memref_slice %arg7[%add3A_11, %dma_start3A_1356] : memref<10240x128xf32, #tpu.memory_space<vmem_shared>> -> memref<80x128xf32, #tpu.memory_space<vmem_shared>>
      tpu.enqueue_dma source(%arg8 : memref<80x128xf32, #tpu.memory_space<vmem>>) target(%dma_start3A_1357 : memref<80x128xf32, #tpu.memory_space<vmem_shared>>) target_semaphore(%run_scoped3A : memref<!tpu.dma_semaphore, #tpu.memory_space<semaphore_mem>>)
      %dma_wait3A_1358 = arith.constant 0 : i32
      %dma_wait3A_1359 = tpu.memref_slice %arg7[%add3A_11, %dma_wait3A_1358] : memref<10240x128xf32, #tpu.memory_space<vmem_shared>> -> memref<80x128xf32, #tpu.memory_space<vmem_shared>>
      %dma_wait3A_1360 = arith.constant 0 : i32
      %dma_wait3A_1361 = tpu.memref_slice %arg7[%add3A_11, %dma_wait3A_1360] : memref<10240x128xf32, #tpu.memory_space<vmem_shared>> -> memref<80x128xf32, #tpu.memory_space<vmem_shared>>
      tpu.wait_dma2 semaphore(%run_scoped3A : memref<!tpu.dma_semaphore, #tpu.memory_space<semaphore_mem>>) src(%arg8 : memref<80x128xf32, #tpu.memory_space<vmem>>) dst(%dma_wait3A_1361 : memref<80x128xf32, #tpu.memory_space<vmem_shared>>)
      tpu.yield
    }) : () -> ()
    %add3A_12 = arith.constant 160 : i32
    %add3A_13 = arith.addi %multiple_of3A, %add3A_12 : i32
    "tpu.region"() ({
      %run_scoped3A = tpu.sem_alloc : memref<!tpu.dma_semaphore, #tpu.memory_space<semaphore_mem>>
      %dma_start3A_1354 = arith.constant 0 : i32
      %dma_start3A_1355 = tpu.memref_slice %arg7[%add3A_13, %dma_start3A_1354] : memref<10240x128xf32, #tpu.memory_space<vmem_shared>> -> memref<80x128xf32, #tpu.memory_space<vmem_shared>>
      %dma_start3A_1356 = arith.constant 0 : i32
      %dma_start3A_1357 = tpu.memref_slice %arg7[%add3A_13, %dma_start3A_1356] : memref<10240x128xf32, #tpu.memory_space<vmem_shared>> -> memref<80x128xf32, #tpu.memory_space<vmem_shared>>
      tpu.enqueue_dma source(%arg8 : memref<80x128xf32, #tpu.memory_space<vmem>>) target(%dma_start3A_1357 : memref<80x128xf32, #tpu.memory_space<vmem_shared>>) target_semaphore(%run_scoped3A : memref<!tpu.dma_semaphore, #tpu.memory_space<semaphore_mem>>)
      %dma_wait3A_1358 = arith.constant 0 : i32
      %dma_wait3A_1359 = tpu.memref_slice %arg7[%add3A_13, %dma_wait3A_1358] : memref<10240x128xf32, #tpu.memory_space<vmem_shared>> -> memref<80x128xf32, #tpu.memory_space<vmem_shared>>
      %dma_wait3A_1360 = arith.constant 0 : i32
      %dma_wait3A_1361 = tpu.memref_slice %arg7[%add3A_13, %dma_wait3A_1360] : memref<10240x128xf32, #tpu.memory_space<vmem_shared>> -> memref<80x128xf32, #tpu.memory_space<vmem_shared>>
      tpu.wait_dma2 semaphore(%run_scoped3A : memref<!tpu.dma_semaphore, #tpu.memory_space<semaphore_mem>>) src(%arg8 : memref<80x128xf32, #tpu.memory_space<vmem>>) dst(%dma_wait3A_1361 : memref<80x128xf32, #tpu.memory_space<vmem_shared>>)
      tpu.yield
    }) : () -> ()
    %add3A_14 = arith.constant 240 : i32
    %add3A_15 = arith.addi %multiple_of3A, %add3A_14 : i32
    "tpu.region"() ({
      %run_scoped3A = tpu.sem_alloc : memref<!tpu.dma_semaphore, #tpu.memory_space<semaphore_mem>>
      %dma_start3A_1354 = arith.constant 0 : i32
      %dma_start3A_1355 = tpu.memref_slice %arg7[%add3A_15, %dma_start3A_1354] : memref<10240x128xf32, #tpu.memory_space<vmem_shared>> -> memref<80x128xf32, #tpu.memory_space<vmem_shared>>
      %dma_start3A_1356 = arith.constant 0 : i32
      %dma_start3A_1357 = tpu.memref_slice %arg7[%add3A_15, %dma_start3A_1356] : memref<10240x128xf32, #tpu.memory_space<vmem_shared>> -> memref<80x128xf32, #tpu.memory_space<vmem_shared>>
      tpu.enqueue_dma source(%arg8 : memref<80x128xf32, #tpu.memory_space<vmem>>) target(%dma_start3A_1357 : memref<80x128xf32, #tpu.memory_space<vmem_shared>>) target_semaphore(%run_scoped3A : memref<!tpu.dma_semaphore, #tpu.memory_space<semaphore_mem>>)
      %dma_wait3A_1358 = arith.constant 0 : i32
      %dma_wait3A_1359 = tpu.memref_slice %arg7[%add3A_15, %dma_wait3A_1358] : memref<10240x128xf32, #tpu.memory_space<vmem_shared>> -> memref<80x128xf32, #tpu.memory_space<vmem_shared>>
      %dma_wait3A_1360 = arith.constant 0 : i32
      %dma_wait3A_1361 = tpu.memref_slice %arg7[%add3A_15, %dma_wait3A_1360] : memref<10240x128xf32, #tpu.memory_space<vmem_shared>> -> memref<80x128xf32, #tpu.memory_space<vmem_shared>>
      tpu.wait_dma2 semaphore(%run_scoped3A : memref<!tpu.dma_semaphore, #tpu.memory_space<semaphore_mem>>) src(%arg8 : memref<80x128xf32, #tpu.memory_space<vmem>>) dst(%dma_wait3A_1361 : memref<80x128xf32, #tpu.memory_space<vmem_shared>>)
      tpu.yield
    }) : () -> ()
    %add3A_16 = arith.constant 320 : i32
    %add3A_17 = arith.addi %multiple_of3A, %add3A_16 : i32
    "tpu.region"() ({
      %run_scoped3A = tpu.sem_alloc : memref<!tpu.dma_semaphore, #tpu.memory_space<semaphore_mem>>
      %dma_start3A_1354 = arith.constant 0 : i32
      %dma_start3A_1355 = tpu.memref_slice %arg7[%add3A_17, %dma_start3A_1354] : memref<10240x128xf32, #tpu.memory_space<vmem_shared>> -> memref<80x128xf32, #tpu.memory_space<vmem_shared>>
      %dma_start3A_1356 = arith.constant 0 : i32
      %dma_start3A_1357 = tpu.memref_slice %arg7[%add3A_17, %dma_start3A_1356] : memref<10240x128xf32, #tpu.memory_space<vmem_shared>> -> memref<80x128xf32, #tpu.memory_space<vmem_shared>>
      tpu.enqueue_dma source(%arg8 : memref<80x128xf32, #tpu.memory_space<vmem>>) target(%dma_start3A_1357 : memref<80x128xf32, #tpu.memory_space<vmem_shared>>) target_semaphore(%run_scoped3A : memref<!tpu.dma_semaphore, #tpu.memory_space<semaphore_mem>>)
      %dma_wait3A_1358 = arith.constant 0 : i32
      %dma_wait3A_1359 = tpu.memref_slice %arg7[%add3A_17, %dma_wait3A_1358] : memref<10240x128xf32, #tpu.memory_space<vmem_shared>> -> memref<80x128xf32, #tpu.memory_space<vmem_shared>>
      %dma_wait3A_1360 = arith.constant 0 : i32
      %dma_wait3A_1361 = tpu.memref_slice %arg7[%add3A_17, %dma_wait3A_1360] : memref<10240x128xf32, #tpu.memory_space<vmem_shared>> -> memref<80x128xf32, #tpu.memory_space<vmem_shared>>
      tpu.wait_dma2 semaphore(%run_scoped3A : memref<!tpu.dma_semaphore, #tpu.memory_space<semaphore_mem>>) src(%arg8 : memref<80x128xf32, #tpu.memory_space<vmem>>) dst(%dma_wait3A_1361 : memref<80x128xf32, #tpu.memory_space<vmem_shared>>)
      tpu.yield
    }) : () -> ()
    %add3A_18 = arith.constant 400 : i32
    %add3A_19 = arith.addi %multiple_of3A, %add3A_18 : i32
    "tpu.region"() ({
      %run_scoped3A = tpu.sem_alloc : memref<!tpu.dma_semaphore, #tpu.memory_space<semaphore_mem>>
      %dma_start3A_1354 = arith.constant 0 : i32
      %dma_start3A_1355 = tpu.memref_slice %arg7[%add3A_19, %dma_start3A_1354] : memref<10240x128xf32, #tpu.memory_space<vmem_shared>> -> memref<80x128xf32, #tpu.memory_space<vmem_shared>>
      %dma_start3A_1356 = arith.constant 0 : i32
      %dma_start3A_1357 = tpu.memref_slice %arg7[%add3A_19, %dma_start3A_1356] : memref<10240x128xf32, #tpu.memory_space<vmem_shared>> -> memref<80x128xf32, #tpu.memory_space<vmem_shared>>
      tpu.enqueue_dma source(%arg8 : memref<80x128xf32, #tpu.memory_space<vmem>>) target(%dma_start3A_1357 : memref<80x128xf32, #tpu.memory_space<vmem_shared>>) target_semaphore(%run_scoped3A : memref<!tpu.dma_semaphore, #tpu.memory_space<semaphore_mem>>)
      %dma_wait3A_1358 = arith.constant 0 : i32
      %dma_wait3A_1359 = tpu.memref_slice %arg7[%add3A_19, %dma_wait3A_1358] : memref<10240x128xf32, #tpu.memory_space<vmem_shared>> -> memref<80x128xf32, #tpu.memory_space<vmem_shared>>
      %dma_wait3A_1360 = arith.constant 0 : i32
      %dma_wait3A_1361 = tpu.memref_slice %arg7[%add3A_19, %dma_wait3A_1360] : memref<10240x128xf32, #tpu.memory_space<vmem_shared>> -> memref<80x128xf32, #tpu.memory_space<vmem_shared>>
      tpu.wait_dma2 semaphore(%run_scoped3A : memref<!tpu.dma_semaphore, #tpu.memory_space<semaphore_mem>>) src(%arg8 : memref<80x128xf32, #tpu.memory_space<vmem>>) dst(%dma_wait3A_1361 : memref<80x128xf32, #tpu.memory_space<vmem_shared>>)
      tpu.yield
    }) : () -> ()
    %add3A_20 = arith.constant 480 : i32
    %add3A_21 = arith.addi %multiple_of3A, %add3A_20 : i32
    "tpu.region"() ({
      %run_scoped3A = tpu.sem_alloc : memref<!tpu.dma_semaphore, #tpu.memory_space<semaphore_mem>>
      %dma_start3A_1354 = arith.constant 0 : i32
      %dma_start3A_1355 = tpu.memref_slice %arg7[%add3A_21, %dma_start3A_1354] : memref<10240x128xf32, #tpu.memory_space<vmem_shared>> -> memref<80x128xf32, #tpu.memory_space<vmem_shared>>
      %dma_start3A_1356 = arith.constant 0 : i32
      %dma_start3A_1357 = tpu.memref_slice %arg7[%add3A_21, %dma_start3A_1356] : memref<10240x128xf32, #tpu.memory_space<vmem_shared>> -> memref<80x128xf32, #tpu.memory_space<vmem_shared>>
      tpu.enqueue_dma source(%arg8 : memref<80x128xf32, #tpu.memory_space<vmem>>) target(%dma_start3A_1357 : memref<80x128xf32, #tpu.memory_space<vmem_shared>>) target_semaphore(%run_scoped3A : memref<!tpu.dma_semaphore, #tpu.memory_space<semaphore_mem>>)
      %dma_wait3A_1358 = arith.constant 0 : i32
      %dma_wait3A_1359 = tpu.memref_slice %arg7[%add3A_21, %dma_wait3A_1358] : memref<10240x128xf32, #tpu.memory_space<vmem_shared>> -> memref<80x128xf32, #tpu.memory_space<vmem_shared>>
      %dma_wait3A_1360 = arith.constant 0 : i32
      %dma_wait3A_1361 = tpu.memref_slice %arg7[%add3A_21, %dma_wait3A_1360] : memref<10240x128xf32, #tpu.memory_space<vmem_shared>> -> memref<80x128xf32, #tpu.memory_space<vmem_shared>>
      tpu.wait_dma2 semaphore(%run_scoped3A : memref<!tpu.dma_semaphore, #tpu.memory_space<semaphore_mem>>) src(%arg8 : memref<80x128xf32, #tpu.memory_space<vmem>>) dst(%dma_wait3A_1361 : memref<80x128xf32, #tpu.memory_space<vmem_shared>>)
      tpu.yield
    }) : () -> ()
    %add3A_22 = arith.constant 560 : i32
    %add3A_23 = arith.addi %multiple_of3A, %add3A_22 : i32
    "tpu.region"() ({
      %run_scoped3A = tpu.sem_alloc : memref<!tpu.dma_semaphore, #tpu.memory_space<semaphore_mem>>
      %dma_start3A_1354 = arith.constant 0 : i32
      %dma_start3A_1355 = tpu.memref_slice %arg7[%add3A_23, %dma_start3A_1354] : memref<10240x128xf32, #tpu.memory_space<vmem_shared>> -> memref<80x128xf32, #tpu.memory_space<vmem_shared>>
      %dma_start3A_1356 = arith.constant 0 : i32
      %dma_start3A_1357 = tpu.memref_slice %arg7[%add3A_23, %dma_start3A_1356] : memref<10240x128xf32, #tpu.memory_space<vmem_shared>> -> memref<80x128xf32, #tpu.memory_space<vmem_shared>>
      tpu.enqueue_dma source(%arg8 : memref<80x128xf32, #tpu.memory_space<vmem>>) target(%dma_start3A_1357 : memref<80x128xf32, #tpu.memory_space<vmem_shared>>) target_semaphore(%run_scoped3A : memref<!tpu.dma_semaphore, #tpu.memory_space<semaphore_mem>>)
      %dma_wait3A_1358 = arith.constant 0 : i32
      %dma_wait3A_1359 = tpu.memref_slice %arg7[%add3A_23, %dma_wait3A_1358] : memref<10240x128xf32, #tpu.memory_space<vmem_shared>> -> memref<80x128xf32, #tpu.memory_space<vmem_shared>>
      %dma_wait3A_1360 = arith.constant 0 : i32
      %dma_wait3A_1361 = tpu.memref_slice %arg7[%add3A_23, %dma_wait3A_1360] : memref<10240x128xf32, #tpu.memory_space<vmem_shared>> -> memref<80x128xf32, #tpu.memory_space<vmem_shared>>
      tpu.wait_dma2 semaphore(%run_scoped3A : memref<!tpu.dma_semaphore, #tpu.memory_space<semaphore_mem>>) src(%arg8 : memref<80x128xf32, #tpu.memory_space<vmem>>) dst(%dma_wait3A_1361 : memref<80x128xf32, #tpu.memory_space<vmem_shared>>)
      tpu.yield
    }) : () -> ()
    %broadcast_in_dim3A = arith.constant 0.000000e+00 : f32
    %broadcast_in_dim3A_24 = vector.broadcast %broadcast_in_dim3A : f32 to vector<16xf32>
    %swap3A = arith.constant 0 : index
    %swap3A_25 = tpu.vector_load %arg17[%swap3A] {strides = array<i32>} : memref<10240xf32, #tpu.memory_space<vmem>>, vector<16xf32>,
    tpu.vector_store %arg17[%swap3A], %broadcast_in_dim3A_24 {strides = array<i32>} : memref<10240xf32, #tpu.memory_space<vmem>>, vector<16xf32>,
    %swap3A_26 = arith.constant 16 : index
    %swap3A_27 = tpu.vector_load %arg17[%swap3A_26] {strides = array<i32>} : memref<10240xf32, #tpu.memory_space<vmem>>, vector<16xf32>,
    tpu.vector_store %arg17[%swap3A_26], %broadcast_in_dim3A_24 {strides = array<i32>} : memref<10240xf32, #tpu.memory_space<vmem>>, vector<16xf32>,
    %swap3A_28 = arith.constant 32 : index
    %swap3A_29 = tpu.vector_load %arg17[%swap3A_28] {strides = array<i32>} : memref<10240xf32, #tpu.memory_space<vmem>>, vector<16xf32>,
    tpu.vector_store %arg17[%swap3A_28], %broadcast_in_dim3A_24 {strides = array<i32>} : memref<10240xf32, #tpu.memory_space<vmem>>, vector<16xf32>,
    %swap3A_30 = arith.constant 48 : index
    %swap3A_31 = tpu.vector_load %arg17[%swap3A_30] {strides = array<i32>} : memref<10240xf32, #tpu.memory_space<vmem>>, vector<16xf32>,
    tpu.vector_store %arg17[%swap3A_30], %broadcast_in_dim3A_24 {strides = array<i32>} : memref<10240xf32, #tpu.memory_space<vmem>>, vector<16xf32>,
    %swap3A_32 = arith.constant 64 : index
    %swap3A_33 = tpu.vector_load %arg17[%swap3A_32] {strides = array<i32>} : memref<10240xf32, #tpu.memory_space<vmem>>, vector<16xf32>,
    tpu.vector_store %arg17[%swap3A_32], %broadcast_in_dim3A_24 {strides = array<i32>} : memref<10240xf32, #tpu.memory_space<vmem>>, vector<16xf32>,
    %swap3A_34 = arith.constant 80 : index
    %swap3A_35 = tpu.vector_load %arg17[%swap3A_34] {strides = array<i32>} : memref<10240xf32, #tpu.memory_space<vmem>>, vector<16xf32>,
    tpu.vector_store %arg17[%swap3A_34], %broadcast_in_dim3A_24 {strides = array<i32>} : memref<10240xf32, #tpu.memory_space<vmem>>, vector<16xf32>,
    %swap3A_36 = arith.constant 96 : index
    %swap3A_37 = tpu.vector_load %arg17[%swap3A_36] {strides = array<i32>} : memref<10240xf32, #tpu.memory_space<vmem>>, vector<16xf32>,
    tpu.vector_store %arg17[%swap3A_36], %broadcast_in_dim3A_24 {strides = array<i32>} : memref<10240xf32, #tpu.memory_space<vmem>>, vector<16xf32>,
    %swap3A_38 = arith.constant 112 : index
    %swap3A_39 = tpu.vector_load %arg17[%swap3A_38] {strides = array<i32>} : memref<10240xf32, #tpu.memory_space<vmem>>, vector<16xf32>,
    tpu.vector_store %arg17[%swap3A_38], %broadcast_in_dim3A_24 {strides = array<i32>} : memref<10240xf32, #tpu.memory_space<vmem>>, vector<16xf32>,
    %swap3A_40 = arith.constant 128 : index
    %swap3A_41 = tpu.vector_load %arg17[%swap3A_40] {strides = array<i32>} : memref<10240xf32, #tpu.memory_space<vmem>>, vector<16xf32>,
    tpu.vector_store %arg17[%swap3A_40], %broadcast_in_dim3A_24 {strides = array<i32>} : memref<10240xf32, #tpu.memory_space<vmem>>, vector<16xf32>,
    %swap3A_42 = arith.constant 144 : index
    %swap3A_43 = tpu.vector_load %arg17[%swap3A_42] {strides = array<i32>} : memref<10240xf32, #tpu.memory_space<vmem>>, vector<16xf32>,
    tpu.vector_store %arg17[%swap3A_42], %broadcast_in_dim3A_24 {strides = array<i32>} : memref<10240xf32, #tpu.memory_space<vmem>>, vector<16xf32>,
    %swap3A_44 = arith.constant 160 : index
    %swap3A_45 = tpu.vector_load %arg17[%swap3A_44] {strides = array<i32>} : memref<10240xf32, #tpu.memory_space<vmem>>, vector<16xf32>,
    tpu.vector_store %arg17[%swap3A_44], %broadcast_in_dim3A_24 {strides = array<i32>} : memref<10240xf32, #tpu.memory_space<vmem>>, vector<16xf32>,
    %swap3A_46 = arith.constant 176 : index
    %swap3A_47 = tpu.vector_load %arg17[%swap3A_46] {strides = array<i32>} : memref<10240xf32, #tpu.memory_space<vmem>>, vector<16xf32>,
    tpu.vector_store %arg17[%swap3A_46], %broadcast_in_dim3A_24 {strides = array<i32>} : memref<10240xf32, #tpu.memory_space<vmem>>, vector<16xf32>,
    %swap3A_48 = arith.constant 192 : index
    %swap3A_49 = tpu.vector_load %arg17[%swap3A_48] {strides = array<i32>} : memref<10240xf32, #tpu.memory_space<vmem>>, vector<16xf32>,
    tpu.vector_store %arg17[%swap3A_48], %broadcast_in_dim3A_24 {strides = array<i32>} : memref<10240xf32, #tpu.memory_space<vmem>>, vector<16xf32>,
    %swap3A_50 = arith.constant 208 : index
    %swap3A_51 = tpu.vector_load %arg17[%swap3A_50] {strides = array<i32>} : memref<10240xf32, #tpu.memory_space<vmem>>, vector<16xf32>,
    tpu.vector_store %arg17[%swap3A_50], %broadcast_in_dim3A_24 {strides = array<i32>} : memref<10240xf32, #tpu.memory_space<vmem>>, vector<16xf32>,
    %swap3A_52 = arith.constant 224 : index
    %swap3A_53 = tpu.vector_load %arg17[%swap3A_52] {strides = array<i32>} : memref<10240xf32, #tpu.memory_space<vmem>>, vector<16xf32>,
    tpu.vector_store %arg17[%swap3A_52], %broadcast_in_dim3A_24 {strides = array<i32>} : memref<10240xf32, #tpu.memory_space<vmem>>, vector<16xf32>,
    %swap3A_54 = arith.constant 240 : index
    %swap3A_55 = tpu.vector_load %arg17[%swap3A_54] {strides = array<i32>} : memref<10240xf32, #tpu.memory_space<vmem>>, vector<16xf32>,
    tpu.vector_store %arg17[%swap3A_54], %broadcast_in_dim3A_24 {strides = array<i32>} : memref<10240xf32, #tpu.memory_space<vmem>>, vector<16xf32>,
    %swap3A_56 = arith.constant 256 : index
    %swap3A_57 = tpu.vector_load %arg17[%swap3A_56] {strides = array<i32>} : memref<10240xf32, #tpu.memory_space<vmem>>, vector<16xf32>,
    tpu.vector_store %arg17[%swap3A_56], %broadcast_in_dim3A_24 {strides = array<i32>} : memref<10240xf32, #tpu.memory_space<vmem>>, vector<16xf32>,
    %swap3A_58 = arith.constant 272 : index
    %swap3A_59 = tpu.vector_load %arg17[%swap3A_58] {strides = array<i32>} : memref<10240xf32, #tpu.memory_space<vmem>>, vector<16xf32>,
    tpu.vector_store %arg17[%swap3A_58], %broadcast_in_dim3A_24 {strides = array<i32>} : memref<10240xf32, #tpu.memory_space<vmem>>, vector<16xf32>,
    %swap3A_60 = arith.constant 288 : index
    %swap3A_61 = tpu.vector_load %arg17[%swap3A_60] {strides = array<i32>} : memref<10240xf32, #tpu.memory_space<vmem>>, vector<16xf32>,
    tpu.vector_store %arg17[%swap3A_60], %broadcast_in_dim3A_24 {strides = array<i32>} : memref<10240xf32, #tpu.memory_space<vmem>>, vector<16xf32>,
    %swap3A_62 = arith.constant 304 : index
    %swap3A_63 = tpu.vector_load %arg17[%swap3A_62] {strides = array<i32>} : memref<10240xf32, #tpu.memory_space<vmem>>, vector<16xf32>,
    tpu.vector_store %arg17[%swap3A_62], %broadcast_in_dim3A_24 {strides = array<i32>} : memref<10240xf32, #tpu.memory_space<vmem>>, vector<16xf32>,
    %swap3A_64 = arith.constant 320 : index
    %swap3A_65 = tpu.vector_load %arg17[%swap3A_64] {strides = array<i32>} : memref<10240xf32, #tpu.memory_space<vmem>>, vector<16xf32>,
    tpu.vector_store %arg17[%swap3A_64], %broadcast_in_dim3A_24 {strides = array<i32>} : memref<10240xf32, #tpu.memory_space<vmem>>, vector<16xf32>,
    %swap3A_66 = arith.constant 336 : index
    %swap3A_67 = tpu.vector_load %arg17[%swap3A_66] {strides = array<i32>} : memref<10240xf32, #tpu.memory_space<vmem>>, vector<16xf32>,
    tpu.vector_store %arg17[%swap3A_66], %broadcast_in_dim3A_24 {strides = array<i32>} : memref<10240xf32, #tpu.memory_space<vmem>>, vector<16xf32>,
    %swap3A_68 = arith.constant 352 : index
    %swap3A_69 = tpu.vector_load %arg17[%swap3A_68] {strides = array<i32>} : memref<10240xf32, #tpu.memory_space<vmem>>, vector<16xf32>,
    tpu.vector_store %arg17[%swap3A_68], %broadcast_in_dim3A_24 {strides = array<i32>} : memref<10240xf32, #tpu.memory_space<vmem>>, vector<16xf32>,
    %swap3A_70 = arith.constant 368 : index
    %swap3A_71 = tpu.vector_load %arg17[%swap3A_70] {strides = array<i32>} : memref<10240xf32, #tpu.memory_space<vmem>>, vector<16xf32>,
    tpu.vector_store %arg17[%swap3A_70], %broadcast_in_dim3A_24 {strides = array<i32>} : memref<10240xf32, #tpu.memory_space<vmem>>, vector<16xf32>,
    %swap3A_72 = arith.constant 384 : index
    %swap3A_73 = tpu.vector_load %arg17[%swap3A_72] {strides = array<i32>} : memref<10240xf32, #tpu.memory_space<vmem>>, vector<16xf32>,
    tpu.vector_store %arg17[%swap3A_72], %broadcast_in_dim3A_24 {strides = array<i32>} : memref<10240xf32, #tpu.memory_space<vmem>>, vector<16xf32>,
    %swap3A_74 = arith.constant 400 : index
    %swap3A_75 = tpu.vector_load %arg17[%swap3A_74] {strides = array<i32>} : memref<10240xf32, #tpu.memory_space<vmem>>, vector<16xf32>,
    tpu.vector_store %arg17[%swap3A_74], %broadcast_in_dim3A_24 {strides = array<i32>} : memref<10240xf32, #tpu.memory_space<vmem>>, vector<16xf32>,
    %swap3A_76 = arith.constant 416 : index
    %swap3A_77 = tpu.vector_load %arg17[%swap3A_76] {strides = array<i32>} : memref<10240xf32, #tpu.memory_space<vmem>>, vector<16xf32>,
    tpu.vector_store %arg17[%swap3A_76], %broadcast_in_dim3A_24 {strides = array<i32>} : memref<10240xf32, #tpu.memory_space<vmem>>, vector<16xf32>,
    %swap3A_78 = arith.constant 432 : index
    %swap3A_79 = tpu.vector_load %arg17[%swap3A_78] {strides = array<i32>} : memref<10240xf32, #tpu.memory_space<vmem>>, vector<16xf32>,
    tpu.vector_store %arg17[%swap3A_78], %broadcast_in_dim3A_24 {strides = array<i32>} : memref<10240xf32, #tpu.memory_space<vmem>>, vector<16xf32>,
    %swap3A_80 = arith.constant 448 : index
    %swap3A_81 = tpu.vector_load %arg17[%swap3A_80] {strides = array<i32>} : memref<10240xf32, #tpu.memory_space<vmem>>, vector<16xf32>,
    tpu.vector_store %arg17[%swap3A_80], %broadcast_in_dim3A_24 {strides = array<i32>} : memref<10240xf32, #tpu.memory_space<vmem>>, vector<16xf32>,
    %swap3A_82 = arith.constant 464 : index
    %swap3A_83 = tpu.vector_load %arg17[%swap3A_82] {strides = array<i32>} : memref<10240xf32, #tpu.memory_space<vmem>>, vector<16xf32>,
    tpu.vector_store %arg17[%swap3A_82], %broadcast_in_dim3A_24 {strides = array<i32>} : memref<10240xf32, #tpu.memory_space<vmem>>, vector<16xf32>,
    %swap3A_84 = arith.constant 480 : index
    %swap3A_85 = tpu.vector_load %arg17[%swap3A_84] {strides = array<i32>} : memref<10240xf32, #tpu.memory_space<vmem>>, vector<16xf32>,
    tpu.vector_store %arg17[%swap3A_84], %broadcast_in_dim3A_24 {strides = array<i32>} : memref<10240xf32, #tpu.memory_space<vmem>>, vector<16xf32>,
    %swap3A_86 = arith.constant 496 : index
    %swap3A_87 = tpu.vector_load %arg17[%swap3A_86] {strides = array<i32>} : memref<10240xf32, #tpu.memory_space<vmem>>, vector<16xf32>,
    tpu.vector_store %arg17[%swap3A_86], %broadcast_in_dim3A_24 {strides = array<i32>} : memref<10240xf32, #tpu.memory_space<vmem>>, vector<16xf32>,
    %swap3A_88 = arith.constant 512 : index
    %swap3A_89 = tpu.vector_load %arg17[%swap3A_88] {strides = array<i32>} : memref<10240xf32, #tpu.memory_space<vmem>>, vector<16xf32>,
    tpu.vector_store %arg17[%swap3A_88], %broadcast_in_dim3A_24 {strides = array<i32>} : memref<10240xf32, #tpu.memory_space<vmem>>, vector<16xf32>,
    %swap3A_90 = arith.constant 528 : index
    %swap3A_91 = tpu.vector_load %arg17[%swap3A_90] {strides = array<i32>} : memref<10240xf32, #tpu.memory_space<vmem>>, vector<16xf32>,
    tpu.vector_store %arg17[%swap3A_90], %broadcast_in_dim3A_24 {strides = array<i32>} : memref<10240xf32, #tpu.memory_space<vmem>>, vector<16xf32>,
    %swap3A_92 = arith.constant 544 : index
    %swap3A_93 = tpu.vector_load %arg17[%swap3A_92] {strides = array<i32>} : memref<10240xf32, #tpu.memory_space<vmem>>, vector<16xf32>,
    tpu.vector_store %arg17[%swap3A_92], %broadcast_in_dim3A_24 {strides = array<i32>} : memref<10240xf32, #tpu.memory_space<vmem>>, vector<16xf32>,
    %swap3A_94 = arith.constant 560 : index
    %swap3A_95 = tpu.vector_load %arg17[%swap3A_94] {strides = array<i32>} : memref<10240xf32, #tpu.memory_space<vmem>>, vector<16xf32>,
    tpu.vector_store %arg17[%swap3A_94], %broadcast_in_dim3A_24 {strides = array<i32>} : memref<10240xf32, #tpu.memory_space<vmem>>, vector<16xf32>,
    %swap3A_96 = arith.constant 576 : index
    %swap3A_97 = tpu.vector_load %arg17[%swap3A_96] {strides = array<i32>} : memref<10240xf32, #tpu.memory_space<vmem>>, vector<16xf32>,
    tpu.vector_store %arg17[%swap3A_96], %broadcast_in_dim3A_24 {strides = array<i32>} : memref<10240xf32, #tpu.memory_space<vmem>>, vector<16xf32>,
    %swap3A_98 = arith.constant 592 : index
    %swap3A_99 = tpu.vector_load %arg17[%swap3A_98] {strides = array<i32>} : memref<10240xf32, #tpu.memory_space<vmem>>, vector<16xf32>,
    tpu.vector_store %arg17[%swap3A_98], %broadcast_in_dim3A_24 {strides = array<i32>} : memref<10240xf32, #tpu.memory_space<vmem>>, vector<16xf32>,
    %swap3A_100 = arith.constant 608 : index
    %swap3A_101 = tpu.vector_load %arg17[%swap3A_100] {strides = array<i32>} : memref<10240xf32, #tpu.memory_space<vmem>>, vector<16xf32>,
    tpu.vector_store %arg17[%swap3A_100], %broadcast_in_dim3A_24 {strides = array<i32>} : memref<10240xf32, #tpu.memory_space<vmem>>, vector<16xf32>,
    %swap3A_102 = arith.constant 624 : index
    %swap3A_103 = tpu.vector_load %arg17[%swap3A_102] {strides = array<i32>} : memref<10240xf32, #tpu.memory_space<vmem>>, vector<16xf32>,
    tpu.vector_store %arg17[%swap3A_102], %broadcast_in_dim3A_24 {strides = array<i32>} : memref<10240xf32, #tpu.memory_space<vmem>>, vector<16xf32>,
    %swap3A_104 = arith.constant 640 : index
    %swap3A_105 = tpu.vector_load %arg17[%swap3A_104] {strides = array<i32>} : memref<10240xf32, #tpu.memory_space<vmem>>, vector<16xf32>,
    tpu.vector_store %arg17[%swap3A_104], %broadcast_in_dim3A_24 {strides = array<i32>} : memref<10240xf32, #tpu.memory_space<vmem>>, vector<16xf32>,
    %swap3A_106 = arith.constant 656 : index
    %swap3A_107 = tpu.vector_load %arg17[%swap3A_106] {strides = array<i32>} : memref<10240xf32, #tpu.memory_space<vmem>>, vector<16xf32>,
    tpu.vector_store %arg17[%swap3A_106], %broadcast_in_dim3A_24 {strides = array<i32>} : memref<10240xf32, #tpu.memory_space<vmem>>, vector<16xf32>,
    %swap3A_108 = arith.constant 672 : index
    %swap3A_109 = tpu.vector_load %arg17[%swap3A_108] {strides = array<i32>} : memref<10240xf32, #tpu.memory_space<vmem>>, vector<16xf32>,
    tpu.vector_store %arg17[%swap3A_108], %broadcast_in_dim3A_24 {strides = array<i32>} : memref<10240xf32, #tpu.memory_space<vmem>>, vector<16xf32>,
    %swap3A_110 = arith.constant 688 : index
    %swap3A_111 = tpu.vector_load %arg17[%swap3A_110] {strides = array<i32>} : memref<10240xf32, #tpu.memory_space<vmem>>, vector<16xf32>,
    tpu.vector_store %arg17[%swap3A_110], %broadcast_in_dim3A_24 {strides = array<i32>} : memref<10240xf32, #tpu.memory_space<vmem>>, vector<16xf32>,
    %swap3A_112 = arith.constant 704 : index
    %swap3A_113 = tpu.vector_load %arg17[%swap3A_112] {strides = array<i32>} : memref<10240xf32, #tpu.memory_space<vmem>>, vector<16xf32>,
    tpu.vector_store %arg17[%swap3A_112], %broadcast_in_dim3A_24 {strides = array<i32>} : memref<10240xf32, #tpu.memory_space<vmem>>, vector<16xf32>,
    %swap3A_114 = arith.constant 720 : index
    %swap3A_115 = tpu.vector_load %arg17[%swap3A_114] {strides = array<i32>} : memref<10240xf32, #tpu.memory_space<vmem>>, vector<16xf32>,
    tpu.vector_store %arg17[%swap3A_114], %broadcast_in_dim3A_24 {strides = array<i32>} : memref<10240xf32, #tpu.memory_space<vmem>>, vector<16xf32>,
    %swap3A_116 = arith.constant 736 : index
    %swap3A_117 = tpu.vector_load %arg17[%swap3A_116] {strides = array<i32>} : memref<10240xf32, #tpu.memory_space<vmem>>, vector<16xf32>,
    tpu.vector_store %arg17[%swap3A_116], %broadcast_in_dim3A_24 {strides = array<i32>} : memref<10240xf32, #tpu.memory_space<vmem>>, vector<16xf32>,
    %swap3A_118 = arith.constant 752 : index
    %swap3A_119 = tpu.vector_load %arg17[%swap3A_118] {strides = array<i32>} : memref<10240xf32, #tpu.memory_space<vmem>>, vector<16xf32>,
    tpu.vector_store %arg17[%swap3A_118], %broadcast_in_dim3A_24 {strides = array<i32>} : memref<10240xf32, #tpu.memory_space<vmem>>, vector<16xf32>,
    %swap3A_120 = arith.constant 768 : index
    %swap3A_121 = tpu.vector_load %arg17[%swap3A_120] {strides = array<i32>} : memref<10240xf32, #tpu.memory_space<vmem>>, vector<16xf32>,
    tpu.vector_store %arg17[%swap3A_120], %broadcast_in_dim3A_24 {strides = array<i32>} : memref<10240xf32, #tpu.memory_space<vmem>>, vector<16xf32>,
    %swap3A_122 = arith.constant 784 : index
    %swap3A_123 = tpu.vector_load %arg17[%swap3A_122] {strides = array<i32>} : memref<10240xf32, #tpu.memory_space<vmem>>, vector<16xf32>,
    tpu.vector_store %arg17[%swap3A_122], %broadcast_in_dim3A_24 {strides = array<i32>} : memref<10240xf32, #tpu.memory_space<vmem>>, vector<16xf32>,
    %swap3A_124 = arith.constant 800 : index
    %swap3A_125 = tpu.vector_load %arg17[%swap3A_124] {strides = array<i32>} : memref<10240xf32, #tpu.memory_space<vmem>>, vector<16xf32>,
    tpu.vector_store %arg17[%swap3A_124], %broadcast_in_dim3A_24 {strides = array<i32>} : memref<10240xf32, #tpu.memory_space<vmem>>, vector<16xf32>,
    %swap3A_126 = arith.constant 816 : index
    %swap3A_127 = tpu.vector_load %arg17[%swap3A_126] {strides = array<i32>} : memref<10240xf32, #tpu.memory_space<vmem>>, vector<16xf32>,
    tpu.vector_store %arg17[%swap3A_126], %broadcast_in_dim3A_24 {strides = array<i32>} : memref<10240xf32, #tpu.memory_space<vmem>>, vector<16xf32>,
    %swap3A_128 = arith.constant 832 : index
    %swap3A_129 = tpu.vector_load %arg17[%swap3A_128] {strides = array<i32>} : memref<10240xf32, #tpu.memory_space<vmem>>, vector<16xf32>,
    tpu.vector_store %arg17[%swap3A_128], %broadcast_in_dim3A_24 {strides = array<i32>} : memref<10240xf32, #tpu.memory_space<vmem>>, vector<16xf32>,
    %swap3A_130 = arith.constant 848 : index
    %swap3A_131 = tpu.vector_load %arg17[%swap3A_130] {strides = array<i32>} : memref<10240xf32, #tpu.memory_space<vmem>>, vector<16xf32>,
    tpu.vector_store %arg17[%swap3A_130], %broadcast_in_dim3A_24 {strides = array<i32>} : memref<10240xf32, #tpu.memory_space<vmem>>, vector<16xf32>,
    %swap3A_132 = arith.constant 864 : index
    %swap3A_133 = tpu.vector_load %arg17[%swap3A_132] {strides = array<i32>} : memref<10240xf32, #tpu.memory_space<vmem>>, vector<16xf32>,
    tpu.vector_store %arg17[%swap3A_132], %broadcast_in_dim3A_24 {strides = array<i32>} : memref<10240xf32, #tpu.memory_space<vmem>>, vector<16xf32>,
    %swap3A_134 = arith.constant 880 : index
    %swap3A_135 = tpu.vector_load %arg17[%swap3A_134] {strides = array<i32>} : memref<10240xf32, #tpu.memory_space<vmem>>, vector<16xf32>,
    tpu.vector_store %arg17[%swap3A_134], %broadcast_in_dim3A_24 {strides = array<i32>} : memref<10240xf32, #tpu.memory_space<vmem>>, vector<16xf32>,
    %swap3A_136 = arith.constant 896 : index
    %swap3A_137 = tpu.vector_load %arg17[%swap3A_136] {strides = array<i32>} : memref<10240xf32, #tpu.memory_space<vmem>>, vector<16xf32>,
    tpu.vector_store %arg17[%swap3A_136], %broadcast_in_dim3A_24 {strides = array<i32>} : memref<10240xf32, #tpu.memory_space<vmem>>, vector<16xf32>,
    %swap3A_138 = arith.constant 912 : index
    %swap3A_139 = tpu.vector_load %arg17[%swap3A_138] {strides = array<i32>} : memref<10240xf32, #tpu.memory_space<vmem>>, vector<16xf32>,
    tpu.vector_store %arg17[%swap3A_138], %broadcast_in_dim3A_24 {strides = array<i32>} : memref<10240xf32, #tpu.memory_space<vmem>>, vector<16xf32>,
    %swap3A_140 = arith.constant 928 : index
    %swap3A_141 = tpu.vector_load %arg17[%swap3A_140] {strides = array<i32>} : memref<10240xf32, #tpu.memory_space<vmem>>, vector<16xf32>,
    tpu.vector_store %arg17[%swap3A_140], %broadcast_in_dim3A_24 {strides = array<i32>} : memref<10240xf32, #tpu.memory_space<vmem>>, vector<16xf32>,
    %swap3A_142 = arith.constant 944 : index
    %swap3A_143 = tpu.vector_load %arg17[%swap3A_142] {strides = array<i32>} : memref<10240xf32, #tpu.memory_space<vmem>>, vector<16xf32>,
    tpu.vector_store %arg17[%swap3A_142], %broadcast_in_dim3A_24 {strides = array<i32>} : memref<10240xf32, #tpu.memory_space<vmem>>, vector<16xf32>,
    %swap3A_144 = arith.constant 960 : index
    %swap3A_145 = tpu.vector_load %arg17[%swap3A_144] {strides = array<i32>} : memref<10240xf32, #tpu.memory_space<vmem>>, vector<16xf32>,
    tpu.vector_store %arg17[%swap3A_144], %broadcast_in_dim3A_24 {strides = array<i32>} : memref<10240xf32, #tpu.memory_space<vmem>>, vector<16xf32>,
    %swap3A_146 = arith.constant 976 : index
    %swap3A_147 = tpu.vector_load %arg17[%swap3A_146] {strides = array<i32>} : memref<10240xf32, #tpu.memory_space<vmem>>, vector<16xf32>,
    tpu.vector_store %arg17[%swap3A_146], %broadcast_in_dim3A_24 {strides = array<i32>} : memref<10240xf32, #tpu.memory_space<vmem>>, vector<16xf32>,
    %swap3A_148 = arith.constant 992 : index
    %swap3A_149 = tpu.vector_load %arg17[%swap3A_148] {strides = array<i32>} : memref<10240xf32, #tpu.memory_space<vmem>>, vector<16xf32>,
    tpu.vector_store %arg17[%swap3A_148], %broadcast_in_dim3A_24 {strides = array<i32>} : memref<10240xf32, #tpu.memory_space<vmem>>, vector<16xf32>,
    %swap3A_150 = arith.constant 1008 : index
    %swap3A_151 = tpu.vector_load %arg17[%swap3A_150] {strides = array<i32>} : memref<10240xf32, #tpu.memory_space<vmem>>, vector<16xf32>,
    tpu.vector_store %arg17[%swap3A_150], %broadcast_in_dim3A_24 {strides = array<i32>} : memref<10240xf32, #tpu.memory_space<vmem>>, vector<16xf32>,
    %swap3A_152 = arith.constant 1024 : index
    %swap3A_153 = tpu.vector_load %arg17[%swap3A_152] {strides = array<i32>} : memref<10240xf32, #tpu.memory_space<vmem>>, vector<16xf32>,
    tpu.vector_store %arg17[%swap3A_152], %broadcast_in_dim3A_24 {strides = array<i32>} : memref<10240xf32, #tpu.memory_space<vmem>>, vector<16xf32>,
    %swap3A_154 = arith.constant 1040 : index
    %swap3A_155 = tpu.vector_load %arg17[%swap3A_154] {strides = array<i32>} : memref<10240xf32, #tpu.memory_space<vmem>>, vector<16xf32>,
    tpu.vector_store %arg17[%swap3A_154], %broadcast_in_dim3A_24 {strides = array<i32>} : memref<10240xf32, #tpu.memory_space<vmem>>, vector<16xf32>,
    %swap3A_156 = arith.constant 1056 : index
    %swap3A_157 = tpu.vector_load %arg17[%swap3A_156] {strides = array<i32>} : memref<10240xf32, #tpu.memory_space<vmem>>, vector<16xf32>,
    tpu.vector_store %arg17[%swap3A_156], %broadcast_in_dim3A_24 {strides = array<i32>} : memref<10240xf32, #tpu.memory_space<vmem>>, vector<16xf32>,
    %swap3A_158 = arith.constant 1072 : index
    %swap3A_159 = tpu.vector_load %arg17[%swap3A_158] {strides = array<i32>} : memref<10240xf32, #tpu.memory_space<vmem>>, vector<16xf32>,
    tpu.vector_store %arg17[%swap3A_158], %broadcast_in_dim3A_24 {strides = array<i32>} : memref<10240xf32, #tpu.memory_space<vmem>>, vector<16xf32>,
    %swap3A_160 = arith.constant 1088 : index
    %swap3A_161 = tpu.vector_load %arg17[%swap3A_160] {strides = array<i32>} : memref<10240xf32, #tpu.memory_space<vmem>>, vector<16xf32>,
    tpu.vector_store %arg17[%swap3A_160], %broadcast_in_dim3A_24 {strides = array<i32>} : memref<10240xf32, #tpu.memory_space<vmem>>, vector<16xf32>,
    %swap3A_162 = arith.constant 1104 : index
    %swap3A_163 = tpu.vector_load %arg17[%swap3A_162] {strides = array<i32>} : memref<10240xf32, #tpu.memory_space<vmem>>, vector<16xf32>,
    tpu.vector_store %arg17[%swap3A_162], %broadcast_in_dim3A_24 {strides = array<i32>} : memref<10240xf32, #tpu.memory_space<vmem>>, vector<16xf32>,
    %swap3A_164 = arith.constant 1120 : index
    %swap3A_165 = tpu.vector_load %arg17[%swap3A_164] {strides = array<i32>} : memref<10240xf32, #tpu.memory_space<vmem>>, vector<16xf32>,
    tpu.vector_store %arg17[%swap3A_164], %broadcast_in_dim3A_24 {strides = array<i32>} : memref<10240xf32, #tpu.memory_space<vmem>>, vector<16xf32>,
    %swap3A_166 = arith.constant 1136 : index
    %swap3A_167 = tpu.vector_load %arg17[%swap3A_166] {strides = array<i32>} : memref<10240xf32, #tpu.memory_space<vmem>>, vector<16xf32>,
    tpu.vector_store %arg17[%swap3A_166], %broadcast_in_dim3A_24 {strides = array<i32>} : memref<10240xf32, #tpu.memory_space<vmem>>, vector<16xf32>,
    %swap3A_168 = arith.constant 1152 : index
    %swap3A_169 = tpu.vector_load %arg17[%swap3A_168] {strides = array<i32>} : memref<10240xf32, #tpu.memory_space<vmem>>, vector<16xf32>,
    tpu.vector_store %arg17[%swap3A_168], %broadcast_in_dim3A_24 {strides = array<i32>} : memref<10240xf32, #tpu.memory_space<vmem>>, vector<16xf32>,
    %swap3A_170 = arith.constant 1168 : index
    %swap3A_171 = tpu.vector_load %arg17[%swap3A_170] {strides = array<i32>} : memref<10240xf32, #tpu.memory_space<vmem>>, vector<16xf32>,
    tpu.vector_store %arg17[%swap3A_170], %broadcast_in_dim3A_24 {strides = array<i32>} : memref<10240xf32, #tpu.memory_space<vmem>>, vector<16xf32>,
    %swap3A_172 = arith.constant 1184 : index
    %swap3A_173 = tpu.vector_load %arg17[%swap3A_172] {strides = array<i32>} : memref<10240xf32, #tpu.memory_space<vmem>>, vector<16xf32>,
    tpu.vector_store %arg17[%swap3A_172], %broadcast_in_dim3A_24 {strides = array<i32>} : memref<10240xf32, #tpu.memory_space<vmem>>, vector<16xf32>,
    %swap3A_174 = arith.constant 1200 : index
    %swap3A_175 = tpu.vector_load %arg17[%swap3A_174] {strides = array<i32>} : memref<10240xf32, #tpu.memory_space<vmem>>, vector<16xf32>,
    tpu.vector_store %arg17[%swap3A_174], %broadcast_in_dim3A_24 {strides = array<i32>} : memref<10240xf32, #tpu.memory_space<vmem>>, vector<16xf32>,
    %swap3A_176 = arith.constant 1216 : index
    %swap3A_177 = tpu.vector_load %arg17[%swap3A_176] {strides = array<i32>} : memref<10240xf32, #tpu.memory_space<vmem>>, vector<16xf32>,
    tpu.vector_store %arg17[%swap3A_176], %broadcast_in_dim3A_24 {strides = array<i32>} : memref<10240xf32, #tpu.memory_space<vmem>>, vector<16xf32>,
    %swap3A_178 = arith.constant 1232 : index
    %swap3A_179 = tpu.vector_load %arg17[%swap3A_178] {strides = array<i32>} : memref<10240xf32, #tpu.memory_space<vmem>>, vector<16xf32>,
    tpu.vector_store %arg17[%swap3A_178], %broadcast_in_dim3A_24 {strides = array<i32>} : memref<10240xf32, #tpu.memory_space<vmem>>, vector<16xf32>,
    %swap3A_180 = arith.constant 1248 : index
    %swap3A_181 = tpu.vector_load %arg17[%swap3A_180] {strides = array<i32>} : memref<10240xf32, #tpu.memory_space<vmem>>, vector<16xf32>,
    tpu.vector_store %arg17[%swap3A_180], %broadcast_in_dim3A_24 {strides = array<i32>} : memref<10240xf32, #tpu.memory_space<vmem>>, vector<16xf32>,
    %swap3A_182 = arith.constant 1264 : index
    %swap3A_183 = tpu.vector_load %arg17[%swap3A_182] {strides = array<i32>} : memref<10240xf32, #tpu.memory_space<vmem>>, vector<16xf32>,
    tpu.vector_store %arg17[%swap3A_182], %broadcast_in_dim3A_24 {strides = array<i32>} : memref<10240xf32, #tpu.memory_space<vmem>>, vector<16xf32>,
    %swap3A_184 = arith.constant 1280 : index
    %swap3A_185 = tpu.vector_load %arg17[%swap3A_184] {strides = array<i32>} : memref<10240xf32, #tpu.memory_space<vmem>>, vector<16xf32>,
    tpu.vector_store %arg17[%swap3A_184], %broadcast_in_dim3A_24 {strides = array<i32>} : memref<10240xf32, #tpu.memory_space<vmem>>, vector<16xf32>,
    %swap3A_186 = arith.constant 1296 : index
    %swap3A_187 = tpu.vector_load %arg17[%swap3A_186] {strides = array<i32>} : memref<10240xf32, #tpu.memory_space<vmem>>, vector<16xf32>,
    tpu.vector_store %arg17[%swap3A_186], %broadcast_in_dim3A_24 {strides = array<i32>} : memref<10240xf32, #tpu.memory_space<vmem>>, vector<16xf32>,
    %swap3A_188 = arith.constant 1312 : index
    %swap3A_189 = tpu.vector_load %arg17[%swap3A_188] {strides = array<i32>} : memref<10240xf32, #tpu.memory_space<vmem>>, vector<16xf32>,
    tpu.vector_store %arg17[%swap3A_188], %broadcast_in_dim3A_24 {strides = array<i32>} : memref<10240xf32, #tpu.memory_space<vmem>>, vector<16xf32>,
    %swap3A_190 = arith.constant 1328 : index
    %swap3A_191 = tpu.vector_load %arg17[%swap3A_190] {strides = array<i32>} : memref<10240xf32, #tpu.memory_space<vmem>>, vector<16xf32>,
    tpu.vector_store %arg17[%swap3A_190], %broadcast_in_dim3A_24 {strides = array<i32>} : memref<10240xf32, #tpu.memory_space<vmem>>, vector<16xf32>,
    %swap3A_192 = arith.constant 1344 : index
    %swap3A_193 = tpu.vector_load %arg17[%swap3A_192] {strides = array<i32>} : memref<10240xf32, #tpu.memory_space<vmem>>, vector<16xf32>,
    tpu.vector_store %arg17[%swap3A_192], %broadcast_in_dim3A_24 {strides = array<i32>} : memref<10240xf32, #tpu.memory_space<vmem>>, vector<16xf32>,
    %swap3A_194 = arith.constant 1360 : index
    %swap3A_195 = tpu.vector_load %arg17[%swap3A_194] {strides = array<i32>} : memref<10240xf32, #tpu.memory_space<vmem>>, vector<16xf32>,
    tpu.vector_store %arg17[%swap3A_194], %broadcast_in_dim3A_24 {strides = array<i32>} : memref<10240xf32, #tpu.memory_space<vmem>>, vector<16xf32>,
    %swap3A_196 = arith.constant 1376 : index
    %swap3A_197 = tpu.vector_load %arg17[%swap3A_196] {strides = array<i32>} : memref<10240xf32, #tpu.memory_space<vmem>>, vector<16xf32>,
    tpu.vector_store %arg17[%swap3A_196], %broadcast_in_dim3A_24 {strides = array<i32>} : memref<10240xf32, #tpu.memory_space<vmem>>, vector<16xf32>,
    %swap3A_198 = arith.constant 1392 : index
    %swap3A_199 = tpu.vector_load %arg17[%swap3A_198] {strides = array<i32>} : memref<10240xf32, #tpu.memory_space<vmem>>, vector<16xf32>,
    tpu.vector_store %arg17[%swap3A_198], %broadcast_in_dim3A_24 {strides = array<i32>} : memref<10240xf32, #tpu.memory_space<vmem>>, vector<16xf32>,
    %swap3A_200 = arith.constant 1408 : index
    %swap3A_201 = tpu.vector_load %arg17[%swap3A_200] {strides = array<i32>} : memref<10240xf32, #tpu.memory_space<vmem>>, vector<16xf32>,
    tpu.vector_store %arg17[%swap3A_200], %broadcast_in_dim3A_24 {strides = array<i32>} : memref<10240xf32, #tpu.memory_space<vmem>>, vector<16xf32>,
    %swap3A_202 = arith.constant 1424 : index
    %swap3A_203 = tpu.vector_load %arg17[%swap3A_202] {strides = array<i32>} : memref<10240xf32, #tpu.memory_space<vmem>>, vector<16xf32>,
    tpu.vector_store %arg17[%swap3A_202], %broadcast_in_dim3A_24 {strides = array<i32>} : memref<10240xf32, #tpu.memory_space<vmem>>, vector<16xf32>,
    %swap3A_204 = arith.constant 1440 : index
    %swap3A_205 = tpu.vector_load %arg17[%swap3A_204] {strides = array<i32>} : memref<10240xf32, #tpu.memory_space<vmem>>, vector<16xf32>,
    tpu.vector_store %arg17[%swap3A_204], %broadcast_in_dim3A_24 {strides = array<i32>} : memref<10240xf32, #tpu.memory_space<vmem>>, vector<16xf32>,
    %swap3A_206 = arith.constant 1456 : index
    %swap3A_207 = tpu.vector_load %arg17[%swap3A_206] {strides = array<i32>} : memref<10240xf32, #tpu.memory_space<vmem>>, vector<16xf32>,
    tpu.vector_store %arg17[%swap3A_206], %broadcast_in_dim3A_24 {strides = array<i32>} : memref<10240xf32, #tpu.memory_space<vmem>>, vector<16xf32>,
    %swap3A_208 = arith.constant 1472 : index
    %swap3A_209 = tpu.vector_load %arg17[%swap3A_208] {strides = array<i32>} : memref<10240xf32, #tpu.memory_space<vmem>>, vector<16xf32>,
    tpu.vector_store %arg17[%swap3A_208], %broadcast_in_dim3A_24 {strides = array<i32>} : memref<10240xf32, #tpu.memory_space<vmem>>, vector<16xf32>,
    %swap3A_210 = arith.constant 1488 : index
    %swap3A_211 = tpu.vector_load %arg17[%swap3A_210] {strides = array<i32>} : memref<10240xf32, #tpu.memory_space<vmem>>, vector<16xf32>,
    tpu.vector_store %arg17[%swap3A_210], %broadcast_in_dim3A_24 {strides = array<i32>} : memref<10240xf32, #tpu.memory_space<vmem>>, vector<16xf32>,
    %swap3A_212 = arith.constant 1504 : index
    %swap3A_213 = tpu.vector_load %arg17[%swap3A_212] {strides = array<i32>} : memref<10240xf32, #tpu.memory_space<vmem>>, vector<16xf32>,
    tpu.vector_store %arg17[%swap3A_212], %broadcast_in_dim3A_24 {strides = array<i32>} : memref<10240xf32, #tpu.memory_space<vmem>>, vector<16xf32>,
    %swap3A_214 = arith.constant 1520 : index
    %swap3A_215 = tpu.vector_load %arg17[%swap3A_214] {strides = array<i32>} : memref<10240xf32, #tpu.memory_space<vmem>>, vector<16xf32>,
    tpu.vector_store %arg17[%swap3A_214], %broadcast_in_dim3A_24 {strides = array<i32>} : memref<10240xf32, #tpu.memory_space<vmem>>, vector<16xf32>,
    %swap3A_216 = arith.constant 1536 : index
    %swap3A_217 = tpu.vector_load %arg17[%swap3A_216] {strides = array<i32>} : memref<10240xf32, #tpu.memory_space<vmem>>, vector<16xf32>,
    tpu.vector_store %arg17[%swap3A_216], %broadcast_in_dim3A_24 {strides = array<i32>} : memref<10240xf32, #tpu.memory_space<vmem>>, vector<16xf32>,
    %swap3A_218 = arith.constant 1552 : index
    %swap3A_219 = tpu.vector_load %arg17[%swap3A_218] {strides = array<i32>} : memref<10240xf32, #tpu.memory_space<vmem>>, vector<16xf32>,
    tpu.vector_store %arg17[%swap3A_218], %broadcast_in_dim3A_24 {strides = array<i32>} : memref<10240xf32, #tpu.memory_space<vmem>>, vector<16xf32>,
    %swap3A_220 = arith.constant 1568 : index
    %swap3A_221 = tpu.vector_load %arg17[%swap3A_220] {strides = array<i32>} : memref<10240xf32, #tpu.memory_space<vmem>>, vector<16xf32>,
    tpu.vector_store %arg17[%swap3A_220], %broadcast_in_dim3A_24 {strides = array<i32>} : memref<10240xf32, #tpu.memory_space<vmem>>, vector<16xf32>,
    %swap3A_222 = arith.constant 1584 : index
    %swap3A_223 = tpu.vector_load %arg17[%swap3A_222] {strides = array<i32>} : memref<10240xf32, #tpu.memory_space<vmem>>, vector<16xf32>,
    tpu.vector_store %arg17[%swap3A_222], %broadcast_in_dim3A_24 {strides = array<i32>} : memref<10240xf32, #tpu.memory_space<vmem>>, vector<16xf32>,
    %swap3A_224 = arith.constant 1600 : index
    %swap3A_225 = tpu.vector_load %arg17[%swap3A_224] {strides = array<i32>} : memref<10240xf32, #tpu.memory_space<vmem>>, vector<16xf32>,
    tpu.vector_store %arg17[%swap3A_224], %broadcast_in_dim3A_24 {strides = array<i32>} : memref<10240xf32, #tpu.memory_space<vmem>>, vector<16xf32>,
    %swap3A_226 = arith.constant 1616 : index
    %swap3A_227 = tpu.vector_load %arg17[%swap3A_226] {strides = array<i32>} : memref<10240xf32, #tpu.memory_space<vmem>>, vector<16xf32>,
    tpu.vector_store %arg17[%swap3A_226], %broadcast_in_dim3A_24 {strides = array<i32>} : memref<10240xf32, #tpu.memory_space<vmem>>, vector<16xf32>,
    %swap3A_228 = arith.constant 1632 : index
    %swap3A_229 = tpu.vector_load %arg17[%swap3A_228] {strides = array<i32>} : memref<10240xf32, #tpu.memory_space<vmem>>, vector<16xf32>,
    tpu.vector_store %arg17[%swap3A_228], %broadcast_in_dim3A_24 {strides = array<i32>} : memref<10240xf32, #tpu.memory_space<vmem>>, vector<16xf32>,
    %swap3A_230 = arith.constant 1648 : index
    %swap3A_231 = tpu.vector_load %arg17[%swap3A_230] {strides = array<i32>} : memref<10240xf32, #tpu.memory_space<vmem>>, vector<16xf32>,
    tpu.vector_store %arg17[%swap3A_230], %broadcast_in_dim3A_24 {strides = array<i32>} : memref<10240xf32, #tpu.memory_space<vmem>>, vector<16xf32>,
    %swap3A_232 = arith.constant 1664 : index
    %swap3A_233 = tpu.vector_load %arg17[%swap3A_232] {strides = array<i32>} : memref<10240xf32, #tpu.memory_space<vmem>>, vector<16xf32>,
    tpu.vector_store %arg17[%swap3A_232], %broadcast_in_dim3A_24 {strides = array<i32>} : memref<10240xf32, #tpu.memory_space<vmem>>, vector<16xf32>,
    %swap3A_234 = arith.constant 1680 : index
    %swap3A_235 = tpu.vector_load %arg17[%swap3A_234] {strides = array<i32>} : memref<10240xf32, #tpu.memory_space<vmem>>, vector<16xf32>,
    tpu.vector_store %arg17[%swap3A_234], %broadcast_in_dim3A_24 {strides = array<i32>} : memref<10240xf32, #tpu.memory_space<vmem>>, vector<16xf32>,
    %swap3A_236 = arith.constant 1696 : index
    %swap3A_237 = tpu.vector_load %arg17[%swap3A_236] {strides = array<i32>} : memref<10240xf32, #tpu.memory_space<vmem>>, vector<16xf32>,
    tpu.vector_store %arg17[%swap3A_236], %broadcast_in_dim3A_24 {strides = array<i32>} : memref<10240xf32, #tpu.memory_space<vmem>>, vector<16xf32>,
    %swap3A_238 = arith.constant 1712 : index
    %swap3A_239 = tpu.vector_load %arg17[%swap3A_238] {strides = array<i32>} : memref<10240xf32, #tpu.memory_space<vmem>>, vector<16xf32>,
    tpu.vector_store %arg17[%swap3A_238], %broadcast_in_dim3A_24 {strides = array<i32>} : memref<10240xf32, #tpu.memory_space<vmem>>, vector<16xf32>,
    %swap3A_240 = arith.constant 1728 : index
    %swap3A_241 = tpu.vector_load %arg17[%swap3A_240] {strides = array<i32>} : memref<10240xf32, #tpu.memory_space<vmem>>, vector<16xf32>,
    tpu.vector_store %arg17[%swap3A_240], %broadcast_in_dim3A_24 {strides = array<i32>} : memref<10240xf32, #tpu.memory_space<vmem>>, vector<16xf32>,
    %swap3A_242 = arith.constant 1744 : index
    %swap3A_243 = tpu.vector_load %arg17[%swap3A_242] {strides = array<i32>} : memref<10240xf32, #tpu.memory_space<vmem>>, vector<16xf32>,
    tpu.vector_store %arg17[%swap3A_242], %broadcast_in_dim3A_24 {strides = array<i32>} : memref<10240xf32, #tpu.memory_space<vmem>>, vector<16xf32>,
    %swap3A_244 = arith.constant 1760 : index
    %swap3A_245 = tpu.vector_load %arg17[%swap3A_244] {strides = array<i32>} : memref<10240xf32, #tpu.memory_space<vmem>>, vector<16xf32>,
    tpu.vector_store %arg17[%swap3A_244], %broadcast_in_dim3A_24 {strides = array<i32>} : memref<10240xf32, #tpu.memory_space<vmem>>, vector<16xf32>,
    %swap3A_246 = arith.constant 1776 : index
    %swap3A_247 = tpu.vector_load %arg17[%swap3A_246] {strides = array<i32>} : memref<10240xf32, #tpu.memory_space<vmem>>, vector<16xf32>,
    tpu.vector_store %arg17[%swap3A_246], %broadcast_in_dim3A_24 {strides = array<i32>} : memref<10240xf32, #tpu.memory_space<vmem>>, vector<16xf32>,
    %swap3A_248 = arith.constant 1792 : index
    %swap3A_249 = tpu.vector_load %arg17[%swap3A_248] {strides = array<i32>} : memref<10240xf32, #tpu.memory_space<vmem>>, vector<16xf32>,
    tpu.vector_store %arg17[%swap3A_248], %broadcast_in_dim3A_24 {strides = array<i32>} : memref<10240xf32, #tpu.memory_space<vmem>>, vector<16xf32>,
    %swap3A_250 = arith.constant 1808 : index
    %swap3A_251 = tpu.vector_load %arg17[%swap3A_250] {strides = array<i32>} : memref<10240xf32, #tpu.memory_space<vmem>>, vector<16xf32>,
    tpu.vector_store %arg17[%swap3A_250], %broadcast_in_dim3A_24 {strides = array<i32>} : memref<10240xf32, #tpu.memory_space<vmem>>, vector<16xf32>,
    %swap3A_252 = arith.constant 1824 : index
    %swap3A_253 = tpu.vector_load %arg17[%swap3A_252] {strides = array<i32>} : memref<10240xf32, #tpu.memory_space<vmem>>, vector<16xf32>,
    tpu.vector_store %arg17[%swap3A_252], %broadcast_in_dim3A_24 {strides = array<i32>} : memref<10240xf32, #tpu.memory_space<vmem>>, vector<16xf32>,
    %swap3A_254 = arith.constant 1840 : index
    %swap3A_255 = tpu.vector_load %arg17[%swap3A_254] {strides = array<i32>} : memref<10240xf32, #tpu.memory_space<vmem>>, vector<16xf32>,
    tpu.vector_store %arg17[%swap3A_254], %broadcast_in_dim3A_24 {strides = array<i32>} : memref<10240xf32, #tpu.memory_space<vmem>>, vector<16xf32>,
    %swap3A_256 = arith.constant 1856 : index
    %swap3A_257 = tpu.vector_load %arg17[%swap3A_256] {strides = array<i32>} : memref<10240xf32, #tpu.memory_space<vmem>>, vector<16xf32>,
    tpu.vector_store %arg17[%swap3A_256], %broadcast_in_dim3A_24 {strides = array<i32>} : memref<10240xf32, #tpu.memory_space<vmem>>, vector<16xf32>,
    %swap3A_258 = arith.constant 1872 : index
    %swap3A_259 = tpu.vector_load %arg17[%swap3A_258] {strides = array<i32>} : memref<10240xf32, #tpu.memory_space<vmem>>, vector<16xf32>,
    tpu.vector_store %arg17[%swap3A_258], %broadcast_in_dim3A_24 {strides = array<i32>} : memref<10240xf32, #tpu.memory_space<vmem>>, vector<16xf32>,
    %swap3A_260 = arith.constant 1888 : index
    %swap3A_261 = tpu.vector_load %arg17[%swap3A_260] {strides = array<i32>} : memref<10240xf32, #tpu.memory_space<vmem>>, vector<16xf32>,
    tpu.vector_store %arg17[%swap3A_260], %broadcast_in_dim3A_24 {strides = array<i32>} : memref<10240xf32, #tpu.memory_space<vmem>>, vector<16xf32>,
    %swap3A_262 = arith.constant 1904 : index
    %swap3A_263 = tpu.vector_load %arg17[%swap3A_262] {strides = array<i32>} : memref<10240xf32, #tpu.memory_space<vmem>>, vector<16xf32>,
    tpu.vector_store %arg17[%swap3A_262], %broadcast_in_dim3A_24 {strides = array<i32>} : memref<10240xf32, #tpu.memory_space<vmem>>, vector<16xf32>,
    %swap3A_264 = arith.constant 1920 : index
    %swap3A_265 = tpu.vector_load %arg17[%swap3A_264] {strides = array<i32>} : memref<10240xf32, #tpu.memory_space<vmem>>, vector<16xf32>,
    tpu.vector_store %arg17[%swap3A_264], %broadcast_in_dim3A_24 {strides = array<i32>} : memref<10240xf32, #tpu.memory_space<vmem>>, vector<16xf32>,
    %swap3A_266 = arith.constant 1936 : index
    %swap3A_267 = tpu.vector_load %arg17[%swap3A_266] {strides = array<i32>} : memref<10240xf32, #tpu.memory_space<vmem>>, vector<16xf32>,
    tpu.vector_store %arg17[%swap3A_266], %broadcast_in_dim3A_24 {strides = array<i32>} : memref<10240xf32, #tpu.memory_space<vmem>>, vector<16xf32>,
    %swap3A_268 = arith.constant 1952 : index
    %swap3A_269 = tpu.vector_load %arg17[%swap3A_268] {strides = array<i32>} : memref<10240xf32, #tpu.memory_space<vmem>>, vector<16xf32>,
    tpu.vector_store %arg17[%swap3A_268], %broadcast_in_dim3A_24 {strides = array<i32>} : memref<10240xf32, #tpu.memory_space<vmem>>, vector<16xf32>,
    %swap3A_270 = arith.constant 1968 : index
    %swap3A_271 = tpu.vector_load %arg17[%swap3A_270] {strides = array<i32>} : memref<10240xf32, #tpu.memory_space<vmem>>, vector<16xf32>,
    tpu.vector_store %arg17[%swap3A_270], %broadcast_in_dim3A_24 {strides = array<i32>} : memref<10240xf32, #tpu.memory_space<vmem>>, vector<16xf32>,
    %swap3A_272 = arith.constant 1984 : index
    %swap3A_273 = tpu.vector_load %arg17[%swap3A_272] {strides = array<i32>} : memref<10240xf32, #tpu.memory_space<vmem>>, vector<16xf32>,
    tpu.vector_store %arg17[%swap3A_272], %broadcast_in_dim3A_24 {strides = array<i32>} : memref<10240xf32, #tpu.memory_space<vmem>>, vector<16xf32>,
    %swap3A_274 = arith.constant 2000 : index
    %swap3A_275 = tpu.vector_load %arg17[%swap3A_274] {strides = array<i32>} : memref<10240xf32, #tpu.memory_space<vmem>>, vector<16xf32>,
    tpu.vector_store %arg17[%swap3A_274], %broadcast_in_dim3A_24 {strides = array<i32>} : memref<10240xf32, #tpu.memory_space<vmem>>, vector<16xf32>,
    %swap3A_276 = arith.constant 2016 : index
    %swap3A_277 = tpu.vector_load %arg17[%swap3A_276] {strides = array<i32>} : memref<10240xf32, #tpu.memory_space<vmem>>, vector<16xf32>,
    tpu.vector_store %arg17[%swap3A_276], %broadcast_in_dim3A_24 {strides = array<i32>} : memref<10240xf32, #tpu.memory_space<vmem>>, vector<16xf32>,
    %swap3A_278 = arith.constant 2032 : index
    %swap3A_279 = tpu.vector_load %arg17[%swap3A_278] {strides = array<i32>} : memref<10240xf32, #tpu.memory_space<vmem>>, vector<16xf32>,
    tpu.vector_store %arg17[%swap3A_278], %broadcast_in_dim3A_24 {strides = array<i32>} : memref<10240xf32, #tpu.memory_space<vmem>>, vector<16xf32>,
    %swap3A_280 = arith.constant 2048 : index
    %swap3A_281 = tpu.vector_load %arg17[%swap3A_280] {strides = array<i32>} : memref<10240xf32, #tpu.memory_space<vmem>>, vector<16xf32>,
    tpu.vector_store %arg17[%swap3A_280], %broadcast_in_dim3A_24 {strides = array<i32>} : memref<10240xf32, #tpu.memory_space<vmem>>, vector<16xf32>,
    %swap3A_282 = arith.constant 2064 : index
    %swap3A_283 = tpu.vector_load %arg17[%swap3A_282] {strides = array<i32>} : memref<10240xf32, #tpu.memory_space<vmem>>, vector<16xf32>,
    tpu.vector_store %arg17[%swap3A_282], %broadcast_in_dim3A_24 {strides = array<i32>} : memref<10240xf32, #tpu.memory_space<vmem>>, vector<16xf32>,
    %swap3A_284 = arith.constant 2080 : index
    %swap3A_285 = tpu.vector_load %arg17[%swap3A_284] {strides = array<i32>} : memref<10240xf32, #tpu.memory_space<vmem>>, vector<16xf32>,
    tpu.vector_store %arg17[%swap3A_284], %broadcast_in_dim3A_24 {strides = array<i32>} : memref<10240xf32, #tpu.memory_space<vmem>>, vector<16xf32>,
    %swap3A_286 = arith.constant 2096 : index
    %swap3A_287 = tpu.vector_load %arg17[%swap3A_286] {strides = array<i32>} : memref<10240xf32, #tpu.memory_space<vmem>>, vector<16xf32>,
    tpu.vector_store %arg17[%swap3A_286], %broadcast_in_dim3A_24 {strides = array<i32>} : memref<10240xf32, #tpu.memory_space<vmem>>, vector<16xf32>,
    %swap3A_288 = arith.constant 2112 : index
    %swap3A_289 = tpu.vector_load %arg17[%swap3A_288] {strides = array<i32>} : memref<10240xf32, #tpu.memory_space<vmem>>, vector<16xf32>,
    tpu.vector_store %arg17[%swap3A_288], %broadcast_in_dim3A_24 {strides = array<i32>} : memref<10240xf32, #tpu.memory_space<vmem>>, vector<16xf32>,
    %swap3A_290 = arith.constant 2128 : index
    %swap3A_291 = tpu.vector_load %arg17[%swap3A_290] {strides = array<i32>} : memref<10240xf32, #tpu.memory_space<vmem>>, vector<16xf32>,
    tpu.vector_store %arg17[%swap3A_290], %broadcast_in_dim3A_24 {strides = array<i32>} : memref<10240xf32, #tpu.memory_space<vmem>>, vector<16xf32>,
    %swap3A_292 = arith.constant 2144 : index
    %swap3A_293 = tpu.vector_load %arg17[%swap3A_292] {strides = array<i32>} : memref<10240xf32, #tpu.memory_space<vmem>>, vector<16xf32>,
    tpu.vector_store %arg17[%swap3A_292], %broadcast_in_dim3A_24 {strides = array<i32>} : memref<10240xf32, #tpu.memory_space<vmem>>, vector<16xf32>,
    %swap3A_294 = arith.constant 2160 : index
    %swap3A_295 = tpu.vector_load %arg17[%swap3A_294] {strides = array<i32>} : memref<10240xf32, #tpu.memory_space<vmem>>, vector<16xf32>,
    tpu.vector_store %arg17[%swap3A_294], %broadcast_in_dim3A_24 {strides = array<i32>} : memref<10240xf32, #tpu.memory_space<vmem>>, vector<16xf32>,
    %swap3A_296 = arith.constant 2176 : index
    %swap3A_297 = tpu.vector_load %arg17[%swap3A_296] {strides = array<i32>} : memref<10240xf32, #tpu.memory_space<vmem>>, vector<16xf32>,
    tpu.vector_store %arg17[%swap3A_296], %broadcast_in_dim3A_24 {strides = array<i32>} : memref<10240xf32, #tpu.memory_space<vmem>>, vector<16xf32>,
    %swap3A_298 = arith.constant 2192 : index
    %swap3A_299 = tpu.vector_load %arg17[%swap3A_298] {strides = array<i32>} : memref<10240xf32, #tpu.memory_space<vmem>>, vector<16xf32>,
    tpu.vector_store %arg17[%swap3A_298], %broadcast_in_dim3A_24 {strides = array<i32>} : memref<10240xf32, #tpu.memory_space<vmem>>, vector<16xf32>,
    %swap3A_300 = arith.constant 2208 : index
    %swap3A_301 = tpu.vector_load %arg17[%swap3A_300] {strides = array<i32>} : memref<10240xf32, #tpu.memory_space<vmem>>, vector<16xf32>,
    tpu.vector_store %arg17[%swap3A_300], %broadcast_in_dim3A_24 {strides = array<i32>} : memref<10240xf32, #tpu.memory_space<vmem>>, vector<16xf32>,
    %swap3A_302 = arith.constant 2224 : index
    %swap3A_303 = tpu.vector_load %arg17[%swap3A_302] {strides = array<i32>} : memref<10240xf32, #tpu.memory_space<vmem>>, vector<16xf32>,
    tpu.vector_store %arg17[%swap3A_302], %broadcast_in_dim3A_24 {strides = array<i32>} : memref<10240xf32, #tpu.memory_space<vmem>>, vector<16xf32>,
    %swap3A_304 = arith.constant 2240 : index
    %swap3A_305 = tpu.vector_load %arg17[%swap3A_304] {strides = array<i32>} : memref<10240xf32, #tpu.memory_space<vmem>>, vector<16xf32>,
    tpu.vector_store %arg17[%swap3A_304], %broadcast_in_dim3A_24 {strides = array<i32>} : memref<10240xf32, #tpu.memory_space<vmem>>, vector<16xf32>,
    %swap3A_306 = arith.constant 2256 : index
    %swap3A_307 = tpu.vector_load %arg17[%swap3A_306] {strides = array<i32>} : memref<10240xf32, #tpu.memory_space<vmem>>, vector<16xf32>,
    tpu.vector_store %arg17[%swap3A_306], %broadcast_in_dim3A_24 {strides = array<i32>} : memref<10240xf32, #tpu.memory_space<vmem>>, vector<16xf32>,
    %swap3A_308 = arith.constant 2272 : index
    %swap3A_309 = tpu.vector_load %arg17[%swap3A_308] {strides = array<i32>} : memref<10240xf32, #tpu.memory_space<vmem>>, vector<16xf32>,
    tpu.vector_store %arg17[%swap3A_308], %broadcast_in_dim3A_24 {strides = array<i32>} : memref<10240xf32, #tpu.memory_space<vmem>>, vector<16xf32>,
    %swap3A_310 = arith.constant 2288 : index
    %swap3A_311 = tpu.vector_load %arg17[%swap3A_310] {strides = array<i32>} : memref<10240xf32, #tpu.memory_space<vmem>>, vector<16xf32>,
    tpu.vector_store %arg17[%swap3A_310], %broadcast_in_dim3A_24 {strides = array<i32>} : memref<10240xf32, #tpu.memory_space<vmem>>, vector<16xf32>,
    %swap3A_312 = arith.constant 2304 : index
    %swap3A_313 = tpu.vector_load %arg17[%swap3A_312] {strides = array<i32>} : memref<10240xf32, #tpu.memory_space<vmem>>, vector<16xf32>,
    tpu.vector_store %arg17[%swap3A_312], %broadcast_in_dim3A_24 {strides = array<i32>} : memref<10240xf32, #tpu.memory_space<vmem>>, vector<16xf32>,
    %swap3A_314 = arith.constant 2320 : index
    %swap3A_315 = tpu.vector_load %arg17[%swap3A_314] {strides = array<i32>} : memref<10240xf32, #tpu.memory_space<vmem>>, vector<16xf32>,
    tpu.vector_store %arg17[%swap3A_314], %broadcast_in_dim3A_24 {strides = array<i32>} : memref<10240xf32, #tpu.memory_space<vmem>>, vector<16xf32>,
    %swap3A_316 = arith.constant 2336 : index
    %swap3A_317 = tpu.vector_load %arg17[%swap3A_316] {strides = array<i32>} : memref<10240xf32, #tpu.memory_space<vmem>>, vector<16xf32>,
    tpu.vector_store %arg17[%swap3A_316], %broadcast_in_dim3A_24 {strides = array<i32>} : memref<10240xf32, #tpu.memory_space<vmem>>, vector<16xf32>,
    %swap3A_318 = arith.constant 2352 : index
    %swap3A_319 = tpu.vector_load %arg17[%swap3A_318] {strides = array<i32>} : memref<10240xf32, #tpu.memory_space<vmem>>, vector<16xf32>,
    tpu.vector_store %arg17[%swap3A_318], %broadcast_in_dim3A_24 {strides = array<i32>} : memref<10240xf32, #tpu.memory_space<vmem>>, vector<16xf32>,
    %swap3A_320 = arith.constant 2368 : index
    %swap3A_321 = tpu.vector_load %arg17[%swap3A_320] {strides = array<i32>} : memref<10240xf32, #tpu.memory_space<vmem>>, vector<16xf32>,
    tpu.vector_store %arg17[%swap3A_320], %broadcast_in_dim3A_24 {strides = array<i32>} : memref<10240xf32, #tpu.memory_space<vmem>>, vector<16xf32>,
    %swap3A_322 = arith.constant 2384 : index
    %swap3A_323 = tpu.vector_load %arg17[%swap3A_322] {strides = array<i32>} : memref<10240xf32, #tpu.memory_space<vmem>>, vector<16xf32>,
    tpu.vector_store %arg17[%swap3A_322], %broadcast_in_dim3A_24 {strides = array<i32>} : memref<10240xf32, #tpu.memory_space<vmem>>, vector<16xf32>,
    %swap3A_324 = arith.constant 2400 : index
    %swap3A_325 = tpu.vector_load %arg17[%swap3A_324] {strides = array<i32>} : memref<10240xf32, #tpu.memory_space<vmem>>, vector<16xf32>,
    tpu.vector_store %arg17[%swap3A_324], %broadcast_in_dim3A_24 {strides = array<i32>} : memref<10240xf32, #tpu.memory_space<vmem>>, vector<16xf32>,
    %swap3A_326 = arith.constant 2416 : index
    %swap3A_327 = tpu.vector_load %arg17[%swap3A_326] {strides = array<i32>} : memref<10240xf32, #tpu.memory_space<vmem>>, vector<16xf32>,
    tpu.vector_store %arg17[%swap3A_326], %broadcast_in_dim3A_24 {strides = array<i32>} : memref<10240xf32, #tpu.memory_space<vmem>>, vector<16xf32>,
    %swap3A_328 = arith.constant 2432 : index
    %swap3A_329 = tpu.vector_load %arg17[%swap3A_328] {strides = array<i32>} : memref<10240xf32, #tpu.memory_space<vmem>>, vector<16xf32>,
    tpu.vector_store %arg17[%swap3A_328], %broadcast_in_dim3A_24 {strides = array<i32>} : memref<10240xf32, #tpu.memory_space<vmem>>, vector<16xf32>,
    %swap3A_330 = arith.constant 2448 : index
    %swap3A_331 = tpu.vector_load %arg17[%swap3A_330] {strides = array<i32>} : memref<10240xf32, #tpu.memory_space<vmem>>, vector<16xf32>,
    tpu.vector_store %arg17[%swap3A_330], %broadcast_in_dim3A_24 {strides = array<i32>} : memref<10240xf32, #tpu.memory_space<vmem>>, vector<16xf32>,
    %swap3A_332 = arith.constant 2464 : index
    %swap3A_333 = tpu.vector_load %arg17[%swap3A_332] {strides = array<i32>} : memref<10240xf32, #tpu.memory_space<vmem>>, vector<16xf32>,
    tpu.vector_store %arg17[%swap3A_332], %broadcast_in_dim3A_24 {strides = array<i32>} : memref<10240xf32, #tpu.memory_space<vmem>>, vector<16xf32>,
    %swap3A_334 = arith.constant 2480 : index
    %swap3A_335 = tpu.vector_load %arg17[%swap3A_334] {strides = array<i32>} : memref<10240xf32, #tpu.memory_space<vmem>>, vector<16xf32>,
    tpu.vector_store %arg17[%swap3A_334], %broadcast_in_dim3A_24 {strides = array<i32>} : memref<10240xf32, #tpu.memory_space<vmem>>, vector<16xf32>,
    %swap3A_336 = arith.constant 2496 : index
    %swap3A_337 = tpu.vector_load %arg17[%swap3A_336] {strides = array<i32>} : memref<10240xf32, #tpu.memory_space<vmem>>, vector<16xf32>,
    tpu.vector_store %arg17[%swap3A_336], %broadcast_in_dim3A_24 {strides = array<i32>} : memref<10240xf32, #tpu.memory_space<vmem>>, vector<16xf32>,
    %swap3A_338 = arith.constant 2512 : index
    %swap3A_339 = tpu.vector_load %arg17[%swap3A_338] {strides = array<i32>} : memref<10240xf32, #tpu.memory_space<vmem>>, vector<16xf32>,
    tpu.vector_store %arg17[%swap3A_338], %broadcast_in_dim3A_24 {strides = array<i32>} : memref<10240xf32, #tpu.memory_space<vmem>>, vector<16xf32>,
    %swap3A_340 = arith.constant 2528 : index
    %swap3A_341 = tpu.vector_load %arg17[%swap3A_340] {strides = array<i32>} : memref<10240xf32, #tpu.memory_space<vmem>>, vector<16xf32>,
    tpu.vector_store %arg17[%swap3A_340], %broadcast_in_dim3A_24 {strides = array<i32>} : memref<10240xf32, #tpu.memory_space<vmem>>, vector<16xf32>,
    %swap3A_342 = arith.constant 2544 : index
    %swap3A_343 = tpu.vector_load %arg17[%swap3A_342] {strides = array<i32>} : memref<10240xf32, #tpu.memory_space<vmem>>, vector<16xf32>,
    tpu.vector_store %arg17[%swap3A_342], %broadcast_in_dim3A_24 {strides = array<i32>} : memref<10240xf32, #tpu.memory_space<vmem>>, vector<16xf32>,
    %swap3A_344 = arith.constant 2560 : index
    %swap3A_345 = tpu.vector_load %arg17[%swap3A_344] {strides = array<i32>} : memref<10240xf32, #tpu.memory_space<vmem>>, vector<16xf32>,
    tpu.vector_store %arg17[%swap3A_344], %broadcast_in_dim3A_24 {strides = array<i32>} : memref<10240xf32, #tpu.memory_space<vmem>>, vector<16xf32>,
    %swap3A_346 = arith.constant 2576 : index
    %swap3A_347 = tpu.vector_load %arg17[%swap3A_346] {strides = array<i32>} : memref<10240xf32, #tpu.memory_space<vmem>>, vector<16xf32>,
    tpu.vector_store %arg17[%swap3A_346], %broadcast_in_dim3A_24 {strides = array<i32>} : memref<10240xf32, #tpu.memory_space<vmem>>, vector<16xf32>,
    %swap3A_348 = arith.constant 2592 : index
    %swap3A_349 = tpu.vector_load %arg17[%swap3A_348] {strides = array<i32>} : memref<10240xf32, #tpu.memory_space<vmem>>, vector<16xf32>,
    tpu.vector_store %arg17[%swap3A_348], %broadcast_in_dim3A_24 {strides = array<i32>} : memref<10240xf32, #tpu.memory_space<vmem>>, vector<16xf32>,
    %swap3A_350 = arith.constant 2608 : index
    %swap3A_351 = tpu.vector_load %arg17[%swap3A_350] {strides = array<i32>} : memref<10240xf32, #tpu.memory_space<vmem>>, vector<16xf32>,
    tpu.vector_store %arg17[%swap3A_350], %broadcast_in_dim3A_24 {strides = array<i32>} : memref<10240xf32, #tpu.memory_space<vmem>>, vector<16xf32>,
    %swap3A_352 = arith.constant 2624 : index
    %swap3A_353 = tpu.vector_load %arg17[%swap3A_352] {strides = array<i32>} : memref<10240xf32, #tpu.memory_space<vmem>>, vector<16xf32>,
    tpu.vector_store %arg17[%swap3A_352], %broadcast_in_dim3A_24 {strides = array<i32>} : memref<10240xf32, #tpu.memory_space<vmem>>, vector<16xf32>,
    %swap3A_354 = arith.constant 2640 : index
    %swap3A_355 = tpu.vector_load %arg17[%swap3A_354] {strides = array<i32>} : memref<10240xf32, #tpu.memory_space<vmem>>, vector<16xf32>,
    tpu.vector_store %arg17[%swap3A_354], %broadcast_in_dim3A_24 {strides = array<i32>} : memref<10240xf32, #tpu.memory_space<vmem>>, vector<16xf32>,
    %swap3A_356 = arith.constant 2656 : index
    %swap3A_357 = tpu.vector_load %arg17[%swap3A_356] {strides = array<i32>} : memref<10240xf32, #tpu.memory_space<vmem>>, vector<16xf32>,
    tpu.vector_store %arg17[%swap3A_356], %broadcast_in_dim3A_24 {strides = array<i32>} : memref<10240xf32, #tpu.memory_space<vmem>>, vector<16xf32>,
    %swap3A_358 = arith.constant 2672 : index
    %swap3A_359 = tpu.vector_load %arg17[%swap3A_358] {strides = array<i32>} : memref<10240xf32, #tpu.memory_space<vmem>>, vector<16xf32>,
    tpu.vector_store %arg17[%swap3A_358], %broadcast_in_dim3A_24 {strides = array<i32>} : memref<10240xf32, #tpu.memory_space<vmem>>, vector<16xf32>,
    %swap3A_360 = arith.constant 2688 : index
    %swap3A_361 = tpu.vector_load %arg17[%swap3A_360] {strides = array<i32>} : memref<10240xf32, #tpu.memory_space<vmem>>, vector<16xf32>,
    tpu.vector_store %arg17[%swap3A_360], %broadcast_in_dim3A_24 {strides = array<i32>} : memref<10240xf32, #tpu.memory_space<vmem>>, vector<16xf32>,
    %swap3A_362 = arith.constant 2704 : index
    %swap3A_363 = tpu.vector_load %arg17[%swap3A_362] {strides = array<i32>} : memref<10240xf32, #tpu.memory_space<vmem>>, vector<16xf32>,
    tpu.vector_store %arg17[%swap3A_362], %broadcast_in_dim3A_24 {strides = array<i32>} : memref<10240xf32, #tpu.memory_space<vmem>>, vector<16xf32>,
    %swap3A_364 = arith.constant 2720 : index
    %swap3A_365 = tpu.vector_load %arg17[%swap3A_364] {strides = array<i32>} : memref<10240xf32, #tpu.memory_space<vmem>>, vector<16xf32>,
    tpu.vector_store %arg17[%swap3A_364], %broadcast_in_dim3A_24 {strides = array<i32>} : memref<10240xf32, #tpu.memory_space<vmem>>, vector<16xf32>,
    %swap3A_366 = arith.constant 2736 : index
    %swap3A_367 = tpu.vector_load %arg17[%swap3A_366] {strides = array<i32>} : memref<10240xf32, #tpu.memory_space<vmem>>, vector<16xf32>,
    tpu.vector_store %arg17[%swap3A_366], %broadcast_in_dim3A_24 {strides = array<i32>} : memref<10240xf32, #tpu.memory_space<vmem>>, vector<16xf32>,
    %swap3A_368 = arith.constant 2752 : index
    %swap3A_369 = tpu.vector_load %arg17[%swap3A_368] {strides = array<i32>} : memref<10240xf32, #tpu.memory_space<vmem>>, vector<16xf32>,
    tpu.vector_store %arg17[%swap3A_368], %broadcast_in_dim3A_24 {strides = array<i32>} : memref<10240xf32, #tpu.memory_space<vmem>>, vector<16xf32>,
    %swap3A_370 = arith.constant 2768 : index
    %swap3A_371 = tpu.vector_load %arg17[%swap3A_370] {strides = array<i32>} : memref<10240xf32, #tpu.memory_space<vmem>>, vector<16xf32>,
    tpu.vector_store %arg17[%swap3A_370], %broadcast_in_dim3A_24 {strides = array<i32>} : memref<10240xf32, #tpu.memory_space<vmem>>, vector<16xf32>,
    %swap3A_372 = arith.constant 2784 : index
    %swap3A_373 = tpu.vector_load %arg17[%swap3A_372] {strides = array<i32>} : memref<10240xf32, #tpu.memory_space<vmem>>, vector<16xf32>,
    tpu.vector_store %arg17[%swap3A_372], %broadcast_in_dim3A_24 {strides = array<i32>} : memref<10240xf32, #tpu.memory_space<vmem>>, vector<16xf32>,
    %swap3A_374 = arith.constant 2800 : index
    %swap3A_375 = tpu.vector_load %arg17[%swap3A_374] {strides = array<i32>} : memref<10240xf32, #tpu.memory_space<vmem>>, vector<16xf32>,
    tpu.vector_store %arg17[%swap3A_374], %broadcast_in_dim3A_24 {strides = array<i32>} : memref<10240xf32, #tpu.memory_space<vmem>>, vector<16xf32>,
    %swap3A_376 = arith.constant 2816 : index
    %swap3A_377 = tpu.vector_load %arg17[%swap3A_376] {strides = array<i32>} : memref<10240xf32, #tpu.memory_space<vmem>>, vector<16xf32>,
    tpu.vector_store %arg17[%swap3A_376], %broadcast_in_dim3A_24 {strides = array<i32>} : memref<10240xf32, #tpu.memory_space<vmem>>, vector<16xf32>,
    %swap3A_378 = arith.constant 2832 : index
    %swap3A_379 = tpu.vector_load %arg17[%swap3A_378] {strides = array<i32>} : memref<10240xf32, #tpu.memory_space<vmem>>, vector<16xf32>,
    tpu.vector_store %arg17[%swap3A_378], %broadcast_in_dim3A_24 {strides = array<i32>} : memref<10240xf32, #tpu.memory_space<vmem>>, vector<16xf32>,
    %swap3A_380 = arith.constant 2848 : index
    %swap3A_381 = tpu.vector_load %arg17[%swap3A_380] {strides = array<i32>} : memref<10240xf32, #tpu.memory_space<vmem>>, vector<16xf32>,
    tpu.vector_store %arg17[%swap3A_380], %broadcast_in_dim3A_24 {strides = array<i32>} : memref<10240xf32, #tpu.memory_space<vmem>>, vector<16xf32>,
    %swap3A_382 = arith.constant 2864 : index
    %swap3A_383 = tpu.vector_load %arg17[%swap3A_382] {strides = array<i32>} : memref<10240xf32, #tpu.memory_space<vmem>>, vector<16xf32>,
    tpu.vector_store %arg17[%swap3A_382], %broadcast_in_dim3A_24 {strides = array<i32>} : memref<10240xf32, #tpu.memory_space<vmem>>, vector<16xf32>,
    %swap3A_384 = arith.constant 2880 : index
    %swap3A_385 = tpu.vector_load %arg17[%swap3A_384] {strides = array<i32>} : memref<10240xf32, #tpu.memory_space<vmem>>, vector<16xf32>,
    tpu.vector_store %arg17[%swap3A_384], %broadcast_in_dim3A_24 {strides = array<i32>} : memref<10240xf32, #tpu.memory_space<vmem>>, vector<16xf32>,
    %swap3A_386 = arith.constant 2896 : index
    %swap3A_387 = tpu.vector_load %arg17[%swap3A_386] {strides = array<i32>} : memref<10240xf32, #tpu.memory_space<vmem>>, vector<16xf32>,
    tpu.vector_store %arg17[%swap3A_386], %broadcast_in_dim3A_24 {strides = array<i32>} : memref<10240xf32, #tpu.memory_space<vmem>>, vector<16xf32>,
    %swap3A_388 = arith.constant 2912 : index
    %swap3A_389 = tpu.vector_load %arg17[%swap3A_388] {strides = array<i32>} : memref<10240xf32, #tpu.memory_space<vmem>>, vector<16xf32>,
    tpu.vector_store %arg17[%swap3A_388], %broadcast_in_dim3A_24 {strides = array<i32>} : memref<10240xf32, #tpu.memory_space<vmem>>, vector<16xf32>,
    %swap3A_390 = arith.constant 2928 : index
    %swap3A_391 = tpu.vector_load %arg17[%swap3A_390] {strides = array<i32>} : memref<10240xf32, #tpu.memory_space<vmem>>, vector<16xf32>,
    tpu.vector_store %arg17[%swap3A_390], %broadcast_in_dim3A_24 {strides = array<i32>} : memref<10240xf32, #tpu.memory_space<vmem>>, vector<16xf32>,
    %swap3A_392 = arith.constant 2944 : index
    %swap3A_393 = tpu.vector_load %arg17[%swap3A_392] {strides = array<i32>} : memref<10240xf32, #tpu.memory_space<vmem>>, vector<16xf32>,
    tpu.vector_store %arg17[%swap3A_392], %broadcast_in_dim3A_24 {strides = array<i32>} : memref<10240xf32, #tpu.memory_space<vmem>>, vector<16xf32>,
    %swap3A_394 = arith.constant 2960 : index
    %swap3A_395 = tpu.vector_load %arg17[%swap3A_394] {strides = array<i32>} : memref<10240xf32, #tpu.memory_space<vmem>>, vector<16xf32>,
    tpu.vector_store %arg17[%swap3A_394], %broadcast_in_dim3A_24 {strides = array<i32>} : memref<10240xf32, #tpu.memory_space<vmem>>, vector<16xf32>,
    %swap3A_396 = arith.constant 2976 : index
    %swap3A_397 = tpu.vector_load %arg17[%swap3A_396] {strides = array<i32>} : memref<10240xf32, #tpu.memory_space<vmem>>, vector<16xf32>,
    tpu.vector_store %arg17[%swap3A_396], %broadcast_in_dim3A_24 {strides = array<i32>} : memref<10240xf32, #tpu.memory_space<vmem>>, vector<16xf32>,
    %swap3A_398 = arith.constant 2992 : index
    %swap3A_399 = tpu.vector_load %arg17[%swap3A_398] {strides = array<i32>} : memref<10240xf32, #tpu.memory_space<vmem>>, vector<16xf32>,
    tpu.vector_store %arg17[%swap3A_398], %broadcast_in_dim3A_24 {strides = array<i32>} : memref<10240xf32, #tpu.memory_space<vmem>>, vector<16xf32>,
    %swap3A_400 = arith.constant 3008 : index
    %swap3A_401 = tpu.vector_load %arg17[%swap3A_400] {strides = array<i32>} : memref<10240xf32, #tpu.memory_space<vmem>>, vector<16xf32>,
    tpu.vector_store %arg17[%swap3A_400], %broadcast_in_dim3A_24 {strides = array<i32>} : memref<10240xf32, #tpu.memory_space<vmem>>, vector<16xf32>,
    %swap3A_402 = arith.constant 3024 : index
    %swap3A_403 = tpu.vector_load %arg17[%swap3A_402] {strides = array<i32>} : memref<10240xf32, #tpu.memory_space<vmem>>, vector<16xf32>,
    tpu.vector_store %arg17[%swap3A_402], %broadcast_in_dim3A_24 {strides = array<i32>} : memref<10240xf32, #tpu.memory_space<vmem>>, vector<16xf32>,
    %swap3A_404 = arith.constant 3040 : index
    %swap3A_405 = tpu.vector_load %arg17[%swap3A_404] {strides = array<i32>} : memref<10240xf32, #tpu.memory_space<vmem>>, vector<16xf32>,
    tpu.vector_store %arg17[%swap3A_404], %broadcast_in_dim3A_24 {strides = array<i32>} : memref<10240xf32, #tpu.memory_space<vmem>>, vector<16xf32>,
    %swap3A_406 = arith.constant 3056 : index
    %swap3A_407 = tpu.vector_load %arg17[%swap3A_406] {strides = array<i32>} : memref<10240xf32, #tpu.memory_space<vmem>>, vector<16xf32>,
    tpu.vector_store %arg17[%swap3A_406], %broadcast_in_dim3A_24 {strides = array<i32>} : memref<10240xf32, #tpu.memory_space<vmem>>, vector<16xf32>,
    %swap3A_408 = arith.constant 3072 : index
    %swap3A_409 = tpu.vector_load %arg17[%swap3A_408] {strides = array<i32>} : memref<10240xf32, #tpu.memory_space<vmem>>, vector<16xf32>,
    tpu.vector_store %arg17[%swap3A_408], %broadcast_in_dim3A_24 {strides = array<i32>} : memref<10240xf32, #tpu.memory_space<vmem>>, vector<16xf32>,
    %swap3A_410 = arith.constant 3088 : index
    %swap3A_411 = tpu.vector_load %arg17[%swap3A_410] {strides = array<i32>} : memref<10240xf32, #tpu.memory_space<vmem>>, vector<16xf32>,
    tpu.vector_store %arg17[%swap3A_410], %broadcast_in_dim3A_24 {strides = array<i32>} : memref<10240xf32, #tpu.memory_space<vmem>>, vector<16xf32>,
    %swap3A_412 = arith.constant 3104 : index
    %swap3A_413 = tpu.vector_load %arg17[%swap3A_412] {strides = array<i32>} : memref<10240xf32, #tpu.memory_space<vmem>>, vector<16xf32>,
    tpu.vector_store %arg17[%swap3A_412], %broadcast_in_dim3A_24 {strides = array<i32>} : memref<10240xf32, #tpu.memory_space<vmem>>, vector<16xf32>,
    %swap3A_414 = arith.constant 3120 : index
    %swap3A_415 = tpu.vector_load %arg17[%swap3A_414] {strides = array<i32>} : memref<10240xf32, #tpu.memory_space<vmem>>, vector<16xf32>,
    tpu.vector_store %arg17[%swap3A_414], %broadcast_in_dim3A_24 {strides = array<i32>} : memref<10240xf32, #tpu.memory_space<vmem>>, vector<16xf32>,
    %swap3A_416 = arith.constant 3136 : index
    %swap3A_417 = tpu.vector_load %arg17[%swap3A_416] {strides = array<i32>} : memref<10240xf32, #tpu.memory_space<vmem>>, vector<16xf32>,
    tpu.vector_store %arg17[%swap3A_416], %broadcast_in_dim3A_24 {strides = array<i32>} : memref<10240xf32, #tpu.memory_space<vmem>>, vector<16xf32>,
    %swap3A_418 = arith.constant 3152 : index
    %swap3A_419 = tpu.vector_load %arg17[%swap3A_418] {strides = array<i32>} : memref<10240xf32, #tpu.memory_space<vmem>>, vector<16xf32>,
    tpu.vector_store %arg17[%swap3A_418], %broadcast_in_dim3A_24 {strides = array<i32>} : memref<10240xf32, #tpu.memory_space<vmem>>, vector<16xf32>,
    %swap3A_420 = arith.constant 3168 : index
    %swap3A_421 = tpu.vector_load %arg17[%swap3A_420] {strides = array<i32>} : memref<10240xf32, #tpu.memory_space<vmem>>, vector<16xf32>,
    tpu.vector_store %arg17[%swap3A_420], %broadcast_in_dim3A_24 {strides = array<i32>} : memref<10240xf32, #tpu.memory_space<vmem>>, vector<16xf32>,
    %swap3A_422 = arith.constant 3184 : index
    %swap3A_423 = tpu.vector_load %arg17[%swap3A_422] {strides = array<i32>} : memref<10240xf32, #tpu.memory_space<vmem>>, vector<16xf32>,
    tpu.vector_store %arg17[%swap3A_422], %broadcast_in_dim3A_24 {strides = array<i32>} : memref<10240xf32, #tpu.memory_space<vmem>>, vector<16xf32>,
    %swap3A_424 = arith.constant 3200 : index
    %swap3A_425 = tpu.vector_load %arg17[%swap3A_424] {strides = array<i32>} : memref<10240xf32, #tpu.memory_space<vmem>>, vector<16xf32>,
    tpu.vector_store %arg17[%swap3A_424], %broadcast_in_dim3A_24 {strides = array<i32>} : memref<10240xf32, #tpu.memory_space<vmem>>, vector<16xf32>,
    %swap3A_426 = arith.constant 3216 : index
    %swap3A_427 = tpu.vector_load %arg17[%swap3A_426] {strides = array<i32>} : memref<10240xf32, #tpu.memory_space<vmem>>, vector<16xf32>,
    tpu.vector_store %arg17[%swap3A_426], %broadcast_in_dim3A_24 {strides = array<i32>} : memref<10240xf32, #tpu.memory_space<vmem>>, vector<16xf32>,
    %swap3A_428 = arith.constant 3232 : index
    %swap3A_429 = tpu.vector_load %arg17[%swap3A_428] {strides = array<i32>} : memref<10240xf32, #tpu.memory_space<vmem>>, vector<16xf32>,
    tpu.vector_store %arg17[%swap3A_428], %broadcast_in_dim3A_24 {strides = array<i32>} : memref<10240xf32, #tpu.memory_space<vmem>>, vector<16xf32>,
    %swap3A_430 = arith.constant 3248 : index
    %swap3A_431 = tpu.vector_load %arg17[%swap3A_430] {strides = array<i32>} : memref<10240xf32, #tpu.memory_space<vmem>>, vector<16xf32>,
    tpu.vector_store %arg17[%swap3A_430], %broadcast_in_dim3A_24 {strides = array<i32>} : memref<10240xf32, #tpu.memory_space<vmem>>, vector<16xf32>,
    %swap3A_432 = arith.constant 3264 : index
    %swap3A_433 = tpu.vector_load %arg17[%swap3A_432] {strides = array<i32>} : memref<10240xf32, #tpu.memory_space<vmem>>, vector<16xf32>,
    tpu.vector_store %arg17[%swap3A_432], %broadcast_in_dim3A_24 {strides = array<i32>} : memref<10240xf32, #tpu.memory_space<vmem>>, vector<16xf32>,
    %swap3A_434 = arith.constant 3280 : index
    %swap3A_435 = tpu.vector_load %arg17[%swap3A_434] {strides = array<i32>} : memref<10240xf32, #tpu.memory_space<vmem>>, vector<16xf32>,
    tpu.vector_store %arg17[%swap3A_434], %broadcast_in_dim3A_24 {strides = array<i32>} : memref<10240xf32, #tpu.memory_space<vmem>>, vector<16xf32>,
    %swap3A_436 = arith.constant 3296 : index
    %swap3A_437 = tpu.vector_load %arg17[%swap3A_436] {strides = array<i32>} : memref<10240xf32, #tpu.memory_space<vmem>>, vector<16xf32>,
    tpu.vector_store %arg17[%swap3A_436], %broadcast_in_dim3A_24 {strides = array<i32>} : memref<10240xf32, #tpu.memory_space<vmem>>, vector<16xf32>,
    %swap3A_438 = arith.constant 3312 : index
    %swap3A_439 = tpu.vector_load %arg17[%swap3A_438] {strides = array<i32>} : memref<10240xf32, #tpu.memory_space<vmem>>, vector<16xf32>,
    tpu.vector_store %arg17[%swap3A_438], %broadcast_in_dim3A_24 {strides = array<i32>} : memref<10240xf32, #tpu.memory_space<vmem>>, vector<16xf32>,
    %swap3A_440 = arith.constant 3328 : index
    %swap3A_441 = tpu.vector_load %arg17[%swap3A_440] {strides = array<i32>} : memref<10240xf32, #tpu.memory_space<vmem>>, vector<16xf32>,
    tpu.vector_store %arg17[%swap3A_440], %broadcast_in_dim3A_24 {strides = array<i32>} : memref<10240xf32, #tpu.memory_space<vmem>>, vector<16xf32>,
    %swap3A_442 = arith.constant 3344 : index
    %swap3A_443 = tpu.vector_load %arg17[%swap3A_442] {strides = array<i32>} : memref<10240xf32, #tpu.memory_space<vmem>>, vector<16xf32>,
    tpu.vector_store %arg17[%swap3A_442], %broadcast_in_dim3A_24 {strides = array<i32>} : memref<10240xf32, #tpu.memory_space<vmem>>, vector<16xf32>,
    %swap3A_444 = arith.constant 3360 : index
    %swap3A_445 = tpu.vector_load %arg17[%swap3A_444] {strides = array<i32>} : memref<10240xf32, #tpu.memory_space<vmem>>, vector<16xf32>,
    tpu.vector_store %arg17[%swap3A_444], %broadcast_in_dim3A_24 {strides = array<i32>} : memref<10240xf32, #tpu.memory_space<vmem>>, vector<16xf32>,
    %swap3A_446 = arith.constant 3376 : index
    %swap3A_447 = tpu.vector_load %arg17[%swap3A_446] {strides = array<i32>} : memref<10240xf32, #tpu.memory_space<vmem>>, vector<16xf32>,
    tpu.vector_store %arg17[%swap3A_446], %broadcast_in_dim3A_24 {strides = array<i32>} : memref<10240xf32, #tpu.memory_space<vmem>>, vector<16xf32>,
    %swap3A_448 = arith.constant 3392 : index
    %swap3A_449 = tpu.vector_load %arg17[%swap3A_448] {strides = array<i32>} : memref<10240xf32, #tpu.memory_space<vmem>>, vector<16xf32>,
    tpu.vector_store %arg17[%swap3A_448], %broadcast_in_dim3A_24 {strides = array<i32>} : memref<10240xf32, #tpu.memory_space<vmem>>, vector<16xf32>,
    %swap3A_450 = arith.constant 3408 : index
    %swap3A_451 = tpu.vector_load %arg17[%swap3A_450] {strides = array<i32>} : memref<10240xf32, #tpu.memory_space<vmem>>, vector<16xf32>,
    tpu.vector_store %arg17[%swap3A_450], %broadcast_in_dim3A_24 {strides = array<i32>} : memref<10240xf32, #tpu.memory_space<vmem>>, vector<16xf32>,
    %swap3A_452 = arith.constant 3424 : index
    %swap3A_453 = tpu.vector_load %arg17[%swap3A_452] {strides = array<i32>} : memref<10240xf32, #tpu.memory_space<vmem>>, vector<16xf32>,
    tpu.vector_store %arg17[%swap3A_452], %broadcast_in_dim3A_24 {strides = array<i32>} : memref<10240xf32, #tpu.memory_space<vmem>>, vector<16xf32>,
    %swap3A_454 = arith.constant 3440 : index
    %swap3A_455 = tpu.vector_load %arg17[%swap3A_454] {strides = array<i32>} : memref<10240xf32, #tpu.memory_space<vmem>>, vector<16xf32>,
    tpu.vector_store %arg17[%swap3A_454], %broadcast_in_dim3A_24 {strides = array<i32>} : memref<10240xf32, #tpu.memory_space<vmem>>, vector<16xf32>,
    %swap3A_456 = arith.constant 3456 : index
    %swap3A_457 = tpu.vector_load %arg17[%swap3A_456] {strides = array<i32>} : memref<10240xf32, #tpu.memory_space<vmem>>, vector<16xf32>,
    tpu.vector_store %arg17[%swap3A_456], %broadcast_in_dim3A_24 {strides = array<i32>} : memref<10240xf32, #tpu.memory_space<vmem>>, vector<16xf32>,
    %swap3A_458 = arith.constant 3472 : index
    %swap3A_459 = tpu.vector_load %arg17[%swap3A_458] {strides = array<i32>} : memref<10240xf32, #tpu.memory_space<vmem>>, vector<16xf32>,
    tpu.vector_store %arg17[%swap3A_458], %broadcast_in_dim3A_24 {strides = array<i32>} : memref<10240xf32, #tpu.memory_space<vmem>>, vector<16xf32>,
    %swap3A_460 = arith.constant 3488 : index
    %swap3A_461 = tpu.vector_load %arg17[%swap3A_460] {strides = array<i32>} : memref<10240xf32, #tpu.memory_space<vmem>>, vector<16xf32>,
    tpu.vector_store %arg17[%swap3A_460], %broadcast_in_dim3A_24 {strides = array<i32>} : memref<10240xf32, #tpu.memory_space<vmem>>, vector<16xf32>,
    %swap3A_462 = arith.constant 3504 : index
    %swap3A_463 = tpu.vector_load %arg17[%swap3A_462] {strides = array<i32>} : memref<10240xf32, #tpu.memory_space<vmem>>, vector<16xf32>,
    tpu.vector_store %arg17[%swap3A_462], %broadcast_in_dim3A_24 {strides = array<i32>} : memref<10240xf32, #tpu.memory_space<vmem>>, vector<16xf32>,
    %swap3A_464 = arith.constant 3520 : index
    %swap3A_465 = tpu.vector_load %arg17[%swap3A_464] {strides = array<i32>} : memref<10240xf32, #tpu.memory_space<vmem>>, vector<16xf32>,
    tpu.vector_store %arg17[%swap3A_464], %broadcast_in_dim3A_24 {strides = array<i32>} : memref<10240xf32, #tpu.memory_space<vmem>>, vector<16xf32>,
    %swap3A_466 = arith.constant 3536 : index
    %swap3A_467 = tpu.vector_load %arg17[%swap3A_466] {strides = array<i32>} : memref<10240xf32, #tpu.memory_space<vmem>>, vector<16xf32>,
    tpu.vector_store %arg17[%swap3A_466], %broadcast_in_dim3A_24 {strides = array<i32>} : memref<10240xf32, #tpu.memory_space<vmem>>, vector<16xf32>,
    %swap3A_468 = arith.constant 3552 : index
    %swap3A_469 = tpu.vector_load %arg17[%swap3A_468] {strides = array<i32>} : memref<10240xf32, #tpu.memory_space<vmem>>, vector<16xf32>,
    tpu.vector_store %arg17[%swap3A_468], %broadcast_in_dim3A_24 {strides = array<i32>} : memref<10240xf32, #tpu.memory_space<vmem>>, vector<16xf32>,
    %swap3A_470 = arith.constant 3568 : index
    %swap3A_471 = tpu.vector_load %arg17[%swap3A_470] {strides = array<i32>} : memref<10240xf32, #tpu.memory_space<vmem>>, vector<16xf32>,
    tpu.vector_store %arg17[%swap3A_470], %broadcast_in_dim3A_24 {strides = array<i32>} : memref<10240xf32, #tpu.memory_space<vmem>>, vector<16xf32>,
    %swap3A_472 = arith.constant 3584 : index
    %swap3A_473 = tpu.vector_load %arg17[%swap3A_472] {strides = array<i32>} : memref<10240xf32, #tpu.memory_space<vmem>>, vector<16xf32>,
    tpu.vector_store %arg17[%swap3A_472], %broadcast_in_dim3A_24 {strides = array<i32>} : memref<10240xf32, #tpu.memory_space<vmem>>, vector<16xf32>,
    %swap3A_474 = arith.constant 3600 : index
    %swap3A_475 = tpu.vector_load %arg17[%swap3A_474] {strides = array<i32>} : memref<10240xf32, #tpu.memory_space<vmem>>, vector<16xf32>,
    tpu.vector_store %arg17[%swap3A_474], %broadcast_in_dim3A_24 {strides = array<i32>} : memref<10240xf32, #tpu.memory_space<vmem>>, vector<16xf32>,
    %swap3A_476 = arith.constant 3616 : index
    %swap3A_477 = tpu.vector_load %arg17[%swap3A_476] {strides = array<i32>} : memref<10240xf32, #tpu.memory_space<vmem>>, vector<16xf32>,
    tpu.vector_store %arg17[%swap3A_476], %broadcast_in_dim3A_24 {strides = array<i32>} : memref<10240xf32, #tpu.memory_space<vmem>>, vector<16xf32>,
    %swap3A_478 = arith.constant 3632 : index
    %swap3A_479 = tpu.vector_load %arg17[%swap3A_478] {strides = array<i32>} : memref<10240xf32, #tpu.memory_space<vmem>>, vector<16xf32>,
    tpu.vector_store %arg17[%swap3A_478], %broadcast_in_dim3A_24 {strides = array<i32>} : memref<10240xf32, #tpu.memory_space<vmem>>, vector<16xf32>,
    %swap3A_480 = arith.constant 3648 : index
    %swap3A_481 = tpu.vector_load %arg17[%swap3A_480] {strides = array<i32>} : memref<10240xf32, #tpu.memory_space<vmem>>, vector<16xf32>,
    tpu.vector_store %arg17[%swap3A_480], %broadcast_in_dim3A_24 {strides = array<i32>} : memref<10240xf32, #tpu.memory_space<vmem>>, vector<16xf32>,
    %swap3A_482 = arith.constant 3664 : index
    %swap3A_483 = tpu.vector_load %arg17[%swap3A_482] {strides = array<i32>} : memref<10240xf32, #tpu.memory_space<vmem>>, vector<16xf32>,
    tpu.vector_store %arg17[%swap3A_482], %broadcast_in_dim3A_24 {strides = array<i32>} : memref<10240xf32, #tpu.memory_space<vmem>>, vector<16xf32>,
    %swap3A_484 = arith.constant 3680 : index
    %swap3A_485 = tpu.vector_load %arg17[%swap3A_484] {strides = array<i32>} : memref<10240xf32, #tpu.memory_space<vmem>>, vector<16xf32>,
    tpu.vector_store %arg17[%swap3A_484], %broadcast_in_dim3A_24 {strides = array<i32>} : memref<10240xf32, #tpu.memory_space<vmem>>, vector<16xf32>,
    %swap3A_486 = arith.constant 3696 : index
    %swap3A_487 = tpu.vector_load %arg17[%swap3A_486] {strides = array<i32>} : memref<10240xf32, #tpu.memory_space<vmem>>, vector<16xf32>,
    tpu.vector_store %arg17[%swap3A_486], %broadcast_in_dim3A_24 {strides = array<i32>} : memref<10240xf32, #tpu.memory_space<vmem>>, vector<16xf32>,
    %swap3A_488 = arith.constant 3712 : index
    %swap3A_489 = tpu.vector_load %arg17[%swap3A_488] {strides = array<i32>} : memref<10240xf32, #tpu.memory_space<vmem>>, vector<16xf32>,
    tpu.vector_store %arg17[%swap3A_488], %broadcast_in_dim3A_24 {strides = array<i32>} : memref<10240xf32, #tpu.memory_space<vmem>>, vector<16xf32>,
    %swap3A_490 = arith.constant 3728 : index
    %swap3A_491 = tpu.vector_load %arg17[%swap3A_490] {strides = array<i32>} : memref<10240xf32, #tpu.memory_space<vmem>>, vector<16xf32>,
    tpu.vector_store %arg17[%swap3A_490], %broadcast_in_dim3A_24 {strides = array<i32>} : memref<10240xf32, #tpu.memory_space<vmem>>, vector<16xf32>,
    %swap3A_492 = arith.constant 3744 : index
    %swap3A_493 = tpu.vector_load %arg17[%swap3A_492] {strides = array<i32>} : memref<10240xf32, #tpu.memory_space<vmem>>, vector<16xf32>,
    tpu.vector_store %arg17[%swap3A_492], %broadcast_in_dim3A_24 {strides = array<i32>} : memref<10240xf32, #tpu.memory_space<vmem>>, vector<16xf32>,
    %swap3A_494 = arith.constant 3760 : index
    %swap3A_495 = tpu.vector_load %arg17[%swap3A_494] {strides = array<i32>} : memref<10240xf32, #tpu.memory_space<vmem>>, vector<16xf32>,
    tpu.vector_store %arg17[%swap3A_494], %broadcast_in_dim3A_24 {strides = array<i32>} : memref<10240xf32, #tpu.memory_space<vmem>>, vector<16xf32>,
    %swap3A_496 = arith.constant 3776 : index
    %swap3A_497 = tpu.vector_load %arg17[%swap3A_496] {strides = array<i32>} : memref<10240xf32, #tpu.memory_space<vmem>>, vector<16xf32>,
    tpu.vector_store %arg17[%swap3A_496], %broadcast_in_dim3A_24 {strides = array<i32>} : memref<10240xf32, #tpu.memory_space<vmem>>, vector<16xf32>,
    %swap3A_498 = arith.constant 3792 : index
    %swap3A_499 = tpu.vector_load %arg17[%swap3A_498] {strides = array<i32>} : memref<10240xf32, #tpu.memory_space<vmem>>, vector<16xf32>,
    tpu.vector_store %arg17[%swap3A_498], %broadcast_in_dim3A_24 {strides = array<i32>} : memref<10240xf32, #tpu.memory_space<vmem>>, vector<16xf32>,
    %swap3A_500 = arith.constant 3808 : index
    %swap3A_501 = tpu.vector_load %arg17[%swap3A_500] {strides = array<i32>} : memref<10240xf32, #tpu.memory_space<vmem>>, vector<16xf32>,
    tpu.vector_store %arg17[%swap3A_500], %broadcast_in_dim3A_24 {strides = array<i32>} : memref<10240xf32, #tpu.memory_space<vmem>>, vector<16xf32>,
    %swap3A_502 = arith.constant 3824 : index
    %swap3A_503 = tpu.vector_load %arg17[%swap3A_502] {strides = array<i32>} : memref<10240xf32, #tpu.memory_space<vmem>>, vector<16xf32>,
    tpu.vector_store %arg17[%swap3A_502], %broadcast_in_dim3A_24 {strides = array<i32>} : memref<10240xf32, #tpu.memory_space<vmem>>, vector<16xf32>,
    %swap3A_504 = arith.constant 3840 : index
    %swap3A_505 = tpu.vector_load %arg17[%swap3A_504] {strides = array<i32>} : memref<10240xf32, #tpu.memory_space<vmem>>, vector<16xf32>,
    tpu.vector_store %arg17[%swap3A_504], %broadcast_in_dim3A_24 {strides = array<i32>} : memref<10240xf32, #tpu.memory_space<vmem>>, vector<16xf32>,
    %swap3A_506 = arith.constant 3856 : index
    %swap3A_507 = tpu.vector_load %arg17[%swap3A_506] {strides = array<i32>} : memref<10240xf32, #tpu.memory_space<vmem>>, vector<16xf32>,
    tpu.vector_store %arg17[%swap3A_506], %broadcast_in_dim3A_24 {strides = array<i32>} : memref<10240xf32, #tpu.memory_space<vmem>>, vector<16xf32>,
    %swap3A_508 = arith.constant 3872 : index
    %swap3A_509 = tpu.vector_load %arg17[%swap3A_508] {strides = array<i32>} : memref<10240xf32, #tpu.memory_space<vmem>>, vector<16xf32>,
    tpu.vector_store %arg17[%swap3A_508], %broadcast_in_dim3A_24 {strides = array<i32>} : memref<10240xf32, #tpu.memory_space<vmem>>, vector<16xf32>,
    %swap3A_510 = arith.constant 3888 : index
    %swap3A_511 = tpu.vector_load %arg17[%swap3A_510] {strides = array<i32>} : memref<10240xf32, #tpu.memory_space<vmem>>, vector<16xf32>,
    tpu.vector_store %arg17[%swap3A_510], %broadcast_in_dim3A_24 {strides = array<i32>} : memref<10240xf32, #tpu.memory_space<vmem>>, vector<16xf32>,
    %swap3A_512 = arith.constant 3904 : index
    %swap3A_513 = tpu.vector_load %arg17[%swap3A_512] {strides = array<i32>} : memref<10240xf32, #tpu.memory_space<vmem>>, vector<16xf32>,
    tpu.vector_store %arg17[%swap3A_512], %broadcast_in_dim3A_24 {strides = array<i32>} : memref<10240xf32, #tpu.memory_space<vmem>>, vector<16xf32>,
    %swap3A_514 = arith.constant 3920 : index
    %swap3A_515 = tpu.vector_load %arg17[%swap3A_514] {strides = array<i32>} : memref<10240xf32, #tpu.memory_space<vmem>>, vector<16xf32>,
    tpu.vector_store %arg17[%swap3A_514], %broadcast_in_dim3A_24 {strides = array<i32>} : memref<10240xf32, #tpu.memory_space<vmem>>, vector<16xf32>,
    %swap3A_516 = arith.constant 3936 : index
    %swap3A_517 = tpu.vector_load %arg17[%swap3A_516] {strides = array<i32>} : memref<10240xf32, #tpu.memory_space<vmem>>, vector<16xf32>,
    tpu.vector_store %arg17[%swap3A_516], %broadcast_in_dim3A_24 {strides = array<i32>} : memref<10240xf32, #tpu.memory_space<vmem>>, vector<16xf32>,
    %swap3A_518 = arith.constant 3952 : index
    %swap3A_519 = tpu.vector_load %arg17[%swap3A_518] {strides = array<i32>} : memref<10240xf32, #tpu.memory_space<vmem>>, vector<16xf32>,
    tpu.vector_store %arg17[%swap3A_518], %broadcast_in_dim3A_24 {strides = array<i32>} : memref<10240xf32, #tpu.memory_space<vmem>>, vector<16xf32>,
    %swap3A_520 = arith.constant 3968 : index
    %swap3A_521 = tpu.vector_load %arg17[%swap3A_520] {strides = array<i32>} : memref<10240xf32, #tpu.memory_space<vmem>>, vector<16xf32>,
    tpu.vector_store %arg17[%swap3A_520], %broadcast_in_dim3A_24 {strides = array<i32>} : memref<10240xf32, #tpu.memory_space<vmem>>, vector<16xf32>,
    %swap3A_522 = arith.constant 3984 : index
    %swap3A_523 = tpu.vector_load %arg17[%swap3A_522] {strides = array<i32>} : memref<10240xf32, #tpu.memory_space<vmem>>, vector<16xf32>,
    tpu.vector_store %arg17[%swap3A_522], %broadcast_in_dim3A_24 {strides = array<i32>} : memref<10240xf32, #tpu.memory_space<vmem>>, vector<16xf32>,
    %swap3A_524 = arith.constant 4000 : index
    %swap3A_525 = tpu.vector_load %arg17[%swap3A_524] {strides = array<i32>} : memref<10240xf32, #tpu.memory_space<vmem>>, vector<16xf32>,
    tpu.vector_store %arg17[%swap3A_524], %broadcast_in_dim3A_24 {strides = array<i32>} : memref<10240xf32, #tpu.memory_space<vmem>>, vector<16xf32>,
    %swap3A_526 = arith.constant 4016 : index
    %swap3A_527 = tpu.vector_load %arg17[%swap3A_526] {strides = array<i32>} : memref<10240xf32, #tpu.memory_space<vmem>>, vector<16xf32>,
    tpu.vector_store %arg17[%swap3A_526], %broadcast_in_dim3A_24 {strides = array<i32>} : memref<10240xf32, #tpu.memory_space<vmem>>, vector<16xf32>,
    %swap3A_528 = arith.constant 4032 : index
    %swap3A_529 = tpu.vector_load %arg17[%swap3A_528] {strides = array<i32>} : memref<10240xf32, #tpu.memory_space<vmem>>, vector<16xf32>,
    tpu.vector_store %arg17[%swap3A_528], %broadcast_in_dim3A_24 {strides = array<i32>} : memref<10240xf32, #tpu.memory_space<vmem>>, vector<16xf32>,
    %swap3A_530 = arith.constant 4048 : index
    %swap3A_531 = tpu.vector_load %arg17[%swap3A_530] {strides = array<i32>} : memref<10240xf32, #tpu.memory_space<vmem>>, vector<16xf32>,
    tpu.vector_store %arg17[%swap3A_530], %broadcast_in_dim3A_24 {strides = array<i32>} : memref<10240xf32, #tpu.memory_space<vmem>>, vector<16xf32>,
    %swap3A_532 = arith.constant 4064 : index
    %swap3A_533 = tpu.vector_load %arg17[%swap3A_532] {strides = array<i32>} : memref<10240xf32, #tpu.memory_space<vmem>>, vector<16xf32>,
    tpu.vector_store %arg17[%swap3A_532], %broadcast_in_dim3A_24 {strides = array<i32>} : memref<10240xf32, #tpu.memory_space<vmem>>, vector<16xf32>,
    %swap3A_534 = arith.constant 4080 : index
    %swap3A_535 = tpu.vector_load %arg17[%swap3A_534] {strides = array<i32>} : memref<10240xf32, #tpu.memory_space<vmem>>, vector<16xf32>,
    tpu.vector_store %arg17[%swap3A_534], %broadcast_in_dim3A_24 {strides = array<i32>} : memref<10240xf32, #tpu.memory_space<vmem>>, vector<16xf32>,
    %swap3A_536 = arith.constant 4096 : index
    %swap3A_537 = tpu.vector_load %arg17[%swap3A_536] {strides = array<i32>} : memref<10240xf32, #tpu.memory_space<vmem>>, vector<16xf32>,
    tpu.vector_store %arg17[%swap3A_536], %broadcast_in_dim3A_24 {strides = array<i32>} : memref<10240xf32, #tpu.memory_space<vmem>>, vector<16xf32>,
    %swap3A_538 = arith.constant 4112 : index
    %swap3A_539 = tpu.vector_load %arg17[%swap3A_538] {strides = array<i32>} : memref<10240xf32, #tpu.memory_space<vmem>>, vector<16xf32>,
    tpu.vector_store %arg17[%swap3A_538], %broadcast_in_dim3A_24 {strides = array<i32>} : memref<10240xf32, #tpu.memory_space<vmem>>, vector<16xf32>,
    %swap3A_540 = arith.constant 4128 : index
    %swap3A_541 = tpu.vector_load %arg17[%swap3A_540] {strides = array<i32>} : memref<10240xf32, #tpu.memory_space<vmem>>, vector<16xf32>,
    tpu.vector_store %arg17[%swap3A_540], %broadcast_in_dim3A_24 {strides = array<i32>} : memref<10240xf32, #tpu.memory_space<vmem>>, vector<16xf32>,
    %swap3A_542 = arith.constant 4144 : index
    %swap3A_543 = tpu.vector_load %arg17[%swap3A_542] {strides = array<i32>} : memref<10240xf32, #tpu.memory_space<vmem>>, vector<16xf32>,
    tpu.vector_store %arg17[%swap3A_542], %broadcast_in_dim3A_24 {strides = array<i32>} : memref<10240xf32, #tpu.memory_space<vmem>>, vector<16xf32>,
    %swap3A_544 = arith.constant 4160 : index
    %swap3A_545 = tpu.vector_load %arg17[%swap3A_544] {strides = array<i32>} : memref<10240xf32, #tpu.memory_space<vmem>>, vector<16xf32>,
    tpu.vector_store %arg17[%swap3A_544], %broadcast_in_dim3A_24 {strides = array<i32>} : memref<10240xf32, #tpu.memory_space<vmem>>, vector<16xf32>,
    %swap3A_546 = arith.constant 4176 : index
    %swap3A_547 = tpu.vector_load %arg17[%swap3A_546] {strides = array<i32>} : memref<10240xf32, #tpu.memory_space<vmem>>, vector<16xf32>,
    tpu.vector_store %arg17[%swap3A_546], %broadcast_in_dim3A_24 {strides = array<i32>} : memref<10240xf32, #tpu.memory_space<vmem>>, vector<16xf32>,
    %swap3A_548 = arith.constant 4192 : index
    %swap3A_549 = tpu.vector_load %arg17[%swap3A_548] {strides = array<i32>} : memref<10240xf32, #tpu.memory_space<vmem>>, vector<16xf32>,
    tpu.vector_store %arg17[%swap3A_548], %broadcast_in_dim3A_24 {strides = array<i32>} : memref<10240xf32, #tpu.memory_space<vmem>>, vector<16xf32>,
    %swap3A_550 = arith.constant 4208 : index
    %swap3A_551 = tpu.vector_load %arg17[%swap3A_550] {strides = array<i32>} : memref<10240xf32, #tpu.memory_space<vmem>>, vector<16xf32>,
    tpu.vector_store %arg17[%swap3A_550], %broadcast_in_dim3A_24 {strides = array<i32>} : memref<10240xf32, #tpu.memory_space<vmem>>, vector<16xf32>,
    %swap3A_552 = arith.constant 4224 : index
    %swap3A_553 = tpu.vector_load %arg17[%swap3A_552] {strides = array<i32>} : memref<10240xf32, #tpu.memory_space<vmem>>, vector<16xf32>,
    tpu.vector_store %arg17[%swap3A_552], %broadcast_in_dim3A_24 {strides = array<i32>} : memref<10240xf32, #tpu.memory_space<vmem>>, vector<16xf32>,
    %swap3A_554 = arith.constant 4240 : index
    %swap3A_555 = tpu.vector_load %arg17[%swap3A_554] {strides = array<i32>} : memref<10240xf32, #tpu.memory_space<vmem>>, vector<16xf32>,
    tpu.vector_store %arg17[%swap3A_554], %broadcast_in_dim3A_24 {strides = array<i32>} : memref<10240xf32, #tpu.memory_space<vmem>>, vector<16xf32>,
    %swap3A_556 = arith.constant 4256 : index
    %swap3A_557 = tpu.vector_load %arg17[%swap3A_556] {strides = array<i32>} : memref<10240xf32, #tpu.memory_space<vmem>>, vector<16xf32>,
    tpu.vector_store %arg17[%swap3A_556], %broadcast_in_dim3A_24 {strides = array<i32>} : memref<10240xf32, #tpu.memory_space<vmem>>, vector<16xf32>,
    %swap3A_558 = arith.constant 4272 : index
    %swap3A_559 = tpu.vector_load %arg17[%swap3A_558] {strides = array<i32>} : memref<10240xf32, #tpu.memory_space<vmem>>, vector<16xf32>,
    tpu.vector_store %arg17[%swap3A_558], %broadcast_in_dim3A_24 {strides = array<i32>} : memref<10240xf32, #tpu.memory_space<vmem>>, vector<16xf32>,
    %swap3A_560 = arith.constant 4288 : index
    %swap3A_561 = tpu.vector_load %arg17[%swap3A_560] {strides = array<i32>} : memref<10240xf32, #tpu.memory_space<vmem>>, vector<16xf32>,
    tpu.vector_store %arg17[%swap3A_560], %broadcast_in_dim3A_24 {strides = array<i32>} : memref<10240xf32, #tpu.memory_space<vmem>>, vector<16xf32>,
    %swap3A_562 = arith.constant 4304 : index
    %swap3A_563 = tpu.vector_load %arg17[%swap3A_562] {strides = array<i32>} : memref<10240xf32, #tpu.memory_space<vmem>>, vector<16xf32>,
    tpu.vector_store %arg17[%swap3A_562], %broadcast_in_dim3A_24 {strides = array<i32>} : memref<10240xf32, #tpu.memory_space<vmem>>, vector<16xf32>,
    %swap3A_564 = arith.constant 4320 : index
    %swap3A_565 = tpu.vector_load %arg17[%swap3A_564] {strides = array<i32>} : memref<10240xf32, #tpu.memory_space<vmem>>, vector<16xf32>,
    tpu.vector_store %arg17[%swap3A_564], %broadcast_in_dim3A_24 {strides = array<i32>} : memref<10240xf32, #tpu.memory_space<vmem>>, vector<16xf32>,
    %swap3A_566 = arith.constant 4336 : index
    %swap3A_567 = tpu.vector_load %arg17[%swap3A_566] {strides = array<i32>} : memref<10240xf32, #tpu.memory_space<vmem>>, vector<16xf32>,
    tpu.vector_store %arg17[%swap3A_566], %broadcast_in_dim3A_24 {strides = array<i32>} : memref<10240xf32, #tpu.memory_space<vmem>>, vector<16xf32>,
    %swap3A_568 = arith.constant 4352 : index
    %swap3A_569 = tpu.vector_load %arg17[%swap3A_568] {strides = array<i32>} : memref<10240xf32, #tpu.memory_space<vmem>>, vector<16xf32>,
    tpu.vector_store %arg17[%swap3A_568], %broadcast_in_dim3A_24 {strides = array<i32>} : memref<10240xf32, #tpu.memory_space<vmem>>, vector<16xf32>,
    %swap3A_570 = arith.constant 4368 : index
    %swap3A_571 = tpu.vector_load %arg17[%swap3A_570] {strides = array<i32>} : memref<10240xf32, #tpu.memory_space<vmem>>, vector<16xf32>,
    tpu.vector_store %arg17[%swap3A_570], %broadcast_in_dim3A_24 {strides = array<i32>} : memref<10240xf32, #tpu.memory_space<vmem>>, vector<16xf32>,
    %swap3A_572 = arith.constant 4384 : index
    %swap3A_573 = tpu.vector_load %arg17[%swap3A_572] {strides = array<i32>} : memref<10240xf32, #tpu.memory_space<vmem>>, vector<16xf32>,
    tpu.vector_store %arg17[%swap3A_572], %broadcast_in_dim3A_24 {strides = array<i32>} : memref<10240xf32, #tpu.memory_space<vmem>>, vector<16xf32>,
    %swap3A_574 = arith.constant 4400 : index
    %swap3A_575 = tpu.vector_load %arg17[%swap3A_574] {strides = array<i32>} : memref<10240xf32, #tpu.memory_space<vmem>>, vector<16xf32>,
    tpu.vector_store %arg17[%swap3A_574], %broadcast_in_dim3A_24 {strides = array<i32>} : memref<10240xf32, #tpu.memory_space<vmem>>, vector<16xf32>,
    %swap3A_576 = arith.constant 4416 : index
    %swap3A_577 = tpu.vector_load %arg17[%swap3A_576] {strides = array<i32>} : memref<10240xf32, #tpu.memory_space<vmem>>, vector<16xf32>,
    tpu.vector_store %arg17[%swap3A_576], %broadcast_in_dim3A_24 {strides = array<i32>} : memref<10240xf32, #tpu.memory_space<vmem>>, vector<16xf32>,
    %swap3A_578 = arith.constant 4432 : index
    %swap3A_579 = tpu.vector_load %arg17[%swap3A_578] {strides = array<i32>} : memref<10240xf32, #tpu.memory_space<vmem>>, vector<16xf32>,
    tpu.vector_store %arg17[%swap3A_578], %broadcast_in_dim3A_24 {strides = array<i32>} : memref<10240xf32, #tpu.memory_space<vmem>>, vector<16xf32>,
    %swap3A_580 = arith.constant 4448 : index
    %swap3A_581 = tpu.vector_load %arg17[%swap3A_580] {strides = array<i32>} : memref<10240xf32, #tpu.memory_space<vmem>>, vector<16xf32>,
    tpu.vector_store %arg17[%swap3A_580], %broadcast_in_dim3A_24 {strides = array<i32>} : memref<10240xf32, #tpu.memory_space<vmem>>, vector<16xf32>,
    %swap3A_582 = arith.constant 4464 : index
    %swap3A_583 = tpu.vector_load %arg17[%swap3A_582] {strides = array<i32>} : memref<10240xf32, #tpu.memory_space<vmem>>, vector<16xf32>,
    tpu.vector_store %arg17[%swap3A_582], %broadcast_in_dim3A_24 {strides = array<i32>} : memref<10240xf32, #tpu.memory_space<vmem>>, vector<16xf32>,
    %swap3A_584 = arith.constant 4480 : index
    %swap3A_585 = tpu.vector_load %arg17[%swap3A_584] {strides = array<i32>} : memref<10240xf32, #tpu.memory_space<vmem>>, vector<16xf32>,
    tpu.vector_store %arg17[%swap3A_584], %broadcast_in_dim3A_24 {strides = array<i32>} : memref<10240xf32, #tpu.memory_space<vmem>>, vector<16xf32>,
    %swap3A_586 = arith.constant 4496 : index
    %swap3A_587 = tpu.vector_load %arg17[%swap3A_586] {strides = array<i32>} : memref<10240xf32, #tpu.memory_space<vmem>>, vector<16xf32>,
    tpu.vector_store %arg17[%swap3A_586], %broadcast_in_dim3A_24 {strides = array<i32>} : memref<10240xf32, #tpu.memory_space<vmem>>, vector<16xf32>,
    %swap3A_588 = arith.constant 4512 : index
    %swap3A_589 = tpu.vector_load %arg17[%swap3A_588] {strides = array<i32>} : memref<10240xf32, #tpu.memory_space<vmem>>, vector<16xf32>,
    tpu.vector_store %arg17[%swap3A_588], %broadcast_in_dim3A_24 {strides = array<i32>} : memref<10240xf32, #tpu.memory_space<vmem>>, vector<16xf32>,
    %swap3A_590 = arith.constant 4528 : index
    %swap3A_591 = tpu.vector_load %arg17[%swap3A_590] {strides = array<i32>} : memref<10240xf32, #tpu.memory_space<vmem>>, vector<16xf32>,
    tpu.vector_store %arg17[%swap3A_590], %broadcast_in_dim3A_24 {strides = array<i32>} : memref<10240xf32, #tpu.memory_space<vmem>>, vector<16xf32>,
    %swap3A_592 = arith.constant 4544 : index
    %swap3A_593 = tpu.vector_load %arg17[%swap3A_592] {strides = array<i32>} : memref<10240xf32, #tpu.memory_space<vmem>>, vector<16xf32>,
    tpu.vector_store %arg17[%swap3A_592], %broadcast_in_dim3A_24 {strides = array<i32>} : memref<10240xf32, #tpu.memory_space<vmem>>, vector<16xf32>,
    %swap3A_594 = arith.constant 4560 : index
    %swap3A_595 = tpu.vector_load %arg17[%swap3A_594] {strides = array<i32>} : memref<10240xf32, #tpu.memory_space<vmem>>, vector<16xf32>,
    tpu.vector_store %arg17[%swap3A_594], %broadcast_in_dim3A_24 {strides = array<i32>} : memref<10240xf32, #tpu.memory_space<vmem>>, vector<16xf32>,
    %swap3A_596 = arith.constant 4576 : index
    %swap3A_597 = tpu.vector_load %arg17[%swap3A_596] {strides = array<i32>} : memref<10240xf32, #tpu.memory_space<vmem>>, vector<16xf32>,
    tpu.vector_store %arg17[%swap3A_596], %broadcast_in_dim3A_24 {strides = array<i32>} : memref<10240xf32, #tpu.memory_space<vmem>>, vector<16xf32>,
    %swap3A_598 = arith.constant 4592 : index
    %swap3A_599 = tpu.vector_load %arg17[%swap3A_598] {strides = array<i32>} : memref<10240xf32, #tpu.memory_space<vmem>>, vector<16xf32>,
    tpu.vector_store %arg17[%swap3A_598], %broadcast_in_dim3A_24 {strides = array<i32>} : memref<10240xf32, #tpu.memory_space<vmem>>, vector<16xf32>,
    %swap3A_600 = arith.constant 4608 : index
    %swap3A_601 = tpu.vector_load %arg17[%swap3A_600] {strides = array<i32>} : memref<10240xf32, #tpu.memory_space<vmem>>, vector<16xf32>,
    tpu.vector_store %arg17[%swap3A_600], %broadcast_in_dim3A_24 {strides = array<i32>} : memref<10240xf32, #tpu.memory_space<vmem>>, vector<16xf32>,
    %swap3A_602 = arith.constant 4624 : index
    %swap3A_603 = tpu.vector_load %arg17[%swap3A_602] {strides = array<i32>} : memref<10240xf32, #tpu.memory_space<vmem>>, vector<16xf32>,
    tpu.vector_store %arg17[%swap3A_602], %broadcast_in_dim3A_24 {strides = array<i32>} : memref<10240xf32, #tpu.memory_space<vmem>>, vector<16xf32>,
    %swap3A_604 = arith.constant 4640 : index
    %swap3A_605 = tpu.vector_load %arg17[%swap3A_604] {strides = array<i32>} : memref<10240xf32, #tpu.memory_space<vmem>>, vector<16xf32>,
    tpu.vector_store %arg17[%swap3A_604], %broadcast_in_dim3A_24 {strides = array<i32>} : memref<10240xf32, #tpu.memory_space<vmem>>, vector<16xf32>,
    %swap3A_606 = arith.constant 4656 : index
    %swap3A_607 = tpu.vector_load %arg17[%swap3A_606] {strides = array<i32>} : memref<10240xf32, #tpu.memory_space<vmem>>, vector<16xf32>,
    tpu.vector_store %arg17[%swap3A_606], %broadcast_in_dim3A_24 {strides = array<i32>} : memref<10240xf32, #tpu.memory_space<vmem>>, vector<16xf32>,
    %swap3A_608 = arith.constant 4672 : index
    %swap3A_609 = tpu.vector_load %arg17[%swap3A_608] {strides = array<i32>} : memref<10240xf32, #tpu.memory_space<vmem>>, vector<16xf32>,
    tpu.vector_store %arg17[%swap3A_608], %broadcast_in_dim3A_24 {strides = array<i32>} : memref<10240xf32, #tpu.memory_space<vmem>>, vector<16xf32>,
    %swap3A_610 = arith.constant 4688 : index
    %swap3A_611 = tpu.vector_load %arg17[%swap3A_610] {strides = array<i32>} : memref<10240xf32, #tpu.memory_space<vmem>>, vector<16xf32>,
    tpu.vector_store %arg17[%swap3A_610], %broadcast_in_dim3A_24 {strides = array<i32>} : memref<10240xf32, #tpu.memory_space<vmem>>, vector<16xf32>,
    %swap3A_612 = arith.constant 4704 : index
    %swap3A_613 = tpu.vector_load %arg17[%swap3A_612] {strides = array<i32>} : memref<10240xf32, #tpu.memory_space<vmem>>, vector<16xf32>,
    tpu.vector_store %arg17[%swap3A_612], %broadcast_in_dim3A_24 {strides = array<i32>} : memref<10240xf32, #tpu.memory_space<vmem>>, vector<16xf32>,
    %swap3A_614 = arith.constant 4720 : index
    %swap3A_615 = tpu.vector_load %arg17[%swap3A_614] {strides = array<i32>} : memref<10240xf32, #tpu.memory_space<vmem>>, vector<16xf32>,
    tpu.vector_store %arg17[%swap3A_614], %broadcast_in_dim3A_24 {strides = array<i32>} : memref<10240xf32, #tpu.memory_space<vmem>>, vector<16xf32>,
    %swap3A_616 = arith.constant 4736 : index
    %swap3A_617 = tpu.vector_load %arg17[%swap3A_616] {strides = array<i32>} : memref<10240xf32, #tpu.memory_space<vmem>>, vector<16xf32>,
    tpu.vector_store %arg17[%swap3A_616], %broadcast_in_dim3A_24 {strides = array<i32>} : memref<10240xf32, #tpu.memory_space<vmem>>, vector<16xf32>,
    %swap3A_618 = arith.constant 4752 : index
    %swap3A_619 = tpu.vector_load %arg17[%swap3A_618] {strides = array<i32>} : memref<10240xf32, #tpu.memory_space<vmem>>, vector<16xf32>,
    tpu.vector_store %arg17[%swap3A_618], %broadcast_in_dim3A_24 {strides = array<i32>} : memref<10240xf32, #tpu.memory_space<vmem>>, vector<16xf32>,
    %swap3A_620 = arith.constant 4768 : index
    %swap3A_621 = tpu.vector_load %arg17[%swap3A_620] {strides = array<i32>} : memref<10240xf32, #tpu.memory_space<vmem>>, vector<16xf32>,
    tpu.vector_store %arg17[%swap3A_620], %broadcast_in_dim3A_24 {strides = array<i32>} : memref<10240xf32, #tpu.memory_space<vmem>>, vector<16xf32>,
    %swap3A_622 = arith.constant 4784 : index
    %swap3A_623 = tpu.vector_load %arg17[%swap3A_622] {strides = array<i32>} : memref<10240xf32, #tpu.memory_space<vmem>>, vector<16xf32>,
    tpu.vector_store %arg17[%swap3A_622], %broadcast_in_dim3A_24 {strides = array<i32>} : memref<10240xf32, #tpu.memory_space<vmem>>, vector<16xf32>,
    %swap3A_624 = arith.constant 4800 : index
    %swap3A_625 = tpu.vector_load %arg17[%swap3A_624] {strides = array<i32>} : memref<10240xf32, #tpu.memory_space<vmem>>, vector<16xf32>,
    tpu.vector_store %arg17[%swap3A_624], %broadcast_in_dim3A_24 {strides = array<i32>} : memref<10240xf32, #tpu.memory_space<vmem>>, vector<16xf32>,
    %swap3A_626 = arith.constant 4816 : index
    %swap3A_627 = tpu.vector_load %arg17[%swap3A_626] {strides = array<i32>} : memref<10240xf32, #tpu.memory_space<vmem>>, vector<16xf32>,
    tpu.vector_store %arg17[%swap3A_626], %broadcast_in_dim3A_24 {strides = array<i32>} : memref<10240xf32, #tpu.memory_space<vmem>>, vector<16xf32>,
    %swap3A_628 = arith.constant 4832 : index
    %swap3A_629 = tpu.vector_load %arg17[%swap3A_628] {strides = array<i32>} : memref<10240xf32, #tpu.memory_space<vmem>>, vector<16xf32>,
    tpu.vector_store %arg17[%swap3A_628], %broadcast_in_dim3A_24 {strides = array<i32>} : memref<10240xf32, #tpu.memory_space<vmem>>, vector<16xf32>,
    %swap3A_630 = arith.constant 4848 : index
    %swap3A_631 = tpu.vector_load %arg17[%swap3A_630] {strides = array<i32>} : memref<10240xf32, #tpu.memory_space<vmem>>, vector<16xf32>,
    tpu.vector_store %arg17[%swap3A_630], %broadcast_in_dim3A_24 {strides = array<i32>} : memref<10240xf32, #tpu.memory_space<vmem>>, vector<16xf32>,
    %swap3A_632 = arith.constant 4864 : index
    %swap3A_633 = tpu.vector_load %arg17[%swap3A_632] {strides = array<i32>} : memref<10240xf32, #tpu.memory_space<vmem>>, vector<16xf32>,
    tpu.vector_store %arg17[%swap3A_632], %broadcast_in_dim3A_24 {strides = array<i32>} : memref<10240xf32, #tpu.memory_space<vmem>>, vector<16xf32>,
    %swap3A_634 = arith.constant 4880 : index
    %swap3A_635 = tpu.vector_load %arg17[%swap3A_634] {strides = array<i32>} : memref<10240xf32, #tpu.memory_space<vmem>>, vector<16xf32>,
    tpu.vector_store %arg17[%swap3A_634], %broadcast_in_dim3A_24 {strides = array<i32>} : memref<10240xf32, #tpu.memory_space<vmem>>, vector<16xf32>,
    %swap3A_636 = arith.constant 4896 : index
    %swap3A_637 = tpu.vector_load %arg17[%swap3A_636] {strides = array<i32>} : memref<10240xf32, #tpu.memory_space<vmem>>, vector<16xf32>,
    tpu.vector_store %arg17[%swap3A_636], %broadcast_in_dim3A_24 {strides = array<i32>} : memref<10240xf32, #tpu.memory_space<vmem>>, vector<16xf32>,
    %swap3A_638 = arith.constant 4912 : index
    %swap3A_639 = tpu.vector_load %arg17[%swap3A_638] {strides = array<i32>} : memref<10240xf32, #tpu.memory_space<vmem>>, vector<16xf32>,
    tpu.vector_store %arg17[%swap3A_638], %broadcast_in_dim3A_24 {strides = array<i32>} : memref<10240xf32, #tpu.memory_space<vmem>>, vector<16xf32>,
    %swap3A_640 = arith.constant 4928 : index
    %swap3A_641 = tpu.vector_load %arg17[%swap3A_640] {strides = array<i32>} : memref<10240xf32, #tpu.memory_space<vmem>>, vector<16xf32>,
    tpu.vector_store %arg17[%swap3A_640], %broadcast_in_dim3A_24 {strides = array<i32>} : memref<10240xf32, #tpu.memory_space<vmem>>, vector<16xf32>,
    %swap3A_642 = arith.constant 4944 : index
    %swap3A_643 = tpu.vector_load %arg17[%swap3A_642] {strides = array<i32>} : memref<10240xf32, #tpu.memory_space<vmem>>, vector<16xf32>,
    tpu.vector_store %arg17[%swap3A_642], %broadcast_in_dim3A_24 {strides = array<i32>} : memref<10240xf32, #tpu.memory_space<vmem>>, vector<16xf32>,
    %swap3A_644 = arith.constant 4960 : index
    %swap3A_645 = tpu.vector_load %arg17[%swap3A_644] {strides = array<i32>} : memref<10240xf32, #tpu.memory_space<vmem>>, vector<16xf32>,
    tpu.vector_store %arg17[%swap3A_644], %broadcast_in_dim3A_24 {strides = array<i32>} : memref<10240xf32, #tpu.memory_space<vmem>>, vector<16xf32>,
    %swap3A_646 = arith.constant 4976 : index
    %swap3A_647 = tpu.vector_load %arg17[%swap3A_646] {strides = array<i32>} : memref<10240xf32, #tpu.memory_space<vmem>>, vector<16xf32>,
    tpu.vector_store %arg17[%swap3A_646], %broadcast_in_dim3A_24 {strides = array<i32>} : memref<10240xf32, #tpu.memory_space<vmem>>, vector<16xf32>,
    %swap3A_648 = arith.constant 4992 : index
    %swap3A_649 = tpu.vector_load %arg17[%swap3A_648] {strides = array<i32>} : memref<10240xf32, #tpu.memory_space<vmem>>, vector<16xf32>,
    tpu.vector_store %arg17[%swap3A_648], %broadcast_in_dim3A_24 {strides = array<i32>} : memref<10240xf32, #tpu.memory_space<vmem>>, vector<16xf32>,
    %swap3A_650 = arith.constant 5008 : index
    %swap3A_651 = tpu.vector_load %arg17[%swap3A_650] {strides = array<i32>} : memref<10240xf32, #tpu.memory_space<vmem>>, vector<16xf32>,
    tpu.vector_store %arg17[%swap3A_650], %broadcast_in_dim3A_24 {strides = array<i32>} : memref<10240xf32, #tpu.memory_space<vmem>>, vector<16xf32>,
    %swap3A_652 = arith.constant 5024 : index
    %swap3A_653 = tpu.vector_load %arg17[%swap3A_652] {strides = array<i32>} : memref<10240xf32, #tpu.memory_space<vmem>>, vector<16xf32>,
    tpu.vector_store %arg17[%swap3A_652], %broadcast_in_dim3A_24 {strides = array<i32>} : memref<10240xf32, #tpu.memory_space<vmem>>, vector<16xf32>,
    %swap3A_654 = arith.constant 5040 : index
    %swap3A_655 = tpu.vector_load %arg17[%swap3A_654] {strides = array<i32>} : memref<10240xf32, #tpu.memory_space<vmem>>, vector<16xf32>,
    tpu.vector_store %arg17[%swap3A_654], %broadcast_in_dim3A_24 {strides = array<i32>} : memref<10240xf32, #tpu.memory_space<vmem>>, vector<16xf32>,
    %swap3A_656 = arith.constant 5056 : index
    %swap3A_657 = tpu.vector_load %arg17[%swap3A_656] {strides = array<i32>} : memref<10240xf32, #tpu.memory_space<vmem>>, vector<16xf32>,
    tpu.vector_store %arg17[%swap3A_656], %broadcast_in_dim3A_24 {strides = array<i32>} : memref<10240xf32, #tpu.memory_space<vmem>>, vector<16xf32>,
    %swap3A_658 = arith.constant 5072 : index
    %swap3A_659 = tpu.vector_load %arg17[%swap3A_658] {strides = array<i32>} : memref<10240xf32, #tpu.memory_space<vmem>>, vector<16xf32>,
    tpu.vector_store %arg17[%swap3A_658], %broadcast_in_dim3A_24 {strides = array<i32>} : memref<10240xf32, #tpu.memory_space<vmem>>, vector<16xf32>,
    %swap3A_660 = arith.constant 5088 : index
    %swap3A_661 = tpu.vector_load %arg17[%swap3A_660] {strides = array<i32>} : memref<10240xf32, #tpu.memory_space<vmem>>, vector<16xf32>,
    tpu.vector_store %arg17[%swap3A_660], %broadcast_in_dim3A_24 {strides = array<i32>} : memref<10240xf32, #tpu.memory_space<vmem>>, vector<16xf32>,
    %swap3A_662 = arith.constant 5104 : index
    %swap3A_663 = tpu.vector_load %arg17[%swap3A_662] {strides = array<i32>} : memref<10240xf32, #tpu.memory_space<vmem>>, vector<16xf32>,
    tpu.vector_store %arg17[%swap3A_662], %broadcast_in_dim3A_24 {strides = array<i32>} : memref<10240xf32, #tpu.memory_space<vmem>>, vector<16xf32>,
    %swap3A_664 = arith.constant 5120 : index
    %swap3A_665 = tpu.vector_load %arg17[%swap3A_664] {strides = array<i32>} : memref<10240xf32, #tpu.memory_space<vmem>>, vector<16xf32>,
    tpu.vector_store %arg17[%swap3A_664], %broadcast_in_dim3A_24 {strides = array<i32>} : memref<10240xf32, #tpu.memory_space<vmem>>, vector<16xf32>,
    %swap3A_666 = arith.constant 5136 : index
    %swap3A_667 = tpu.vector_load %arg17[%swap3A_666] {strides = array<i32>} : memref<10240xf32, #tpu.memory_space<vmem>>, vector<16xf32>,
    tpu.vector_store %arg17[%swap3A_666], %broadcast_in_dim3A_24 {strides = array<i32>} : memref<10240xf32, #tpu.memory_space<vmem>>, vector<16xf32>,
    %swap3A_668 = arith.constant 5152 : index
    %swap3A_669 = tpu.vector_load %arg17[%swap3A_668] {strides = array<i32>} : memref<10240xf32, #tpu.memory_space<vmem>>, vector<16xf32>,
    tpu.vector_store %arg17[%swap3A_668], %broadcast_in_dim3A_24 {strides = array<i32>} : memref<10240xf32, #tpu.memory_space<vmem>>, vector<16xf32>,
    %swap3A_670 = arith.constant 5168 : index
    %swap3A_671 = tpu.vector_load %arg17[%swap3A_670] {strides = array<i32>} : memref<10240xf32, #tpu.memory_space<vmem>>, vector<16xf32>,
    tpu.vector_store %arg17[%swap3A_670], %broadcast_in_dim3A_24 {strides = array<i32>} : memref<10240xf32, #tpu.memory_space<vmem>>, vector<16xf32>,
    %swap3A_672 = arith.constant 5184 : index
    %swap3A_673 = tpu.vector_load %arg17[%swap3A_672] {strides = array<i32>} : memref<10240xf32, #tpu.memory_space<vmem>>, vector<16xf32>,
    tpu.vector_store %arg17[%swap3A_672], %broadcast_in_dim3A_24 {strides = array<i32>} : memref<10240xf32, #tpu.memory_space<vmem>>, vector<16xf32>,
    %swap3A_674 = arith.constant 5200 : index
    %swap3A_675 = tpu.vector_load %arg17[%swap3A_674] {strides = array<i32>} : memref<10240xf32, #tpu.memory_space<vmem>>, vector<16xf32>,
    tpu.vector_store %arg17[%swap3A_674], %broadcast_in_dim3A_24 {strides = array<i32>} : memref<10240xf32, #tpu.memory_space<vmem>>, vector<16xf32>,
    %swap3A_676 = arith.constant 5216 : index
    %swap3A_677 = tpu.vector_load %arg17[%swap3A_676] {strides = array<i32>} : memref<10240xf32, #tpu.memory_space<vmem>>, vector<16xf32>,
    tpu.vector_store %arg17[%swap3A_676], %broadcast_in_dim3A_24 {strides = array<i32>} : memref<10240xf32, #tpu.memory_space<vmem>>, vector<16xf32>,
    %swap3A_678 = arith.constant 5232 : index
    %swap3A_679 = tpu.vector_load %arg17[%swap3A_678] {strides = array<i32>} : memref<10240xf32, #tpu.memory_space<vmem>>, vector<16xf32>,
    tpu.vector_store %arg17[%swap3A_678], %broadcast_in_dim3A_24 {strides = array<i32>} : memref<10240xf32, #tpu.memory_space<vmem>>, vector<16xf32>,
    %swap3A_680 = arith.constant 5248 : index
    %swap3A_681 = tpu.vector_load %arg17[%swap3A_680] {strides = array<i32>} : memref<10240xf32, #tpu.memory_space<vmem>>, vector<16xf32>,
    tpu.vector_store %arg17[%swap3A_680], %broadcast_in_dim3A_24 {strides = array<i32>} : memref<10240xf32, #tpu.memory_space<vmem>>, vector<16xf32>,
    %swap3A_682 = arith.constant 5264 : index
    %swap3A_683 = tpu.vector_load %arg17[%swap3A_682] {strides = array<i32>} : memref<10240xf32, #tpu.memory_space<vmem>>, vector<16xf32>,
    tpu.vector_store %arg17[%swap3A_682], %broadcast_in_dim3A_24 {strides = array<i32>} : memref<10240xf32, #tpu.memory_space<vmem>>, vector<16xf32>,
    %swap3A_684 = arith.constant 5280 : index
    %swap3A_685 = tpu.vector_load %arg17[%swap3A_684] {strides = array<i32>} : memref<10240xf32, #tpu.memory_space<vmem>>, vector<16xf32>,
    tpu.vector_store %arg17[%swap3A_684], %broadcast_in_dim3A_24 {strides = array<i32>} : memref<10240xf32, #tpu.memory_space<vmem>>, vector<16xf32>,
    %swap3A_686 = arith.constant 5296 : index
    %swap3A_687 = tpu.vector_load %arg17[%swap3A_686] {strides = array<i32>} : memref<10240xf32, #tpu.memory_space<vmem>>, vector<16xf32>,
    tpu.vector_store %arg17[%swap3A_686], %broadcast_in_dim3A_24 {strides = array<i32>} : memref<10240xf32, #tpu.memory_space<vmem>>, vector<16xf32>,
    %swap3A_688 = arith.constant 5312 : index
    %swap3A_689 = tpu.vector_load %arg17[%swap3A_688] {strides = array<i32>} : memref<10240xf32, #tpu.memory_space<vmem>>, vector<16xf32>,
    tpu.vector_store %arg17[%swap3A_688], %broadcast_in_dim3A_24 {strides = array<i32>} : memref<10240xf32, #tpu.memory_space<vmem>>, vector<16xf32>,
    %swap3A_690 = arith.constant 5328 : index
    %swap3A_691 = tpu.vector_load %arg17[%swap3A_690] {strides = array<i32>} : memref<10240xf32, #tpu.memory_space<vmem>>, vector<16xf32>,
    tpu.vector_store %arg17[%swap3A_690], %broadcast_in_dim3A_24 {strides = array<i32>} : memref<10240xf32, #tpu.memory_space<vmem>>, vector<16xf32>,
    %swap3A_692 = arith.constant 5344 : index
    %swap3A_693 = tpu.vector_load %arg17[%swap3A_692] {strides = array<i32>} : memref<10240xf32, #tpu.memory_space<vmem>>, vector<16xf32>,
    tpu.vector_store %arg17[%swap3A_692], %broadcast_in_dim3A_24 {strides = array<i32>} : memref<10240xf32, #tpu.memory_space<vmem>>, vector<16xf32>,
    %swap3A_694 = arith.constant 5360 : index
    %swap3A_695 = tpu.vector_load %arg17[%swap3A_694] {strides = array<i32>} : memref<10240xf32, #tpu.memory_space<vmem>>, vector<16xf32>,
    tpu.vector_store %arg17[%swap3A_694], %broadcast_in_dim3A_24 {strides = array<i32>} : memref<10240xf32, #tpu.memory_space<vmem>>, vector<16xf32>,
    %swap3A_696 = arith.constant 5376 : index
    %swap3A_697 = tpu.vector_load %arg17[%swap3A_696] {strides = array<i32>} : memref<10240xf32, #tpu.memory_space<vmem>>, vector<16xf32>,
    tpu.vector_store %arg17[%swap3A_696], %broadcast_in_dim3A_24 {strides = array<i32>} : memref<10240xf32, #tpu.memory_space<vmem>>, vector<16xf32>,
    %swap3A_698 = arith.constant 5392 : index
    %swap3A_699 = tpu.vector_load %arg17[%swap3A_698] {strides = array<i32>} : memref<10240xf32, #tpu.memory_space<vmem>>, vector<16xf32>,
    tpu.vector_store %arg17[%swap3A_698], %broadcast_in_dim3A_24 {strides = array<i32>} : memref<10240xf32, #tpu.memory_space<vmem>>, vector<16xf32>,
    %swap3A_700 = arith.constant 5408 : index
    %swap3A_701 = tpu.vector_load %arg17[%swap3A_700] {strides = array<i32>} : memref<10240xf32, #tpu.memory_space<vmem>>, vector<16xf32>,
    tpu.vector_store %arg17[%swap3A_700], %broadcast_in_dim3A_24 {strides = array<i32>} : memref<10240xf32, #tpu.memory_space<vmem>>, vector<16xf32>,
    %swap3A_702 = arith.constant 5424 : index
    %swap3A_703 = tpu.vector_load %arg17[%swap3A_702] {strides = array<i32>} : memref<10240xf32, #tpu.memory_space<vmem>>, vector<16xf32>,
    tpu.vector_store %arg17[%swap3A_702], %broadcast_in_dim3A_24 {strides = array<i32>} : memref<10240xf32, #tpu.memory_space<vmem>>, vector<16xf32>,
    %swap3A_704 = arith.constant 5440 : index
    %swap3A_705 = tpu.vector_load %arg17[%swap3A_704] {strides = array<i32>} : memref<10240xf32, #tpu.memory_space<vmem>>, vector<16xf32>,
    tpu.vector_store %arg17[%swap3A_704], %broadcast_in_dim3A_24 {strides = array<i32>} : memref<10240xf32, #tpu.memory_space<vmem>>, vector<16xf32>,
    %swap3A_706 = arith.constant 5456 : index
    %swap3A_707 = tpu.vector_load %arg17[%swap3A_706] {strides = array<i32>} : memref<10240xf32, #tpu.memory_space<vmem>>, vector<16xf32>,
    tpu.vector_store %arg17[%swap3A_706], %broadcast_in_dim3A_24 {strides = array<i32>} : memref<10240xf32, #tpu.memory_space<vmem>>, vector<16xf32>,
    %swap3A_708 = arith.constant 5472 : index
    %swap3A_709 = tpu.vector_load %arg17[%swap3A_708] {strides = array<i32>} : memref<10240xf32, #tpu.memory_space<vmem>>, vector<16xf32>,
    tpu.vector_store %arg17[%swap3A_708], %broadcast_in_dim3A_24 {strides = array<i32>} : memref<10240xf32, #tpu.memory_space<vmem>>, vector<16xf32>,
    %swap3A_710 = arith.constant 5488 : index
    %swap3A_711 = tpu.vector_load %arg17[%swap3A_710] {strides = array<i32>} : memref<10240xf32, #tpu.memory_space<vmem>>, vector<16xf32>,
    tpu.vector_store %arg17[%swap3A_710], %broadcast_in_dim3A_24 {strides = array<i32>} : memref<10240xf32, #tpu.memory_space<vmem>>, vector<16xf32>,
    %swap3A_712 = arith.constant 5504 : index
    %swap3A_713 = tpu.vector_load %arg17[%swap3A_712] {strides = array<i32>} : memref<10240xf32, #tpu.memory_space<vmem>>, vector<16xf32>,
    tpu.vector_store %arg17[%swap3A_712], %broadcast_in_dim3A_24 {strides = array<i32>} : memref<10240xf32, #tpu.memory_space<vmem>>, vector<16xf32>,
    %swap3A_714 = arith.constant 5520 : index
    %swap3A_715 = tpu.vector_load %arg17[%swap3A_714] {strides = array<i32>} : memref<10240xf32, #tpu.memory_space<vmem>>, vector<16xf32>,
    tpu.vector_store %arg17[%swap3A_714], %broadcast_in_dim3A_24 {strides = array<i32>} : memref<10240xf32, #tpu.memory_space<vmem>>, vector<16xf32>,
    %swap3A_716 = arith.constant 5536 : index
    %swap3A_717 = tpu.vector_load %arg17[%swap3A_716] {strides = array<i32>} : memref<10240xf32, #tpu.memory_space<vmem>>, vector<16xf32>,
    tpu.vector_store %arg17[%swap3A_716], %broadcast_in_dim3A_24 {strides = array<i32>} : memref<10240xf32, #tpu.memory_space<vmem>>, vector<16xf32>,
    %swap3A_718 = arith.constant 5552 : index
    %swap3A_719 = tpu.vector_load %arg17[%swap3A_718] {strides = array<i32>} : memref<10240xf32, #tpu.memory_space<vmem>>, vector<16xf32>,
    tpu.vector_store %arg17[%swap3A_718], %broadcast_in_dim3A_24 {strides = array<i32>} : memref<10240xf32, #tpu.memory_space<vmem>>, vector<16xf32>,
    %swap3A_720 = arith.constant 5568 : index
    %swap3A_721 = tpu.vector_load %arg17[%swap3A_720] {strides = array<i32>} : memref<10240xf32, #tpu.memory_space<vmem>>, vector<16xf32>,
    tpu.vector_store %arg17[%swap3A_720], %broadcast_in_dim3A_24 {strides = array<i32>} : memref<10240xf32, #tpu.memory_space<vmem>>, vector<16xf32>,
    %swap3A_722 = arith.constant 5584 : index
    %swap3A_723 = tpu.vector_load %arg17[%swap3A_722] {strides = array<i32>} : memref<10240xf32, #tpu.memory_space<vmem>>, vector<16xf32>,
    tpu.vector_store %arg17[%swap3A_722], %broadcast_in_dim3A_24 {strides = array<i32>} : memref<10240xf32, #tpu.memory_space<vmem>>, vector<16xf32>,
    %swap3A_724 = arith.constant 5600 : index
    %swap3A_725 = tpu.vector_load %arg17[%swap3A_724] {strides = array<i32>} : memref<10240xf32, #tpu.memory_space<vmem>>, vector<16xf32>,
    tpu.vector_store %arg17[%swap3A_724], %broadcast_in_dim3A_24 {strides = array<i32>} : memref<10240xf32, #tpu.memory_space<vmem>>, vector<16xf32>,
    %swap3A_726 = arith.constant 5616 : index
    %swap3A_727 = tpu.vector_load %arg17[%swap3A_726] {strides = array<i32>} : memref<10240xf32, #tpu.memory_space<vmem>>, vector<16xf32>,
    tpu.vector_store %arg17[%swap3A_726], %broadcast_in_dim3A_24 {strides = array<i32>} : memref<10240xf32, #tpu.memory_space<vmem>>, vector<16xf32>,
    %swap3A_728 = arith.constant 5632 : index
    %swap3A_729 = tpu.vector_load %arg17[%swap3A_728] {strides = array<i32>} : memref<10240xf32, #tpu.memory_space<vmem>>, vector<16xf32>,
    tpu.vector_store %arg17[%swap3A_728], %broadcast_in_dim3A_24 {strides = array<i32>} : memref<10240xf32, #tpu.memory_space<vmem>>, vector<16xf32>,
    %swap3A_730 = arith.constant 5648 : index
    %swap3A_731 = tpu.vector_load %arg17[%swap3A_730] {strides = array<i32>} : memref<10240xf32, #tpu.memory_space<vmem>>, vector<16xf32>,
    tpu.vector_store %arg17[%swap3A_730], %broadcast_in_dim3A_24 {strides = array<i32>} : memref<10240xf32, #tpu.memory_space<vmem>>, vector<16xf32>,
    %swap3A_732 = arith.constant 5664 : index
    %swap3A_733 = tpu.vector_load %arg17[%swap3A_732] {strides = array<i32>} : memref<10240xf32, #tpu.memory_space<vmem>>, vector<16xf32>,
    tpu.vector_store %arg17[%swap3A_732], %broadcast_in_dim3A_24 {strides = array<i32>} : memref<10240xf32, #tpu.memory_space<vmem>>, vector<16xf32>,
    %swap3A_734 = arith.constant 5680 : index
    %swap3A_735 = tpu.vector_load %arg17[%swap3A_734] {strides = array<i32>} : memref<10240xf32, #tpu.memory_space<vmem>>, vector<16xf32>,
    tpu.vector_store %arg17[%swap3A_734], %broadcast_in_dim3A_24 {strides = array<i32>} : memref<10240xf32, #tpu.memory_space<vmem>>, vector<16xf32>,
    %swap3A_736 = arith.constant 5696 : index
    %swap3A_737 = tpu.vector_load %arg17[%swap3A_736] {strides = array<i32>} : memref<10240xf32, #tpu.memory_space<vmem>>, vector<16xf32>,
    tpu.vector_store %arg17[%swap3A_736], %broadcast_in_dim3A_24 {strides = array<i32>} : memref<10240xf32, #tpu.memory_space<vmem>>, vector<16xf32>,
    %swap3A_738 = arith.constant 5712 : index
    %swap3A_739 = tpu.vector_load %arg17[%swap3A_738] {strides = array<i32>} : memref<10240xf32, #tpu.memory_space<vmem>>, vector<16xf32>,
    tpu.vector_store %arg17[%swap3A_738], %broadcast_in_dim3A_24 {strides = array<i32>} : memref<10240xf32, #tpu.memory_space<vmem>>, vector<16xf32>,
    %swap3A_740 = arith.constant 5728 : index
    %swap3A_741 = tpu.vector_load %arg17[%swap3A_740] {strides = array<i32>} : memref<10240xf32, #tpu.memory_space<vmem>>, vector<16xf32>,
    tpu.vector_store %arg17[%swap3A_740], %broadcast_in_dim3A_24 {strides = array<i32>} : memref<10240xf32, #tpu.memory_space<vmem>>, vector<16xf32>,
    %swap3A_742 = arith.constant 5744 : index
    %swap3A_743 = tpu.vector_load %arg17[%swap3A_742] {strides = array<i32>} : memref<10240xf32, #tpu.memory_space<vmem>>, vector<16xf32>,
    tpu.vector_store %arg17[%swap3A_742], %broadcast_in_dim3A_24 {strides = array<i32>} : memref<10240xf32, #tpu.memory_space<vmem>>, vector<16xf32>,
    %swap3A_744 = arith.constant 5760 : index
    %swap3A_745 = tpu.vector_load %arg17[%swap3A_744] {strides = array<i32>} : memref<10240xf32, #tpu.memory_space<vmem>>, vector<16xf32>,
    tpu.vector_store %arg17[%swap3A_744], %broadcast_in_dim3A_24 {strides = array<i32>} : memref<10240xf32, #tpu.memory_space<vmem>>, vector<16xf32>,
    %swap3A_746 = arith.constant 5776 : index
    %swap3A_747 = tpu.vector_load %arg17[%swap3A_746] {strides = array<i32>} : memref<10240xf32, #tpu.memory_space<vmem>>, vector<16xf32>,
    tpu.vector_store %arg17[%swap3A_746], %broadcast_in_dim3A_24 {strides = array<i32>} : memref<10240xf32, #tpu.memory_space<vmem>>, vector<16xf32>,
    %swap3A_748 = arith.constant 5792 : index
    %swap3A_749 = tpu.vector_load %arg17[%swap3A_748] {strides = array<i32>} : memref<10240xf32, #tpu.memory_space<vmem>>, vector<16xf32>,
    tpu.vector_store %arg17[%swap3A_748], %broadcast_in_dim3A_24 {strides = array<i32>} : memref<10240xf32, #tpu.memory_space<vmem>>, vector<16xf32>,
    %swap3A_750 = arith.constant 5808 : index
    %swap3A_751 = tpu.vector_load %arg17[%swap3A_750] {strides = array<i32>} : memref<10240xf32, #tpu.memory_space<vmem>>, vector<16xf32>,
    tpu.vector_store %arg17[%swap3A_750], %broadcast_in_dim3A_24 {strides = array<i32>} : memref<10240xf32, #tpu.memory_space<vmem>>, vector<16xf32>,
    %swap3A_752 = arith.constant 5824 : index
    %swap3A_753 = tpu.vector_load %arg17[%swap3A_752] {strides = array<i32>} : memref<10240xf32, #tpu.memory_space<vmem>>, vector<16xf32>,
    tpu.vector_store %arg17[%swap3A_752], %broadcast_in_dim3A_24 {strides = array<i32>} : memref<10240xf32, #tpu.memory_space<vmem>>, vector<16xf32>,
    %swap3A_754 = arith.constant 5840 : index
    %swap3A_755 = tpu.vector_load %arg17[%swap3A_754] {strides = array<i32>} : memref<10240xf32, #tpu.memory_space<vmem>>, vector<16xf32>,
    tpu.vector_store %arg17[%swap3A_754], %broadcast_in_dim3A_24 {strides = array<i32>} : memref<10240xf32, #tpu.memory_space<vmem>>, vector<16xf32>,
    %swap3A_756 = arith.constant 5856 : index
    %swap3A_757 = tpu.vector_load %arg17[%swap3A_756] {strides = array<i32>} : memref<10240xf32, #tpu.memory_space<vmem>>, vector<16xf32>,
    tpu.vector_store %arg17[%swap3A_756], %broadcast_in_dim3A_24 {strides = array<i32>} : memref<10240xf32, #tpu.memory_space<vmem>>, vector<16xf32>,
    %swap3A_758 = arith.constant 5872 : index
    %swap3A_759 = tpu.vector_load %arg17[%swap3A_758] {strides = array<i32>} : memref<10240xf32, #tpu.memory_space<vmem>>, vector<16xf32>,
    tpu.vector_store %arg17[%swap3A_758], %broadcast_in_dim3A_24 {strides = array<i32>} : memref<10240xf32, #tpu.memory_space<vmem>>, vector<16xf32>,
    %swap3A_760 = arith.constant 5888 : index
    %swap3A_761 = tpu.vector_load %arg17[%swap3A_760] {strides = array<i32>} : memref<10240xf32, #tpu.memory_space<vmem>>, vector<16xf32>,
    tpu.vector_store %arg17[%swap3A_760], %broadcast_in_dim3A_24 {strides = array<i32>} : memref<10240xf32, #tpu.memory_space<vmem>>, vector<16xf32>,
    %swap3A_762 = arith.constant 5904 : index
    %swap3A_763 = tpu.vector_load %arg17[%swap3A_762] {strides = array<i32>} : memref<10240xf32, #tpu.memory_space<vmem>>, vector<16xf32>,
    tpu.vector_store %arg17[%swap3A_762], %broadcast_in_dim3A_24 {strides = array<i32>} : memref<10240xf32, #tpu.memory_space<vmem>>, vector<16xf32>,
    %swap3A_764 = arith.constant 5920 : index
    %swap3A_765 = tpu.vector_load %arg17[%swap3A_764] {strides = array<i32>} : memref<10240xf32, #tpu.memory_space<vmem>>, vector<16xf32>,
    tpu.vector_store %arg17[%swap3A_764], %broadcast_in_dim3A_24 {strides = array<i32>} : memref<10240xf32, #tpu.memory_space<vmem>>, vector<16xf32>,
    %swap3A_766 = arith.constant 5936 : index
    %swap3A_767 = tpu.vector_load %arg17[%swap3A_766] {strides = array<i32>} : memref<10240xf32, #tpu.memory_space<vmem>>, vector<16xf32>,
    tpu.vector_store %arg17[%swap3A_766], %broadcast_in_dim3A_24 {strides = array<i32>} : memref<10240xf32, #tpu.memory_space<vmem>>, vector<16xf32>,
    %swap3A_768 = arith.constant 5952 : index
    %swap3A_769 = tpu.vector_load %arg17[%swap3A_768] {strides = array<i32>} : memref<10240xf32, #tpu.memory_space<vmem>>, vector<16xf32>,
    tpu.vector_store %arg17[%swap3A_768], %broadcast_in_dim3A_24 {strides = array<i32>} : memref<10240xf32, #tpu.memory_space<vmem>>, vector<16xf32>,
    %swap3A_770 = arith.constant 5968 : index
    %swap3A_771 = tpu.vector_load %arg17[%swap3A_770] {strides = array<i32>} : memref<10240xf32, #tpu.memory_space<vmem>>, vector<16xf32>,
    tpu.vector_store %arg17[%swap3A_770], %broadcast_in_dim3A_24 {strides = array<i32>} : memref<10240xf32, #tpu.memory_space<vmem>>, vector<16xf32>,
    %swap3A_772 = arith.constant 5984 : index
    %swap3A_773 = tpu.vector_load %arg17[%swap3A_772] {strides = array<i32>} : memref<10240xf32, #tpu.memory_space<vmem>>, vector<16xf32>,
    tpu.vector_store %arg17[%swap3A_772], %broadcast_in_dim3A_24 {strides = array<i32>} : memref<10240xf32, #tpu.memory_space<vmem>>, vector<16xf32>,
    %swap3A_774 = arith.constant 6000 : index
    %swap3A_775 = tpu.vector_load %arg17[%swap3A_774] {strides = array<i32>} : memref<10240xf32, #tpu.memory_space<vmem>>, vector<16xf32>,
    tpu.vector_store %arg17[%swap3A_774], %broadcast_in_dim3A_24 {strides = array<i32>} : memref<10240xf32, #tpu.memory_space<vmem>>, vector<16xf32>,
    %swap3A_776 = arith.constant 6016 : index
    %swap3A_777 = tpu.vector_load %arg17[%swap3A_776] {strides = array<i32>} : memref<10240xf32, #tpu.memory_space<vmem>>, vector<16xf32>,
    tpu.vector_store %arg17[%swap3A_776], %broadcast_in_dim3A_24 {strides = array<i32>} : memref<10240xf32, #tpu.memory_space<vmem>>, vector<16xf32>,
    %swap3A_778 = arith.constant 6032 : index
    %swap3A_779 = tpu.vector_load %arg17[%swap3A_778] {strides = array<i32>} : memref<10240xf32, #tpu.memory_space<vmem>>, vector<16xf32>,
    tpu.vector_store %arg17[%swap3A_778], %broadcast_in_dim3A_24 {strides = array<i32>} : memref<10240xf32, #tpu.memory_space<vmem>>, vector<16xf32>,
    %swap3A_780 = arith.constant 6048 : index
    %swap3A_781 = tpu.vector_load %arg17[%swap3A_780] {strides = array<i32>} : memref<10240xf32, #tpu.memory_space<vmem>>, vector<16xf32>,
    tpu.vector_store %arg17[%swap3A_780], %broadcast_in_dim3A_24 {strides = array<i32>} : memref<10240xf32, #tpu.memory_space<vmem>>, vector<16xf32>,
    %swap3A_782 = arith.constant 6064 : index
    %swap3A_783 = tpu.vector_load %arg17[%swap3A_782] {strides = array<i32>} : memref<10240xf32, #tpu.memory_space<vmem>>, vector<16xf32>,
    tpu.vector_store %arg17[%swap3A_782], %broadcast_in_dim3A_24 {strides = array<i32>} : memref<10240xf32, #tpu.memory_space<vmem>>, vector<16xf32>,
    %swap3A_784 = arith.constant 6080 : index
    %swap3A_785 = tpu.vector_load %arg17[%swap3A_784] {strides = array<i32>} : memref<10240xf32, #tpu.memory_space<vmem>>, vector<16xf32>,
    tpu.vector_store %arg17[%swap3A_784], %broadcast_in_dim3A_24 {strides = array<i32>} : memref<10240xf32, #tpu.memory_space<vmem>>, vector<16xf32>,
    %swap3A_786 = arith.constant 6096 : index
    %swap3A_787 = tpu.vector_load %arg17[%swap3A_786] {strides = array<i32>} : memref<10240xf32, #tpu.memory_space<vmem>>, vector<16xf32>,
    tpu.vector_store %arg17[%swap3A_786], %broadcast_in_dim3A_24 {strides = array<i32>} : memref<10240xf32, #tpu.memory_space<vmem>>, vector<16xf32>,
    %swap3A_788 = arith.constant 6112 : index
    %swap3A_789 = tpu.vector_load %arg17[%swap3A_788] {strides = array<i32>} : memref<10240xf32, #tpu.memory_space<vmem>>, vector<16xf32>,
    tpu.vector_store %arg17[%swap3A_788], %broadcast_in_dim3A_24 {strides = array<i32>} : memref<10240xf32, #tpu.memory_space<vmem>>, vector<16xf32>,
    %swap3A_790 = arith.constant 6128 : index
    %swap3A_791 = tpu.vector_load %arg17[%swap3A_790] {strides = array<i32>} : memref<10240xf32, #tpu.memory_space<vmem>>, vector<16xf32>,
    tpu.vector_store %arg17[%swap3A_790], %broadcast_in_dim3A_24 {strides = array<i32>} : memref<10240xf32, #tpu.memory_space<vmem>>, vector<16xf32>,
    %swap3A_792 = arith.constant 6144 : index
    %swap3A_793 = tpu.vector_load %arg17[%swap3A_792] {strides = array<i32>} : memref<10240xf32, #tpu.memory_space<vmem>>, vector<16xf32>,
    tpu.vector_store %arg17[%swap3A_792], %broadcast_in_dim3A_24 {strides = array<i32>} : memref<10240xf32, #tpu.memory_space<vmem>>, vector<16xf32>,
    %swap3A_794 = arith.constant 6160 : index
    %swap3A_795 = tpu.vector_load %arg17[%swap3A_794] {strides = array<i32>} : memref<10240xf32, #tpu.memory_space<vmem>>, vector<16xf32>,
    tpu.vector_store %arg17[%swap3A_794], %broadcast_in_dim3A_24 {strides = array<i32>} : memref<10240xf32, #tpu.memory_space<vmem>>, vector<16xf32>,
    %swap3A_796 = arith.constant 6176 : index
    %swap3A_797 = tpu.vector_load %arg17[%swap3A_796] {strides = array<i32>} : memref<10240xf32, #tpu.memory_space<vmem>>, vector<16xf32>,
    tpu.vector_store %arg17[%swap3A_796], %broadcast_in_dim3A_24 {strides = array<i32>} : memref<10240xf32, #tpu.memory_space<vmem>>, vector<16xf32>,
    %swap3A_798 = arith.constant 6192 : index
    %swap3A_799 = tpu.vector_load %arg17[%swap3A_798] {strides = array<i32>} : memref<10240xf32, #tpu.memory_space<vmem>>, vector<16xf32>,
    tpu.vector_store %arg17[%swap3A_798], %broadcast_in_dim3A_24 {strides = array<i32>} : memref<10240xf32, #tpu.memory_space<vmem>>, vector<16xf32>,
    %swap3A_800 = arith.constant 6208 : index
    %swap3A_801 = tpu.vector_load %arg17[%swap3A_800] {strides = array<i32>} : memref<10240xf32, #tpu.memory_space<vmem>>, vector<16xf32>,
    tpu.vector_store %arg17[%swap3A_800], %broadcast_in_dim3A_24 {strides = array<i32>} : memref<10240xf32, #tpu.memory_space<vmem>>, vector<16xf32>,
    %swap3A_802 = arith.constant 6224 : index
    %swap3A_803 = tpu.vector_load %arg17[%swap3A_802] {strides = array<i32>} : memref<10240xf32, #tpu.memory_space<vmem>>, vector<16xf32>,
    tpu.vector_store %arg17[%swap3A_802], %broadcast_in_dim3A_24 {strides = array<i32>} : memref<10240xf32, #tpu.memory_space<vmem>>, vector<16xf32>,
    %swap3A_804 = arith.constant 6240 : index
    %swap3A_805 = tpu.vector_load %arg17[%swap3A_804] {strides = array<i32>} : memref<10240xf32, #tpu.memory_space<vmem>>, vector<16xf32>,
    tpu.vector_store %arg17[%swap3A_804], %broadcast_in_dim3A_24 {strides = array<i32>} : memref<10240xf32, #tpu.memory_space<vmem>>, vector<16xf32>,
    %swap3A_806 = arith.constant 6256 : index
    %swap3A_807 = tpu.vector_load %arg17[%swap3A_806] {strides = array<i32>} : memref<10240xf32, #tpu.memory_space<vmem>>, vector<16xf32>,
    tpu.vector_store %arg17[%swap3A_806], %broadcast_in_dim3A_24 {strides = array<i32>} : memref<10240xf32, #tpu.memory_space<vmem>>, vector<16xf32>,
    %swap3A_808 = arith.constant 6272 : index
    %swap3A_809 = tpu.vector_load %arg17[%swap3A_808] {strides = array<i32>} : memref<10240xf32, #tpu.memory_space<vmem>>, vector<16xf32>,
    tpu.vector_store %arg17[%swap3A_808], %broadcast_in_dim3A_24 {strides = array<i32>} : memref<10240xf32, #tpu.memory_space<vmem>>, vector<16xf32>,
    %swap3A_810 = arith.constant 6288 : index
    %swap3A_811 = tpu.vector_load %arg17[%swap3A_810] {strides = array<i32>} : memref<10240xf32, #tpu.memory_space<vmem>>, vector<16xf32>,
    tpu.vector_store %arg17[%swap3A_810], %broadcast_in_dim3A_24 {strides = array<i32>} : memref<10240xf32, #tpu.memory_space<vmem>>, vector<16xf32>,
    %swap3A_812 = arith.constant 6304 : index
    %swap3A_813 = tpu.vector_load %arg17[%swap3A_812] {strides = array<i32>} : memref<10240xf32, #tpu.memory_space<vmem>>, vector<16xf32>,
    tpu.vector_store %arg17[%swap3A_812], %broadcast_in_dim3A_24 {strides = array<i32>} : memref<10240xf32, #tpu.memory_space<vmem>>, vector<16xf32>,
    %swap3A_814 = arith.constant 6320 : index
    %swap3A_815 = tpu.vector_load %arg17[%swap3A_814] {strides = array<i32>} : memref<10240xf32, #tpu.memory_space<vmem>>, vector<16xf32>,
    tpu.vector_store %arg17[%swap3A_814], %broadcast_in_dim3A_24 {strides = array<i32>} : memref<10240xf32, #tpu.memory_space<vmem>>, vector<16xf32>,
    %swap3A_816 = arith.constant 6336 : index
    %swap3A_817 = tpu.vector_load %arg17[%swap3A_816] {strides = array<i32>} : memref<10240xf32, #tpu.memory_space<vmem>>, vector<16xf32>,
    tpu.vector_store %arg17[%swap3A_816], %broadcast_in_dim3A_24 {strides = array<i32>} : memref<10240xf32, #tpu.memory_space<vmem>>, vector<16xf32>,
    %swap3A_818 = arith.constant 6352 : index
    %swap3A_819 = tpu.vector_load %arg17[%swap3A_818] {strides = array<i32>} : memref<10240xf32, #tpu.memory_space<vmem>>, vector<16xf32>,
    tpu.vector_store %arg17[%swap3A_818], %broadcast_in_dim3A_24 {strides = array<i32>} : memref<10240xf32, #tpu.memory_space<vmem>>, vector<16xf32>,
    %swap3A_820 = arith.constant 6368 : index
    %swap3A_821 = tpu.vector_load %arg17[%swap3A_820] {strides = array<i32>} : memref<10240xf32, #tpu.memory_space<vmem>>, vector<16xf32>,
    tpu.vector_store %arg17[%swap3A_820], %broadcast_in_dim3A_24 {strides = array<i32>} : memref<10240xf32, #tpu.memory_space<vmem>>, vector<16xf32>,
    %swap3A_822 = arith.constant 6384 : index
    %swap3A_823 = tpu.vector_load %arg17[%swap3A_822] {strides = array<i32>} : memref<10240xf32, #tpu.memory_space<vmem>>, vector<16xf32>,
    tpu.vector_store %arg17[%swap3A_822], %broadcast_in_dim3A_24 {strides = array<i32>} : memref<10240xf32, #tpu.memory_space<vmem>>, vector<16xf32>,
    %swap3A_824 = arith.constant 6400 : index
    %swap3A_825 = tpu.vector_load %arg17[%swap3A_824] {strides = array<i32>} : memref<10240xf32, #tpu.memory_space<vmem>>, vector<16xf32>,
    tpu.vector_store %arg17[%swap3A_824], %broadcast_in_dim3A_24 {strides = array<i32>} : memref<10240xf32, #tpu.memory_space<vmem>>, vector<16xf32>,
    %swap3A_826 = arith.constant 6416 : index
    %swap3A_827 = tpu.vector_load %arg17[%swap3A_826] {strides = array<i32>} : memref<10240xf32, #tpu.memory_space<vmem>>, vector<16xf32>,
    tpu.vector_store %arg17[%swap3A_826], %broadcast_in_dim3A_24 {strides = array<i32>} : memref<10240xf32, #tpu.memory_space<vmem>>, vector<16xf32>,
    %swap3A_828 = arith.constant 6432 : index
    %swap3A_829 = tpu.vector_load %arg17[%swap3A_828] {strides = array<i32>} : memref<10240xf32, #tpu.memory_space<vmem>>, vector<16xf32>,
    tpu.vector_store %arg17[%swap3A_828], %broadcast_in_dim3A_24 {strides = array<i32>} : memref<10240xf32, #tpu.memory_space<vmem>>, vector<16xf32>,
    %swap3A_830 = arith.constant 6448 : index
    %swap3A_831 = tpu.vector_load %arg17[%swap3A_830] {strides = array<i32>} : memref<10240xf32, #tpu.memory_space<vmem>>, vector<16xf32>,
    tpu.vector_store %arg17[%swap3A_830], %broadcast_in_dim3A_24 {strides = array<i32>} : memref<10240xf32, #tpu.memory_space<vmem>>, vector<16xf32>,
    %swap3A_832 = arith.constant 6464 : index
    %swap3A_833 = tpu.vector_load %arg17[%swap3A_832] {strides = array<i32>} : memref<10240xf32, #tpu.memory_space<vmem>>, vector<16xf32>,
    tpu.vector_store %arg17[%swap3A_832], %broadcast_in_dim3A_24 {strides = array<i32>} : memref<10240xf32, #tpu.memory_space<vmem>>, vector<16xf32>,
    %swap3A_834 = arith.constant 6480 : index
    %swap3A_835 = tpu.vector_load %arg17[%swap3A_834] {strides = array<i32>} : memref<10240xf32, #tpu.memory_space<vmem>>, vector<16xf32>,
    tpu.vector_store %arg17[%swap3A_834], %broadcast_in_dim3A_24 {strides = array<i32>} : memref<10240xf32, #tpu.memory_space<vmem>>, vector<16xf32>,
    %swap3A_836 = arith.constant 6496 : index
    %swap3A_837 = tpu.vector_load %arg17[%swap3A_836] {strides = array<i32>} : memref<10240xf32, #tpu.memory_space<vmem>>, vector<16xf32>,
    tpu.vector_store %arg17[%swap3A_836], %broadcast_in_dim3A_24 {strides = array<i32>} : memref<10240xf32, #tpu.memory_space<vmem>>, vector<16xf32>,
    %swap3A_838 = arith.constant 6512 : index
    %swap3A_839 = tpu.vector_load %arg17[%swap3A_838] {strides = array<i32>} : memref<10240xf32, #tpu.memory_space<vmem>>, vector<16xf32>,
    tpu.vector_store %arg17[%swap3A_838], %broadcast_in_dim3A_24 {strides = array<i32>} : memref<10240xf32, #tpu.memory_space<vmem>>, vector<16xf32>,
    %swap3A_840 = arith.constant 6528 : index
    %swap3A_841 = tpu.vector_load %arg17[%swap3A_840] {strides = array<i32>} : memref<10240xf32, #tpu.memory_space<vmem>>, vector<16xf32>,
    tpu.vector_store %arg17[%swap3A_840], %broadcast_in_dim3A_24 {strides = array<i32>} : memref<10240xf32, #tpu.memory_space<vmem>>, vector<16xf32>,
    %swap3A_842 = arith.constant 6544 : index
    %swap3A_843 = tpu.vector_load %arg17[%swap3A_842] {strides = array<i32>} : memref<10240xf32, #tpu.memory_space<vmem>>, vector<16xf32>,
    tpu.vector_store %arg17[%swap3A_842], %broadcast_in_dim3A_24 {strides = array<i32>} : memref<10240xf32, #tpu.memory_space<vmem>>, vector<16xf32>,
    %swap3A_844 = arith.constant 6560 : index
    %swap3A_845 = tpu.vector_load %arg17[%swap3A_844] {strides = array<i32>} : memref<10240xf32, #tpu.memory_space<vmem>>, vector<16xf32>,
    tpu.vector_store %arg17[%swap3A_844], %broadcast_in_dim3A_24 {strides = array<i32>} : memref<10240xf32, #tpu.memory_space<vmem>>, vector<16xf32>,
    %swap3A_846 = arith.constant 6576 : index
    %swap3A_847 = tpu.vector_load %arg17[%swap3A_846] {strides = array<i32>} : memref<10240xf32, #tpu.memory_space<vmem>>, vector<16xf32>,
    tpu.vector_store %arg17[%swap3A_846], %broadcast_in_dim3A_24 {strides = array<i32>} : memref<10240xf32, #tpu.memory_space<vmem>>, vector<16xf32>,
    %swap3A_848 = arith.constant 6592 : index
    %swap3A_849 = tpu.vector_load %arg17[%swap3A_848] {strides = array<i32>} : memref<10240xf32, #tpu.memory_space<vmem>>, vector<16xf32>,
    tpu.vector_store %arg17[%swap3A_848], %broadcast_in_dim3A_24 {strides = array<i32>} : memref<10240xf32, #tpu.memory_space<vmem>>, vector<16xf32>,
    %swap3A_850 = arith.constant 6608 : index
    %swap3A_851 = tpu.vector_load %arg17[%swap3A_850] {strides = array<i32>} : memref<10240xf32, #tpu.memory_space<vmem>>, vector<16xf32>,
    tpu.vector_store %arg17[%swap3A_850], %broadcast_in_dim3A_24 {strides = array<i32>} : memref<10240xf32, #tpu.memory_space<vmem>>, vector<16xf32>,
    %swap3A_852 = arith.constant 6624 : index
    %swap3A_853 = tpu.vector_load %arg17[%swap3A_852] {strides = array<i32>} : memref<10240xf32, #tpu.memory_space<vmem>>, vector<16xf32>,
    tpu.vector_store %arg17[%swap3A_852], %broadcast_in_dim3A_24 {strides = array<i32>} : memref<10240xf32, #tpu.memory_space<vmem>>, vector<16xf32>,
    %swap3A_854 = arith.constant 6640 : index
    %swap3A_855 = tpu.vector_load %arg17[%swap3A_854] {strides = array<i32>} : memref<10240xf32, #tpu.memory_space<vmem>>, vector<16xf32>,
    tpu.vector_store %arg17[%swap3A_854], %broadcast_in_dim3A_24 {strides = array<i32>} : memref<10240xf32, #tpu.memory_space<vmem>>, vector<16xf32>,
    %swap3A_856 = arith.constant 6656 : index
    %swap3A_857 = tpu.vector_load %arg17[%swap3A_856] {strides = array<i32>} : memref<10240xf32, #tpu.memory_space<vmem>>, vector<16xf32>,
    tpu.vector_store %arg17[%swap3A_856], %broadcast_in_dim3A_24 {strides = array<i32>} : memref<10240xf32, #tpu.memory_space<vmem>>, vector<16xf32>,
    %swap3A_858 = arith.constant 6672 : index
    %swap3A_859 = tpu.vector_load %arg17[%swap3A_858] {strides = array<i32>} : memref<10240xf32, #tpu.memory_space<vmem>>, vector<16xf32>,
    tpu.vector_store %arg17[%swap3A_858], %broadcast_in_dim3A_24 {strides = array<i32>} : memref<10240xf32, #tpu.memory_space<vmem>>, vector<16xf32>,
    %swap3A_860 = arith.constant 6688 : index
    %swap3A_861 = tpu.vector_load %arg17[%swap3A_860] {strides = array<i32>} : memref<10240xf32, #tpu.memory_space<vmem>>, vector<16xf32>,
    tpu.vector_store %arg17[%swap3A_860], %broadcast_in_dim3A_24 {strides = array<i32>} : memref<10240xf32, #tpu.memory_space<vmem>>, vector<16xf32>,
    %swap3A_862 = arith.constant 6704 : index
    %swap3A_863 = tpu.vector_load %arg17[%swap3A_862] {strides = array<i32>} : memref<10240xf32, #tpu.memory_space<vmem>>, vector<16xf32>,
    tpu.vector_store %arg17[%swap3A_862], %broadcast_in_dim3A_24 {strides = array<i32>} : memref<10240xf32, #tpu.memory_space<vmem>>, vector<16xf32>,
    %swap3A_864 = arith.constant 6720 : index
    %swap3A_865 = tpu.vector_load %arg17[%swap3A_864] {strides = array<i32>} : memref<10240xf32, #tpu.memory_space<vmem>>, vector<16xf32>,
    tpu.vector_store %arg17[%swap3A_864], %broadcast_in_dim3A_24 {strides = array<i32>} : memref<10240xf32, #tpu.memory_space<vmem>>, vector<16xf32>,
    %swap3A_866 = arith.constant 6736 : index
    %swap3A_867 = tpu.vector_load %arg17[%swap3A_866] {strides = array<i32>} : memref<10240xf32, #tpu.memory_space<vmem>>, vector<16xf32>,
    tpu.vector_store %arg17[%swap3A_866], %broadcast_in_dim3A_24 {strides = array<i32>} : memref<10240xf32, #tpu.memory_space<vmem>>, vector<16xf32>,
    %swap3A_868 = arith.constant 6752 : index
    %swap3A_869 = tpu.vector_load %arg17[%swap3A_868] {strides = array<i32>} : memref<10240xf32, #tpu.memory_space<vmem>>, vector<16xf32>,
    tpu.vector_store %arg17[%swap3A_868], %broadcast_in_dim3A_24 {strides = array<i32>} : memref<10240xf32, #tpu.memory_space<vmem>>, vector<16xf32>,
    %swap3A_870 = arith.constant 6768 : index
    %swap3A_871 = tpu.vector_load %arg17[%swap3A_870] {strides = array<i32>} : memref<10240xf32, #tpu.memory_space<vmem>>, vector<16xf32>,
    tpu.vector_store %arg17[%swap3A_870], %broadcast_in_dim3A_24 {strides = array<i32>} : memref<10240xf32, #tpu.memory_space<vmem>>, vector<16xf32>,
    %swap3A_872 = arith.constant 6784 : index
    %swap3A_873 = tpu.vector_load %arg17[%swap3A_872] {strides = array<i32>} : memref<10240xf32, #tpu.memory_space<vmem>>, vector<16xf32>,
    tpu.vector_store %arg17[%swap3A_872], %broadcast_in_dim3A_24 {strides = array<i32>} : memref<10240xf32, #tpu.memory_space<vmem>>, vector<16xf32>,
    %swap3A_874 = arith.constant 6800 : index
    %swap3A_875 = tpu.vector_load %arg17[%swap3A_874] {strides = array<i32>} : memref<10240xf32, #tpu.memory_space<vmem>>, vector<16xf32>,
    tpu.vector_store %arg17[%swap3A_874], %broadcast_in_dim3A_24 {strides = array<i32>} : memref<10240xf32, #tpu.memory_space<vmem>>, vector<16xf32>,
    %swap3A_876 = arith.constant 6816 : index
    %swap3A_877 = tpu.vector_load %arg17[%swap3A_876] {strides = array<i32>} : memref<10240xf32, #tpu.memory_space<vmem>>, vector<16xf32>,
    tpu.vector_store %arg17[%swap3A_876], %broadcast_in_dim3A_24 {strides = array<i32>} : memref<10240xf32, #tpu.memory_space<vmem>>, vector<16xf32>,
    %swap3A_878 = arith.constant 6832 : index
    %swap3A_879 = tpu.vector_load %arg17[%swap3A_878] {strides = array<i32>} : memref<10240xf32, #tpu.memory_space<vmem>>, vector<16xf32>,
    tpu.vector_store %arg17[%swap3A_878], %broadcast_in_dim3A_24 {strides = array<i32>} : memref<10240xf32, #tpu.memory_space<vmem>>, vector<16xf32>,
    %swap3A_880 = arith.constant 6848 : index
    %swap3A_881 = tpu.vector_load %arg17[%swap3A_880] {strides = array<i32>} : memref<10240xf32, #tpu.memory_space<vmem>>, vector<16xf32>,
    tpu.vector_store %arg17[%swap3A_880], %broadcast_in_dim3A_24 {strides = array<i32>} : memref<10240xf32, #tpu.memory_space<vmem>>, vector<16xf32>,
    %swap3A_882 = arith.constant 6864 : index
    %swap3A_883 = tpu.vector_load %arg17[%swap3A_882] {strides = array<i32>} : memref<10240xf32, #tpu.memory_space<vmem>>, vector<16xf32>,
    tpu.vector_store %arg17[%swap3A_882], %broadcast_in_dim3A_24 {strides = array<i32>} : memref<10240xf32, #tpu.memory_space<vmem>>, vector<16xf32>,
    %swap3A_884 = arith.constant 6880 : index
    %swap3A_885 = tpu.vector_load %arg17[%swap3A_884] {strides = array<i32>} : memref<10240xf32, #tpu.memory_space<vmem>>, vector<16xf32>,
    tpu.vector_store %arg17[%swap3A_884], %broadcast_in_dim3A_24 {strides = array<i32>} : memref<10240xf32, #tpu.memory_space<vmem>>, vector<16xf32>,
    %swap3A_886 = arith.constant 6896 : index
    %swap3A_887 = tpu.vector_load %arg17[%swap3A_886] {strides = array<i32>} : memref<10240xf32, #tpu.memory_space<vmem>>, vector<16xf32>,
    tpu.vector_store %arg17[%swap3A_886], %broadcast_in_dim3A_24 {strides = array<i32>} : memref<10240xf32, #tpu.memory_space<vmem>>, vector<16xf32>,
    %swap3A_888 = arith.constant 6912 : index
    %swap3A_889 = tpu.vector_load %arg17[%swap3A_888] {strides = array<i32>} : memref<10240xf32, #tpu.memory_space<vmem>>, vector<16xf32>,
    tpu.vector_store %arg17[%swap3A_888], %broadcast_in_dim3A_24 {strides = array<i32>} : memref<10240xf32, #tpu.memory_space<vmem>>, vector<16xf32>,
    %swap3A_890 = arith.constant 6928 : index
    %swap3A_891 = tpu.vector_load %arg17[%swap3A_890] {strides = array<i32>} : memref<10240xf32, #tpu.memory_space<vmem>>, vector<16xf32>,
    tpu.vector_store %arg17[%swap3A_890], %broadcast_in_dim3A_24 {strides = array<i32>} : memref<10240xf32, #tpu.memory_space<vmem>>, vector<16xf32>,
    %swap3A_892 = arith.constant 6944 : index
    %swap3A_893 = tpu.vector_load %arg17[%swap3A_892] {strides = array<i32>} : memref<10240xf32, #tpu.memory_space<vmem>>, vector<16xf32>,
    tpu.vector_store %arg17[%swap3A_892], %broadcast_in_dim3A_24 {strides = array<i32>} : memref<10240xf32, #tpu.memory_space<vmem>>, vector<16xf32>,
    %swap3A_894 = arith.constant 6960 : index
    %swap3A_895 = tpu.vector_load %arg17[%swap3A_894] {strides = array<i32>} : memref<10240xf32, #tpu.memory_space<vmem>>, vector<16xf32>,
    tpu.vector_store %arg17[%swap3A_894], %broadcast_in_dim3A_24 {strides = array<i32>} : memref<10240xf32, #tpu.memory_space<vmem>>, vector<16xf32>,
    %swap3A_896 = arith.constant 6976 : index
    %swap3A_897 = tpu.vector_load %arg17[%swap3A_896] {strides = array<i32>} : memref<10240xf32, #tpu.memory_space<vmem>>, vector<16xf32>,
    tpu.vector_store %arg17[%swap3A_896], %broadcast_in_dim3A_24 {strides = array<i32>} : memref<10240xf32, #tpu.memory_space<vmem>>, vector<16xf32>,
    %swap3A_898 = arith.constant 6992 : index
    %swap3A_899 = tpu.vector_load %arg17[%swap3A_898] {strides = array<i32>} : memref<10240xf32, #tpu.memory_space<vmem>>, vector<16xf32>,
    tpu.vector_store %arg17[%swap3A_898], %broadcast_in_dim3A_24 {strides = array<i32>} : memref<10240xf32, #tpu.memory_space<vmem>>, vector<16xf32>,
    %swap3A_900 = arith.constant 7008 : index
    %swap3A_901 = tpu.vector_load %arg17[%swap3A_900] {strides = array<i32>} : memref<10240xf32, #tpu.memory_space<vmem>>, vector<16xf32>,
    tpu.vector_store %arg17[%swap3A_900], %broadcast_in_dim3A_24 {strides = array<i32>} : memref<10240xf32, #tpu.memory_space<vmem>>, vector<16xf32>,
    %swap3A_902 = arith.constant 7024 : index
    %swap3A_903 = tpu.vector_load %arg17[%swap3A_902] {strides = array<i32>} : memref<10240xf32, #tpu.memory_space<vmem>>, vector<16xf32>,
    tpu.vector_store %arg17[%swap3A_902], %broadcast_in_dim3A_24 {strides = array<i32>} : memref<10240xf32, #tpu.memory_space<vmem>>, vector<16xf32>,
    %swap3A_904 = arith.constant 7040 : index
    %swap3A_905 = tpu.vector_load %arg17[%swap3A_904] {strides = array<i32>} : memref<10240xf32, #tpu.memory_space<vmem>>, vector<16xf32>,
    tpu.vector_store %arg17[%swap3A_904], %broadcast_in_dim3A_24 {strides = array<i32>} : memref<10240xf32, #tpu.memory_space<vmem>>, vector<16xf32>,
    %swap3A_906 = arith.constant 7056 : index
    %swap3A_907 = tpu.vector_load %arg17[%swap3A_906] {strides = array<i32>} : memref<10240xf32, #tpu.memory_space<vmem>>, vector<16xf32>,
    tpu.vector_store %arg17[%swap3A_906], %broadcast_in_dim3A_24 {strides = array<i32>} : memref<10240xf32, #tpu.memory_space<vmem>>, vector<16xf32>,
    %swap3A_908 = arith.constant 7072 : index
    %swap3A_909 = tpu.vector_load %arg17[%swap3A_908] {strides = array<i32>} : memref<10240xf32, #tpu.memory_space<vmem>>, vector<16xf32>,
    tpu.vector_store %arg17[%swap3A_908], %broadcast_in_dim3A_24 {strides = array<i32>} : memref<10240xf32, #tpu.memory_space<vmem>>, vector<16xf32>,
    %swap3A_910 = arith.constant 7088 : index
    %swap3A_911 = tpu.vector_load %arg17[%swap3A_910] {strides = array<i32>} : memref<10240xf32, #tpu.memory_space<vmem>>, vector<16xf32>,
    tpu.vector_store %arg17[%swap3A_910], %broadcast_in_dim3A_24 {strides = array<i32>} : memref<10240xf32, #tpu.memory_space<vmem>>, vector<16xf32>,
    %swap3A_912 = arith.constant 7104 : index
    %swap3A_913 = tpu.vector_load %arg17[%swap3A_912] {strides = array<i32>} : memref<10240xf32, #tpu.memory_space<vmem>>, vector<16xf32>,
    tpu.vector_store %arg17[%swap3A_912], %broadcast_in_dim3A_24 {strides = array<i32>} : memref<10240xf32, #tpu.memory_space<vmem>>, vector<16xf32>,
    %swap3A_914 = arith.constant 7120 : index
    %swap3A_915 = tpu.vector_load %arg17[%swap3A_914] {strides = array<i32>} : memref<10240xf32, #tpu.memory_space<vmem>>, vector<16xf32>,
    tpu.vector_store %arg17[%swap3A_914], %broadcast_in_dim3A_24 {strides = array<i32>} : memref<10240xf32, #tpu.memory_space<vmem>>, vector<16xf32>,
    %swap3A_916 = arith.constant 7136 : index
    %swap3A_917 = tpu.vector_load %arg17[%swap3A_916] {strides = array<i32>} : memref<10240xf32, #tpu.memory_space<vmem>>, vector<16xf32>,
    tpu.vector_store %arg17[%swap3A_916], %broadcast_in_dim3A_24 {strides = array<i32>} : memref<10240xf32, #tpu.memory_space<vmem>>, vector<16xf32>,
    %swap3A_918 = arith.constant 7152 : index
    %swap3A_919 = tpu.vector_load %arg17[%swap3A_918] {strides = array<i32>} : memref<10240xf32, #tpu.memory_space<vmem>>, vector<16xf32>,
    tpu.vector_store %arg17[%swap3A_918], %broadcast_in_dim3A_24 {strides = array<i32>} : memref<10240xf32, #tpu.memory_space<vmem>>, vector<16xf32>,
    %swap3A_920 = arith.constant 7168 : index
    %swap3A_921 = tpu.vector_load %arg17[%swap3A_920] {strides = array<i32>} : memref<10240xf32, #tpu.memory_space<vmem>>, vector<16xf32>,
    tpu.vector_store %arg17[%swap3A_920], %broadcast_in_dim3A_24 {strides = array<i32>} : memref<10240xf32, #tpu.memory_space<vmem>>, vector<16xf32>,
    %swap3A_922 = arith.constant 7184 : index
    %swap3A_923 = tpu.vector_load %arg17[%swap3A_922] {strides = array<i32>} : memref<10240xf32, #tpu.memory_space<vmem>>, vector<16xf32>,
    tpu.vector_store %arg17[%swap3A_922], %broadcast_in_dim3A_24 {strides = array<i32>} : memref<10240xf32, #tpu.memory_space<vmem>>, vector<16xf32>,
    %swap3A_924 = arith.constant 7200 : index
    %swap3A_925 = tpu.vector_load %arg17[%swap3A_924] {strides = array<i32>} : memref<10240xf32, #tpu.memory_space<vmem>>, vector<16xf32>,
    tpu.vector_store %arg17[%swap3A_924], %broadcast_in_dim3A_24 {strides = array<i32>} : memref<10240xf32, #tpu.memory_space<vmem>>, vector<16xf32>,
    %swap3A_926 = arith.constant 7216 : index
    %swap3A_927 = tpu.vector_load %arg17[%swap3A_926] {strides = array<i32>} : memref<10240xf32, #tpu.memory_space<vmem>>, vector<16xf32>,
    tpu.vector_store %arg17[%swap3A_926], %broadcast_in_dim3A_24 {strides = array<i32>} : memref<10240xf32, #tpu.memory_space<vmem>>, vector<16xf32>,
    %swap3A_928 = arith.constant 7232 : index
    %swap3A_929 = tpu.vector_load %arg17[%swap3A_928] {strides = array<i32>} : memref<10240xf32, #tpu.memory_space<vmem>>, vector<16xf32>,
    tpu.vector_store %arg17[%swap3A_928], %broadcast_in_dim3A_24 {strides = array<i32>} : memref<10240xf32, #tpu.memory_space<vmem>>, vector<16xf32>,
    %swap3A_930 = arith.constant 7248 : index
    %swap3A_931 = tpu.vector_load %arg17[%swap3A_930] {strides = array<i32>} : memref<10240xf32, #tpu.memory_space<vmem>>, vector<16xf32>,
    tpu.vector_store %arg17[%swap3A_930], %broadcast_in_dim3A_24 {strides = array<i32>} : memref<10240xf32, #tpu.memory_space<vmem>>, vector<16xf32>,
    %swap3A_932 = arith.constant 7264 : index
    %swap3A_933 = tpu.vector_load %arg17[%swap3A_932] {strides = array<i32>} : memref<10240xf32, #tpu.memory_space<vmem>>, vector<16xf32>,
    tpu.vector_store %arg17[%swap3A_932], %broadcast_in_dim3A_24 {strides = array<i32>} : memref<10240xf32, #tpu.memory_space<vmem>>, vector<16xf32>,
    %swap3A_934 = arith.constant 7280 : index
    %swap3A_935 = tpu.vector_load %arg17[%swap3A_934] {strides = array<i32>} : memref<10240xf32, #tpu.memory_space<vmem>>, vector<16xf32>,
    tpu.vector_store %arg17[%swap3A_934], %broadcast_in_dim3A_24 {strides = array<i32>} : memref<10240xf32, #tpu.memory_space<vmem>>, vector<16xf32>,
    %swap3A_936 = arith.constant 7296 : index
    %swap3A_937 = tpu.vector_load %arg17[%swap3A_936] {strides = array<i32>} : memref<10240xf32, #tpu.memory_space<vmem>>, vector<16xf32>,
    tpu.vector_store %arg17[%swap3A_936], %broadcast_in_dim3A_24 {strides = array<i32>} : memref<10240xf32, #tpu.memory_space<vmem>>, vector<16xf32>,
    %swap3A_938 = arith.constant 7312 : index
    %swap3A_939 = tpu.vector_load %arg17[%swap3A_938] {strides = array<i32>} : memref<10240xf32, #tpu.memory_space<vmem>>, vector<16xf32>,
    tpu.vector_store %arg17[%swap3A_938], %broadcast_in_dim3A_24 {strides = array<i32>} : memref<10240xf32, #tpu.memory_space<vmem>>, vector<16xf32>,
    %swap3A_940 = arith.constant 7328 : index
    %swap3A_941 = tpu.vector_load %arg17[%swap3A_940] {strides = array<i32>} : memref<10240xf32, #tpu.memory_space<vmem>>, vector<16xf32>,
    tpu.vector_store %arg17[%swap3A_940], %broadcast_in_dim3A_24 {strides = array<i32>} : memref<10240xf32, #tpu.memory_space<vmem>>, vector<16xf32>,
    %swap3A_942 = arith.constant 7344 : index
    %swap3A_943 = tpu.vector_load %arg17[%swap3A_942] {strides = array<i32>} : memref<10240xf32, #tpu.memory_space<vmem>>, vector<16xf32>,
    tpu.vector_store %arg17[%swap3A_942], %broadcast_in_dim3A_24 {strides = array<i32>} : memref<10240xf32, #tpu.memory_space<vmem>>, vector<16xf32>,
    %swap3A_944 = arith.constant 7360 : index
    %swap3A_945 = tpu.vector_load %arg17[%swap3A_944] {strides = array<i32>} : memref<10240xf32, #tpu.memory_space<vmem>>, vector<16xf32>,
    tpu.vector_store %arg17[%swap3A_944], %broadcast_in_dim3A_24 {strides = array<i32>} : memref<10240xf32, #tpu.memory_space<vmem>>, vector<16xf32>,
    %swap3A_946 = arith.constant 7376 : index
    %swap3A_947 = tpu.vector_load %arg17[%swap3A_946] {strides = array<i32>} : memref<10240xf32, #tpu.memory_space<vmem>>, vector<16xf32>,
    tpu.vector_store %arg17[%swap3A_946], %broadcast_in_dim3A_24 {strides = array<i32>} : memref<10240xf32, #tpu.memory_space<vmem>>, vector<16xf32>,
    %swap3A_948 = arith.constant 7392 : index
    %swap3A_949 = tpu.vector_load %arg17[%swap3A_948] {strides = array<i32>} : memref<10240xf32, #tpu.memory_space<vmem>>, vector<16xf32>,
    tpu.vector_store %arg17[%swap3A_948], %broadcast_in_dim3A_24 {strides = array<i32>} : memref<10240xf32, #tpu.memory_space<vmem>>, vector<16xf32>,
    %swap3A_950 = arith.constant 7408 : index
    %swap3A_951 = tpu.vector_load %arg17[%swap3A_950] {strides = array<i32>} : memref<10240xf32, #tpu.memory_space<vmem>>, vector<16xf32>,
    tpu.vector_store %arg17[%swap3A_950], %broadcast_in_dim3A_24 {strides = array<i32>} : memref<10240xf32, #tpu.memory_space<vmem>>, vector<16xf32>,
    %swap3A_952 = arith.constant 7424 : index
    %swap3A_953 = tpu.vector_load %arg17[%swap3A_952] {strides = array<i32>} : memref<10240xf32, #tpu.memory_space<vmem>>, vector<16xf32>,
    tpu.vector_store %arg17[%swap3A_952], %broadcast_in_dim3A_24 {strides = array<i32>} : memref<10240xf32, #tpu.memory_space<vmem>>, vector<16xf32>,
    %swap3A_954 = arith.constant 7440 : index
    %swap3A_955 = tpu.vector_load %arg17[%swap3A_954] {strides = array<i32>} : memref<10240xf32, #tpu.memory_space<vmem>>, vector<16xf32>,
    tpu.vector_store %arg17[%swap3A_954], %broadcast_in_dim3A_24 {strides = array<i32>} : memref<10240xf32, #tpu.memory_space<vmem>>, vector<16xf32>,
    %swap3A_956 = arith.constant 7456 : index
    %swap3A_957 = tpu.vector_load %arg17[%swap3A_956] {strides = array<i32>} : memref<10240xf32, #tpu.memory_space<vmem>>, vector<16xf32>,
    tpu.vector_store %arg17[%swap3A_956], %broadcast_in_dim3A_24 {strides = array<i32>} : memref<10240xf32, #tpu.memory_space<vmem>>, vector<16xf32>,
    %swap3A_958 = arith.constant 7472 : index
    %swap3A_959 = tpu.vector_load %arg17[%swap3A_958] {strides = array<i32>} : memref<10240xf32, #tpu.memory_space<vmem>>, vector<16xf32>,
    tpu.vector_store %arg17[%swap3A_958], %broadcast_in_dim3A_24 {strides = array<i32>} : memref<10240xf32, #tpu.memory_space<vmem>>, vector<16xf32>,
    %swap3A_960 = arith.constant 7488 : index
    %swap3A_961 = tpu.vector_load %arg17[%swap3A_960] {strides = array<i32>} : memref<10240xf32, #tpu.memory_space<vmem>>, vector<16xf32>,
    tpu.vector_store %arg17[%swap3A_960], %broadcast_in_dim3A_24 {strides = array<i32>} : memref<10240xf32, #tpu.memory_space<vmem>>, vector<16xf32>,
    %swap3A_962 = arith.constant 7504 : index
    %swap3A_963 = tpu.vector_load %arg17[%swap3A_962] {strides = array<i32>} : memref<10240xf32, #tpu.memory_space<vmem>>, vector<16xf32>,
    tpu.vector_store %arg17[%swap3A_962], %broadcast_in_dim3A_24 {strides = array<i32>} : memref<10240xf32, #tpu.memory_space<vmem>>, vector<16xf32>,
    %swap3A_964 = arith.constant 7520 : index
    %swap3A_965 = tpu.vector_load %arg17[%swap3A_964] {strides = array<i32>} : memref<10240xf32, #tpu.memory_space<vmem>>, vector<16xf32>,
    tpu.vector_store %arg17[%swap3A_964], %broadcast_in_dim3A_24 {strides = array<i32>} : memref<10240xf32, #tpu.memory_space<vmem>>, vector<16xf32>,
    %swap3A_966 = arith.constant 7536 : index
    %swap3A_967 = tpu.vector_load %arg17[%swap3A_966] {strides = array<i32>} : memref<10240xf32, #tpu.memory_space<vmem>>, vector<16xf32>,
    tpu.vector_store %arg17[%swap3A_966], %broadcast_in_dim3A_24 {strides = array<i32>} : memref<10240xf32, #tpu.memory_space<vmem>>, vector<16xf32>,
    %swap3A_968 = arith.constant 7552 : index
    %swap3A_969 = tpu.vector_load %arg17[%swap3A_968] {strides = array<i32>} : memref<10240xf32, #tpu.memory_space<vmem>>, vector<16xf32>,
    tpu.vector_store %arg17[%swap3A_968], %broadcast_in_dim3A_24 {strides = array<i32>} : memref<10240xf32, #tpu.memory_space<vmem>>, vector<16xf32>,
    %swap3A_970 = arith.constant 7568 : index
    %swap3A_971 = tpu.vector_load %arg17[%swap3A_970] {strides = array<i32>} : memref<10240xf32, #tpu.memory_space<vmem>>, vector<16xf32>,
    tpu.vector_store %arg17[%swap3A_970], %broadcast_in_dim3A_24 {strides = array<i32>} : memref<10240xf32, #tpu.memory_space<vmem>>, vector<16xf32>,
    %swap3A_972 = arith.constant 7584 : index
    %swap3A_973 = tpu.vector_load %arg17[%swap3A_972] {strides = array<i32>} : memref<10240xf32, #tpu.memory_space<vmem>>, vector<16xf32>,
    tpu.vector_store %arg17[%swap3A_972], %broadcast_in_dim3A_24 {strides = array<i32>} : memref<10240xf32, #tpu.memory_space<vmem>>, vector<16xf32>,
    %swap3A_974 = arith.constant 7600 : index
    %swap3A_975 = tpu.vector_load %arg17[%swap3A_974] {strides = array<i32>} : memref<10240xf32, #tpu.memory_space<vmem>>, vector<16xf32>,
    tpu.vector_store %arg17[%swap3A_974], %broadcast_in_dim3A_24 {strides = array<i32>} : memref<10240xf32, #tpu.memory_space<vmem>>, vector<16xf32>,
    %swap3A_976 = arith.constant 7616 : index
    %swap3A_977 = tpu.vector_load %arg17[%swap3A_976] {strides = array<i32>} : memref<10240xf32, #tpu.memory_space<vmem>>, vector<16xf32>,
    tpu.vector_store %arg17[%swap3A_976], %broadcast_in_dim3A_24 {strides = array<i32>} : memref<10240xf32, #tpu.memory_space<vmem>>, vector<16xf32>,
    %swap3A_978 = arith.constant 7632 : index
    %swap3A_979 = tpu.vector_load %arg17[%swap3A_978] {strides = array<i32>} : memref<10240xf32, #tpu.memory_space<vmem>>, vector<16xf32>,
    tpu.vector_store %arg17[%swap3A_978], %broadcast_in_dim3A_24 {strides = array<i32>} : memref<10240xf32, #tpu.memory_space<vmem>>, vector<16xf32>,
    %swap3A_980 = arith.constant 7648 : index
    %swap3A_981 = tpu.vector_load %arg17[%swap3A_980] {strides = array<i32>} : memref<10240xf32, #tpu.memory_space<vmem>>, vector<16xf32>,
    tpu.vector_store %arg17[%swap3A_980], %broadcast_in_dim3A_24 {strides = array<i32>} : memref<10240xf32, #tpu.memory_space<vmem>>, vector<16xf32>,
    %swap3A_982 = arith.constant 7664 : index
    %swap3A_983 = tpu.vector_load %arg17[%swap3A_982] {strides = array<i32>} : memref<10240xf32, #tpu.memory_space<vmem>>, vector<16xf32>,
    tpu.vector_store %arg17[%swap3A_982], %broadcast_in_dim3A_24 {strides = array<i32>} : memref<10240xf32, #tpu.memory_space<vmem>>, vector<16xf32>,
    %swap3A_984 = arith.constant 7680 : index
    %swap3A_985 = tpu.vector_load %arg17[%swap3A_984] {strides = array<i32>} : memref<10240xf32, #tpu.memory_space<vmem>>, vector<16xf32>,
    tpu.vector_store %arg17[%swap3A_984], %broadcast_in_dim3A_24 {strides = array<i32>} : memref<10240xf32, #tpu.memory_space<vmem>>, vector<16xf32>,
    %swap3A_986 = arith.constant 7696 : index
    %swap3A_987 = tpu.vector_load %arg17[%swap3A_986] {strides = array<i32>} : memref<10240xf32, #tpu.memory_space<vmem>>, vector<16xf32>,
    tpu.vector_store %arg17[%swap3A_986], %broadcast_in_dim3A_24 {strides = array<i32>} : memref<10240xf32, #tpu.memory_space<vmem>>, vector<16xf32>,
    %swap3A_988 = arith.constant 7712 : index
    %swap3A_989 = tpu.vector_load %arg17[%swap3A_988] {strides = array<i32>} : memref<10240xf32, #tpu.memory_space<vmem>>, vector<16xf32>,
    tpu.vector_store %arg17[%swap3A_988], %broadcast_in_dim3A_24 {strides = array<i32>} : memref<10240xf32, #tpu.memory_space<vmem>>, vector<16xf32>,
    %swap3A_990 = arith.constant 7728 : index
    %swap3A_991 = tpu.vector_load %arg17[%swap3A_990] {strides = array<i32>} : memref<10240xf32, #tpu.memory_space<vmem>>, vector<16xf32>,
    tpu.vector_store %arg17[%swap3A_990], %broadcast_in_dim3A_24 {strides = array<i32>} : memref<10240xf32, #tpu.memory_space<vmem>>, vector<16xf32>,
    %swap3A_992 = arith.constant 7744 : index
    %swap3A_993 = tpu.vector_load %arg17[%swap3A_992] {strides = array<i32>} : memref<10240xf32, #tpu.memory_space<vmem>>, vector<16xf32>,
    tpu.vector_store %arg17[%swap3A_992], %broadcast_in_dim3A_24 {strides = array<i32>} : memref<10240xf32, #tpu.memory_space<vmem>>, vector<16xf32>,
    %swap3A_994 = arith.constant 7760 : index
    %swap3A_995 = tpu.vector_load %arg17[%swap3A_994] {strides = array<i32>} : memref<10240xf32, #tpu.memory_space<vmem>>, vector<16xf32>,
    tpu.vector_store %arg17[%swap3A_994], %broadcast_in_dim3A_24 {strides = array<i32>} : memref<10240xf32, #tpu.memory_space<vmem>>, vector<16xf32>,
    %swap3A_996 = arith.constant 7776 : index
    %swap3A_997 = tpu.vector_load %arg17[%swap3A_996] {strides = array<i32>} : memref<10240xf32, #tpu.memory_space<vmem>>, vector<16xf32>,
    tpu.vector_store %arg17[%swap3A_996], %broadcast_in_dim3A_24 {strides = array<i32>} : memref<10240xf32, #tpu.memory_space<vmem>>, vector<16xf32>,
    %swap3A_998 = arith.constant 7792 : index
    %swap3A_999 = tpu.vector_load %arg17[%swap3A_998] {strides = array<i32>} : memref<10240xf32, #tpu.memory_space<vmem>>, vector<16xf32>,
    tpu.vector_store %arg17[%swap3A_998], %broadcast_in_dim3A_24 {strides = array<i32>} : memref<10240xf32, #tpu.memory_space<vmem>>, vector<16xf32>,
    %swap3A_1000 = arith.constant 7808 : index
    %swap3A_1001 = tpu.vector_load %arg17[%swap3A_1000] {strides = array<i32>} : memref<10240xf32, #tpu.memory_space<vmem>>, vector<16xf32>,
    tpu.vector_store %arg17[%swap3A_1000], %broadcast_in_dim3A_24 {strides = array<i32>} : memref<10240xf32, #tpu.memory_space<vmem>>, vector<16xf32>,
    %swap3A_1002 = arith.constant 7824 : index
    %swap3A_1003 = tpu.vector_load %arg17[%swap3A_1002] {strides = array<i32>} : memref<10240xf32, #tpu.memory_space<vmem>>, vector<16xf32>,
    tpu.vector_store %arg17[%swap3A_1002], %broadcast_in_dim3A_24 {strides = array<i32>} : memref<10240xf32, #tpu.memory_space<vmem>>, vector<16xf32>,
    %swap3A_1004 = arith.constant 7840 : index
    %swap3A_1005 = tpu.vector_load %arg17[%swap3A_1004] {strides = array<i32>} : memref<10240xf32, #tpu.memory_space<vmem>>, vector<16xf32>,
    tpu.vector_store %arg17[%swap3A_1004], %broadcast_in_dim3A_24 {strides = array<i32>} : memref<10240xf32, #tpu.memory_space<vmem>>, vector<16xf32>,
    %swap3A_1006 = arith.constant 7856 : index
    %swap3A_1007 = tpu.vector_load %arg17[%swap3A_1006] {strides = array<i32>} : memref<10240xf32, #tpu.memory_space<vmem>>, vector<16xf32>,
    tpu.vector_store %arg17[%swap3A_1006], %broadcast_in_dim3A_24 {strides = array<i32>} : memref<10240xf32, #tpu.memory_space<vmem>>, vector<16xf32>,
    %swap3A_1008 = arith.constant 7872 : index
    %swap3A_1009 = tpu.vector_load %arg17[%swap3A_1008] {strides = array<i32>} : memref<10240xf32, #tpu.memory_space<vmem>>, vector<16xf32>,
    tpu.vector_store %arg17[%swap3A_1008], %broadcast_in_dim3A_24 {strides = array<i32>} : memref<10240xf32, #tpu.memory_space<vmem>>, vector<16xf32>,
    %swap3A_1010 = arith.constant 7888 : index
    %swap3A_1011 = tpu.vector_load %arg17[%swap3A_1010] {strides = array<i32>} : memref<10240xf32, #tpu.memory_space<vmem>>, vector<16xf32>,
    tpu.vector_store %arg17[%swap3A_1010], %broadcast_in_dim3A_24 {strides = array<i32>} : memref<10240xf32, #tpu.memory_space<vmem>>, vector<16xf32>,
    %swap3A_1012 = arith.constant 7904 : index
    %swap3A_1013 = tpu.vector_load %arg17[%swap3A_1012] {strides = array<i32>} : memref<10240xf32, #tpu.memory_space<vmem>>, vector<16xf32>,
    tpu.vector_store %arg17[%swap3A_1012], %broadcast_in_dim3A_24 {strides = array<i32>} : memref<10240xf32, #tpu.memory_space<vmem>>, vector<16xf32>,
    %swap3A_1014 = arith.constant 7920 : index
    %swap3A_1015 = tpu.vector_load %arg17[%swap3A_1014] {strides = array<i32>} : memref<10240xf32, #tpu.memory_space<vmem>>, vector<16xf32>,
    tpu.vector_store %arg17[%swap3A_1014], %broadcast_in_dim3A_24 {strides = array<i32>} : memref<10240xf32, #tpu.memory_space<vmem>>, vector<16xf32>,
    %swap3A_1016 = arith.constant 7936 : index
    %swap3A_1017 = tpu.vector_load %arg17[%swap3A_1016] {strides = array<i32>} : memref<10240xf32, #tpu.memory_space<vmem>>, vector<16xf32>,
    tpu.vector_store %arg17[%swap3A_1016], %broadcast_in_dim3A_24 {strides = array<i32>} : memref<10240xf32, #tpu.memory_space<vmem>>, vector<16xf32>,
    %swap3A_1018 = arith.constant 7952 : index
    %swap3A_1019 = tpu.vector_load %arg17[%swap3A_1018] {strides = array<i32>} : memref<10240xf32, #tpu.memory_space<vmem>>, vector<16xf32>,
    tpu.vector_store %arg17[%swap3A_1018], %broadcast_in_dim3A_24 {strides = array<i32>} : memref<10240xf32, #tpu.memory_space<vmem>>, vector<16xf32>,
    %swap3A_1020 = arith.constant 7968 : index
    %swap3A_1021 = tpu.vector_load %arg17[%swap3A_1020] {strides = array<i32>} : memref<10240xf32, #tpu.memory_space<vmem>>, vector<16xf32>,
    tpu.vector_store %arg17[%swap3A_1020], %broadcast_in_dim3A_24 {strides = array<i32>} : memref<10240xf32, #tpu.memory_space<vmem>>, vector<16xf32>,
    %swap3A_1022 = arith.constant 7984 : index
    %swap3A_1023 = tpu.vector_load %arg17[%swap3A_1022] {strides = array<i32>} : memref<10240xf32, #tpu.memory_space<vmem>>, vector<16xf32>,
    tpu.vector_store %arg17[%swap3A_1022], %broadcast_in_dim3A_24 {strides = array<i32>} : memref<10240xf32, #tpu.memory_space<vmem>>, vector<16xf32>,
    %swap3A_1024 = arith.constant 8000 : index
    %swap3A_1025 = tpu.vector_load %arg17[%swap3A_1024] {strides = array<i32>} : memref<10240xf32, #tpu.memory_space<vmem>>, vector<16xf32>,
    tpu.vector_store %arg17[%swap3A_1024], %broadcast_in_dim3A_24 {strides = array<i32>} : memref<10240xf32, #tpu.memory_space<vmem>>, vector<16xf32>,
    %swap3A_1026 = arith.constant 8016 : index
    %swap3A_1027 = tpu.vector_load %arg17[%swap3A_1026] {strides = array<i32>} : memref<10240xf32, #tpu.memory_space<vmem>>, vector<16xf32>,
    tpu.vector_store %arg17[%swap3A_1026], %broadcast_in_dim3A_24 {strides = array<i32>} : memref<10240xf32, #tpu.memory_space<vmem>>, vector<16xf32>,
    %swap3A_1028 = arith.constant 8032 : index
    %swap3A_1029 = tpu.vector_load %arg17[%swap3A_1028] {strides = array<i32>} : memref<10240xf32, #tpu.memory_space<vmem>>, vector<16xf32>,
    tpu.vector_store %arg17[%swap3A_1028], %broadcast_in_dim3A_24 {strides = array<i32>} : memref<10240xf32, #tpu.memory_space<vmem>>, vector<16xf32>,
    %swap3A_1030 = arith.constant 8048 : index
    %swap3A_1031 = tpu.vector_load %arg17[%swap3A_1030] {strides = array<i32>} : memref<10240xf32, #tpu.memory_space<vmem>>, vector<16xf32>,
    tpu.vector_store %arg17[%swap3A_1030], %broadcast_in_dim3A_24 {strides = array<i32>} : memref<10240xf32, #tpu.memory_space<vmem>>, vector<16xf32>,
    %swap3A_1032 = arith.constant 8064 : index
    %swap3A_1033 = tpu.vector_load %arg17[%swap3A_1032] {strides = array<i32>} : memref<10240xf32, #tpu.memory_space<vmem>>, vector<16xf32>,
    tpu.vector_store %arg17[%swap3A_1032], %broadcast_in_dim3A_24 {strides = array<i32>} : memref<10240xf32, #tpu.memory_space<vmem>>, vector<16xf32>,
    %swap3A_1034 = arith.constant 8080 : index
    %swap3A_1035 = tpu.vector_load %arg17[%swap3A_1034] {strides = array<i32>} : memref<10240xf32, #tpu.memory_space<vmem>>, vector<16xf32>,
    tpu.vector_store %arg17[%swap3A_1034], %broadcast_in_dim3A_24 {strides = array<i32>} : memref<10240xf32, #tpu.memory_space<vmem>>, vector<16xf32>,
    %swap3A_1036 = arith.constant 8096 : index
    %swap3A_1037 = tpu.vector_load %arg17[%swap3A_1036] {strides = array<i32>} : memref<10240xf32, #tpu.memory_space<vmem>>, vector<16xf32>,
    tpu.vector_store %arg17[%swap3A_1036], %broadcast_in_dim3A_24 {strides = array<i32>} : memref<10240xf32, #tpu.memory_space<vmem>>, vector<16xf32>,
    %swap3A_1038 = arith.constant 8112 : index
    %swap3A_1039 = tpu.vector_load %arg17[%swap3A_1038] {strides = array<i32>} : memref<10240xf32, #tpu.memory_space<vmem>>, vector<16xf32>,
    tpu.vector_store %arg17[%swap3A_1038], %broadcast_in_dim3A_24 {strides = array<i32>} : memref<10240xf32, #tpu.memory_space<vmem>>, vector<16xf32>,
    %swap3A_1040 = arith.constant 8128 : index
    %swap3A_1041 = tpu.vector_load %arg17[%swap3A_1040] {strides = array<i32>} : memref<10240xf32, #tpu.memory_space<vmem>>, vector<16xf32>,
    tpu.vector_store %arg17[%swap3A_1040], %broadcast_in_dim3A_24 {strides = array<i32>} : memref<10240xf32, #tpu.memory_space<vmem>>, vector<16xf32>,
    %swap3A_1042 = arith.constant 8144 : index
    %swap3A_1043 = tpu.vector_load %arg17[%swap3A_1042] {strides = array<i32>} : memref<10240xf32, #tpu.memory_space<vmem>>, vector<16xf32>,
    tpu.vector_store %arg17[%swap3A_1042], %broadcast_in_dim3A_24 {strides = array<i32>} : memref<10240xf32, #tpu.memory_space<vmem>>, vector<16xf32>,
    %swap3A_1044 = arith.constant 8160 : index
    %swap3A_1045 = tpu.vector_load %arg17[%swap3A_1044] {strides = array<i32>} : memref<10240xf32, #tpu.memory_space<vmem>>, vector<16xf32>,
    tpu.vector_store %arg17[%swap3A_1044], %broadcast_in_dim3A_24 {strides = array<i32>} : memref<10240xf32, #tpu.memory_space<vmem>>, vector<16xf32>,
    %swap3A_1046 = arith.constant 8176 : index
    %swap3A_1047 = tpu.vector_load %arg17[%swap3A_1046] {strides = array<i32>} : memref<10240xf32, #tpu.memory_space<vmem>>, vector<16xf32>,
    tpu.vector_store %arg17[%swap3A_1046], %broadcast_in_dim3A_24 {strides = array<i32>} : memref<10240xf32, #tpu.memory_space<vmem>>, vector<16xf32>,
    %swap3A_1048 = arith.constant 8192 : index
    %swap3A_1049 = tpu.vector_load %arg17[%swap3A_1048] {strides = array<i32>} : memref<10240xf32, #tpu.memory_space<vmem>>, vector<16xf32>,
    tpu.vector_store %arg17[%swap3A_1048], %broadcast_in_dim3A_24 {strides = array<i32>} : memref<10240xf32, #tpu.memory_space<vmem>>, vector<16xf32>,
    %swap3A_1050 = arith.constant 8208 : index
    %swap3A_1051 = tpu.vector_load %arg17[%swap3A_1050] {strides = array<i32>} : memref<10240xf32, #tpu.memory_space<vmem>>, vector<16xf32>,
    tpu.vector_store %arg17[%swap3A_1050], %broadcast_in_dim3A_24 {strides = array<i32>} : memref<10240xf32, #tpu.memory_space<vmem>>, vector<16xf32>,
    %swap3A_1052 = arith.constant 8224 : index
    %swap3A_1053 = tpu.vector_load %arg17[%swap3A_1052] {strides = array<i32>} : memref<10240xf32, #tpu.memory_space<vmem>>, vector<16xf32>,
    tpu.vector_store %arg17[%swap3A_1052], %broadcast_in_dim3A_24 {strides = array<i32>} : memref<10240xf32, #tpu.memory_space<vmem>>, vector<16xf32>,
    %swap3A_1054 = arith.constant 8240 : index
    %swap3A_1055 = tpu.vector_load %arg17[%swap3A_1054] {strides = array<i32>} : memref<10240xf32, #tpu.memory_space<vmem>>, vector<16xf32>,
    tpu.vector_store %arg17[%swap3A_1054], %broadcast_in_dim3A_24 {strides = array<i32>} : memref<10240xf32, #tpu.memory_space<vmem>>, vector<16xf32>,
    %swap3A_1056 = arith.constant 8256 : index
    %swap3A_1057 = tpu.vector_load %arg17[%swap3A_1056] {strides = array<i32>} : memref<10240xf32, #tpu.memory_space<vmem>>, vector<16xf32>,
    tpu.vector_store %arg17[%swap3A_1056], %broadcast_in_dim3A_24 {strides = array<i32>} : memref<10240xf32, #tpu.memory_space<vmem>>, vector<16xf32>,
    %swap3A_1058 = arith.constant 8272 : index
    %swap3A_1059 = tpu.vector_load %arg17[%swap3A_1058] {strides = array<i32>} : memref<10240xf32, #tpu.memory_space<vmem>>, vector<16xf32>,
    tpu.vector_store %arg17[%swap3A_1058], %broadcast_in_dim3A_24 {strides = array<i32>} : memref<10240xf32, #tpu.memory_space<vmem>>, vector<16xf32>,
    %swap3A_1060 = arith.constant 8288 : index
    %swap3A_1061 = tpu.vector_load %arg17[%swap3A_1060] {strides = array<i32>} : memref<10240xf32, #tpu.memory_space<vmem>>, vector<16xf32>,
    tpu.vector_store %arg17[%swap3A_1060], %broadcast_in_dim3A_24 {strides = array<i32>} : memref<10240xf32, #tpu.memory_space<vmem>>, vector<16xf32>,
    %swap3A_1062 = arith.constant 8304 : index
    %swap3A_1063 = tpu.vector_load %arg17[%swap3A_1062] {strides = array<i32>} : memref<10240xf32, #tpu.memory_space<vmem>>, vector<16xf32>,
    tpu.vector_store %arg17[%swap3A_1062], %broadcast_in_dim3A_24 {strides = array<i32>} : memref<10240xf32, #tpu.memory_space<vmem>>, vector<16xf32>,
    %swap3A_1064 = arith.constant 8320 : index
    %swap3A_1065 = tpu.vector_load %arg17[%swap3A_1064] {strides = array<i32>} : memref<10240xf32, #tpu.memory_space<vmem>>, vector<16xf32>,
    tpu.vector_store %arg17[%swap3A_1064], %broadcast_in_dim3A_24 {strides = array<i32>} : memref<10240xf32, #tpu.memory_space<vmem>>, vector<16xf32>,
    %swap3A_1066 = arith.constant 8336 : index
    %swap3A_1067 = tpu.vector_load %arg17[%swap3A_1066] {strides = array<i32>} : memref<10240xf32, #tpu.memory_space<vmem>>, vector<16xf32>,
    tpu.vector_store %arg17[%swap3A_1066], %broadcast_in_dim3A_24 {strides = array<i32>} : memref<10240xf32, #tpu.memory_space<vmem>>, vector<16xf32>,
    %swap3A_1068 = arith.constant 8352 : index
    %swap3A_1069 = tpu.vector_load %arg17[%swap3A_1068] {strides = array<i32>} : memref<10240xf32, #tpu.memory_space<vmem>>, vector<16xf32>,
    tpu.vector_store %arg17[%swap3A_1068], %broadcast_in_dim3A_24 {strides = array<i32>} : memref<10240xf32, #tpu.memory_space<vmem>>, vector<16xf32>,
    %swap3A_1070 = arith.constant 8368 : index
    %swap3A_1071 = tpu.vector_load %arg17[%swap3A_1070] {strides = array<i32>} : memref<10240xf32, #tpu.memory_space<vmem>>, vector<16xf32>,
    tpu.vector_store %arg17[%swap3A_1070], %broadcast_in_dim3A_24 {strides = array<i32>} : memref<10240xf32, #tpu.memory_space<vmem>>, vector<16xf32>,
    %swap3A_1072 = arith.constant 8384 : index
    %swap3A_1073 = tpu.vector_load %arg17[%swap3A_1072] {strides = array<i32>} : memref<10240xf32, #tpu.memory_space<vmem>>, vector<16xf32>,
    tpu.vector_store %arg17[%swap3A_1072], %broadcast_in_dim3A_24 {strides = array<i32>} : memref<10240xf32, #tpu.memory_space<vmem>>, vector<16xf32>,
    %swap3A_1074 = arith.constant 8400 : index
    %swap3A_1075 = tpu.vector_load %arg17[%swap3A_1074] {strides = array<i32>} : memref<10240xf32, #tpu.memory_space<vmem>>, vector<16xf32>,
    tpu.vector_store %arg17[%swap3A_1074], %broadcast_in_dim3A_24 {strides = array<i32>} : memref<10240xf32, #tpu.memory_space<vmem>>, vector<16xf32>,
    %swap3A_1076 = arith.constant 8416 : index
    %swap3A_1077 = tpu.vector_load %arg17[%swap3A_1076] {strides = array<i32>} : memref<10240xf32, #tpu.memory_space<vmem>>, vector<16xf32>,
    tpu.vector_store %arg17[%swap3A_1076], %broadcast_in_dim3A_24 {strides = array<i32>} : memref<10240xf32, #tpu.memory_space<vmem>>, vector<16xf32>,
    %swap3A_1078 = arith.constant 8432 : index
    %swap3A_1079 = tpu.vector_load %arg17[%swap3A_1078] {strides = array<i32>} : memref<10240xf32, #tpu.memory_space<vmem>>, vector<16xf32>,
    tpu.vector_store %arg17[%swap3A_1078], %broadcast_in_dim3A_24 {strides = array<i32>} : memref<10240xf32, #tpu.memory_space<vmem>>, vector<16xf32>,
    %swap3A_1080 = arith.constant 8448 : index
    %swap3A_1081 = tpu.vector_load %arg17[%swap3A_1080] {strides = array<i32>} : memref<10240xf32, #tpu.memory_space<vmem>>, vector<16xf32>,
    tpu.vector_store %arg17[%swap3A_1080], %broadcast_in_dim3A_24 {strides = array<i32>} : memref<10240xf32, #tpu.memory_space<vmem>>, vector<16xf32>,
    %swap3A_1082 = arith.constant 8464 : index
    %swap3A_1083 = tpu.vector_load %arg17[%swap3A_1082] {strides = array<i32>} : memref<10240xf32, #tpu.memory_space<vmem>>, vector<16xf32>,
    tpu.vector_store %arg17[%swap3A_1082], %broadcast_in_dim3A_24 {strides = array<i32>} : memref<10240xf32, #tpu.memory_space<vmem>>, vector<16xf32>,
    %swap3A_1084 = arith.constant 8480 : index
    %swap3A_1085 = tpu.vector_load %arg17[%swap3A_1084] {strides = array<i32>} : memref<10240xf32, #tpu.memory_space<vmem>>, vector<16xf32>,
    tpu.vector_store %arg17[%swap3A_1084], %broadcast_in_dim3A_24 {strides = array<i32>} : memref<10240xf32, #tpu.memory_space<vmem>>, vector<16xf32>,
    %swap3A_1086 = arith.constant 8496 : index
    %swap3A_1087 = tpu.vector_load %arg17[%swap3A_1086] {strides = array<i32>} : memref<10240xf32, #tpu.memory_space<vmem>>, vector<16xf32>,
    tpu.vector_store %arg17[%swap3A_1086], %broadcast_in_dim3A_24 {strides = array<i32>} : memref<10240xf32, #tpu.memory_space<vmem>>, vector<16xf32>,
    %swap3A_1088 = arith.constant 8512 : index
    %swap3A_1089 = tpu.vector_load %arg17[%swap3A_1088] {strides = array<i32>} : memref<10240xf32, #tpu.memory_space<vmem>>, vector<16xf32>,
    tpu.vector_store %arg17[%swap3A_1088], %broadcast_in_dim3A_24 {strides = array<i32>} : memref<10240xf32, #tpu.memory_space<vmem>>, vector<16xf32>,
    %swap3A_1090 = arith.constant 8528 : index
    %swap3A_1091 = tpu.vector_load %arg17[%swap3A_1090] {strides = array<i32>} : memref<10240xf32, #tpu.memory_space<vmem>>, vector<16xf32>,
    tpu.vector_store %arg17[%swap3A_1090], %broadcast_in_dim3A_24 {strides = array<i32>} : memref<10240xf32, #tpu.memory_space<vmem>>, vector<16xf32>,
    %swap3A_1092 = arith.constant 8544 : index
    %swap3A_1093 = tpu.vector_load %arg17[%swap3A_1092] {strides = array<i32>} : memref<10240xf32, #tpu.memory_space<vmem>>, vector<16xf32>,
    tpu.vector_store %arg17[%swap3A_1092], %broadcast_in_dim3A_24 {strides = array<i32>} : memref<10240xf32, #tpu.memory_space<vmem>>, vector<16xf32>,
    %swap3A_1094 = arith.constant 8560 : index
    %swap3A_1095 = tpu.vector_load %arg17[%swap3A_1094] {strides = array<i32>} : memref<10240xf32, #tpu.memory_space<vmem>>, vector<16xf32>,
    tpu.vector_store %arg17[%swap3A_1094], %broadcast_in_dim3A_24 {strides = array<i32>} : memref<10240xf32, #tpu.memory_space<vmem>>, vector<16xf32>,
    %swap3A_1096 = arith.constant 8576 : index
    %swap3A_1097 = tpu.vector_load %arg17[%swap3A_1096] {strides = array<i32>} : memref<10240xf32, #tpu.memory_space<vmem>>, vector<16xf32>,
    tpu.vector_store %arg17[%swap3A_1096], %broadcast_in_dim3A_24 {strides = array<i32>} : memref<10240xf32, #tpu.memory_space<vmem>>, vector<16xf32>,
    %swap3A_1098 = arith.constant 8592 : index
    %swap3A_1099 = tpu.vector_load %arg17[%swap3A_1098] {strides = array<i32>} : memref<10240xf32, #tpu.memory_space<vmem>>, vector<16xf32>,
    tpu.vector_store %arg17[%swap3A_1098], %broadcast_in_dim3A_24 {strides = array<i32>} : memref<10240xf32, #tpu.memory_space<vmem>>, vector<16xf32>,
    %swap3A_1100 = arith.constant 8608 : index
    %swap3A_1101 = tpu.vector_load %arg17[%swap3A_1100] {strides = array<i32>} : memref<10240xf32, #tpu.memory_space<vmem>>, vector<16xf32>,
    tpu.vector_store %arg17[%swap3A_1100], %broadcast_in_dim3A_24 {strides = array<i32>} : memref<10240xf32, #tpu.memory_space<vmem>>, vector<16xf32>,
    %swap3A_1102 = arith.constant 8624 : index
    %swap3A_1103 = tpu.vector_load %arg17[%swap3A_1102] {strides = array<i32>} : memref<10240xf32, #tpu.memory_space<vmem>>, vector<16xf32>,
    tpu.vector_store %arg17[%swap3A_1102], %broadcast_in_dim3A_24 {strides = array<i32>} : memref<10240xf32, #tpu.memory_space<vmem>>, vector<16xf32>,
    %swap3A_1104 = arith.constant 8640 : index
    %swap3A_1105 = tpu.vector_load %arg17[%swap3A_1104] {strides = array<i32>} : memref<10240xf32, #tpu.memory_space<vmem>>, vector<16xf32>,
    tpu.vector_store %arg17[%swap3A_1104], %broadcast_in_dim3A_24 {strides = array<i32>} : memref<10240xf32, #tpu.memory_space<vmem>>, vector<16xf32>,
    %swap3A_1106 = arith.constant 8656 : index
    %swap3A_1107 = tpu.vector_load %arg17[%swap3A_1106] {strides = array<i32>} : memref<10240xf32, #tpu.memory_space<vmem>>, vector<16xf32>,
    tpu.vector_store %arg17[%swap3A_1106], %broadcast_in_dim3A_24 {strides = array<i32>} : memref<10240xf32, #tpu.memory_space<vmem>>, vector<16xf32>,
    %swap3A_1108 = arith.constant 8672 : index
    %swap3A_1109 = tpu.vector_load %arg17[%swap3A_1108] {strides = array<i32>} : memref<10240xf32, #tpu.memory_space<vmem>>, vector<16xf32>,
    tpu.vector_store %arg17[%swap3A_1108], %broadcast_in_dim3A_24 {strides = array<i32>} : memref<10240xf32, #tpu.memory_space<vmem>>, vector<16xf32>,
    %swap3A_1110 = arith.constant 8688 : index
    %swap3A_1111 = tpu.vector_load %arg17[%swap3A_1110] {strides = array<i32>} : memref<10240xf32, #tpu.memory_space<vmem>>, vector<16xf32>,
    tpu.vector_store %arg17[%swap3A_1110], %broadcast_in_dim3A_24 {strides = array<i32>} : memref<10240xf32, #tpu.memory_space<vmem>>, vector<16xf32>,
    %swap3A_1112 = arith.constant 8704 : index
    %swap3A_1113 = tpu.vector_load %arg17[%swap3A_1112] {strides = array<i32>} : memref<10240xf32, #tpu.memory_space<vmem>>, vector<16xf32>,
    tpu.vector_store %arg17[%swap3A_1112], %broadcast_in_dim3A_24 {strides = array<i32>} : memref<10240xf32, #tpu.memory_space<vmem>>, vector<16xf32>,
    %swap3A_1114 = arith.constant 8720 : index
    %swap3A_1115 = tpu.vector_load %arg17[%swap3A_1114] {strides = array<i32>} : memref<10240xf32, #tpu.memory_space<vmem>>, vector<16xf32>,
    tpu.vector_store %arg17[%swap3A_1114], %broadcast_in_dim3A_24 {strides = array<i32>} : memref<10240xf32, #tpu.memory_space<vmem>>, vector<16xf32>,
    %swap3A_1116 = arith.constant 8736 : index
    %swap3A_1117 = tpu.vector_load %arg17[%swap3A_1116] {strides = array<i32>} : memref<10240xf32, #tpu.memory_space<vmem>>, vector<16xf32>,
    tpu.vector_store %arg17[%swap3A_1116], %broadcast_in_dim3A_24 {strides = array<i32>} : memref<10240xf32, #tpu.memory_space<vmem>>, vector<16xf32>,
    %swap3A_1118 = arith.constant 8752 : index
    %swap3A_1119 = tpu.vector_load %arg17[%swap3A_1118] {strides = array<i32>} : memref<10240xf32, #tpu.memory_space<vmem>>, vector<16xf32>,
    tpu.vector_store %arg17[%swap3A_1118], %broadcast_in_dim3A_24 {strides = array<i32>} : memref<10240xf32, #tpu.memory_space<vmem>>, vector<16xf32>,
    %swap3A_1120 = arith.constant 8768 : index
    %swap3A_1121 = tpu.vector_load %arg17[%swap3A_1120] {strides = array<i32>} : memref<10240xf32, #tpu.memory_space<vmem>>, vector<16xf32>,
    tpu.vector_store %arg17[%swap3A_1120], %broadcast_in_dim3A_24 {strides = array<i32>} : memref<10240xf32, #tpu.memory_space<vmem>>, vector<16xf32>,
    %swap3A_1122 = arith.constant 8784 : index
    %swap3A_1123 = tpu.vector_load %arg17[%swap3A_1122] {strides = array<i32>} : memref<10240xf32, #tpu.memory_space<vmem>>, vector<16xf32>,
    tpu.vector_store %arg17[%swap3A_1122], %broadcast_in_dim3A_24 {strides = array<i32>} : memref<10240xf32, #tpu.memory_space<vmem>>, vector<16xf32>,
    %swap3A_1124 = arith.constant 8800 : index
    %swap3A_1125 = tpu.vector_load %arg17[%swap3A_1124] {strides = array<i32>} : memref<10240xf32, #tpu.memory_space<vmem>>, vector<16xf32>,
    tpu.vector_store %arg17[%swap3A_1124], %broadcast_in_dim3A_24 {strides = array<i32>} : memref<10240xf32, #tpu.memory_space<vmem>>, vector<16xf32>,
    %swap3A_1126 = arith.constant 8816 : index
    %swap3A_1127 = tpu.vector_load %arg17[%swap3A_1126] {strides = array<i32>} : memref<10240xf32, #tpu.memory_space<vmem>>, vector<16xf32>,
    tpu.vector_store %arg17[%swap3A_1126], %broadcast_in_dim3A_24 {strides = array<i32>} : memref<10240xf32, #tpu.memory_space<vmem>>, vector<16xf32>,
    %swap3A_1128 = arith.constant 8832 : index
    %swap3A_1129 = tpu.vector_load %arg17[%swap3A_1128] {strides = array<i32>} : memref<10240xf32, #tpu.memory_space<vmem>>, vector<16xf32>,
    tpu.vector_store %arg17[%swap3A_1128], %broadcast_in_dim3A_24 {strides = array<i32>} : memref<10240xf32, #tpu.memory_space<vmem>>, vector<16xf32>,
    %swap3A_1130 = arith.constant 8848 : index
    %swap3A_1131 = tpu.vector_load %arg17[%swap3A_1130] {strides = array<i32>} : memref<10240xf32, #tpu.memory_space<vmem>>, vector<16xf32>,
    tpu.vector_store %arg17[%swap3A_1130], %broadcast_in_dim3A_24 {strides = array<i32>} : memref<10240xf32, #tpu.memory_space<vmem>>, vector<16xf32>,
    %swap3A_1132 = arith.constant 8864 : index
    %swap3A_1133 = tpu.vector_load %arg17[%swap3A_1132] {strides = array<i32>} : memref<10240xf32, #tpu.memory_space<vmem>>, vector<16xf32>,
    tpu.vector_store %arg17[%swap3A_1132], %broadcast_in_dim3A_24 {strides = array<i32>} : memref<10240xf32, #tpu.memory_space<vmem>>, vector<16xf32>,
    %swap3A_1134 = arith.constant 8880 : index
    %swap3A_1135 = tpu.vector_load %arg17[%swap3A_1134] {strides = array<i32>} : memref<10240xf32, #tpu.memory_space<vmem>>, vector<16xf32>,
    tpu.vector_store %arg17[%swap3A_1134], %broadcast_in_dim3A_24 {strides = array<i32>} : memref<10240xf32, #tpu.memory_space<vmem>>, vector<16xf32>,
    %swap3A_1136 = arith.constant 8896 : index
    %swap3A_1137 = tpu.vector_load %arg17[%swap3A_1136] {strides = array<i32>} : memref<10240xf32, #tpu.memory_space<vmem>>, vector<16xf32>,
    tpu.vector_store %arg17[%swap3A_1136], %broadcast_in_dim3A_24 {strides = array<i32>} : memref<10240xf32, #tpu.memory_space<vmem>>, vector<16xf32>,
    %swap3A_1138 = arith.constant 8912 : index
    %swap3A_1139 = tpu.vector_load %arg17[%swap3A_1138] {strides = array<i32>} : memref<10240xf32, #tpu.memory_space<vmem>>, vector<16xf32>,
    tpu.vector_store %arg17[%swap3A_1138], %broadcast_in_dim3A_24 {strides = array<i32>} : memref<10240xf32, #tpu.memory_space<vmem>>, vector<16xf32>,
    %swap3A_1140 = arith.constant 8928 : index
    %swap3A_1141 = tpu.vector_load %arg17[%swap3A_1140] {strides = array<i32>} : memref<10240xf32, #tpu.memory_space<vmem>>, vector<16xf32>,
    tpu.vector_store %arg17[%swap3A_1140], %broadcast_in_dim3A_24 {strides = array<i32>} : memref<10240xf32, #tpu.memory_space<vmem>>, vector<16xf32>,
    %swap3A_1142 = arith.constant 8944 : index
    %swap3A_1143 = tpu.vector_load %arg17[%swap3A_1142] {strides = array<i32>} : memref<10240xf32, #tpu.memory_space<vmem>>, vector<16xf32>,
    tpu.vector_store %arg17[%swap3A_1142], %broadcast_in_dim3A_24 {strides = array<i32>} : memref<10240xf32, #tpu.memory_space<vmem>>, vector<16xf32>,
    %swap3A_1144 = arith.constant 8960 : index
    %swap3A_1145 = tpu.vector_load %arg17[%swap3A_1144] {strides = array<i32>} : memref<10240xf32, #tpu.memory_space<vmem>>, vector<16xf32>,
    tpu.vector_store %arg17[%swap3A_1144], %broadcast_in_dim3A_24 {strides = array<i32>} : memref<10240xf32, #tpu.memory_space<vmem>>, vector<16xf32>,
    %swap3A_1146 = arith.constant 8976 : index
    %swap3A_1147 = tpu.vector_load %arg17[%swap3A_1146] {strides = array<i32>} : memref<10240xf32, #tpu.memory_space<vmem>>, vector<16xf32>,
    tpu.vector_store %arg17[%swap3A_1146], %broadcast_in_dim3A_24 {strides = array<i32>} : memref<10240xf32, #tpu.memory_space<vmem>>, vector<16xf32>,
    %swap3A_1148 = arith.constant 8992 : index
    %swap3A_1149 = tpu.vector_load %arg17[%swap3A_1148] {strides = array<i32>} : memref<10240xf32, #tpu.memory_space<vmem>>, vector<16xf32>,
    tpu.vector_store %arg17[%swap3A_1148], %broadcast_in_dim3A_24 {strides = array<i32>} : memref<10240xf32, #tpu.memory_space<vmem>>, vector<16xf32>,
    %swap3A_1150 = arith.constant 9008 : index
    %swap3A_1151 = tpu.vector_load %arg17[%swap3A_1150] {strides = array<i32>} : memref<10240xf32, #tpu.memory_space<vmem>>, vector<16xf32>,
    tpu.vector_store %arg17[%swap3A_1150], %broadcast_in_dim3A_24 {strides = array<i32>} : memref<10240xf32, #tpu.memory_space<vmem>>, vector<16xf32>,
    %swap3A_1152 = arith.constant 9024 : index
    %swap3A_1153 = tpu.vector_load %arg17[%swap3A_1152] {strides = array<i32>} : memref<10240xf32, #tpu.memory_space<vmem>>, vector<16xf32>,
    tpu.vector_store %arg17[%swap3A_1152], %broadcast_in_dim3A_24 {strides = array<i32>} : memref<10240xf32, #tpu.memory_space<vmem>>, vector<16xf32>,
    %swap3A_1154 = arith.constant 9040 : index
    %swap3A_1155 = tpu.vector_load %arg17[%swap3A_1154] {strides = array<i32>} : memref<10240xf32, #tpu.memory_space<vmem>>, vector<16xf32>,
    tpu.vector_store %arg17[%swap3A_1154], %broadcast_in_dim3A_24 {strides = array<i32>} : memref<10240xf32, #tpu.memory_space<vmem>>, vector<16xf32>,
    %swap3A_1156 = arith.constant 9056 : index
    %swap3A_1157 = tpu.vector_load %arg17[%swap3A_1156] {strides = array<i32>} : memref<10240xf32, #tpu.memory_space<vmem>>, vector<16xf32>,
    tpu.vector_store %arg17[%swap3A_1156], %broadcast_in_dim3A_24 {strides = array<i32>} : memref<10240xf32, #tpu.memory_space<vmem>>, vector<16xf32>,
    %swap3A_1158 = arith.constant 9072 : index
    %swap3A_1159 = tpu.vector_load %arg17[%swap3A_1158] {strides = array<i32>} : memref<10240xf32, #tpu.memory_space<vmem>>, vector<16xf32>,
    tpu.vector_store %arg17[%swap3A_1158], %broadcast_in_dim3A_24 {strides = array<i32>} : memref<10240xf32, #tpu.memory_space<vmem>>, vector<16xf32>,
    %swap3A_1160 = arith.constant 9088 : index
    %swap3A_1161 = tpu.vector_load %arg17[%swap3A_1160] {strides = array<i32>} : memref<10240xf32, #tpu.memory_space<vmem>>, vector<16xf32>,
    tpu.vector_store %arg17[%swap3A_1160], %broadcast_in_dim3A_24 {strides = array<i32>} : memref<10240xf32, #tpu.memory_space<vmem>>, vector<16xf32>,
    %swap3A_1162 = arith.constant 9104 : index
    %swap3A_1163 = tpu.vector_load %arg17[%swap3A_1162] {strides = array<i32>} : memref<10240xf32, #tpu.memory_space<vmem>>, vector<16xf32>,
    tpu.vector_store %arg17[%swap3A_1162], %broadcast_in_dim3A_24 {strides = array<i32>} : memref<10240xf32, #tpu.memory_space<vmem>>, vector<16xf32>,
    %swap3A_1164 = arith.constant 9120 : index
    %swap3A_1165 = tpu.vector_load %arg17[%swap3A_1164] {strides = array<i32>} : memref<10240xf32, #tpu.memory_space<vmem>>, vector<16xf32>,
    tpu.vector_store %arg17[%swap3A_1164], %broadcast_in_dim3A_24 {strides = array<i32>} : memref<10240xf32, #tpu.memory_space<vmem>>, vector<16xf32>,
    %swap3A_1166 = arith.constant 9136 : index
    %swap3A_1167 = tpu.vector_load %arg17[%swap3A_1166] {strides = array<i32>} : memref<10240xf32, #tpu.memory_space<vmem>>, vector<16xf32>,
    tpu.vector_store %arg17[%swap3A_1166], %broadcast_in_dim3A_24 {strides = array<i32>} : memref<10240xf32, #tpu.memory_space<vmem>>, vector<16xf32>,
    %swap3A_1168 = arith.constant 9152 : index
    %swap3A_1169 = tpu.vector_load %arg17[%swap3A_1168] {strides = array<i32>} : memref<10240xf32, #tpu.memory_space<vmem>>, vector<16xf32>,
    tpu.vector_store %arg17[%swap3A_1168], %broadcast_in_dim3A_24 {strides = array<i32>} : memref<10240xf32, #tpu.memory_space<vmem>>, vector<16xf32>,
    %swap3A_1170 = arith.constant 9168 : index
    %swap3A_1171 = tpu.vector_load %arg17[%swap3A_1170] {strides = array<i32>} : memref<10240xf32, #tpu.memory_space<vmem>>, vector<16xf32>,
    tpu.vector_store %arg17[%swap3A_1170], %broadcast_in_dim3A_24 {strides = array<i32>} : memref<10240xf32, #tpu.memory_space<vmem>>, vector<16xf32>,
    %swap3A_1172 = arith.constant 9184 : index
    %swap3A_1173 = tpu.vector_load %arg17[%swap3A_1172] {strides = array<i32>} : memref<10240xf32, #tpu.memory_space<vmem>>, vector<16xf32>,
    tpu.vector_store %arg17[%swap3A_1172], %broadcast_in_dim3A_24 {strides = array<i32>} : memref<10240xf32, #tpu.memory_space<vmem>>, vector<16xf32>,
    %swap3A_1174 = arith.constant 9200 : index
    %swap3A_1175 = tpu.vector_load %arg17[%swap3A_1174] {strides = array<i32>} : memref<10240xf32, #tpu.memory_space<vmem>>, vector<16xf32>,
    tpu.vector_store %arg17[%swap3A_1174], %broadcast_in_dim3A_24 {strides = array<i32>} : memref<10240xf32, #tpu.memory_space<vmem>>, vector<16xf32>,
    %swap3A_1176 = arith.constant 9216 : index
    %swap3A_1177 = tpu.vector_load %arg17[%swap3A_1176] {strides = array<i32>} : memref<10240xf32, #tpu.memory_space<vmem>>, vector<16xf32>,
    tpu.vector_store %arg17[%swap3A_1176], %broadcast_in_dim3A_24 {strides = array<i32>} : memref<10240xf32, #tpu.memory_space<vmem>>, vector<16xf32>,
    %swap3A_1178 = arith.constant 9232 : index
    %swap3A_1179 = tpu.vector_load %arg17[%swap3A_1178] {strides = array<i32>} : memref<10240xf32, #tpu.memory_space<vmem>>, vector<16xf32>,
    tpu.vector_store %arg17[%swap3A_1178], %broadcast_in_dim3A_24 {strides = array<i32>} : memref<10240xf32, #tpu.memory_space<vmem>>, vector<16xf32>,
    %swap3A_1180 = arith.constant 9248 : index
    %swap3A_1181 = tpu.vector_load %arg17[%swap3A_1180] {strides = array<i32>} : memref<10240xf32, #tpu.memory_space<vmem>>, vector<16xf32>,
    tpu.vector_store %arg17[%swap3A_1180], %broadcast_in_dim3A_24 {strides = array<i32>} : memref<10240xf32, #tpu.memory_space<vmem>>, vector<16xf32>,
    %swap3A_1182 = arith.constant 9264 : index
    %swap3A_1183 = tpu.vector_load %arg17[%swap3A_1182] {strides = array<i32>} : memref<10240xf32, #tpu.memory_space<vmem>>, vector<16xf32>,
    tpu.vector_store %arg17[%swap3A_1182], %broadcast_in_dim3A_24 {strides = array<i32>} : memref<10240xf32, #tpu.memory_space<vmem>>, vector<16xf32>,
    %swap3A_1184 = arith.constant 9280 : index
    %swap3A_1185 = tpu.vector_load %arg17[%swap3A_1184] {strides = array<i32>} : memref<10240xf32, #tpu.memory_space<vmem>>, vector<16xf32>,
    tpu.vector_store %arg17[%swap3A_1184], %broadcast_in_dim3A_24 {strides = array<i32>} : memref<10240xf32, #tpu.memory_space<vmem>>, vector<16xf32>,
    %swap3A_1186 = arith.constant 9296 : index
    %swap3A_1187 = tpu.vector_load %arg17[%swap3A_1186] {strides = array<i32>} : memref<10240xf32, #tpu.memory_space<vmem>>, vector<16xf32>,
    tpu.vector_store %arg17[%swap3A_1186], %broadcast_in_dim3A_24 {strides = array<i32>} : memref<10240xf32, #tpu.memory_space<vmem>>, vector<16xf32>,
    %swap3A_1188 = arith.constant 9312 : index
    %swap3A_1189 = tpu.vector_load %arg17[%swap3A_1188] {strides = array<i32>} : memref<10240xf32, #tpu.memory_space<vmem>>, vector<16xf32>,
    tpu.vector_store %arg17[%swap3A_1188], %broadcast_in_dim3A_24 {strides = array<i32>} : memref<10240xf32, #tpu.memory_space<vmem>>, vector<16xf32>,
    %swap3A_1190 = arith.constant 9328 : index
    %swap3A_1191 = tpu.vector_load %arg17[%swap3A_1190] {strides = array<i32>} : memref<10240xf32, #tpu.memory_space<vmem>>, vector<16xf32>,
    tpu.vector_store %arg17[%swap3A_1190], %broadcast_in_dim3A_24 {strides = array<i32>} : memref<10240xf32, #tpu.memory_space<vmem>>, vector<16xf32>,
    %swap3A_1192 = arith.constant 9344 : index
    %swap3A_1193 = tpu.vector_load %arg17[%swap3A_1192] {strides = array<i32>} : memref<10240xf32, #tpu.memory_space<vmem>>, vector<16xf32>,
    tpu.vector_store %arg17[%swap3A_1192], %broadcast_in_dim3A_24 {strides = array<i32>} : memref<10240xf32, #tpu.memory_space<vmem>>, vector<16xf32>,
    %swap3A_1194 = arith.constant 9360 : index
    %swap3A_1195 = tpu.vector_load %arg17[%swap3A_1194] {strides = array<i32>} : memref<10240xf32, #tpu.memory_space<vmem>>, vector<16xf32>,
    tpu.vector_store %arg17[%swap3A_1194], %broadcast_in_dim3A_24 {strides = array<i32>} : memref<10240xf32, #tpu.memory_space<vmem>>, vector<16xf32>,
    %swap3A_1196 = arith.constant 9376 : index
    %swap3A_1197 = tpu.vector_load %arg17[%swap3A_1196] {strides = array<i32>} : memref<10240xf32, #tpu.memory_space<vmem>>, vector<16xf32>,
    tpu.vector_store %arg17[%swap3A_1196], %broadcast_in_dim3A_24 {strides = array<i32>} : memref<10240xf32, #tpu.memory_space<vmem>>, vector<16xf32>,
    %swap3A_1198 = arith.constant 9392 : index
    %swap3A_1199 = tpu.vector_load %arg17[%swap3A_1198] {strides = array<i32>} : memref<10240xf32, #tpu.memory_space<vmem>>, vector<16xf32>,
    tpu.vector_store %arg17[%swap3A_1198], %broadcast_in_dim3A_24 {strides = array<i32>} : memref<10240xf32, #tpu.memory_space<vmem>>, vector<16xf32>,
    %swap3A_1200 = arith.constant 9408 : index
    %swap3A_1201 = tpu.vector_load %arg17[%swap3A_1200] {strides = array<i32>} : memref<10240xf32, #tpu.memory_space<vmem>>, vector<16xf32>,
    tpu.vector_store %arg17[%swap3A_1200], %broadcast_in_dim3A_24 {strides = array<i32>} : memref<10240xf32, #tpu.memory_space<vmem>>, vector<16xf32>,
    %swap3A_1202 = arith.constant 9424 : index
    %swap3A_1203 = tpu.vector_load %arg17[%swap3A_1202] {strides = array<i32>} : memref<10240xf32, #tpu.memory_space<vmem>>, vector<16xf32>,
    tpu.vector_store %arg17[%swap3A_1202], %broadcast_in_dim3A_24 {strides = array<i32>} : memref<10240xf32, #tpu.memory_space<vmem>>, vector<16xf32>,
    %swap3A_1204 = arith.constant 9440 : index
    %swap3A_1205 = tpu.vector_load %arg17[%swap3A_1204] {strides = array<i32>} : memref<10240xf32, #tpu.memory_space<vmem>>, vector<16xf32>,
    tpu.vector_store %arg17[%swap3A_1204], %broadcast_in_dim3A_24 {strides = array<i32>} : memref<10240xf32, #tpu.memory_space<vmem>>, vector<16xf32>,
    %swap3A_1206 = arith.constant 9456 : index
    %swap3A_1207 = tpu.vector_load %arg17[%swap3A_1206] {strides = array<i32>} : memref<10240xf32, #tpu.memory_space<vmem>>, vector<16xf32>,
    tpu.vector_store %arg17[%swap3A_1206], %broadcast_in_dim3A_24 {strides = array<i32>} : memref<10240xf32, #tpu.memory_space<vmem>>, vector<16xf32>,
    %swap3A_1208 = arith.constant 9472 : index
    %swap3A_1209 = tpu.vector_load %arg17[%swap3A_1208] {strides = array<i32>} : memref<10240xf32, #tpu.memory_space<vmem>>, vector<16xf32>,
    tpu.vector_store %arg17[%swap3A_1208], %broadcast_in_dim3A_24 {strides = array<i32>} : memref<10240xf32, #tpu.memory_space<vmem>>, vector<16xf32>,
    %swap3A_1210 = arith.constant 9488 : index
    %swap3A_1211 = tpu.vector_load %arg17[%swap3A_1210] {strides = array<i32>} : memref<10240xf32, #tpu.memory_space<vmem>>, vector<16xf32>,
    tpu.vector_store %arg17[%swap3A_1210], %broadcast_in_dim3A_24 {strides = array<i32>} : memref<10240xf32, #tpu.memory_space<vmem>>, vector<16xf32>,
    %swap3A_1212 = arith.constant 9504 : index
    %swap3A_1213 = tpu.vector_load %arg17[%swap3A_1212] {strides = array<i32>} : memref<10240xf32, #tpu.memory_space<vmem>>, vector<16xf32>,
    tpu.vector_store %arg17[%swap3A_1212], %broadcast_in_dim3A_24 {strides = array<i32>} : memref<10240xf32, #tpu.memory_space<vmem>>, vector<16xf32>,
    %swap3A_1214 = arith.constant 9520 : index
    %swap3A_1215 = tpu.vector_load %arg17[%swap3A_1214] {strides = array<i32>} : memref<10240xf32, #tpu.memory_space<vmem>>, vector<16xf32>,
    tpu.vector_store %arg17[%swap3A_1214], %broadcast_in_dim3A_24 {strides = array<i32>} : memref<10240xf32, #tpu.memory_space<vmem>>, vector<16xf32>,
    %swap3A_1216 = arith.constant 9536 : index
    %swap3A_1217 = tpu.vector_load %arg17[%swap3A_1216] {strides = array<i32>} : memref<10240xf32, #tpu.memory_space<vmem>>, vector<16xf32>,
    tpu.vector_store %arg17[%swap3A_1216], %broadcast_in_dim3A_24 {strides = array<i32>} : memref<10240xf32, #tpu.memory_space<vmem>>, vector<16xf32>,
    %swap3A_1218 = arith.constant 9552 : index
    %swap3A_1219 = tpu.vector_load %arg17[%swap3A_1218] {strides = array<i32>} : memref<10240xf32, #tpu.memory_space<vmem>>, vector<16xf32>,
    tpu.vector_store %arg17[%swap3A_1218], %broadcast_in_dim3A_24 {strides = array<i32>} : memref<10240xf32, #tpu.memory_space<vmem>>, vector<16xf32>,
    %swap3A_1220 = arith.constant 9568 : index
    %swap3A_1221 = tpu.vector_load %arg17[%swap3A_1220] {strides = array<i32>} : memref<10240xf32, #tpu.memory_space<vmem>>, vector<16xf32>,
    tpu.vector_store %arg17[%swap3A_1220], %broadcast_in_dim3A_24 {strides = array<i32>} : memref<10240xf32, #tpu.memory_space<vmem>>, vector<16xf32>,
    %swap3A_1222 = arith.constant 9584 : index
    %swap3A_1223 = tpu.vector_load %arg17[%swap3A_1222] {strides = array<i32>} : memref<10240xf32, #tpu.memory_space<vmem>>, vector<16xf32>,
    tpu.vector_store %arg17[%swap3A_1222], %broadcast_in_dim3A_24 {strides = array<i32>} : memref<10240xf32, #tpu.memory_space<vmem>>, vector<16xf32>,
    %swap3A_1224 = arith.constant 9600 : index
    %swap3A_1225 = tpu.vector_load %arg17[%swap3A_1224] {strides = array<i32>} : memref<10240xf32, #tpu.memory_space<vmem>>, vector<16xf32>,
    tpu.vector_store %arg17[%swap3A_1224], %broadcast_in_dim3A_24 {strides = array<i32>} : memref<10240xf32, #tpu.memory_space<vmem>>, vector<16xf32>,
    %swap3A_1226 = arith.constant 9616 : index
    %swap3A_1227 = tpu.vector_load %arg17[%swap3A_1226] {strides = array<i32>} : memref<10240xf32, #tpu.memory_space<vmem>>, vector<16xf32>,
    tpu.vector_store %arg17[%swap3A_1226], %broadcast_in_dim3A_24 {strides = array<i32>} : memref<10240xf32, #tpu.memory_space<vmem>>, vector<16xf32>,
    %swap3A_1228 = arith.constant 9632 : index
    %swap3A_1229 = tpu.vector_load %arg17[%swap3A_1228] {strides = array<i32>} : memref<10240xf32, #tpu.memory_space<vmem>>, vector<16xf32>,
    tpu.vector_store %arg17[%swap3A_1228], %broadcast_in_dim3A_24 {strides = array<i32>} : memref<10240xf32, #tpu.memory_space<vmem>>, vector<16xf32>,
    %swap3A_1230 = arith.constant 9648 : index
    %swap3A_1231 = tpu.vector_load %arg17[%swap3A_1230] {strides = array<i32>} : memref<10240xf32, #tpu.memory_space<vmem>>, vector<16xf32>,
    tpu.vector_store %arg17[%swap3A_1230], %broadcast_in_dim3A_24 {strides = array<i32>} : memref<10240xf32, #tpu.memory_space<vmem>>, vector<16xf32>,
    %swap3A_1232 = arith.constant 9664 : index
    %swap3A_1233 = tpu.vector_load %arg17[%swap3A_1232] {strides = array<i32>} : memref<10240xf32, #tpu.memory_space<vmem>>, vector<16xf32>,
    tpu.vector_store %arg17[%swap3A_1232], %broadcast_in_dim3A_24 {strides = array<i32>} : memref<10240xf32, #tpu.memory_space<vmem>>, vector<16xf32>,
    %swap3A_1234 = arith.constant 9680 : index
    %swap3A_1235 = tpu.vector_load %arg17[%swap3A_1234] {strides = array<i32>} : memref<10240xf32, #tpu.memory_space<vmem>>, vector<16xf32>,
    tpu.vector_store %arg17[%swap3A_1234], %broadcast_in_dim3A_24 {strides = array<i32>} : memref<10240xf32, #tpu.memory_space<vmem>>, vector<16xf32>,
    %swap3A_1236 = arith.constant 9696 : index
    %swap3A_1237 = tpu.vector_load %arg17[%swap3A_1236] {strides = array<i32>} : memref<10240xf32, #tpu.memory_space<vmem>>, vector<16xf32>,
    tpu.vector_store %arg17[%swap3A_1236], %broadcast_in_dim3A_24 {strides = array<i32>} : memref<10240xf32, #tpu.memory_space<vmem>>, vector<16xf32>,
    %swap3A_1238 = arith.constant 9712 : index
    %swap3A_1239 = tpu.vector_load %arg17[%swap3A_1238] {strides = array<i32>} : memref<10240xf32, #tpu.memory_space<vmem>>, vector<16xf32>,
    tpu.vector_store %arg17[%swap3A_1238], %broadcast_in_dim3A_24 {strides = array<i32>} : memref<10240xf32, #tpu.memory_space<vmem>>, vector<16xf32>,
    %swap3A_1240 = arith.constant 9728 : index
    %swap3A_1241 = tpu.vector_load %arg17[%swap3A_1240] {strides = array<i32>} : memref<10240xf32, #tpu.memory_space<vmem>>, vector<16xf32>,
    tpu.vector_store %arg17[%swap3A_1240], %broadcast_in_dim3A_24 {strides = array<i32>} : memref<10240xf32, #tpu.memory_space<vmem>>, vector<16xf32>,
    %swap3A_1242 = arith.constant 9744 : index
    %swap3A_1243 = tpu.vector_load %arg17[%swap3A_1242] {strides = array<i32>} : memref<10240xf32, #tpu.memory_space<vmem>>, vector<16xf32>,
    tpu.vector_store %arg17[%swap3A_1242], %broadcast_in_dim3A_24 {strides = array<i32>} : memref<10240xf32, #tpu.memory_space<vmem>>, vector<16xf32>,
    %swap3A_1244 = arith.constant 9760 : index
    %swap3A_1245 = tpu.vector_load %arg17[%swap3A_1244] {strides = array<i32>} : memref<10240xf32, #tpu.memory_space<vmem>>, vector<16xf32>,
    tpu.vector_store %arg17[%swap3A_1244], %broadcast_in_dim3A_24 {strides = array<i32>} : memref<10240xf32, #tpu.memory_space<vmem>>, vector<16xf32>,
    %swap3A_1246 = arith.constant 9776 : index
    %swap3A_1247 = tpu.vector_load %arg17[%swap3A_1246] {strides = array<i32>} : memref<10240xf32, #tpu.memory_space<vmem>>, vector<16xf32>,
    tpu.vector_store %arg17[%swap3A_1246], %broadcast_in_dim3A_24 {strides = array<i32>} : memref<10240xf32, #tpu.memory_space<vmem>>, vector<16xf32>,
    %swap3A_1248 = arith.constant 9792 : index
    %swap3A_1249 = tpu.vector_load %arg17[%swap3A_1248] {strides = array<i32>} : memref<10240xf32, #tpu.memory_space<vmem>>, vector<16xf32>,
    tpu.vector_store %arg17[%swap3A_1248], %broadcast_in_dim3A_24 {strides = array<i32>} : memref<10240xf32, #tpu.memory_space<vmem>>, vector<16xf32>,
    %swap3A_1250 = arith.constant 9808 : index
    %swap3A_1251 = tpu.vector_load %arg17[%swap3A_1250] {strides = array<i32>} : memref<10240xf32, #tpu.memory_space<vmem>>, vector<16xf32>,
    tpu.vector_store %arg17[%swap3A_1250], %broadcast_in_dim3A_24 {strides = array<i32>} : memref<10240xf32, #tpu.memory_space<vmem>>, vector<16xf32>,
    %swap3A_1252 = arith.constant 9824 : index
    %swap3A_1253 = tpu.vector_load %arg17[%swap3A_1252] {strides = array<i32>} : memref<10240xf32, #tpu.memory_space<vmem>>, vector<16xf32>,
    tpu.vector_store %arg17[%swap3A_1252], %broadcast_in_dim3A_24 {strides = array<i32>} : memref<10240xf32, #tpu.memory_space<vmem>>, vector<16xf32>,
    %swap3A_1254 = arith.constant 9840 : index
    %swap3A_1255 = tpu.vector_load %arg17[%swap3A_1254] {strides = array<i32>} : memref<10240xf32, #tpu.memory_space<vmem>>, vector<16xf32>,
    tpu.vector_store %arg17[%swap3A_1254], %broadcast_in_dim3A_24 {strides = array<i32>} : memref<10240xf32, #tpu.memory_space<vmem>>, vector<16xf32>,
    %swap3A_1256 = arith.constant 9856 : index
    %swap3A_1257 = tpu.vector_load %arg17[%swap3A_1256] {strides = array<i32>} : memref<10240xf32, #tpu.memory_space<vmem>>, vector<16xf32>,
    tpu.vector_store %arg17[%swap3A_1256], %broadcast_in_dim3A_24 {strides = array<i32>} : memref<10240xf32, #tpu.memory_space<vmem>>, vector<16xf32>,
    %swap3A_1258 = arith.constant 9872 : index
    %swap3A_1259 = tpu.vector_load %arg17[%swap3A_1258] {strides = array<i32>} : memref<10240xf32, #tpu.memory_space<vmem>>, vector<16xf32>,
    tpu.vector_store %arg17[%swap3A_1258], %broadcast_in_dim3A_24 {strides = array<i32>} : memref<10240xf32, #tpu.memory_space<vmem>>, vector<16xf32>,
    %swap3A_1260 = arith.constant 9888 : index
    %swap3A_1261 = tpu.vector_load %arg17[%swap3A_1260] {strides = array<i32>} : memref<10240xf32, #tpu.memory_space<vmem>>, vector<16xf32>,
    tpu.vector_store %arg17[%swap3A_1260], %broadcast_in_dim3A_24 {strides = array<i32>} : memref<10240xf32, #tpu.memory_space<vmem>>, vector<16xf32>,
    %swap3A_1262 = arith.constant 9904 : index
    %swap3A_1263 = tpu.vector_load %arg17[%swap3A_1262] {strides = array<i32>} : memref<10240xf32, #tpu.memory_space<vmem>>, vector<16xf32>,
    tpu.vector_store %arg17[%swap3A_1262], %broadcast_in_dim3A_24 {strides = array<i32>} : memref<10240xf32, #tpu.memory_space<vmem>>, vector<16xf32>,
    %swap3A_1264 = arith.constant 9920 : index
    %swap3A_1265 = tpu.vector_load %arg17[%swap3A_1264] {strides = array<i32>} : memref<10240xf32, #tpu.memory_space<vmem>>, vector<16xf32>,
    tpu.vector_store %arg17[%swap3A_1264], %broadcast_in_dim3A_24 {strides = array<i32>} : memref<10240xf32, #tpu.memory_space<vmem>>, vector<16xf32>,
    %swap3A_1266 = arith.constant 9936 : index
    %swap3A_1267 = tpu.vector_load %arg17[%swap3A_1266] {strides = array<i32>} : memref<10240xf32, #tpu.memory_space<vmem>>, vector<16xf32>,
    tpu.vector_store %arg17[%swap3A_1266], %broadcast_in_dim3A_24 {strides = array<i32>} : memref<10240xf32, #tpu.memory_space<vmem>>, vector<16xf32>,
    %swap3A_1268 = arith.constant 9952 : index
    %swap3A_1269 = tpu.vector_load %arg17[%swap3A_1268] {strides = array<i32>} : memref<10240xf32, #tpu.memory_space<vmem>>, vector<16xf32>,
    tpu.vector_store %arg17[%swap3A_1268], %broadcast_in_dim3A_24 {strides = array<i32>} : memref<10240xf32, #tpu.memory_space<vmem>>, vector<16xf32>,
    %swap3A_1270 = arith.constant 9968 : index
    %swap3A_1271 = tpu.vector_load %arg17[%swap3A_1270] {strides = array<i32>} : memref<10240xf32, #tpu.memory_space<vmem>>, vector<16xf32>,
    tpu.vector_store %arg17[%swap3A_1270], %broadcast_in_dim3A_24 {strides = array<i32>} : memref<10240xf32, #tpu.memory_space<vmem>>, vector<16xf32>,
    %swap3A_1272 = arith.constant 9984 : index
    %swap3A_1273 = tpu.vector_load %arg17[%swap3A_1272] {strides = array<i32>} : memref<10240xf32, #tpu.memory_space<vmem>>, vector<16xf32>,
    tpu.vector_store %arg17[%swap3A_1272], %broadcast_in_dim3A_24 {strides = array<i32>} : memref<10240xf32, #tpu.memory_space<vmem>>, vector<16xf32>,
    %swap3A_1274 = arith.constant 10000 : index
    %swap3A_1275 = tpu.vector_load %arg17[%swap3A_1274] {strides = array<i32>} : memref<10240xf32, #tpu.memory_space<vmem>>, vector<16xf32>,
    tpu.vector_store %arg17[%swap3A_1274], %broadcast_in_dim3A_24 {strides = array<i32>} : memref<10240xf32, #tpu.memory_space<vmem>>, vector<16xf32>,
    %swap3A_1276 = arith.constant 10016 : index
    %swap3A_1277 = tpu.vector_load %arg17[%swap3A_1276] {strides = array<i32>} : memref<10240xf32, #tpu.memory_space<vmem>>, vector<16xf32>,
    tpu.vector_store %arg17[%swap3A_1276], %broadcast_in_dim3A_24 {strides = array<i32>} : memref<10240xf32, #tpu.memory_space<vmem>>, vector<16xf32>,
    %swap3A_1278 = arith.constant 10032 : index
    %swap3A_1279 = tpu.vector_load %arg17[%swap3A_1278] {strides = array<i32>} : memref<10240xf32, #tpu.memory_space<vmem>>, vector<16xf32>,
    tpu.vector_store %arg17[%swap3A_1278], %broadcast_in_dim3A_24 {strides = array<i32>} : memref<10240xf32, #tpu.memory_space<vmem>>, vector<16xf32>,
    %swap3A_1280 = arith.constant 10048 : index
    %swap3A_1281 = tpu.vector_load %arg17[%swap3A_1280] {strides = array<i32>} : memref<10240xf32, #tpu.memory_space<vmem>>, vector<16xf32>,
    tpu.vector_store %arg17[%swap3A_1280], %broadcast_in_dim3A_24 {strides = array<i32>} : memref<10240xf32, #tpu.memory_space<vmem>>, vector<16xf32>,
    %swap3A_1282 = arith.constant 10064 : index
    %swap3A_1283 = tpu.vector_load %arg17[%swap3A_1282] {strides = array<i32>} : memref<10240xf32, #tpu.memory_space<vmem>>, vector<16xf32>,
    tpu.vector_store %arg17[%swap3A_1282], %broadcast_in_dim3A_24 {strides = array<i32>} : memref<10240xf32, #tpu.memory_space<vmem>>, vector<16xf32>,
    %swap3A_1284 = arith.constant 10080 : index
    %swap3A_1285 = tpu.vector_load %arg17[%swap3A_1284] {strides = array<i32>} : memref<10240xf32, #tpu.memory_space<vmem>>, vector<16xf32>,
    tpu.vector_store %arg17[%swap3A_1284], %broadcast_in_dim3A_24 {strides = array<i32>} : memref<10240xf32, #tpu.memory_space<vmem>>, vector<16xf32>,
    %swap3A_1286 = arith.constant 10096 : index
    %swap3A_1287 = tpu.vector_load %arg17[%swap3A_1286] {strides = array<i32>} : memref<10240xf32, #tpu.memory_space<vmem>>, vector<16xf32>,
    tpu.vector_store %arg17[%swap3A_1286], %broadcast_in_dim3A_24 {strides = array<i32>} : memref<10240xf32, #tpu.memory_space<vmem>>, vector<16xf32>,
    %swap3A_1288 = arith.constant 10112 : index
    %swap3A_1289 = tpu.vector_load %arg17[%swap3A_1288] {strides = array<i32>} : memref<10240xf32, #tpu.memory_space<vmem>>, vector<16xf32>,
    tpu.vector_store %arg17[%swap3A_1288], %broadcast_in_dim3A_24 {strides = array<i32>} : memref<10240xf32, #tpu.memory_space<vmem>>, vector<16xf32>,
    %swap3A_1290 = arith.constant 10128 : index
    %swap3A_1291 = tpu.vector_load %arg17[%swap3A_1290] {strides = array<i32>} : memref<10240xf32, #tpu.memory_space<vmem>>, vector<16xf32>,
    tpu.vector_store %arg17[%swap3A_1290], %broadcast_in_dim3A_24 {strides = array<i32>} : memref<10240xf32, #tpu.memory_space<vmem>>, vector<16xf32>,
    %swap3A_1292 = arith.constant 10144 : index
    %swap3A_1293 = tpu.vector_load %arg17[%swap3A_1292] {strides = array<i32>} : memref<10240xf32, #tpu.memory_space<vmem>>, vector<16xf32>,
    tpu.vector_store %arg17[%swap3A_1292], %broadcast_in_dim3A_24 {strides = array<i32>} : memref<10240xf32, #tpu.memory_space<vmem>>, vector<16xf32>,
    %swap3A_1294 = arith.constant 10160 : index
    %swap3A_1295 = tpu.vector_load %arg17[%swap3A_1294] {strides = array<i32>} : memref<10240xf32, #tpu.memory_space<vmem>>, vector<16xf32>,
    tpu.vector_store %arg17[%swap3A_1294], %broadcast_in_dim3A_24 {strides = array<i32>} : memref<10240xf32, #tpu.memory_space<vmem>>, vector<16xf32>,
    %swap3A_1296 = arith.constant 10176 : index
    %swap3A_1297 = tpu.vector_load %arg17[%swap3A_1296] {strides = array<i32>} : memref<10240xf32, #tpu.memory_space<vmem>>, vector<16xf32>,
    tpu.vector_store %arg17[%swap3A_1296], %broadcast_in_dim3A_24 {strides = array<i32>} : memref<10240xf32, #tpu.memory_space<vmem>>, vector<16xf32>,
    %swap3A_1298 = arith.constant 10192 : index
    %swap3A_1299 = tpu.vector_load %arg17[%swap3A_1298] {strides = array<i32>} : memref<10240xf32, #tpu.memory_space<vmem>>, vector<16xf32>,
    tpu.vector_store %arg17[%swap3A_1298], %broadcast_in_dim3A_24 {strides = array<i32>} : memref<10240xf32, #tpu.memory_space<vmem>>, vector<16xf32>,
    %swap3A_1300 = arith.constant 10208 : index
    %swap3A_1301 = tpu.vector_load %arg17[%swap3A_1300] {strides = array<i32>} : memref<10240xf32, #tpu.memory_space<vmem>>, vector<16xf32>,
    tpu.vector_store %arg17[%swap3A_1300], %broadcast_in_dim3A_24 {strides = array<i32>} : memref<10240xf32, #tpu.memory_space<vmem>>, vector<16xf32>,
    %swap3A_1302 = arith.constant 10224 : index
    %swap3A_1303 = tpu.vector_load %arg17[%swap3A_1302] {strides = array<i32>} : memref<10240xf32, #tpu.memory_space<vmem>>, vector<16xf32>,
    tpu.vector_store %arg17[%swap3A_1302], %broadcast_in_dim3A_24 {strides = array<i32>} : memref<10240xf32, #tpu.memory_space<vmem>>, vector<16xf32>,
    %barrier3A = arith.constant 0 : index
    tpu.barrier barrier_id(%barrier3A)
    %mul3A_1304 = arith.constant 10000 : i32
    %mul3A_1305 = arith.muli %add3A, %mul3A_1304 : i32
    %broadcast_in_dim3A_1306 = arith.constant 1.000000e+00 : f32
    %broadcast_in_dim3A_1307 = vector.broadcast %broadcast_in_dim3A_1306 : f32 to vector<16xf32>
    %scan3A_1308 = arith.constant 0 : i32
    %scan3A_1309 = arith.constant 0 : i32
    %scan3A_1310 = arith.constant 41 : i32
    %scan3A_1311 = arith.addi %scan3A_1309, %scan3A_1310 : i32
    %scan3A_1312 = arith.constant 1 : i32
    scf.for %scan3A_1354 = %scan3A_1309 to %scan3A_1311 step %scan3A_1312  : i32 {
      %mul3A_1355 = arith.constant 3 : i32
      %mul3A_1356 = arith.muli %mul3A_1355, %scan3A_1354 : i32
      %add3A_1357 = arith.constant 0 : i32
      %add3A_1358 = arith.addi %mul3A_1356, %add3A_1357 : i32
      %mul3A_1359 = arith.constant 80 : i32
      %mul3A_1360 = arith.muli %add3A_1358, %mul3A_1359 : i32
      %add3A_1361 = arith.addi %mul3A_1305, %mul3A_1360 : i32
      %multiple_of3A_1362 = tpu.assume_multiple %add3A_1361, 8 : i32
      "tpu.region"() ({
        %run_scoped3A = tpu.sem_alloc : memref<!tpu.dma_semaphore, #tpu.memory_space<semaphore_mem>>
        %dma_start3A_1427 = tpu.memref_slice %arg3[%multiple_of3A_1362] : memref<320000xi32, #tpu.memory_space<hbm>> -> memref<80xi32, #tpu.memory_space<hbm>>
        %dma_start3A_1428 = tpu.memref_slice %arg3[%multiple_of3A_1362] : memref<320000xi32, #tpu.memory_space<hbm>> -> memref<80xi32, #tpu.memory_space<hbm>>
        tpu.enqueue_dma source(%dma_start3A_1428 : memref<80xi32, #tpu.memory_space<hbm>>) target(%arg11 : memref<80xi32, #tpu.memory_space<vmem>>) target_semaphore(%run_scoped3A : memref<!tpu.dma_semaphore, #tpu.memory_space<semaphore_mem>>)
        %dma_wait3A_1429 = tpu.memref_slice %arg3[%multiple_of3A_1362] : memref<320000xi32, #tpu.memory_space<hbm>> -> memref<80xi32, #tpu.memory_space<hbm>>
        %dma_wait3A_1430 = tpu.memref_slice %arg3[%multiple_of3A_1362] : memref<320000xi32, #tpu.memory_space<hbm>> -> memref<80xi32, #tpu.memory_space<hbm>>
        tpu.wait_dma2 semaphore(%run_scoped3A : memref<!tpu.dma_semaphore, #tpu.memory_space<semaphore_mem>>) src(%dma_wait3A_1430 : memref<80xi32, #tpu.memory_space<hbm>>) dst(%arg11 : memref<80xi32, #tpu.memory_space<vmem>>)
        tpu.yield
      }) : () -> ()
      "tpu.region"() ({
        %run_scoped3A = tpu.sem_alloc : memref<!tpu.dma_semaphore, #tpu.memory_space<semaphore_mem>>
        %dma_start3A_1427 = tpu.memref_slice %arg4[%multiple_of3A_1362] : memref<320000xi32, #tpu.memory_space<hbm>> -> memref<80xi32, #tpu.memory_space<hbm>>
        %dma_start3A_1428 = tpu.memref_slice %arg4[%multiple_of3A_1362] : memref<320000xi32, #tpu.memory_space<hbm>> -> memref<80xi32, #tpu.memory_space<hbm>>
        tpu.enqueue_dma source(%dma_start3A_1428 : memref<80xi32, #tpu.memory_space<hbm>>) target(%arg14 : memref<80xi32, #tpu.memory_space<vmem>>) target_semaphore(%run_scoped3A : memref<!tpu.dma_semaphore, #tpu.memory_space<semaphore_mem>>)
        %dma_wait3A_1429 = tpu.memref_slice %arg4[%multiple_of3A_1362] : memref<320000xi32, #tpu.memory_space<hbm>> -> memref<80xi32, #tpu.memory_space<hbm>>
        %dma_wait3A_1430 = tpu.memref_slice %arg4[%multiple_of3A_1362] : memref<320000xi32, #tpu.memory_space<hbm>> -> memref<80xi32, #tpu.memory_space<hbm>>
        tpu.wait_dma2 semaphore(%run_scoped3A : memref<!tpu.dma_semaphore, #tpu.memory_space<semaphore_mem>>) src(%dma_wait3A_1430 : memref<80xi32, #tpu.memory_space<hbm>>) dst(%arg14 : memref<80xi32, #tpu.memory_space<vmem>>)
        tpu.yield
      }) : () -> ()
      %dma_start3A_1363 = arith.constant 0 : i32
      %dma_start3A_1364 = arith.constant 0 : i32
      %dma_start3A_1365 = tpu.memref_slice %arg2[%dma_start3A_1363, %dma_start3A_1364] : memref<10240x128xf32, #tpu.memory_space<hbm>> -> memref<10240x128xf32, #tpu.memory_space<hbm>>
      tpu.enqueue_indirect_dma source(%dma_start3A_1365 : memref<10240x128xf32, #tpu.memory_space<hbm>>) target(%arg8 : memref<80x128xf32, #tpu.memory_space<vmem>>) offsets(%arg11 : memref<80xi32, #tpu.memory_space<vmem>>) semaphore(%arg18 : memref<!tpu.dma_semaphore, #tpu.memory_space<semaphore_mem>>)
      %mul3A_1366 = arith.constant 3 : i32
      %mul3A_1367 = arith.muli %mul3A_1366, %scan3A_1354 : i32
      %add3A_1368 = arith.constant 1 : i32
      %add3A_1369 = arith.addi %mul3A_1367, %add3A_1368 : i32
      %mul3A_1370 = arith.constant 80 : i32
      %mul3A_1371 = arith.muli %add3A_1369, %mul3A_1370 : i32
      %add3A_1372 = arith.addi %mul3A_1305, %mul3A_1371 : i32
      %multiple_of3A_1373 = tpu.assume_multiple %add3A_1372, 8 : i32
      "tpu.region"() ({
        %run_scoped3A = tpu.sem_alloc : memref<!tpu.dma_semaphore, #tpu.memory_space<semaphore_mem>>
        %dma_start3A_1427 = tpu.memref_slice %arg3[%multiple_of3A_1373] : memref<320000xi32, #tpu.memory_space<hbm>> -> memref<80xi32, #tpu.memory_space<hbm>>
        %dma_start3A_1428 = tpu.memref_slice %arg3[%multiple_of3A_1373] : memref<320000xi32, #tpu.memory_space<hbm>> -> memref<80xi32, #tpu.memory_space<hbm>>
        tpu.enqueue_dma source(%dma_start3A_1428 : memref<80xi32, #tpu.memory_space<hbm>>) target(%arg12 : memref<80xi32, #tpu.memory_space<vmem>>) target_semaphore(%run_scoped3A : memref<!tpu.dma_semaphore, #tpu.memory_space<semaphore_mem>>)
        %dma_wait3A_1429 = tpu.memref_slice %arg3[%multiple_of3A_1373] : memref<320000xi32, #tpu.memory_space<hbm>> -> memref<80xi32, #tpu.memory_space<hbm>>
        %dma_wait3A_1430 = tpu.memref_slice %arg3[%multiple_of3A_1373] : memref<320000xi32, #tpu.memory_space<hbm>> -> memref<80xi32, #tpu.memory_space<hbm>>
        tpu.wait_dma2 semaphore(%run_scoped3A : memref<!tpu.dma_semaphore, #tpu.memory_space<semaphore_mem>>) src(%dma_wait3A_1430 : memref<80xi32, #tpu.memory_space<hbm>>) dst(%arg12 : memref<80xi32, #tpu.memory_space<vmem>>)
        tpu.yield
      }) : () -> ()
      "tpu.region"() ({
        %run_scoped3A = tpu.sem_alloc : memref<!tpu.dma_semaphore, #tpu.memory_space<semaphore_mem>>
        %dma_start3A_1427 = tpu.memref_slice %arg4[%multiple_of3A_1373] : memref<320000xi32, #tpu.memory_space<hbm>> -> memref<80xi32, #tpu.memory_space<hbm>>
        %dma_start3A_1428 = tpu.memref_slice %arg4[%multiple_of3A_1373] : memref<320000xi32, #tpu.memory_space<hbm>> -> memref<80xi32, #tpu.memory_space<hbm>>
        tpu.enqueue_dma source(%dma_start3A_1428 : memref<80xi32, #tpu.memory_space<hbm>>) target(%arg15 : memref<80xi32, #tpu.memory_space<vmem>>) target_semaphore(%run_scoped3A : memref<!tpu.dma_semaphore, #tpu.memory_space<semaphore_mem>>)
        %dma_wait3A_1429 = tpu.memref_slice %arg4[%multiple_of3A_1373] : memref<320000xi32, #tpu.memory_space<hbm>> -> memref<80xi32, #tpu.memory_space<hbm>>
        %dma_wait3A_1430 = tpu.memref_slice %arg4[%multiple_of3A_1373] : memref<320000xi32, #tpu.memory_space<hbm>> -> memref<80xi32, #tpu.memory_space<hbm>>
        tpu.wait_dma2 semaphore(%run_scoped3A : memref<!tpu.dma_semaphore, #tpu.memory_space<semaphore_mem>>) src(%dma_wait3A_1430 : memref<80xi32, #tpu.memory_space<hbm>>) dst(%arg15 : memref<80xi32, #tpu.memory_space<vmem>>)
        tpu.yield
      }) : () -> ()
      %dma_start3A_1374 = arith.constant 0 : i32
      %dma_start3A_1375 = arith.constant 0 : i32
      %dma_start3A_1376 = tpu.memref_slice %arg2[%dma_start3A_1374, %dma_start3A_1375] : memref<10240x128xf32, #tpu.memory_space<hbm>> -> memref<10240x128xf32, #tpu.memory_space<hbm>>
      tpu.enqueue_indirect_dma source(%dma_start3A_1376 : memref<10240x128xf32, #tpu.memory_space<hbm>>) target(%arg9 : memref<80x128xf32, #tpu.memory_space<vmem>>) offsets(%arg12 : memref<80xi32, #tpu.memory_space<vmem>>) semaphore(%arg19 : memref<!tpu.dma_semaphore, #tpu.memory_space<semaphore_mem>>)
      %mul3A_1377 = arith.constant 3 : i32
      %mul3A_1378 = arith.muli %mul3A_1377, %scan3A_1354 : i32
      %add3A_1379 = arith.constant 2 : i32
      %add3A_1380 = arith.addi %mul3A_1378, %add3A_1379 : i32
      %mul3A_1381 = arith.constant 80 : i32
      %mul3A_1382 = arith.muli %add3A_1380, %mul3A_1381 : i32
      %add3A_1383 = arith.addi %mul3A_1305, %mul3A_1382 : i32
      %multiple_of3A_1384 = tpu.assume_multiple %add3A_1383, 8 : i32
      "tpu.region"() ({
        %run_scoped3A = tpu.sem_alloc : memref<!tpu.dma_semaphore, #tpu.memory_space<semaphore_mem>>
        %dma_start3A_1427 = tpu.memref_slice %arg3[%multiple_of3A_1384] : memref<320000xi32, #tpu.memory_space<hbm>> -> memref<80xi32, #tpu.memory_space<hbm>>
        %dma_start3A_1428 = tpu.memref_slice %arg3[%multiple_of3A_1384] : memref<320000xi32, #tpu.memory_space<hbm>> -> memref<80xi32, #tpu.memory_space<hbm>>
        tpu.enqueue_dma source(%dma_start3A_1428 : memref<80xi32, #tpu.memory_space<hbm>>) target(%arg13 : memref<80xi32, #tpu.memory_space<vmem>>) target_semaphore(%run_scoped3A : memref<!tpu.dma_semaphore, #tpu.memory_space<semaphore_mem>>)
        %dma_wait3A_1429 = tpu.memref_slice %arg3[%multiple_of3A_1384] : memref<320000xi32, #tpu.memory_space<hbm>> -> memref<80xi32, #tpu.memory_space<hbm>>
        %dma_wait3A_1430 = tpu.memref_slice %arg3[%multiple_of3A_1384] : memref<320000xi32, #tpu.memory_space<hbm>> -> memref<80xi32, #tpu.memory_space<hbm>>
        tpu.wait_dma2 semaphore(%run_scoped3A : memref<!tpu.dma_semaphore, #tpu.memory_space<semaphore_mem>>) src(%dma_wait3A_1430 : memref<80xi32, #tpu.memory_space<hbm>>) dst(%arg13 : memref<80xi32, #tpu.memory_space<vmem>>)
        tpu.yield
      }) : () -> ()
      "tpu.region"() ({
        %run_scoped3A = tpu.sem_alloc : memref<!tpu.dma_semaphore, #tpu.memory_space<semaphore_mem>>
        %dma_start3A_1427 = tpu.memref_slice %arg4[%multiple_of3A_1384] : memref<320000xi32, #tpu.memory_space<hbm>> -> memref<80xi32, #tpu.memory_space<hbm>>
        %dma_start3A_1428 = tpu.memref_slice %arg4[%multiple_of3A_1384] : memref<320000xi32, #tpu.memory_space<hbm>> -> memref<80xi32, #tpu.memory_space<hbm>>
        tpu.enqueue_dma source(%dma_start3A_1428 : memref<80xi32, #tpu.memory_space<hbm>>) target(%arg16 : memref<80xi32, #tpu.memory_space<vmem>>) target_semaphore(%run_scoped3A : memref<!tpu.dma_semaphore, #tpu.memory_space<semaphore_mem>>)
        %dma_wait3A_1429 = tpu.memref_slice %arg4[%multiple_of3A_1384] : memref<320000xi32, #tpu.memory_space<hbm>> -> memref<80xi32, #tpu.memory_space<hbm>>
        %dma_wait3A_1430 = tpu.memref_slice %arg4[%multiple_of3A_1384] : memref<320000xi32, #tpu.memory_space<hbm>> -> memref<80xi32, #tpu.memory_space<hbm>>
        tpu.wait_dma2 semaphore(%run_scoped3A : memref<!tpu.dma_semaphore, #tpu.memory_space<semaphore_mem>>) src(%dma_wait3A_1430 : memref<80xi32, #tpu.memory_space<hbm>>) dst(%arg16 : memref<80xi32, #tpu.memory_space<vmem>>)
        tpu.yield
      }) : () -> ()
      %dma_start3A_1385 = arith.constant 0 : i32
      %dma_start3A_1386 = arith.constant 0 : i32
      %dma_start3A_1387 = tpu.memref_slice %arg2[%dma_start3A_1385, %dma_start3A_1386] : memref<10240x128xf32, #tpu.memory_space<hbm>> -> memref<10240x128xf32, #tpu.memory_space<hbm>>
      tpu.enqueue_indirect_dma source(%dma_start3A_1387 : memref<10240x128xf32, #tpu.memory_space<hbm>>) target(%arg10 : memref<80x128xf32, #tpu.memory_space<vmem>>) offsets(%arg13 : memref<80xi32, #tpu.memory_space<vmem>>) semaphore(%arg20 : memref<!tpu.dma_semaphore, #tpu.memory_space<semaphore_mem>>)
      %dma_wait3A_1388 = arith.constant 0 : i32
      %dma_wait3A_1389 = arith.constant 0 : i32
      %dma_wait3A_1390 = tpu.memref_slice %arg2[%dma_wait3A_1388, %dma_wait3A_1389] : memref<10240x128xf32, #tpu.memory_space<hbm>> -> memref<10240x128xf32, #tpu.memory_space<hbm>>
      tpu.wait_indirect_dma semaphore(%arg18 : memref<!tpu.dma_semaphore, #tpu.memory_space<semaphore_mem>>) src(%dma_wait3A_1390 : memref<10240x128xf32, #tpu.memory_space<hbm>>) dst(%arg8 : memref<80x128xf32, #tpu.memory_space<vmem>>)
      "tpu.region"() ({
        %run_scoped3A = tpu.sem_alloc : memref<!tpu.dma_semaphore, #tpu.memory_space<semaphore_mem>>
        %dma_start3A_1427 = arith.constant 0 : i32
        %dma_start3A_1428 = arith.constant 0 : i32
        %dma_start3A_1429 = tpu.memref_slice %arg7[%dma_start3A_1427, %dma_start3A_1428] : memref<10240x128xf32, #tpu.memory_space<vmem_shared>> -> memref<10240x128xf32, #tpu.memory_space<vmem_shared>>
        tpu.enqueue_indirect_dma source(%arg8 : memref<80x128xf32, #tpu.memory_space<vmem>>) target(%dma_start3A_1429 : memref<10240x128xf32, #tpu.memory_space<vmem_shared>>) offsets(%arg14 : memref<80xi32, #tpu.memory_space<vmem>>) semaphore(%run_scoped3A : memref<!tpu.dma_semaphore, #tpu.memory_space<semaphore_mem>>) {add = true}
        %dma_wait3A_1430 = arith.constant 0 : i32
        %dma_wait3A_1431 = arith.constant 0 : i32
        %dma_wait3A_1432 = tpu.memref_slice %arg7[%dma_wait3A_1430, %dma_wait3A_1431] : memref<10240x128xf32, #tpu.memory_space<vmem_shared>> -> memref<10240x128xf32, #tpu.memory_space<vmem_shared>>
        tpu.wait_indirect_dma semaphore(%run_scoped3A : memref<!tpu.dma_semaphore, #tpu.memory_space<semaphore_mem>>) src(%arg8 : memref<80x128xf32, #tpu.memory_space<vmem>>) dst(%dma_wait3A_1432 : memref<10240x128xf32, #tpu.memory_space<vmem_shared>>)
        tpu.yield
      }) : () -> ()
      %get3A_1391 = arith.constant 0 : index
      %get3A_1392 = tpu.vector_load %arg14[%get3A_1391] {strides = array<i32>} : memref<80xi32, #tpu.memory_space<vmem>>, vector<16xi32>,
      tpu.vector_store_idx %arg17[%get3A_1392], %broadcast_in_dim3A_1307 {add = true} : memref<10240xf32, #tpu.memory_space<vmem>>[vector<16xi32>], vector<16xf32>,
      %get3A_1393 = arith.constant 16 : index
      %get3A_1394 = tpu.vector_load %arg14[%get3A_1393] {strides = array<i32>} : memref<80xi32, #tpu.memory_space<vmem>>, vector<16xi32>,
      tpu.vector_store_idx %arg17[%get3A_1394], %broadcast_in_dim3A_1307 {add = true} : memref<10240xf32, #tpu.memory_space<vmem>>[vector<16xi32>], vector<16xf32>,
      %get3A_1395 = arith.constant 32 : index
      %get3A_1396 = tpu.vector_load %arg14[%get3A_1395] {strides = array<i32>} : memref<80xi32, #tpu.memory_space<vmem>>, vector<16xi32>,
      tpu.vector_store_idx %arg17[%get3A_1396], %broadcast_in_dim3A_1307 {add = true} : memref<10240xf32, #tpu.memory_space<vmem>>[vector<16xi32>], vector<16xf32>,
      %get3A_1397 = arith.constant 48 : index
      %get3A_1398 = tpu.vector_load %arg14[%get3A_1397] {strides = array<i32>} : memref<80xi32, #tpu.memory_space<vmem>>, vector<16xi32>,
      tpu.vector_store_idx %arg17[%get3A_1398], %broadcast_in_dim3A_1307 {add = true} : memref<10240xf32, #tpu.memory_space<vmem>>[vector<16xi32>], vector<16xf32>,
      %get3A_1399 = arith.constant 64 : index
      %get3A_1400 = tpu.vector_load %arg14[%get3A_1399] {strides = array<i32>} : memref<80xi32, #tpu.memory_space<vmem>>, vector<16xi32>,
      tpu.vector_store_idx %arg17[%get3A_1400], %broadcast_in_dim3A_1307 {add = true} : memref<10240xf32, #tpu.memory_space<vmem>>[vector<16xi32>], vector<16xf32>,
      %dma_wait3A_1401 = arith.constant 0 : i32
      %dma_wait3A_1402 = arith.constant 0 : i32
      %dma_wait3A_1403 = tpu.memref_slice %arg2[%dma_wait3A_1401, %dma_wait3A_1402] : memref<10240x128xf32, #tpu.memory_space<hbm>> -> memref<10240x128xf32, #tpu.memory_space<hbm>>
      tpu.wait_indirect_dma semaphore(%arg19 : memref<!tpu.dma_semaphore, #tpu.memory_space<semaphore_mem>>) src(%dma_wait3A_1403 : memref<10240x128xf32, #tpu.memory_space<hbm>>) dst(%arg9 : memref<80x128xf32, #tpu.memory_space<vmem>>)
      "tpu.region"() ({
        %run_scoped3A = tpu.sem_alloc : memref<!tpu.dma_semaphore, #tpu.memory_space<semaphore_mem>>
        %dma_start3A_1427 = arith.constant 0 : i32
        %dma_start3A_1428 = arith.constant 0 : i32
        %dma_start3A_1429 = tpu.memref_slice %arg7[%dma_start3A_1427, %dma_start3A_1428] : memref<10240x128xf32, #tpu.memory_space<vmem_shared>> -> memref<10240x128xf32, #tpu.memory_space<vmem_shared>>
        tpu.enqueue_indirect_dma source(%arg9 : memref<80x128xf32, #tpu.memory_space<vmem>>) target(%dma_start3A_1429 : memref<10240x128xf32, #tpu.memory_space<vmem_shared>>) offsets(%arg15 : memref<80xi32, #tpu.memory_space<vmem>>) semaphore(%run_scoped3A : memref<!tpu.dma_semaphore, #tpu.memory_space<semaphore_mem>>) {add = true}
        %dma_wait3A_1430 = arith.constant 0 : i32
        %dma_wait3A_1431 = arith.constant 0 : i32
        %dma_wait3A_1432 = tpu.memref_slice %arg7[%dma_wait3A_1430, %dma_wait3A_1431] : memref<10240x128xf32, #tpu.memory_space<vmem_shared>> -> memref<10240x128xf32, #tpu.memory_space<vmem_shared>>
        tpu.wait_indirect_dma semaphore(%run_scoped3A : memref<!tpu.dma_semaphore, #tpu.memory_space<semaphore_mem>>) src(%arg9 : memref<80x128xf32, #tpu.memory_space<vmem>>) dst(%dma_wait3A_1432 : memref<10240x128xf32, #tpu.memory_space<vmem_shared>>)
        tpu.yield
      }) : () -> ()
      %get3A_1404 = arith.constant 0 : index
      %get3A_1405 = tpu.vector_load %arg15[%get3A_1404] {strides = array<i32>} : memref<80xi32, #tpu.memory_space<vmem>>, vector<16xi32>,
      tpu.vector_store_idx %arg17[%get3A_1405], %broadcast_in_dim3A_1307 {add = true} : memref<10240xf32, #tpu.memory_space<vmem>>[vector<16xi32>], vector<16xf32>,
      %get3A_1406 = arith.constant 16 : index
      %get3A_1407 = tpu.vector_load %arg15[%get3A_1406] {strides = array<i32>} : memref<80xi32, #tpu.memory_space<vmem>>, vector<16xi32>,
      tpu.vector_store_idx %arg17[%get3A_1407], %broadcast_in_dim3A_1307 {add = true} : memref<10240xf32, #tpu.memory_space<vmem>>[vector<16xi32>], vector<16xf32>,
      %get3A_1408 = arith.constant 32 : index
      %get3A_1409 = tpu.vector_load %arg15[%get3A_1408] {strides = array<i32>} : memref<80xi32, #tpu.memory_space<vmem>>, vector<16xi32>,
      tpu.vector_store_idx %arg17[%get3A_1409], %broadcast_in_dim3A_1307 {add = true} : memref<10240xf32, #tpu.memory_space<vmem>>[vector<16xi32>], vector<16xf32>,
      %get3A_1410 = arith.constant 48 : index
      %get3A_1411 = tpu.vector_load %arg15[%get3A_1410] {strides = array<i32>} : memref<80xi32, #tpu.memory_space<vmem>>, vector<16xi32>,
      tpu.vector_store_idx %arg17[%get3A_1411], %broadcast_in_dim3A_1307 {add = true} : memref<10240xf32, #tpu.memory_space<vmem>>[vector<16xi32>], vector<16xf32>,
      %get3A_1412 = arith.constant 64 : index
      %get3A_1413 = tpu.vector_load %arg15[%get3A_1412] {strides = array<i32>} : memref<80xi32, #tpu.memory_space<vmem>>, vector<16xi32>,
      tpu.vector_store_idx %arg17[%get3A_1413], %broadcast_in_dim3A_1307 {add = true} : memref<10240xf32, #tpu.memory_space<vmem>>[vector<16xi32>], vector<16xf32>,
      %dma_wait3A_1414 = arith.constant 0 : i32
      %dma_wait3A_1415 = arith.constant 0 : i32
      %dma_wait3A_1416 = tpu.memref_slice %arg2[%dma_wait3A_1414, %dma_wait3A_1415] : memref<10240x128xf32, #tpu.memory_space<hbm>> -> memref<10240x128xf32, #tpu.memory_space<hbm>>
      tpu.wait_indirect_dma semaphore(%arg20 : memref<!tpu.dma_semaphore, #tpu.memory_space<semaphore_mem>>) src(%dma_wait3A_1416 : memref<10240x128xf32, #tpu.memory_space<hbm>>) dst(%arg10 : memref<80x128xf32, #tpu.memory_space<vmem>>)
      "tpu.region"() ({
        %run_scoped3A = tpu.sem_alloc : memref<!tpu.dma_semaphore, #tpu.memory_space<semaphore_mem>>
        %dma_start3A_1427 = arith.constant 0 : i32
        %dma_start3A_1428 = arith.constant 0 : i32
        %dma_start3A_1429 = tpu.memref_slice %arg7[%dma_start3A_1427, %dma_start3A_1428] : memref<10240x128xf32, #tpu.memory_space<vmem_shared>> -> memref<10240x128xf32, #tpu.memory_space<vmem_shared>>
        tpu.enqueue_indirect_dma source(%arg10 : memref<80x128xf32, #tpu.memory_space<vmem>>) target(%dma_start3A_1429 : memref<10240x128xf32, #tpu.memory_space<vmem_shared>>) offsets(%arg16 : memref<80xi32, #tpu.memory_space<vmem>>) semaphore(%run_scoped3A : memref<!tpu.dma_semaphore, #tpu.memory_space<semaphore_mem>>) {add = true}
        %dma_wait3A_1430 = arith.constant 0 : i32
        %dma_wait3A_1431 = arith.constant 0 : i32
        %dma_wait3A_1432 = tpu.memref_slice %arg7[%dma_wait3A_1430, %dma_wait3A_1431] : memref<10240x128xf32, #tpu.memory_space<vmem_shared>> -> memref<10240x128xf32, #tpu.memory_space<vmem_shared>>
        tpu.wait_indirect_dma semaphore(%run_scoped3A : memref<!tpu.dma_semaphore, #tpu.memory_space<semaphore_mem>>) src(%arg10 : memref<80x128xf32, #tpu.memory_space<vmem>>) dst(%dma_wait3A_1432 : memref<10240x128xf32, #tpu.memory_space<vmem_shared>>)
        tpu.yield
      }) : () -> ()
      %get3A_1417 = arith.constant 0 : index
      %get3A_1418 = tpu.vector_load %arg16[%get3A_1417] {strides = array<i32>} : memref<80xi32, #tpu.memory_space<vmem>>, vector<16xi32>,
      tpu.vector_store_idx %arg17[%get3A_1418], %broadcast_in_dim3A_1307 {add = true} : memref<10240xf32, #tpu.memory_space<vmem>>[vector<16xi32>], vector<16xf32>,
      %get3A_1419 = arith.constant 16 : index
      %get3A_1420 = tpu.vector_load %arg16[%get3A_1419] {strides = array<i32>} : memref<80xi32, #tpu.memory_space<vmem>>, vector<16xi32>,
      tpu.vector_store_idx %arg17[%get3A_1420], %broadcast_in_dim3A_1307 {add = true} : memref<10240xf32, #tpu.memory_space<vmem>>[vector<16xi32>], vector<16xf32>,
      %get3A_1421 = arith.constant 32 : index
      %get3A_1422 = tpu.vector_load %arg16[%get3A_1421] {strides = array<i32>} : memref<80xi32, #tpu.memory_space<vmem>>, vector<16xi32>,
      tpu.vector_store_idx %arg17[%get3A_1422], %broadcast_in_dim3A_1307 {add = true} : memref<10240xf32, #tpu.memory_space<vmem>>[vector<16xi32>], vector<16xf32>,
      %get3A_1423 = arith.constant 48 : index
      %get3A_1424 = tpu.vector_load %arg16[%get3A_1423] {strides = array<i32>} : memref<80xi32, #tpu.memory_space<vmem>>, vector<16xi32>,
      tpu.vector_store_idx %arg17[%get3A_1424], %broadcast_in_dim3A_1307 {add = true} : memref<10240xf32, #tpu.memory_space<vmem>>[vector<16xi32>], vector<16xf32>,
      %get3A_1425 = arith.constant 64 : index
      %get3A_1426 = tpu.vector_load %arg16[%get3A_1425] {strides = array<i32>} : memref<80xi32, #tpu.memory_space<vmem>>, vector<16xi32>,
      tpu.vector_store_idx %arg17[%get3A_1426], %broadcast_in_dim3A_1307 {add = true} : memref<10240xf32, #tpu.memory_space<vmem>>[vector<16xi32>], vector<16xf32>,
    }
    %scan3A_1313 = arith.constant 41 : i32
    %add3A_1314 = arith.constant 9840 : i32
    %add3A_1315 = arith.addi %mul3A_1305, %add3A_1314 : i32
    %multiple_of3A_1316 = tpu.assume_multiple %add3A_1315, 8 : i32
    "tpu.region"() ({
      %run_scoped3A = tpu.sem_alloc : memref<!tpu.dma_semaphore, #tpu.memory_space<semaphore_mem>>
      %dma_start3A_1354 = tpu.memref_slice %arg3[%multiple_of3A_1316] : memref<320000xi32, #tpu.memory_space<hbm>> -> memref<80xi32, #tpu.memory_space<hbm>>
      %dma_start3A_1355 = tpu.memref_slice %arg3[%multiple_of3A_1316] : memref<320000xi32, #tpu.memory_space<hbm>> -> memref<80xi32, #tpu.memory_space<hbm>>
      tpu.enqueue_dma source(%dma_start3A_1355 : memref<80xi32, #tpu.memory_space<hbm>>) target(%arg11 : memref<80xi32, #tpu.memory_space<vmem>>) target_semaphore(%run_scoped3A : memref<!tpu.dma_semaphore, #tpu.memory_space<semaphore_mem>>)
      %dma_wait3A_1356 = tpu.memref_slice %arg3[%multiple_of3A_1316] : memref<320000xi32, #tpu.memory_space<hbm>> -> memref<80xi32, #tpu.memory_space<hbm>>
      %dma_wait3A_1357 = tpu.memref_slice %arg3[%multiple_of3A_1316] : memref<320000xi32, #tpu.memory_space<hbm>> -> memref<80xi32, #tpu.memory_space<hbm>>
      tpu.wait_dma2 semaphore(%run_scoped3A : memref<!tpu.dma_semaphore, #tpu.memory_space<semaphore_mem>>) src(%dma_wait3A_1357 : memref<80xi32, #tpu.memory_space<hbm>>) dst(%arg11 : memref<80xi32, #tpu.memory_space<vmem>>)
      tpu.yield
    }) : () -> ()
    "tpu.region"() ({
      %run_scoped3A = tpu.sem_alloc : memref<!tpu.dma_semaphore, #tpu.memory_space<semaphore_mem>>
      %dma_start3A_1354 = tpu.memref_slice %arg4[%multiple_of3A_1316] : memref<320000xi32, #tpu.memory_space<hbm>> -> memref<80xi32, #tpu.memory_space<hbm>>
      %dma_start3A_1355 = tpu.memref_slice %arg4[%multiple_of3A_1316] : memref<320000xi32, #tpu.memory_space<hbm>> -> memref<80xi32, #tpu.memory_space<hbm>>
      tpu.enqueue_dma source(%dma_start3A_1355 : memref<80xi32, #tpu.memory_space<hbm>>) target(%arg14 : memref<80xi32, #tpu.memory_space<vmem>>) target_semaphore(%run_scoped3A : memref<!tpu.dma_semaphore, #tpu.memory_space<semaphore_mem>>)
      %dma_wait3A_1356 = tpu.memref_slice %arg4[%multiple_of3A_1316] : memref<320000xi32, #tpu.memory_space<hbm>> -> memref<80xi32, #tpu.memory_space<hbm>>
      %dma_wait3A_1357 = tpu.memref_slice %arg4[%multiple_of3A_1316] : memref<320000xi32, #tpu.memory_space<hbm>> -> memref<80xi32, #tpu.memory_space<hbm>>
      tpu.wait_dma2 semaphore(%run_scoped3A : memref<!tpu.dma_semaphore, #tpu.memory_space<semaphore_mem>>) src(%dma_wait3A_1357 : memref<80xi32, #tpu.memory_space<hbm>>) dst(%arg14 : memref<80xi32, #tpu.memory_space<vmem>>)
      tpu.yield
    }) : () -> ()
    %dma_start3A = arith.constant 0 : i32
    %dma_start3A_1317 = arith.constant 0 : i32
    %dma_start3A_1318 = tpu.memref_slice %arg2[%dma_start3A, %dma_start3A_1317] : memref<10240x128xf32, #tpu.memory_space<hbm>> -> memref<10240x128xf32, #tpu.memory_space<hbm>>
    tpu.enqueue_indirect_dma source(%dma_start3A_1318 : memref<10240x128xf32, #tpu.memory_space<hbm>>) target(%arg8 : memref<80x128xf32, #tpu.memory_space<vmem>>) offsets(%arg11 : memref<80xi32, #tpu.memory_space<vmem>>) semaphore(%arg18 : memref<!tpu.dma_semaphore, #tpu.memory_space<semaphore_mem>>)
    %dma_wait3A = arith.constant 0 : i32
    %dma_wait3A_1319 = arith.constant 0 : i32
    %dma_wait3A_1320 = tpu.memref_slice %arg2[%dma_wait3A, %dma_wait3A_1319] : memref<10240x128xf32, #tpu.memory_space<hbm>> -> memref<10240x128xf32, #tpu.memory_space<hbm>>
    tpu.wait_indirect_dma semaphore(%arg18 : memref<!tpu.dma_semaphore, #tpu.memory_space<semaphore_mem>>) src(%dma_wait3A_1320 : memref<10240x128xf32, #tpu.memory_space<hbm>>) dst(%arg8 : memref<80x128xf32, #tpu.memory_space<vmem>>)
    "tpu.region"() ({
      %run_scoped3A = tpu.sem_alloc : memref<!tpu.dma_semaphore, #tpu.memory_space<semaphore_mem>>
      %dma_start3A_1354 = arith.constant 0 : i32
      %dma_start3A_1355 = arith.constant 0 : i32
      %dma_start3A_1356 = tpu.memref_slice %arg7[%dma_start3A_1354, %dma_start3A_1355] : memref<10240x128xf32, #tpu.memory_space<vmem_shared>> -> memref<10240x128xf32, #tpu.memory_space<vmem_shared>>
      tpu.enqueue_indirect_dma source(%arg8 : memref<80x128xf32, #tpu.memory_space<vmem>>) target(%dma_start3A_1356 : memref<10240x128xf32, #tpu.memory_space<vmem_shared>>) offsets(%arg14 : memref<80xi32, #tpu.memory_space<vmem>>) semaphore(%run_scoped3A : memref<!tpu.dma_semaphore, #tpu.memory_space<semaphore_mem>>) {add = true}
      %dma_wait3A_1357 = arith.constant 0 : i32
      %dma_wait3A_1358 = arith.constant 0 : i32
      %dma_wait3A_1359 = tpu.memref_slice %arg7[%dma_wait3A_1357, %dma_wait3A_1358] : memref<10240x128xf32, #tpu.memory_space<vmem_shared>> -> memref<10240x128xf32, #tpu.memory_space<vmem_shared>>
      tpu.wait_indirect_dma semaphore(%run_scoped3A : memref<!tpu.dma_semaphore, #tpu.memory_space<semaphore_mem>>) src(%arg8 : memref<80x128xf32, #tpu.memory_space<vmem>>) dst(%dma_wait3A_1359 : memref<10240x128xf32, #tpu.memory_space<vmem_shared>>)
      tpu.yield
    }) : () -> ()
    %get3A = arith.constant 0 : index
    %get3A_1321 = tpu.vector_load %arg14[%get3A] {strides = array<i32>} : memref<80xi32, #tpu.memory_space<vmem>>, vector<16xi32>,
    tpu.vector_store_idx %arg17[%get3A_1321], %broadcast_in_dim3A_1307 {add = true} : memref<10240xf32, #tpu.memory_space<vmem>>[vector<16xi32>], vector<16xf32>,
    %get3A_1322 = arith.constant 16 : index
    %get3A_1323 = tpu.vector_load %arg14[%get3A_1322] {strides = array<i32>} : memref<80xi32, #tpu.memory_space<vmem>>, vector<16xi32>,
    tpu.vector_store_idx %arg17[%get3A_1323], %broadcast_in_dim3A_1307 {add = true} : memref<10240xf32, #tpu.memory_space<vmem>>[vector<16xi32>], vector<16xf32>,
    %get3A_1324 = arith.constant 32 : index
    %get3A_1325 = tpu.vector_load %arg14[%get3A_1324] {strides = array<i32>} : memref<80xi32, #tpu.memory_space<vmem>>, vector<16xi32>,
    tpu.vector_store_idx %arg17[%get3A_1325], %broadcast_in_dim3A_1307 {add = true} : memref<10240xf32, #tpu.memory_space<vmem>>[vector<16xi32>], vector<16xf32>,
    %get3A_1326 = arith.constant 48 : index
    %get3A_1327 = tpu.vector_load %arg14[%get3A_1326] {strides = array<i32>} : memref<80xi32, #tpu.memory_space<vmem>>, vector<16xi32>,
    tpu.vector_store_idx %arg17[%get3A_1327], %broadcast_in_dim3A_1307 {add = true} : memref<10240xf32, #tpu.memory_space<vmem>>[vector<16xi32>], vector<16xf32>,
    %get3A_1328 = arith.constant 64 : index
    %get3A_1329 = tpu.vector_load %arg14[%get3A_1328] {strides = array<i32>} : memref<80xi32, #tpu.memory_space<vmem>>, vector<16xi32>,
    tpu.vector_store_idx %arg17[%get3A_1329], %broadcast_in_dim3A_1307 {add = true} : memref<10240xf32, #tpu.memory_space<vmem>>[vector<16xi32>], vector<16xf32>,
    %add3A_1330 = arith.constant 9920 : i32
    %add3A_1331 = arith.addi %mul3A_1305, %add3A_1330 : i32
    %multiple_of3A_1332 = tpu.assume_multiple %add3A_1331, 8 : i32
    "tpu.region"() ({
      %run_scoped3A = tpu.sem_alloc : memref<!tpu.dma_semaphore, #tpu.memory_space<semaphore_mem>>
      %dma_start3A_1354 = tpu.memref_slice %arg3[%multiple_of3A_1332] : memref<320000xi32, #tpu.memory_space<hbm>> -> memref<80xi32, #tpu.memory_space<hbm>>
      %dma_start3A_1355 = tpu.memref_slice %arg3[%multiple_of3A_1332] : memref<320000xi32, #tpu.memory_space<hbm>> -> memref<80xi32, #tpu.memory_space<hbm>>
      tpu.enqueue_dma source(%dma_start3A_1355 : memref<80xi32, #tpu.memory_space<hbm>>) target(%arg11 : memref<80xi32, #tpu.memory_space<vmem>>) target_semaphore(%run_scoped3A : memref<!tpu.dma_semaphore, #tpu.memory_space<semaphore_mem>>)
      %dma_wait3A_1356 = tpu.memref_slice %arg3[%multiple_of3A_1332] : memref<320000xi32, #tpu.memory_space<hbm>> -> memref<80xi32, #tpu.memory_space<hbm>>
      %dma_wait3A_1357 = tpu.memref_slice %arg3[%multiple_of3A_1332] : memref<320000xi32, #tpu.memory_space<hbm>> -> memref<80xi32, #tpu.memory_space<hbm>>
      tpu.wait_dma2 semaphore(%run_scoped3A : memref<!tpu.dma_semaphore, #tpu.memory_space<semaphore_mem>>) src(%dma_wait3A_1357 : memref<80xi32, #tpu.memory_space<hbm>>) dst(%arg11 : memref<80xi32, #tpu.memory_space<vmem>>)
      tpu.yield
    }) : () -> ()
    "tpu.region"() ({
      %run_scoped3A = tpu.sem_alloc : memref<!tpu.dma_semaphore, #tpu.memory_space<semaphore_mem>>
      %dma_start3A_1354 = tpu.memref_slice %arg4[%multiple_of3A_1332] : memref<320000xi32, #tpu.memory_space<hbm>> -> memref<80xi32, #tpu.memory_space<hbm>>
      %dma_start3A_1355 = tpu.memref_slice %arg4[%multiple_of3A_1332] : memref<320000xi32, #tpu.memory_space<hbm>> -> memref<80xi32, #tpu.memory_space<hbm>>
      tpu.enqueue_dma source(%dma_start3A_1355 : memref<80xi32, #tpu.memory_space<hbm>>) target(%arg14 : memref<80xi32, #tpu.memory_space<vmem>>) target_semaphore(%run_scoped3A : memref<!tpu.dma_semaphore, #tpu.memory_space<semaphore_mem>>)
      %dma_wait3A_1356 = tpu.memref_slice %arg4[%multiple_of3A_1332] : memref<320000xi32, #tpu.memory_space<hbm>> -> memref<80xi32, #tpu.memory_space<hbm>>
      %dma_wait3A_1357 = tpu.memref_slice %arg4[%multiple_of3A_1332] : memref<320000xi32, #tpu.memory_space<hbm>> -> memref<80xi32, #tpu.memory_space<hbm>>
      tpu.wait_dma2 semaphore(%run_scoped3A : memref<!tpu.dma_semaphore, #tpu.memory_space<semaphore_mem>>) src(%dma_wait3A_1357 : memref<80xi32, #tpu.memory_space<hbm>>) dst(%arg14 : memref<80xi32, #tpu.memory_space<vmem>>)
      tpu.yield
    }) : () -> ()
    %dma_start3A_1333 = arith.constant 0 : i32
    %dma_start3A_1334 = arith.constant 0 : i32
    %dma_start3A_1335 = tpu.memref_slice %arg2[%dma_start3A_1333, %dma_start3A_1334] : memref<10240x128xf32, #tpu.memory_space<hbm>> -> memref<10240x128xf32, #tpu.memory_space<hbm>>
    tpu.enqueue_indirect_dma source(%dma_start3A_1335 : memref<10240x128xf32, #tpu.memory_space<hbm>>) target(%arg8 : memref<80x128xf32, #tpu.memory_space<vmem>>) offsets(%arg11 : memref<80xi32, #tpu.memory_space<vmem>>) semaphore(%arg18 : memref<!tpu.dma_semaphore, #tpu.memory_space<semaphore_mem>>)
    %dma_wait3A_1336 = arith.constant 0 : i32
    %dma_wait3A_1337 = arith.constant 0 : i32
    %dma_wait3A_1338 = tpu.memref_slice %arg2[%dma_wait3A_1336, %dma_wait3A_1337] : memref<10240x128xf32, #tpu.memory_space<hbm>> -> memref<10240x128xf32, #tpu.memory_space<hbm>>
    tpu.wait_indirect_dma semaphore(%arg18 : memref<!tpu.dma_semaphore, #tpu.memory_space<semaphore_mem>>) src(%dma_wait3A_1338 : memref<10240x128xf32, #tpu.memory_space<hbm>>) dst(%arg8 : memref<80x128xf32, #tpu.memory_space<vmem>>)
    "tpu.region"() ({
      %run_scoped3A = tpu.sem_alloc : memref<!tpu.dma_semaphore, #tpu.memory_space<semaphore_mem>>
      %dma_start3A_1354 = arith.constant 0 : i32
      %dma_start3A_1355 = arith.constant 0 : i32
      %dma_start3A_1356 = tpu.memref_slice %arg7[%dma_start3A_1354, %dma_start3A_1355] : memref<10240x128xf32, #tpu.memory_space<vmem_shared>> -> memref<10240x128xf32, #tpu.memory_space<vmem_shared>>
      tpu.enqueue_indirect_dma source(%arg8 : memref<80x128xf32, #tpu.memory_space<vmem>>) target(%dma_start3A_1356 : memref<10240x128xf32, #tpu.memory_space<vmem_shared>>) offsets(%arg14 : memref<80xi32, #tpu.memory_space<vmem>>) semaphore(%run_scoped3A : memref<!tpu.dma_semaphore, #tpu.memory_space<semaphore_mem>>) {add = true}
      %dma_wait3A_1357 = arith.constant 0 : i32
      %dma_wait3A_1358 = arith.constant 0 : i32
      %dma_wait3A_1359 = tpu.memref_slice %arg7[%dma_wait3A_1357, %dma_wait3A_1358] : memref<10240x128xf32, #tpu.memory_space<vmem_shared>> -> memref<10240x128xf32, #tpu.memory_space<vmem_shared>>
      tpu.wait_indirect_dma semaphore(%run_scoped3A : memref<!tpu.dma_semaphore, #tpu.memory_space<semaphore_mem>>) src(%arg8 : memref<80x128xf32, #tpu.memory_space<vmem>>) dst(%dma_wait3A_1359 : memref<10240x128xf32, #tpu.memory_space<vmem_shared>>)
      tpu.yield
    }) : () -> ()
    %get3A_1339 = arith.constant 0 : index
    %get3A_1340 = tpu.vector_load %arg14[%get3A_1339] {strides = array<i32>} : memref<80xi32, #tpu.memory_space<vmem>>, vector<16xi32>,
    tpu.vector_store_idx %arg17[%get3A_1340], %broadcast_in_dim3A_1307 {add = true} : memref<10240xf32, #tpu.memory_space<vmem>>[vector<16xi32>], vector<16xf32>,
    %get3A_1341 = arith.constant 16 : index
    %get3A_1342 = tpu.vector_load %arg14[%get3A_1341] {strides = array<i32>} : memref<80xi32, #tpu.memory_space<vmem>>, vector<16xi32>,
    tpu.vector_store_idx %arg17[%get3A_1342], %broadcast_in_dim3A_1307 {add = true} : memref<10240xf32, #tpu.memory_space<vmem>>[vector<16xi32>], vector<16xf32>,
    %get3A_1343 = arith.constant 32 : index
    %get3A_1344 = tpu.vector_load %arg14[%get3A_1343] {strides = array<i32>} : memref<80xi32, #tpu.memory_space<vmem>>, vector<16xi32>,
    tpu.vector_store_idx %arg17[%get3A_1344], %broadcast_in_dim3A_1307 {add = true} : memref<10240xf32, #tpu.memory_space<vmem>>[vector<16xi32>], vector<16xf32>,
    %get3A_1345 = arith.constant 48 : index
    %get3A_1346 = tpu.vector_load %arg14[%get3A_1345] {strides = array<i32>} : memref<80xi32, #tpu.memory_space<vmem>>, vector<16xi32>,
    tpu.vector_store_idx %arg17[%get3A_1346], %broadcast_in_dim3A_1307 {add = true} : memref<10240xf32, #tpu.memory_space<vmem>>[vector<16xi32>], vector<16xf32>,
    %get3A_1347 = arith.constant 64 : index
    %get3A_1348 = tpu.vector_load %arg14[%get3A_1347] {strides = array<i32>} : memref<80xi32, #tpu.memory_space<vmem>>, vector<16xi32>,
    tpu.vector_store_idx %arg17[%get3A_1348], %broadcast_in_dim3A_1307 {add = true} : memref<10240xf32, #tpu.memory_space<vmem>>[vector<16xi32>], vector<16xf32>,
    %barrier3A_1349 = arith.constant 0 : index
    tpu.barrier barrier_id(%barrier3A_1349)
    %mul3A_1350 = arith.constant 10240 : i32
    %mul3A_1351 = arith.muli %arg0, %mul3A_1350 : i32
    %add3A_1352 = arith.addi %mul3A_1351, %multiple_of3A : i32
    %multiple_of3A_1353 = tpu.assume_multiple %add3A_1352, 8 : i32
    "tpu.region"() ({
      %run_scoped3A = tpu.sem_alloc : memref<!tpu.dma_semaphore, #tpu.memory_space<semaphore_mem>>
      %dma_start3A_1354 = arith.constant 0 : i32
      %dma_start3A_1355 = tpu.memref_slice %arg5[%multiple_of3A_1353, %dma_start3A_1354] : memref<20480x128xf32, #tpu.memory_space<hbm>> -> memref<640x128xf32, #tpu.memory_space<hbm>>
      %dma_start3A_1356 = arith.constant 0 : i32
      %dma_start3A_1357 = tpu.memref_slice %arg7[%multiple_of3A, %dma_start3A_1356] : memref<10240x128xf32, #tpu.memory_space<vmem_shared>> -> memref<640x128xf32, #tpu.memory_space<vmem_shared>>
      tpu.enqueue_dma source(%dma_start3A_1357 : memref<640x128xf32, #tpu.memory_space<vmem_shared>>) target(%dma_start3A_1355 : memref<640x128xf32, #tpu.memory_space<hbm>>) target_semaphore(%run_scoped3A : memref<!tpu.dma_semaphore, #tpu.memory_space<semaphore_mem>>)
      %dma_wait3A_1358 = arith.constant 0 : i32
      %dma_wait3A_1359 = tpu.memref_slice %arg5[%multiple_of3A_1353, %dma_wait3A_1358] : memref<20480x128xf32, #tpu.memory_space<hbm>> -> memref<640x128xf32, #tpu.memory_space<hbm>>
      %dma_wait3A_1360 = arith.constant 0 : i32
      %dma_wait3A_1361 = tpu.memref_slice %arg7[%multiple_of3A, %dma_wait3A_1360] : memref<10240x128xf32, #tpu.memory_space<vmem_shared>> -> memref<640x128xf32, #tpu.memory_space<vmem_shared>>
      tpu.wait_dma2 semaphore(%run_scoped3A : memref<!tpu.dma_semaphore, #tpu.memory_space<semaphore_mem>>) src(%dma_wait3A_1361 : memref<640x128xf32, #tpu.memory_space<vmem_shared>>) dst(%dma_wait3A_1359 : memref<640x128xf32, #tpu.memory_space<hbm>>)
      tpu.yield
    }) : () -> ()
    "tpu.region"() ({
      %run_scoped3A = tpu.sem_alloc : memref<!tpu.dma_semaphore, #tpu.memory_space<semaphore_mem>>
      %dma_start3A_1354 = arith.constant 0 : i32
      %dma_start3A_1355 = tpu.memref_slice %arg6[%add3A, %dma_start3A_1354] : memref<32x10240xf32, #tpu.memory_space<hbm>> -> memref<1x10240xf32, #tpu.memory_space<hbm>>
      %dma_start3A_1356 = tpu.memref_squeeze %dma_start3A_1355 : memref<1x10240xf32, #tpu.memory_space<hbm>> -> memref<10240xf32, #tpu.memory_space<hbm>>
      %dma_start3A_1357 = arith.constant 0 : i32
      %dma_start3A_1358 = tpu.memref_slice %arg6[%add3A, %dma_start3A_1357] : memref<32x10240xf32, #tpu.memory_space<hbm>> -> memref<1x10240xf32, #tpu.memory_space<hbm>>
      %dma_start3A_1359 = tpu.memref_squeeze %dma_start3A_1358 : memref<1x10240xf32, #tpu.memory_space<hbm>> -> memref<10240xf32, #tpu.memory_space<hbm>>
      tpu.enqueue_dma source(%arg17 : memref<10240xf32, #tpu.memory_space<vmem>>) target(%dma_start3A_1359 : memref<10240xf32, #tpu.memory_space<hbm>>) target_semaphore(%run_scoped3A : memref<!tpu.dma_semaphore, #tpu.memory_space<semaphore_mem>>)
      %dma_wait3A_1360 = arith.constant 0 : i32
      %dma_wait3A_1361 = tpu.memref_slice %arg6[%add3A, %dma_wait3A_1360] : memref<32x10240xf32, #tpu.memory_space<hbm>> -> memref<1x10240xf32, #tpu.memory_space<hbm>>
      %dma_wait3A_1362 = tpu.memref_squeeze %dma_wait3A_1361 : memref<1x10240xf32, #tpu.memory_space<hbm>> -> memref<10240xf32, #tpu.memory_space<hbm>>
      %dma_wait3A_1363 = arith.constant 0 : i32
      %dma_wait3A_1364 = tpu.memref_slice %arg6[%add3A, %dma_wait3A_1363] : memref<32x10240xf32, #tpu.memory_space<hbm>> -> memref<1x10240xf32, #tpu.memory_space<hbm>>
      %dma_wait3A_1365 = tpu.memref_squeeze %dma_wait3A_1364 : memref<1x10240xf32, #tpu.memory_space<hbm>> -> memref<10240xf32, #tpu.memory_space<hbm>>
      tpu.wait_dma2 semaphore(%run_scoped3A : memref<!tpu.dma_semaphore, #tpu.memory_space<semaphore_mem>>) src(%arg17 : memref<10240xf32, #tpu.memory_space<vmem>>) dst(%dma_wait3A_1365 : memref<10240xf32, #tpu.memory_space<hbm>>)
      tpu.yield
    }) : () -> ()
    return
  }
}

module attributes {stable_mosaic.version = 14 : i64} {
  func.func @_tc_linear_body(%arg0: i32, %arg1: memref<640x128xf32, #tpu.memory_space<vmem>>, %arg2: memref<640x128xf32, #tpu.memory_space<vmem>>, %arg3: memref<32x640xf32, #tpu.memory_space<vmem>>, %arg4: memref<640x128xf32, #tpu.memory_space<vmem>>, %arg5: memref<128x128xf32, #tpu.memory_space<vmem>>, %arg6: memref<128x128xf32, #tpu.memory_space<vmem>>, %arg7: memref<1x128xf32, #tpu.memory_space<vmem>>, %arg8: memref<640x128xf32, #tpu.memory_space<vmem>>) attributes {dimension_semantics = [#tpu.dimension_semantics<arbitrary>], iteration_bounds = array<i64: 16>, scalar_prefetch = 0 : i64, scratch_operands = 0 : i64, tpu.core_type = #tpu.core_type<tc>, window_params = [{transform_indices = @transform_0, window_bounds = array<i64: 640, 128>}, {transform_indices = @transform_1, window_bounds = array<i64: 640, 128>}, {transform_indices = @transform_2, window_bounds = array<i64: 32, 640>}, {transform_indices = @transform_3, window_bounds = array<i64: 640, 128>}, {pipeline_mode = #tpu.pipeline_mode<synchronous>, transform_indices = @transform_4, window_bounds = array<i64: 128, 128>}, {pipeline_mode = #tpu.pipeline_mode<synchronous>, transform_indices = @transform_5, window_bounds = array<i64: 128, 128>}, {pipeline_mode = #tpu.pipeline_mode<synchronous>, transform_indices = @transform_6, window_bounds = array<i64: 1, 128>}, {transform_indices = @transform_7, window_bounds = array<i64: 640, 128>}]} {
    %get3A = arith.constant 0 : index
    %get3A_0 = arith.constant 0 : index
    %get3A_1 = vector.load %arg3[%get3A, %get3A_0] : memref<32x640xf32, #tpu.memory_space<vmem>>, vector<32x640xf32>
    %reduce_sum3A = arith.constant dense<0.000000e+00> : vector<640xf32>
    %reduce_sum3A_2 = vector.multi_reduction <add>, %get3A_1, %reduce_sum3A [0] : vector<32x640xf32> to vector<640xf32>
    %max3A = arith.constant 1.000000e+00 : f32
    %max3A_3 = vector.broadcast %max3A : f32 to vector<640xf32>
    %max3A_4 = arith.maximumf %reduce_sum3A_2, %max3A_3 : vector<640xf32>
    %div3A = arith.constant 1.000000e+00 : f32
    %div3A_5 = vector.broadcast %div3A : f32 to vector<640xf32>
    %div3A_6 = arith.divf %div3A_5, %max3A_4 : vector<640xf32>
    %get3A_7 = arith.constant 0 : index
    %get3A_8 = arith.constant 0 : index
    %get3A_9 = vector.load %arg1[%get3A_7, %get3A_8] : memref<640x128xf32, #tpu.memory_space<vmem>>, vector<640x128xf32>
    %get3A_10 = arith.constant 0 : index
    %get3A_11 = arith.constant 0 : index
    %get3A_12 = vector.load %arg2[%get3A_10, %get3A_11] : memref<640x128xf32, #tpu.memory_space<vmem>>, vector<640x128xf32>
    %add3A = arith.addf %get3A_9, %get3A_12 : vector<640x128xf32>
    %broadcast_in_dim3A = vector.shape_cast %div3A_6 : vector<640xf32> to vector<640x1xf32>
    %mul3A = vector.broadcast %broadcast_in_dim3A : vector<640x1xf32> to vector<640x128xf32>
    %mul3A_13 = arith.mulf %add3A, %mul3A : vector<640x128xf32>
    %get3A_14 = arith.constant 0 : index
    %get3A_15 = arith.constant 0 : index
    %get3A_16 = vector.load %arg5[%get3A_14, %get3A_15] : memref<128x128xf32, #tpu.memory_space<vmem>>, vector<128x128xf32>
    %dot_general3A = arith.constant dense<0.000000e+00> : vector<640x128xf32>
    %dot_general3A_17 = tpu.matmul %mul3A_13, %get3A_16, %dot_general3A {dimension_numbers = #tpu.dot_dimension_numbers<[1], [0], [0], [1], [0, 0, 1, 1], [], []>, precision = #tpu.contract_precision<fp32>, transpose_lhs_hint = false} : vector<640x128xf32>, vector<128x128xf32>, vector<640x128xf32> -> vector<640x128xf32>
    %get3A_18 = arith.constant 0 : index
    %get3A_19 = arith.constant 0 : index
    %get3A_20 = vector.load %arg4[%get3A_18, %get3A_19] : memref<640x128xf32, #tpu.memory_space<vmem>>, vector<640x128xf32>
    %get3A_21 = arith.constant 0 : index
    %get3A_22 = arith.constant 0 : index
    %get3A_23 = vector.load %arg6[%get3A_21, %get3A_22] : memref<128x128xf32, #tpu.memory_space<vmem>>, vector<128x128xf32>
    %dot_general3A_24 = arith.constant dense<0.000000e+00> : vector<640x128xf32>
    %dot_general3A_25 = tpu.matmul %get3A_20, %get3A_23, %dot_general3A_24 {dimension_numbers = #tpu.dot_dimension_numbers<[1], [0], [0], [1], [0, 0, 1, 1], [], []>, precision = #tpu.contract_precision<fp32>, transpose_lhs_hint = false} : vector<640x128xf32>, vector<128x128xf32>, vector<640x128xf32> -> vector<640x128xf32>
    %add3A_26 = arith.addf %dot_general3A_17, %dot_general3A_25 : vector<640x128xf32>
    %get3A_27 = arith.constant 0 : index
    %get3A_28 = arith.constant 0 : index
    %get3A_29 = vector.load %arg7[%get3A_27, %get3A_28] : memref<1x128xf32, #tpu.memory_space<vmem>>, vector<1x128xf32>
    %add3A_30 = vector.broadcast %get3A_29 : vector<1x128xf32> to vector<640x128xf32>
    %add3A_31 = arith.addf %add3A_26, %add3A_30 : vector<640x128xf32>
    %max3A_32 = arith.constant 0.000000e+00 : f32
    %max3A_33 = vector.broadcast %max3A_32 : f32 to vector<640x128xf32>
    %max3A_34 = arith.maximumf %add3A_31, %max3A_33 : vector<640x128xf32>
    %swap3A = arith.constant 0 : index
    %swap3A_35 = arith.constant 0 : index
    %swap3A_36 = vector.load %arg8[%swap3A, %swap3A_35] : memref<640x128xf32, #tpu.memory_space<vmem>>, vector<640x128xf32>
    tpu.vector_store %arg8[%swap3A, %swap3A_35], %max3A_34 {strides = array<i32>} : memref<640x128xf32, #tpu.memory_space<vmem>>, vector<640x128xf32>,
    return
  }
  func.func @transform_0(%arg0: i32) -> (i32, i32) {
    %c0_i32 = arith.constant 0 : i32
    %c0_i32_0 = arith.constant 0 : i32
    return %arg0, %c0_i32 : i32, i32
  }
  func.func @transform_1(%arg0: i32) -> (i32, i32) {
    %c0_i32 = arith.constant 0 : i32
    %c0_i32_0 = arith.constant 0 : i32
    return %arg0, %c0_i32 : i32, i32
  }
  func.func @transform_2(%arg0: i32) -> (i32, i32) {
    %c0_i32 = arith.constant 0 : i32
    %c0_i32_0 = arith.constant 0 : i32
    return %c0_i32, %arg0 : i32, i32
  }
  func.func @transform_3(%arg0: i32) -> (i32, i32) {
    %c0_i32 = arith.constant 0 : i32
    %c0_i32_0 = arith.constant 0 : i32
    return %arg0, %c0_i32 : i32, i32
  }
  func.func @transform_4(%arg0: i32) -> (i32, i32) {
    %c0_i32 = arith.constant 0 : i32
    %c0_i32_0 = arith.constant 0 : i32
    %c0_i32_1 = arith.constant 0 : i32
    return %c0_i32, %c0_i32_0 : i32, i32
  }
  func.func @transform_5(%arg0: i32) -> (i32, i32) {
    %c0_i32 = arith.constant 0 : i32
    %c0_i32_0 = arith.constant 0 : i32
    %c0_i32_1 = arith.constant 0 : i32
    return %c0_i32, %c0_i32_0 : i32, i32
  }
  func.func @transform_6(%arg0: i32) -> (i32, i32) {
    %c0_i32 = arith.constant 0 : i32
    %c0_i32_0 = arith.constant 0 : i32
    %c0_i32_1 = arith.constant 0 : i32
    return %c0_i32, %c0_i32_0 : i32, i32
  }
  func.func @transform_7(%arg0: i32) -> (i32, i32) {
    %c0_i32 = arith.constant 0 : i32
    %c0_i32_0 = arith.constant 0 : i32
    return %arg0, %c0_i32 : i32, i32
  }
}

module attributes {stable_mosaic.version = 14 : i64} {
  func.func @_tc_linear_body(%arg0: i32, %arg1: memref<640x128xf32, #tpu.memory_space<vmem>>, %arg2: memref<640x128xf32, #tpu.memory_space<vmem>>, %arg3: memref<32x640xf32, #tpu.memory_space<vmem>>, %arg4: memref<640x128xf32, #tpu.memory_space<vmem>>, %arg5: memref<128x128xf32, #tpu.memory_space<vmem>>, %arg6: memref<128x128xf32, #tpu.memory_space<vmem>>, %arg7: memref<1x128xf32, #tpu.memory_space<vmem>>, %arg8: memref<640x128xf32, #tpu.memory_space<vmem>>) attributes {dimension_semantics = [#tpu.dimension_semantics<arbitrary>], iteration_bounds = array<i64: 16>, scalar_prefetch = 0 : i64, scratch_operands = 0 : i64, tpu.core_type = #tpu.core_type<tc>, window_params = [{transform_indices = @transform_0, window_bounds = array<i64: 640, 128>}, {transform_indices = @transform_1, window_bounds = array<i64: 640, 128>}, {transform_indices = @transform_2, window_bounds = array<i64: 32, 640>}, {transform_indices = @transform_3, window_bounds = array<i64: 640, 128>}, {pipeline_mode = #tpu.pipeline_mode<synchronous>, transform_indices = @transform_4, window_bounds = array<i64: 128, 128>}, {pipeline_mode = #tpu.pipeline_mode<synchronous>, transform_indices = @transform_5, window_bounds = array<i64: 128, 128>}, {pipeline_mode = #tpu.pipeline_mode<synchronous>, transform_indices = @transform_6, window_bounds = array<i64: 1, 128>}, {transform_indices = @transform_7, window_bounds = array<i64: 640, 128>}]} {
    %get3A = arith.constant 0 : index
    %get3A_0 = arith.constant 0 : index
    %get3A_1 = vector.load %arg3[%get3A, %get3A_0] : memref<32x640xf32, #tpu.memory_space<vmem>>, vector<32x640xf32>
    %reduce_sum3A = arith.constant dense<0.000000e+00> : vector<640xf32>
    %reduce_sum3A_2 = vector.multi_reduction <add>, %get3A_1, %reduce_sum3A [0] : vector<32x640xf32> to vector<640xf32>
    %max3A = arith.constant 1.000000e+00 : f32
    %max3A_3 = vector.broadcast %max3A : f32 to vector<640xf32>
    %max3A_4 = arith.maximumf %reduce_sum3A_2, %max3A_3 : vector<640xf32>
    %div3A = arith.constant 1.000000e+00 : f32
    %div3A_5 = vector.broadcast %div3A : f32 to vector<640xf32>
    %div3A_6 = arith.divf %div3A_5, %max3A_4 : vector<640xf32>
    %get3A_7 = arith.constant 0 : index
    %get3A_8 = arith.constant 0 : index
    %get3A_9 = vector.load %arg1[%get3A_7, %get3A_8] : memref<640x128xf32, #tpu.memory_space<vmem>>, vector<640x128xf32>
    %get3A_10 = arith.constant 0 : index
    %get3A_11 = arith.constant 0 : index
    %get3A_12 = vector.load %arg2[%get3A_10, %get3A_11] : memref<640x128xf32, #tpu.memory_space<vmem>>, vector<640x128xf32>
    %add3A = arith.addf %get3A_9, %get3A_12 : vector<640x128xf32>
    %broadcast_in_dim3A = vector.shape_cast %div3A_6 : vector<640xf32> to vector<640x1xf32>
    %mul3A = vector.broadcast %broadcast_in_dim3A : vector<640x1xf32> to vector<640x128xf32>
    %mul3A_13 = arith.mulf %add3A, %mul3A : vector<640x128xf32>
    %get3A_14 = arith.constant 0 : index
    %get3A_15 = arith.constant 0 : index
    %get3A_16 = vector.load %arg5[%get3A_14, %get3A_15] : memref<128x128xf32, #tpu.memory_space<vmem>>, vector<128x128xf32>
    %dot_general3A = arith.constant dense<0.000000e+00> : vector<640x128xf32>
    %dot_general3A_17 = tpu.matmul %mul3A_13, %get3A_16, %dot_general3A {dimension_numbers = #tpu.dot_dimension_numbers<[1], [0], [0], [1], [0, 0, 1, 1], [], []>, precision = #tpu.contract_precision<fp32>, transpose_lhs_hint = false} : vector<640x128xf32>, vector<128x128xf32>, vector<640x128xf32> -> vector<640x128xf32>
    %get3A_18 = arith.constant 0 : index
    %get3A_19 = arith.constant 0 : index
    %get3A_20 = vector.load %arg4[%get3A_18, %get3A_19] : memref<640x128xf32, #tpu.memory_space<vmem>>, vector<640x128xf32>
    %get3A_21 = arith.constant 0 : index
    %get3A_22 = arith.constant 0 : index
    %get3A_23 = vector.load %arg6[%get3A_21, %get3A_22] : memref<128x128xf32, #tpu.memory_space<vmem>>, vector<128x128xf32>
    %dot_general3A_24 = arith.constant dense<0.000000e+00> : vector<640x128xf32>
    %dot_general3A_25 = tpu.matmul %get3A_20, %get3A_23, %dot_general3A_24 {dimension_numbers = #tpu.dot_dimension_numbers<[1], [0], [0], [1], [0, 0, 1, 1], [], []>, precision = #tpu.contract_precision<fp32>, transpose_lhs_hint = false} : vector<640x128xf32>, vector<128x128xf32>, vector<640x128xf32> -> vector<640x128xf32>
    %add3A_26 = arith.addf %dot_general3A_17, %dot_general3A_25 : vector<640x128xf32>
    %get3A_27 = arith.constant 0 : index
    %get3A_28 = arith.constant 0 : index
    %get3A_29 = vector.load %arg7[%get3A_27, %get3A_28] : memref<1x128xf32, #tpu.memory_space<vmem>>, vector<1x128xf32>
    %add3A_30 = vector.broadcast %get3A_29 : vector<1x128xf32> to vector<640x128xf32>
    %add3A_31 = arith.addf %add3A_26, %add3A_30 : vector<640x128xf32>
    %swap3A = arith.constant 0 : index
    %swap3A_32 = arith.constant 0 : index
    %swap3A_33 = vector.load %arg8[%swap3A, %swap3A_32] : memref<640x128xf32, #tpu.memory_space<vmem>>, vector<640x128xf32>
    tpu.vector_store %arg8[%swap3A, %swap3A_32], %add3A_31 {strides = array<i32>} : memref<640x128xf32, #tpu.memory_space<vmem>>, vector<640x128xf32>,
    return
  }
  func.func @transform_0(%arg0: i32) -> (i32, i32) {
    %c0_i32 = arith.constant 0 : i32
    %c0_i32_0 = arith.constant 0 : i32
    return %arg0, %c0_i32 : i32, i32
  }
  func.func @transform_1(%arg0: i32) -> (i32, i32) {
    %c0_i32 = arith.constant 0 : i32
    %c0_i32_0 = arith.constant 0 : i32
    return %arg0, %c0_i32 : i32, i32
  }
  func.func @transform_2(%arg0: i32) -> (i32, i32) {
    %c0_i32 = arith.constant 0 : i32
    %c0_i32_0 = arith.constant 0 : i32
    return %c0_i32, %arg0 : i32, i32
  }
  func.func @transform_3(%arg0: i32) -> (i32, i32) {
    %c0_i32 = arith.constant 0 : i32
    %c0_i32_0 = arith.constant 0 : i32
    return %arg0, %c0_i32 : i32, i32
  }
  func.func @transform_4(%arg0: i32) -> (i32, i32) {
    %c0_i32 = arith.constant 0 : i32
    %c0_i32_0 = arith.constant 0 : i32
    %c0_i32_1 = arith.constant 0 : i32
    return %c0_i32, %c0_i32_0 : i32, i32
  }
  func.func @transform_5(%arg0: i32) -> (i32, i32) {
    %c0_i32 = arith.constant 0 : i32
    %c0_i32_0 = arith.constant 0 : i32
    %c0_i32_1 = arith.constant 0 : i32
    return %c0_i32, %c0_i32_0 : i32, i32
  }
  func.func @transform_6(%arg0: i32) -> (i32, i32) {
    %c0_i32 = arith.constant 0 : i32
    %c0_i32_0 = arith.constant 0 : i32
    %c0_i32_1 = arith.constant 0 : i32
    return %c0_i32, %c0_i32_0 : i32, i32
  }
  func.func @transform_7(%arg0: i32) -> (i32, i32) {
    %c0_i32 = arith.constant 0 : i32
    %c0_i32_0 = arith.constant 0 : i32
    return %arg0, %c0_i32 : i32, i32
  }
}

</mosaic_0001>

<sc_bundles>
// kernel: kernel.6.cloned.1.call-start
scs
__scs_entry_jumppad:
0x0: {  	(pc) =	sbr.rel $0x88, $3  }
0x1: {  	(tag) =	ssettag $0x0;
	lr =	simm.s32 $0x1  }
0x2: {  	[smem:$0x3F99] =	sst lr;
	_ =	strace $0xD0000000  }
0x3: {  	_ = 	snop  }
0x4: {  	_ = 	snop  }
0x5: {  	_ = 	snop  }
0x6: {  	_ = 	snop  }
0x7: {  	_ = 	snop  }
__scs_overlays_trampoline_lowered:
0x8: {  	[smem:$0x3FA8] =	sst s0  }
0x9: {  	[smem:$0x3FA9] =	sst s1  }
0xa: {  	[smem:$0x3FAA] =	sst s2  }
0xb: {  	[smem:$0x3FAB] =	sst s3  }
0xc: {  	[smem:$0x3FAC] =	sst s4  }
0xd: {  	[smem:$0x3FAD] =	sst s5  }
0xe: {  	[smem:$0x3FAE] =	sst s6  }
0xf: {  	[smem:$0x3FAF] =	sst s7  }
0x10: {  	[smem:$0x3FB0] =	sst s8  }
0x11: {  	[smem:$0x3FB1] =	sst s9;
	s0 =	simm.s32 @!p0 $0x0  }
0x12: {  	s1 =	sld [smem:$0x3F97];
	s0 =	simm.s32 @p0 $0x1  }
0x13: {  	[smem:$0x3FB2] =	sst s0;
	s0 =	simm.s32 @!p1 $0x0  }
0x14: {  	s2 =	sld [smem:$0x3F96];
	s0 =	simm.s32 @p1 $0x1  }
0x15: {  	[smem:$0x3FB3] =	sst s0;
	s0 =	simm.s32 @!p2 $0x0  }
0x16: {  	s3 =	sld [smem:$0x3FDB];
	s0 =	simm.s32 @p2 $0x1  }
0x17: {  	s4 =	simm.s32 $0x1BF5;
	[smem:$0x3FB5] =	sst s0  }
0x18: {  	s0 =	sld [smem:$0x3F98];
	_ =	swait.ge [sflag:s4], $0x0  }
0x19: {  	s7 =	sld [smem:$0x3F99]  }
0x1a: {  	s8 =	sadd.s32 $0xFFFFE003, lr  }
0x1b: {  	s9 =	sadd.s32 $0xFFFFFEF7, lr;
	s5 =	simm.s32 $0xFFFFFFFF;
	p2 =	slt.u32 s8, $0xFFFFF086  }
0x1c: {  	p1 =	slt.u32 s9, $0xF7A;
	s5 =	simm.s32 @!p2 $0x0  }
0x1d: {  	s5 =	simm.s32 @p1 $0x1;
	p0 =	seq.s32 s7, s2  }
0x1e: {  	s7 =	smul.u32 @!p0 $0xF7A, s2;
	p2 =	seq.s32 @!p0 s5, $0x0  }
0x1f: {  	s9 =	smul.u32 $0xF7A, s1;
	s8 =	simm.s32 @!p0 $0x1BF5;
	p2 =	por !p2, p0  }
0x20: {  	[sflag:s8] =	ssyncset.s32 @!p0 $0xFFFFF086;
	s6 =	sadd.s32 @!p0 s3, s7;
	s7 =	simm.s32 @!p0 $0x108  }
0x21: {  	s3 =	sadd.s32 s3, s9;
	s6 =	sadd.s32 @!p0 $0x88, s6;
	s7 =	simm.s32 @p2 $0x1082  }
0x22: {  	[simem:s7], [sflag:s8] =	dma.local @!p0 [hbm:s6], $0xF7A  }
0x23: {  	s9 =	sor.u32 $0xD0000000, s2;
	s6 =	simm.s32 $0x108;
	_ =	swait.ge @!p0 [sflag:s8], $0x0  }
0x24: {  	s3 =	sadd.s32 $0x88, s3;
	s6 =	simm.s32 @!p1 $0x1082;
	[sflag:s4] =	ssyncset.s32 $0xFFFFF086  }
0x25: {  	[simem:s6], [sflag:s4] =	dma.local [hbm:s3], $0xF7A  }
0x26: {  	[smem:$0x3F99] =	sst s1;
	(tag) =	ssettag s2;
	_ =	strace s9  }
0x27: {  	s1 =	sld [smem:$0x3FA9]  }
0x28: {  	s2 =	sld [smem:$0x3FAA]  }
0x29: {  	s4 =	sld [smem:$0x3FAC]  }
0x2a: {  	p0 =	seq.s32 s5, $0x0;
	s5 =	sld [smem:$0x3FAD]  }
0x2b: {  	s6 =	sld [smem:$0x3FAE]  }
0x2c: {  	s7 =	sld [smem:$0x3FAF]  }
0x2d: {  	s3 =	simm.s32 $0x108;
	s8 =	sld [smem:$0x3FB0]  }
0x2e: {  	s3 =	simm.s32 @!p0 $0x1082;
	s9 =	sld [smem:$0x3FB1]  }
0x2f: {  	lr =	sadd.s32 s0, s3;
	s0 =	sld [smem:$0x3FA8]  }
0x30: {  	s3 =	sld [smem:$0x3FAB]  }
0x31: {  	[smem:$0x3FB4] =	sst s10  }
0x32: {  	s10 =	sld [smem:$0x3FB2];
	_ =	sdelay $0x3  }
0x33: {  	p0 =	seq.s32 s10, $0x1;
	s10 =	sld [smem:$0x3FB4];
	_ =	sdelay $0x3  }
0x34: {  	[smem:$0x3FB4] =	sst s10  }
0x35: {  	s10 =	sld [smem:$0x3FB3];
	_ =	sdelay $0x3  }
0x36: {  	p1 =	seq.s32 s10, $0x1;
	s10 =	sld [smem:$0x3FB4];
	_ =	sdelay $0x3  }
0x37: {  	[smem:$0x3FB4] =	sst s10  }
0x38: {  	s10 =	sld [smem:$0x3FB5]  }
0x39: {  	_ = 	snop;
	(pc) =	sbr.ind lr, $3  }
0x3a: {  	_ = 	snop  }
0x3b: {  	_ = 	snop  }
0x3c: {  	p2 =	seq.s32 s10, $0x1;
	s10 =	sld [smem:$0x3FB4]  }
0x3d: {  	_ =	shalt  }
0x3e: {  	_ =	shalt  }
0x3f: {  	_ =	shalt  }
0x40: {  	_ =	shalt  }
0x41: {  	_ =	shalt  }
0x42: {  	_ =	shalt  }
0x43: {  	_ =	shalt  }
0x44: {  	_ =	shalt  }
0x45: {  	_ =	shalt  }
0x46: {  	_ =	shalt  }
0x47: {  	_ =	shalt  }
0x48: {  	_ =	shalt  }
0x49: {  	_ =	shalt  }
0x4a: {  	_ =	shalt  }
0x4b: {  	_ =	shalt  }
0x4c: {  	_ =	shalt  }
0x4d: {  	_ =	shalt  }
0x4e: {  	_ =	shalt  }
0x4f: {  	_ =	shalt  }
0x50: {  	_ =	shalt  }
0x51: {  	_ =	shalt  }
0x52: {  	_ =	shalt  }
0x53: {  	_ =	shalt  }
0x54: {  	_ =	shalt  }
0x55: {  	_ =	shalt  }
0x56: {  	_ =	shalt  }
0x57: {  	_ =	shalt  }
0x58: {  	_ =	shalt  }
0x59: {  	_ =	shalt  }
0x5a: {  	_ =	shalt  }
0x5b: {  	_ =	shalt  }
0x5c: {  	_ =	shalt  }
0x5d: {  	_ =	shalt  }
0x5e: {  	_ =	shalt  }
0x5f: {  	_ =	shalt  }
0x60: {  	_ =	shalt  }
0x61: {  	_ =	shalt  }
0x62: {  	_ =	shalt  }
0x63: {  	_ =	shalt  }
0x64: {  	_ =	shalt  }
0x65: {  	_ =	shalt  }
0x66: {  	_ =	shalt  }
0x67: {  	_ =	shalt  }
0x68: {  	_ =	shalt  }
0x69: {  	_ =	shalt  }
0x6a: {  	_ =	shalt  }
0x6b: {  	_ =	shalt  }
0x6c: {  	_ =	shalt  }
0x6d: {  	_ =	shalt  }
0x6e: {  	_ =	shalt  }
0x6f: {  	_ =	shalt  }
0x70: {  	_ =	shalt  }
0x71: {  	_ =	shalt  }
0x72: {  	_ =	shalt  }
0x73: {  	_ =	shalt  }
0x74: {  	_ =	shalt  }
0x75: {  	_ =	shalt  }
0x76: {  	_ =	shalt  }
0x77: {  	_ =	shalt  }
0x78: {  	_ =	shalt  }
0x79: {  	_ =	shalt  }
0x7a: {  	_ =	shalt  }
0x7b: {  	_ =	shalt  }
0x7c: {  	_ =	shalt  }
0x7d: {  	_ =	shalt  }
0x7e: {  	_ =	shalt  }
0x7f: {  	_ =	shalt  }
0x80: {  	_ =	shalt  }
0x81: {  	_ =	shalt  }
0x82: {  	_ =	shalt  }
0x83: {  	_ =	shalt  }
0x84: {  	_ =	shalt  }
0x85: {  	_ =	shalt  }
0x86: {  	_ =	shalt  }
0x87: {  	_ =	shalt  }
.Lfunc_end0:
.L_simem_size_0:
called_computation_lowered:
.L_overlay_start_0:
0x88: {  	s2 =	sld [smem:$0x3FD9]  }
0x89: {  	s3 =	sld [smem:$0x3FFE];
	_ =	sdelay $0x1  }
0x8a: {  	s1 =	srdreg.scid  }
0x8b: {  	s0 =	sand.u32 $0x1, s1  }
0x8c: {  	s17 =	sshll.u32 s0, $0xA;
	s2 =	sadd.s32 s3, s2  }
0x8d: {  	s2 =	sadd.s32 s2, s17  }
0x8e: {  	[smem:$0x3FC0] =	sst s2  }
0x8f: {  	_ = 	snop  }
0x90: {  	s2 =	sld [smem:$0x3FD0];
	(tm) =	ssettm $0x1  }
0x91: {  	s18 =	sld [smem:$0x3FFB];
	_ =	sdelay $0x3  }
0x92: {  	_ =	strace s18  }
0x93: {  	s3 =	sld [smem:$0x3FFC];
	_ =	sdelay $0x3  }
0x94: {  	_ =	strace s3  }
0x95: {  	s3 =	sld [smem:$0x3FFD];
	_ =	sdelay $0x3  }
0x96: {  	_ =	strace s3  }
0x97: {  	_ =	strace $0x8FFFFFFF  }
0x98: {  	s19 =	sld [smem:$0x3FDB];
	_ =	sdelay $0x1  }
0x99: {  	s4 =	simm.s32 $_scs_section_size  }
0x9a: {  	s5 =	simm.s32 $_size__tile_overlayer_lowered;
	s6 =	simm.s32 $_tile_overlayer_lowered  }
0x9b: {  	s22 =	simm.s32 $0x1BFF;
	s21 =	sshll.u32 s6, $0x1;
	s3 =	sadd.s32 s4, s19  }
0x9c: {  	s7 =	simm.s32 $0x0;
	s20 =	sshll.u32 s5, $0x1;
	s5 =	sadd.s32 s21, s3  }
0x9d: {  	[timem:s7], [sflag:s22] =	dma.local [hbm:s5], s20  }
0x9e: {  	_ =	swait.ge [sflag:s22], s20  }
0x9f: {  	s4 =	ssub.s32 $0x0, s20;
	[sflag:s22] =	ssyncset.done $0x0  }
0xa0: {  	[sflag:s22] =	ssyncadd.s32 s4;
	_ =	sdelay $0x1  }
0xa1: {  	s23 =	simm.s32 $0x1B8B  }
0xa2: {  	_ =	swait.ge [sflag:s23], $0x1  }
0xa3: {  	[sflag:s23] =	ssyncset.done $0x0  }
0xa4: {  	s25 =	simm.s32 $0x1B8E;
	s24 =	sld [smem:$0x3FFE];
	[sflag:s23] =	ssyncadd.s32 $0xFFFFFFFF  }
0xa5: {  	s26 =	simm.s32 $execute0_lowered;
	[smem:$0x3FD2] =	sst s25  }
0xa6: {  	s5 =	sshll.u32 s26, $0x1;
	_ =	strace $0x80000046;
	[dreg:$0x1] =	wrdreg $0xFFFFFFFF  }
0xa7: {  	s28 =	simm.s32 $_size_execute0_lowered;
	s3 =	sadd.s32 s3, s5;
	[dreg:$0x0] =	wrdreg $0x0  }
0xa8: {  	s5 =	sshll.u32 s28, $0x1;
	[dreg:$0x2] =	wrdreg s3  }
0xa9: {  	[dreg:$0x3] =	wrdreg s5  }
0xaa: {  	[dreg:$0x4] =	wrdreg $0xC0  }
0xab: {  	_ =	task [dreg:s7], $0x5FFFF  }
0xac: {  	[dreg:$0x1] =	wrdreg $0xFFFFFFFF  }
0xad: {  	[dreg:$0x0] =	wrdreg $0x60  }
0xae: {  	[dreg:$0x2] =	wrdreg s24  }
0xaf: {  	[dreg:$0x3] =	wrdreg s2  }
0xb0: {  	[dreg:$0x4] =	wrdreg $0x0  }
0xb1: {  	[dreg:$0x5] =	wrdreg $0x9  }
0xb2: {  	_ =	task.clear_ibuf [dreg:s7], $0x6FFFF;
	_ =	strace $0x90000046  }
0xb3: {  	s29 =	simm.s32 $0x9;
	_ =	strace $0x80000048  }
0xb4: {  	_ =	swait.ge [sflag:s29], $0x1  }
0xb5: {  	[sflag:s29] =	ssyncadd.s32 $0xFFFFFFFF  }
0xb6: {  	_ =	strace $0x90000048  }
0xb7: {  	_ =	sfence  }
0xb8: {  	s30 =	sld [smem:$0x0];
	_ =	sdelay $0x2  }
0xb9: {  	s31 =	sshll.u32 s1, $0xD;
	s1 =	sshrl.u32 s1, $0x2  }
0xba: {  	s3 =	sand.u32 $0x4000, s31;
	s1 =	sadd.s32 s1, s30  }
0xbb: {  	s0 =	sor.u32 s3, s0;
	s1 =	sshll.u32 s1, $0x11  }
0xbc: {  	s0 =	sor.u32 s1, s0  }
0xbd: {  	s0 =	sadd.s32 $0x8F2B, s0  }
0xbe: {  	[sflag:s0] =	ssyncadd.remote.s32 $0x1  }
0xbf: {  	_ =	sfence.sel $0xFFFF  }
0xc0: {  	[dreg:$0x0] =	wrdreg $0xFFFFFFFF;
	(pc) =	sbr.abs _section_cstart, $3  }
0xc1: {  	[dreg:$0x1] =	wrdreg $0xFFFFFFFF  }
0xc2: {  	_ =	task.clear_ibuf [dreg:s7], $0x2FFFF;
	_ =	strace $0x9FFFFFFF  }
0xc3: {  	(tm) =	ssettm $0x7FFFFFFF  }
tec
execute0_lowered:
.L_overlay_start_1:
0x0: {  	(tag) =	ssettag $0x1  }
0x1: {  	s0 =	rddreg [dreg:$0x0]  }
0x2: {  	s1 =	rddreg [dreg:$0x1]  }
0x3: {  	s2 =	rddreg [dreg:$0x2]  }
0x4: {  	s4 =	srdreg.scid;
	s12 =	stileid.u32;
	s3 =	simm.s32 $0x0  }
0x5: {  	s28 =	simm.s32 $0x1B800;
	s29 =	simm.s32 $0x1B980;
	s30 =	simm.s32 $0x50  }
0x6: {  	s31 =	simm.s32 $0x1B880;
	s5 =	sand.u32 $0x1, s4;
	s6 =	smul.u32 $0x2800, s12  }
0x7: {  	[smem:$0x7FF] =	sst s3;
	s4 =	sadd.s32 $0x16000, s0;
	s10 =	smul.u32 $0x50000, s12  }
0x8: {  	s17 =	sadd.s32 $0xC200, s0;
	s18 =	sadd.s32 $0x2400, s0;
	s23 =	smul.u32 $0x4E20, s12  }
0x9: {  	s8 =	sshll.u32 s12, $0x1;
	s7 =	smul.u32 $0x28000, s5;
	_ =	strace $0x80000047  }
0xa: {  	s11 =	ssub.s32 $0x2, s5;
	s8 =	sor.u32 s5, s8;
	s5 =	smul.u32 $0x2710, s5  }
0xb: {  	s9 =	sshrl.u32 s11, $0x1;
	s14 =	smul.u32 $0x2710, s8;
	s8 =	sshll.u32 s8, $0x7  }
0xc: {  	s6 =	sadd.s32 s6, s7;
	s7 =	sshrl.u32 s10, $0x2;
	s8 =	sand.u32 $0x380, s8  }
0xd: {  	s25 =	sadd.s32 s5, s23;
	s0 =	sadd.s32 s6, s0;
	s7 =	sadd.s32 s7, s2  }
0xe: {  	s6 =	ssub.s32 s11, s9;
	s9 =	sshrl.u32 s14, $0x3;
	s11 =	sshrl.u32 s12, $0x2  }
0xf: {  	s26 =	sadd.s32 $0xA0, s25;
	s5 =	sadd.s32 $0x50, s25;
	s13 =	sadd.s32 $0x2800, s7  }
0x10: {  	s12 =	simm.s32 $0x1BB00;
	s10 =	sadd.s32 $0x5000, s7;
	[dreg:$0x4] =	wrdreg s13  }
0x11: {  	s14 =	simm.s32 $0x3;
	s15 =	sadd.s32 $0x7800, s7;
	[dreg:$0x5] =	wrdreg s10  }
0x12: {  	s16 =	sadd.s32 $0xA000, s7;
	s19 =	sadd.s32 $0xC800, s7;
	[dreg:$0x6] =	wrdreg s15  }
0x13: {  	s20 =	sadd.s32 $0xF000, s7;
	s21 =	sadd.s32 $0x11800, s7;
	[dreg:$0x7] =	wrdreg s16  }
0x14: {  	s22 =	sadd.s32 $0x4CE, s9;
	s11 =	smul.u32 $0x14000, s11;
	[dreg:$0x8] =	wrdreg s19  }
0x15: {  	s9 =	sadd.s32 $0x4D8, s9;
	s0 =	sadd.s32 $0x3E000, s0;
	[dreg:$0x9] =	wrdreg s20  }
0x16: {  	s23 =	sshrl.u32 s5, $0x3;
	[dreg:$0xa] =	wrdreg s21;
	s13 =	sadd.s32 s17, s22  }
0x17: {  	s10 =	sadd.s32 s18, s22;
	s24 =	sadd.s32 s17, s9;
	[dreg:$0xf] =	wrdreg s0  }
0x18: {  	s9 =	sadd.s32 s18, s9;
	s21 =	smax.u32 s6, $0x1;
	[dreg:$0xb] =	wrdreg s13  }
0x19: {  	s22 =	sshrl.u32 s26, $0x3;
	s26 =	simm.s32 $0x4;
	[dreg:$0xc] =	wrdreg s10  }
0x1a: {  	s0 =	simm.s32 $0x1BA00;
	s15 =	simm.s32 $0x0;
	[dreg:$0xd] =	wrdreg s24  }
0x1b: {  	s8 =	sor.u32 s11, s8;
	[dreg:$0xe] =	wrdreg s9;
	s24 =	sshrl.u32 s25, $0x3  }
0x1c: {  	s25 =	simm.s32 $0x14000;
	s9 =	simm.s32 $0x1BA80;
	s10 =	simm.s32 $0x19000  }
0x1d: {  	s11 =	simm.s32 $0x1;
	s13 =	simm.s32 $0x2;
	s8 =	sshrl.u32 s8, $0x3  }
0x1e: {  	v0 =	vimm.f32 $0.0e+00;
	v1 =	vimm.f32 $1.000000000e+00;
	s20 =	sadd.s32 s1, s8;
	s1 =	simm.s32 $0x16800;
	s8 =	simm.s32 $0x1B900  }
.LBB2_1:
0x1f: {  	s5 =	simm.s32 $0x0;
	s6 =	simm.s32 $0x200  }
.LBB2_2:
0x20: {  	p0 =	sne.s32 s6, $0x9E00;
	[tilespmem:s5+$0x14070] =	vst v0  }
0x21: {  	[tilespmem:s5+$0x14000] =	vst v0  }
0x22: {  	[tilespmem:s5+$0x14010] =	vst v0  }
.Ltmp0:
0x23: {  	[tilespmem:s5+$0x14020] =	vst v0;
	(pc) =	sbr.rel @p0 .LBB2_2-.Ltmp0, $4  }
0x24: {  	[tilespmem:s5+$0x14030] =	vst v0  }
0x25: {  	[tilespmem:s5+$0x14040] =	vst v0  }
0x26: {  	[tilespmem:s5+$0x14050] =	vst v0  }
0x27: {  	[tilespmem:s5+$0x14060] =	vst v0;
	s5 =	sshra.s32 s6, $0x2;
	s6 =	sadd.s32 $0x200, s6  }
0x28: {  	[tilespmem:s5+$0x14070] =	vst v0  }
0x29: {  	[tilespmem:s5+$0x14000] =	vst v0  }
0x2a: {  	[tilespmem:s5+$0x14010] =	vst v0  }
0x2b: {  	[tilespmem:s5+$0x14020] =	vst v0  }
0x2c: {  	[tilespmem:s5+$0x14030] =	vst v0  }
0x2d: {  	[tilespmem:s5+$0x14040] =	vst v0  }
0x2e: {  	[tilespmem:s5+$0x14050] =	vst v0  }
0x2f: {  	[tilespmem:s5+$0x14060] =	vst v0  }
0x30: {  	[spmem:s7] =	stream.linear.scatter [tilespmem:s25], [sflag:$0x4], $0x2800, $0x38;
	[tilespmem:$0x1E300] =	vst v63  }
0x31: {  	_ =	swait.ge [sflag:s26], $0x2800  }
0x32: {  	[sflag:s26] =	ssyncset.done $0x0  }
0x33: {  	s19 =	rddreg [dreg:$0x4];
	[sflag:s26] =	ssyncadd.s32 $0xFFFFD800  }
0x34: {  	[spmem:s19] =	stream.linear.scatter [tilespmem:s25], [sflag:$0x4], $0x2800, $0x38;
	[tilespmem:$0x1E300] =	vst v63  }
0x35: {  	_ =	swait.ge [sflag:s26], $0x2800  }
0x36: {  	[sflag:s26] =	ssyncset.done $0x0  }
0x37: {  	s6 =	rddreg [dreg:$0x5];
	[sflag:s26] =	ssyncadd.s32 $0xFFFFD800  }
0x38: {  	[spmem:s6] =	stream.linear.scatter [tilespmem:s25], [sflag:$0x4], $0x2800, $0x38;
	[tilespmem:$0x1E300] =	vst v63  }
0x39: {  	_ =	swait.ge [sflag:s26], $0x2800  }
0x3a: {  	[sflag:s26] =	ssyncset.done $0x0  }
0x3b: {  	s16 =	rddreg [dreg:$0x6];
	[sflag:s26] =	ssyncadd.s32 $0xFFFFD800  }
0x3c: {  	[spmem:s16] =	stream.linear.scatter [tilespmem:s25], [sflag:$0x4], $0x2800, $0x38;
	[tilespmem:$0x1E300] =	vst v63  }
0x3d: {  	_ =	swait.ge [sflag:s26], $0x2800  }
0x3e: {  	[sflag:s26] =	ssyncset.done $0x0  }
0x3f: {  	s19 =	rddreg [dreg:$0x7];
	[sflag:s26] =	ssyncadd.s32 $0xFFFFD800  }
0x40: {  	[spmem:s19] =	stream.linear.scatter [tilespmem:s25], [sflag:$0x4], $0x2800, $0x38;
	[tilespmem:$0x1E300] =	vst v63  }
0x41: {  	_ =	swait.ge [sflag:s26], $0x2800  }
0x42: {  	[sflag:s26] =	ssyncset.done $0x0  }
0x43: {  	s6 =	rddreg [dreg:$0x8];
	[sflag:s26] =	ssyncadd.s32 $0xFFFFD800  }
0x44: {  	[spmem:s6] =	stream.linear.scatter [tilespmem:s25], [sflag:$0x4], $0x2800, $0x38;
	[tilespmem:$0x1E300] =	vst v63  }
0x45: {  	_ =	swait.ge [sflag:s26], $0x2800  }
0x46: {  	[sflag:s26] =	ssyncset.done $0x0  }
0x47: {  	s16 =	rddreg [dreg:$0x9];
	[sflag:s26] =	ssyncadd.s32 $0xFFFFD800  }
0x48: {  	[spmem:s16] =	stream.linear.scatter [tilespmem:s25], [sflag:$0x4], $0x2800, $0x38;
	[tilespmem:$0x1E300] =	vst v63  }
0x49: {  	_ =	swait.ge [sflag:s26], $0x2800  }
0x4a: {  	[sflag:s26] =	ssyncset.done $0x0  }
0x4b: {  	s19 =	rddreg [dreg:$0xa];
	[sflag:s26] =	ssyncadd.s32 $0xFFFFD800  }
0x4c: {  	[spmem:s19] =	stream.linear.scatter [tilespmem:s25], [sflag:$0x4], $0x2800, $0x38;
	[tilespmem:$0x1E300] =	vst v63  }
0x4d: {  	_ =	swait.ge [sflag:s26], $0x2800  }
0x4e: {  	[sflag:s26] =	ssyncset.done $0x0  }
0x4f: {  	[sflag:s26] =	ssyncadd.s32 $0xFFFFD800  }
0x50: {  	[tilespmem:$0x1BB00] =	vst v0  }
0x51: {  	[tilespmem:$0x1BB10] =	vst v0  }
0x52: {  	[tilespmem:$0x1BB20] =	vst v0  }
0x53: {  	[tilespmem:$0x1BB30] =	vst v0  }
0x54: {  	[tilespmem:$0x1BB40] =	vst v0  }
0x55: {  	[tilespmem:$0x1BB50] =	vst v0  }
0x56: {  	[tilespmem:$0x1BB60] =	vst v0  }
0x57: {  	[tilespmem:$0x1BB70] =	vst v0  }
0x58: {  	[tilespmem:$0x1BB80] =	vst v0  }
0x59: {  	[tilespmem:$0x1BB90] =	vst v0  }
0x5a: {  	[tilespmem:$0x1BBA0] =	vst v0  }
0x5b: {  	[tilespmem:$0x1BBB0] =	vst v0  }
0x5c: {  	[tilespmem:$0x1BBC0] =	vst v0  }
0x5d: {  	[tilespmem:$0x1BBD0] =	vst v0  }
0x5e: {  	[tilespmem:$0x1BBE0] =	vst v0  }
0x5f: {  	[tilespmem:$0x1BBF0] =	vst v0  }
0x60: {  	[tilespmem:$0x1BC00] =	vst v0  }
0x61: {  	[tilespmem:$0x1BC10] =	vst v0  }
0x62: {  	[tilespmem:$0x1BC20] =	vst v0  }
0x63: {  	[tilespmem:$0x1BC30] =	vst v0  }
0x64: {  	[tilespmem:$0x1BC40] =	vst v0  }
0x65: {  	[tilespmem:$0x1BC50] =	vst v0  }
0x66: {  	[tilespmem:$0x1BC60] =	vst v0  }
0x67: {  	[tilespmem:$0x1BC70] =	vst v0  }
0x68: {  	[tilespmem:$0x1BC80] =	vst v0  }
0x69: {  	[tilespmem:$0x1BC90] =	vst v0  }
0x6a: {  	[tilespmem:$0x1BCA0] =	vst v0  }
0x6b: {  	[tilespmem:$0x1BCB0] =	vst v0  }
0x6c: {  	[tilespmem:$0x1BCC0] =	vst v0  }
0x6d: {  	[tilespmem:$0x1BCD0] =	vst v0  }
0x6e: {  	[tilespmem:$0x1BCE0] =	vst v0  }
0x6f: {  	[tilespmem:$0x1BCF0] =	vst v0  }
0x70: {  	[tilespmem:$0x1BD00] =	vst v0  }
0x71: {  	[tilespmem:$0x1BD10] =	vst v0  }
0x72: {  	[tilespmem:$0x1BD20] =	vst v0  }
0x73: {  	[tilespmem:$0x1BD30] =	vst v0  }
0x74: {  	[tilespmem:$0x1BD40] =	vst v0  }
0x75: {  	[tilespmem:$0x1BD50] =	vst v0  }
0x76: {  	[tilespmem:$0x1BD60] =	vst v0  }
0x77: {  	[tilespmem:$0x1BD70] =	vst v0  }
0x78: {  	[tilespmem:$0x1BD80] =	vst v0  }
0x79: {  	[tilespmem:$0x1BD90] =	vst v0  }
0x7a: {  	[tilespmem:$0x1BDA0] =	vst v0  }
0x7b: {  	[tilespmem:$0x1BDB0] =	vst v0  }
0x7c: {  	[tilespmem:$0x1BDC0] =	vst v0  }
0x7d: {  	[tilespmem:$0x1BDD0] =	vst v0  }
0x7e: {  	[tilespmem:$0x1BDE0] =	vst v0  }
0x7f: {  	[tilespmem:$0x1BDF0] =	vst v0  }
0x80: {  	[tilespmem:$0x1BE00] =	vst v0  }
0x81: {  	[tilespmem:$0x1BE10] =	vst v0  }
0x82: {  	[tilespmem:$0x1BE20] =	vst v0  }
0x83: {  	[tilespmem:$0x1BE30] =	vst v0  }
0x84: {  	[tilespmem:$0x1BE40] =	vst v0  }
0x85: {  	[tilespmem:$0x1BE50] =	vst v0  }
0x86: {  	[tilespmem:$0x1BE60] =	vst v0  }
0x87: {  	[tilespmem:$0x1BE70] =	vst v0  }
0x88: {  	[tilespmem:$0x1BE80] =	vst v0  }
0x89: {  	[tilespmem:$0x1BE90] =	vst v0  }
0x8a: {  	[tilespmem:$0x1BEA0] =	vst v0  }
0x8b: {  	[tilespmem:$0x1BEB0] =	vst v0  }
0x8c: {  	[tilespmem:$0x1BEC0] =	vst v0  }
0x8d: {  	[tilespmem:$0x1BED0] =	vst v0  }
0x8e: {  	[tilespmem:$0x1BEE0] =	vst v0  }
0x8f: {  	[tilespmem:$0x1BEF0] =	vst v0  }
0x90: {  	[tilespmem:$0x1BF00] =	vst v0  }
0x91: {  	[tilespmem:$0x1BF10] =	vst v0  }
0x92: {  	[tilespmem:$0x1BF20] =	vst v0  }
0x93: {  	[tilespmem:$0x1BF30] =	vst v0  }
0x94: {  	[tilespmem:$0x1BF40] =	vst v0  }
0x95: {  	[tilespmem:$0x1BF50] =	vst v0  }
0x96: {  	[tilespmem:$0x1BF60] =	vst v0  }
0x97: {  	[tilespmem:$0x1BF70] =	vst v0  }
0x98: {  	[tilespmem:$0x1BF80] =	vst v0  }
0x99: {  	[tilespmem:$0x1BF90] =	vst v0  }
0x9a: {  	[tilespmem:$0x1BFA0] =	vst v0  }
0x9b: {  	[tilespmem:$0x1BFB0] =	vst v0  }
0x9c: {  	[tilespmem:$0x1BFC0] =	vst v0  }
0x9d: {  	[tilespmem:$0x1BFD0] =	vst v0  }
0x9e: {  	[tilespmem:$0x1BFE0] =	vst v0  }
0x9f: {  	[tilespmem:$0x1BFF0] =	vst v0  }
0xa0: {  	[tilespmem:$0x1C000] =	vst v0  }
0xa1: {  	[tilespmem:$0x1C010] =	vst v0  }
0xa2: {  	[tilespmem:$0x1C020] =	vst v0  }
0xa3: {  	[tilespmem:$0x1C030] =	vst v0  }
0xa4: {  	[tilespmem:$0x1C040] =	vst v0  }
0xa5: {  	[tilespmem:$0x1C050] =	vst v0  }
0xa6: {  	[tilespmem:$0x1C060] =	vst v0  }
0xa7: {  	[tilespmem:$0x1C070] =	vst v0  }
0xa8: {  	[tilespmem:$0x1C080] =	vst v0  }
0xa9: {  	[tilespmem:$0x1C090] =	vst v0  }
0xaa: {  	[tilespmem:$0x1C0A0] =	vst v0  }
0xab: {  	[tilespmem:$0x1C0B0] =	vst v0  }
0xac: {  	[tilespmem:$0x1C0C0] =	vst v0  }
0xad: {  	[tilespmem:$0x1C0D0] =	vst v0  }
0xae: {  	[tilespmem:$0x1C0E0] =	vst v0  }
0xaf: {  	[tilespmem:$0x1C0F0] =	vst v0  }
0xb0: {  	[tilespmem:$0x1C100] =	vst v0  }
0xb1: {  	[tilespmem:$0x1C110] =	vst v0  }
0xb2: {  	[tilespmem:$0x1C120] =	vst v0  }
0xb3: {  	[tilespmem:$0x1C130] =	vst v0  }
0xb4: {  	[tilespmem:$0x1C140] =	vst v0  }
0xb5: {  	[tilespmem:$0x1C150] =	vst v0  }
0xb6: {  	[tilespmem:$0x1C160] =	vst v0  }
0xb7: {  	[tilespmem:$0x1C170] =	vst v0  }
0xb8: {  	[tilespmem:$0x1C180] =	vst v0  }
0xb9: {  	[tilespmem:$0x1C190] =	vst v0  }
0xba: {  	[tilespmem:$0x1C1A0] =	vst v0  }
0xbb: {  	[tilespmem:$0x1C1B0] =	vst v0  }
0xbc: {  	[tilespmem:$0x1C1C0] =	vst v0  }
0xbd: {  	[tilespmem:$0x1C1D0] =	vst v0  }
0xbe: {  	[tilespmem:$0x1C1E0] =	vst v0  }
0xbf: {  	[tilespmem:$0x1C1F0] =	vst v0  }
0xc0: {  	[tilespmem:$0x1C200] =	vst v0  }
0xc1: {  	[tilespmem:$0x1C210] =	vst v0  }
0xc2: {  	[tilespmem:$0x1C220] =	vst v0  }
0xc3: {  	[tilespmem:$0x1C230] =	vst v0  }
0xc4: {  	[tilespmem:$0x1C240] =	vst v0  }
0xc5: {  	[tilespmem:$0x1C250] =	vst v0  }
0xc6: {  	[tilespmem:$0x1C260] =	vst v0  }
0xc7: {  	[tilespmem:$0x1C270] =	vst v0  }
0xc8: {  	[tilespmem:$0x1C280] =	vst v0  }
0xc9: {  	[tilespmem:$0x1C290] =	vst v0  }
0xca: {  	[tilespmem:$0x1C2A0] =	vst v0  }
0xcb: {  	[tilespmem:$0x1C2B0] =	vst v0  }
0xcc: {  	[tilespmem:$0x1C2C0] =	vst v0  }
0xcd: {  	[tilespmem:$0x1C2D0] =	vst v0  }
0xce: {  	[tilespmem:$0x1C2E0] =	vst v0  }
0xcf: {  	[tilespmem:$0x1C2F0] =	vst v0  }
0xd0: {  	[tilespmem:$0x1C300] =	vst v0  }
0xd1: {  	[tilespmem:$0x1C310] =	vst v0  }
0xd2: {  	[tilespmem:$0x1C320] =	vst v0  }
0xd3: {  	[tilespmem:$0x1C330] =	vst v0  }
0xd4: {  	[tilespmem:$0x1C340] =	vst v0  }
0xd5: {  	[tilespmem:$0x1C350] =	vst v0  }
0xd6: {  	[tilespmem:$0x1C360] =	vst v0  }
0xd7: {  	[tilespmem:$0x1C370] =	vst v0  }
0xd8: {  	[tilespmem:$0x1C380] =	vst v0  }
0xd9: {  	[tilespmem:$0x1C390] =	vst v0  }
0xda: {  	[tilespmem:$0x1C3A0] =	vst v0  }
0xdb: {  	[tilespmem:$0x1C3B0] =	vst v0  }
0xdc: {  	[tilespmem:$0x1C3C0] =	vst v0  }
0xdd: {  	[tilespmem:$0x1C3D0] =	vst v0  }
0xde: {  	[tilespmem:$0x1C3E0] =	vst v0  }
0xdf: {  	[tilespmem:$0x1C3F0] =	vst v0  }
0xe0: {  	[tilespmem:$0x1C400] =	vst v0  }
0xe1: {  	[tilespmem:$0x1C410] =	vst v0  }
0xe2: {  	[tilespmem:$0x1C420] =	vst v0  }
0xe3: {  	[tilespmem:$0x1C430] =	vst v0  }
0xe4: {  	[tilespmem:$0x1C440] =	vst v0  }
0xe5: {  	[tilespmem:$0x1C450] =	vst v0  }
0xe6: {  	[tilespmem:$0x1C460] =	vst v0  }
0xe7: {  	[tilespmem:$0x1C470] =	vst v0  }
0xe8: {  	[tilespmem:$0x1C480] =	vst v0  }
0xe9: {  	[tilespmem:$0x1C490] =	vst v0  }
0xea: {  	[tilespmem:$0x1C4A0] =	vst v0  }
0xeb: {  	[tilespmem:$0x1C4B0] =	vst v0  }
0xec: {  	[tilespmem:$0x1C4C0] =	vst v0  }
0xed: {  	[tilespmem:$0x1C4D0] =	vst v0  }
0xee: {  	[tilespmem:$0x1C4E0] =	vst v0  }
0xef: {  	[tilespmem:$0x1C4F0] =	vst v0  }
0xf0: {  	[tilespmem:$0x1C500] =	vst v0  }
0xf1: {  	[tilespmem:$0x1C510] =	vst v0  }
0xf2: {  	[tilespmem:$0x1C520] =	vst v0  }
0xf3: {  	[tilespmem:$0x1C530] =	vst v0  }
0xf4: {  	[tilespmem:$0x1C540] =	vst v0  }
0xf5: {  	[tilespmem:$0x1C550] =	vst v0  }
0xf6: {  	[tilespmem:$0x1C560] =	vst v0  }
0xf7: {  	[tilespmem:$0x1C570] =	vst v0  }
0xf8: {  	[tilespmem:$0x1C580] =	vst v0  }
0xf9: {  	[tilespmem:$0x1C590] =	vst v0  }
0xfa: {  	[tilespmem:$0x1C5A0] =	vst v0  }
0xfb: {  	[tilespmem:$0x1C5B0] =	vst v0  }
0xfc: {  	[tilespmem:$0x1C5C0] =	vst v0  }
0xfd: {  	[tilespmem:$0x1C5D0] =	vst v0  }
0xfe: {  	[tilespmem:$0x1C5E0] =	vst v0  }
0xff: {  	[tilespmem:$0x1C5F0] =	vst v0  }
0x100: {  	[tilespmem:$0x1C600] =	vst v0  }
0x101: {  	[tilespmem:$0x1C610] =	vst v0  }
0x102: {  	[tilespmem:$0x1C620] =	vst v0  }
0x103: {  	[tilespmem:$0x1C630] =	vst v0  }
0x104: {  	[tilespmem:$0x1C640] =	vst v0  }
0x105: {  	[tilespmem:$0x1C650] =	vst v0  }
0x106: {  	[tilespmem:$0x1C660] =	vst v0  }
0x107: {  	[tilespmem:$0x1C670] =	vst v0  }
0x108: {  	[tilespmem:$0x1C680] =	vst v0  }
0x109: {  	[tilespmem:$0x1C690] =	vst v0  }
0x10a: {  	[tilespmem:$0x1C6A0] =	vst v0  }
0x10b: {  	[tilespmem:$0x1C6B0] =	vst v0  }
0x10c: {  	[tilespmem:$0x1C6C0] =	vst v0  }
0x10d: {  	[tilespmem:$0x1C6D0] =	vst v0  }
0x10e: {  	[tilespmem:$0x1C6E0] =	vst v0  }
0x10f: {  	[tilespmem:$0x1C6F0] =	vst v0  }
0x110: {  	[tilespmem:$0x1C700] =	vst v0  }
0x111: {  	[tilespmem:$0x1C710] =	vst v0  }
0x112: {  	[tilespmem:$0x1C720] =	vst v0  }
0x113: {  	[tilespmem:$0x1C730] =	vst v0  }
0x114: {  	[tilespmem:$0x1C740] =	vst v0  }
0x115: {  	[tilespmem:$0x1C750] =	vst v0  }
0x116: {  	[tilespmem:$0x1C760] =	vst v0  }
0x117: {  	[tilespmem:$0x1C770] =	vst v0  }
0x118: {  	[tilespmem:$0x1C780] =	vst v0  }
0x119: {  	[tilespmem:$0x1C790] =	vst v0  }
0x11a: {  	[tilespmem:$0x1C7A0] =	vst v0  }
0x11b: {  	[tilespmem:$0x1C7B0] =	vst v0  }
0x11c: {  	[tilespmem:$0x1C7C0] =	vst v0  }
0x11d: {  	[tilespmem:$0x1C7D0] =	vst v0  }
0x11e: {  	[tilespmem:$0x1C7E0] =	vst v0  }
0x11f: {  	[tilespmem:$0x1C7F0] =	vst v0  }
0x120: {  	[tilespmem:$0x1C800] =	vst v0  }
0x121: {  	[tilespmem:$0x1C810] =	vst v0  }
0x122: {  	[tilespmem:$0x1C820] =	vst v0  }
0x123: {  	[tilespmem:$0x1C830] =	vst v0  }
0x124: {  	[tilespmem:$0x1C840] =	vst v0  }
0x125: {  	[tilespmem:$0x1C850] =	vst v0  }
0x126: {  	[tilespmem:$0x1C860] =	vst v0  }
0x127: {  	[tilespmem:$0x1C870] =	vst v0  }
0x128: {  	[tilespmem:$0x1C880] =	vst v0  }
0x129: {  	[tilespmem:$0x1C890] =	vst v0  }
0x12a: {  	[tilespmem:$0x1C8A0] =	vst v0  }
0x12b: {  	[tilespmem:$0x1C8B0] =	vst v0  }
0x12c: {  	[tilespmem:$0x1C8C0] =	vst v0  }
0x12d: {  	[tilespmem:$0x1C8D0] =	vst v0  }
0x12e: {  	[tilespmem:$0x1C8E0] =	vst v0  }
0x12f: {  	[tilespmem:$0x1C8F0] =	vst v0  }
0x130: {  	[tilespmem:$0x1C900] =	vst v0  }
0x131: {  	[tilespmem:$0x1C910] =	vst v0  }
0x132: {  	[tilespmem:$0x1C920] =	vst v0  }
0x133: {  	[tilespmem:$0x1C930] =	vst v0  }
0x134: {  	[tilespmem:$0x1C940] =	vst v0  }
0x135: {  	[tilespmem:$0x1C950] =	vst v0  }
0x136: {  	[tilespmem:$0x1C960] =	vst v0  }
0x137: {  	[tilespmem:$0x1C970] =	vst v0  }
0x138: {  	[tilespmem:$0x1C980] =	vst v0  }
0x139: {  	[tilespmem:$0x1C990] =	vst v0  }
0x13a: {  	[tilespmem:$0x1C9A0] =	vst v0  }
0x13b: {  	[tilespmem:$0x1C9B0] =	vst v0  }
0x13c: {  	[tilespmem:$0x1C9C0] =	vst v0  }
0x13d: {  	[tilespmem:$0x1C9D0] =	vst v0  }
0x13e: {  	[tilespmem:$0x1C9E0] =	vst v0  }
0x13f: {  	[tilespmem:$0x1C9F0] =	vst v0  }
0x140: {  	[tilespmem:$0x1CA00] =	vst v0  }
0x141: {  	[tilespmem:$0x1CA10] =	vst v0  }
0x142: {  	[tilespmem:$0x1CA20] =	vst v0  }
0x143: {  	[tilespmem:$0x1CA30] =	vst v0  }
0x144: {  	[tilespmem:$0x1CA40] =	vst v0  }
0x145: {  	[tilespmem:$0x1CA50] =	vst v0  }
0x146: {  	[tilespmem:$0x1CA60] =	vst v0  }
0x147: {  	[tilespmem:$0x1CA70] =	vst v0  }
0x148: {  	[tilespmem:$0x1CA80] =	vst v0  }
0x149: {  	[tilespmem:$0x1CA90] =	vst v0  }
0x14a: {  	[tilespmem:$0x1CAA0] =	vst v0  }
0x14b: {  	[tilespmem:$0x1CAB0] =	vst v0  }
0x14c: {  	[tilespmem:$0x1CAC0] =	vst v0  }
0x14d: {  	[tilespmem:$0x1CAD0] =	vst v0  }
0x14e: {  	[tilespmem:$0x1CAE0] =	vst v0  }
0x14f: {  	[tilespmem:$0x1CAF0] =	vst v0  }
0x150: {  	[tilespmem:$0x1CB00] =	vst v0  }
0x151: {  	[tilespmem:$0x1CB10] =	vst v0  }
0x152: {  	[tilespmem:$0x1CB20] =	vst v0  }
0x153: {  	[tilespmem:$0x1CB30] =	vst v0  }
0x154: {  	[tilespmem:$0x1CB40] =	vst v0  }
0x155: {  	[tilespmem:$0x1CB50] =	vst v0  }
0x156: {  	[tilespmem:$0x1CB60] =	vst v0  }
0x157: {  	[tilespmem:$0x1CB70] =	vst v0  }
0x158: {  	[tilespmem:$0x1CB80] =	vst v0  }
0x159: {  	[tilespmem:$0x1CB90] =	vst v0  }
0x15a: {  	[tilespmem:$0x1CBA0] =	vst v0  }
0x15b: {  	[tilespmem:$0x1CBB0] =	vst v0  }
0x15c: {  	[tilespmem:$0x1CBC0] =	vst v0  }
0x15d: {  	[tilespmem:$0x1CBD0] =	vst v0  }
0x15e: {  	[tilespmem:$0x1CBE0] =	vst v0  }
0x15f: {  	[tilespmem:$0x1CBF0] =	vst v0  }
0x160: {  	[tilespmem:$0x1CC00] =	vst v0  }
0x161: {  	[tilespmem:$0x1CC10] =	vst v0  }
0x162: {  	[tilespmem:$0x1CC20] =	vst v0  }
0x163: {  	[tilespmem:$0x1CC30] =	vst v0  }
0x164: {  	[tilespmem:$0x1CC40] =	vst v0  }
0x165: {  	[tilespmem:$0x1CC50] =	vst v0  }
0x166: {  	[tilespmem:$0x1CC60] =	vst v0  }
0x167: {  	[tilespmem:$0x1CC70] =	vst v0  }
0x168: {  	[tilespmem:$0x1CC80] =	vst v0  }
0x169: {  	[tilespmem:$0x1CC90] =	vst v0  }
0x16a: {  	[tilespmem:$0x1CCA0] =	vst v0  }
0x16b: {  	[tilespmem:$0x1CCB0] =	vst v0  }
0x16c: {  	[tilespmem:$0x1CCC0] =	vst v0  }
0x16d: {  	[tilespmem:$0x1CCD0] =	vst v0  }
0x16e: {  	[tilespmem:$0x1CCE0] =	vst v0  }
0x16f: {  	[tilespmem:$0x1CCF0] =	vst v0  }
0x170: {  	[tilespmem:$0x1CD00] =	vst v0  }
0x171: {  	[tilespmem:$0x1CD10] =	vst v0  }
0x172: {  	[tilespmem:$0x1CD20] =	vst v0  }
0x173: {  	[tilespmem:$0x1CD30] =	vst v0  }
0x174: {  	[tilespmem:$0x1CD40] =	vst v0  }
0x175: {  	[tilespmem:$0x1CD50] =	vst v0  }
0x176: {  	[tilespmem:$0x1CD60] =	vst v0  }
0x177: {  	[tilespmem:$0x1CD70] =	vst v0  }
0x178: {  	[tilespmem:$0x1CD80] =	vst v0  }
0x179: {  	[tilespmem:$0x1CD90] =	vst v0  }
0x17a: {  	[tilespmem:$0x1CDA0] =	vst v0  }
0x17b: {  	[tilespmem:$0x1CDB0] =	vst v0  }
0x17c: {  	[tilespmem:$0x1CDC0] =	vst v0  }
0x17d: {  	[tilespmem:$0x1CDD0] =	vst v0  }
0x17e: {  	[tilespmem:$0x1CDE0] =	vst v0  }
0x17f: {  	[tilespmem:$0x1CDF0] =	vst v0  }
0x180: {  	[tilespmem:$0x1CE00] =	vst v0  }
0x181: {  	[tilespmem:$0x1CE10] =	vst v0  }
0x182: {  	[tilespmem:$0x1CE20] =	vst v0  }
0x183: {  	[tilespmem:$0x1CE30] =	vst v0  }
0x184: {  	[tilespmem:$0x1CE40] =	vst v0  }
0x185: {  	[tilespmem:$0x1CE50] =	vst v0  }
0x186: {  	[tilespmem:$0x1CE60] =	vst v0  }
0x187: {  	[tilespmem:$0x1CE70] =	vst v0  }
0x188: {  	[tilespmem:$0x1CE80] =	vst v0  }
0x189: {  	[tilespmem:$0x1CE90] =	vst v0  }
0x18a: {  	[tilespmem:$0x1CEA0] =	vst v0  }
0x18b: {  	[tilespmem:$0x1CEB0] =	vst v0  }
0x18c: {  	[tilespmem:$0x1CEC0] =	vst v0  }
0x18d: {  	[tilespmem:$0x1CED0] =	vst v0  }
0x18e: {  	[tilespmem:$0x1CEE0] =	vst v0  }
0x18f: {  	[tilespmem:$0x1CEF0] =	vst v0  }
0x190: {  	[tilespmem:$0x1CF00] =	vst v0  }
0x191: {  	[tilespmem:$0x1CF10] =	vst v0  }
0x192: {  	[tilespmem:$0x1CF20] =	vst v0  }
0x193: {  	[tilespmem:$0x1CF30] =	vst v0  }
0x194: {  	[tilespmem:$0x1CF40] =	vst v0  }
0x195: {  	[tilespmem:$0x1CF50] =	vst v0  }
0x196: {  	[tilespmem:$0x1CF60] =	vst v0  }
0x197: {  	[tilespmem:$0x1CF70] =	vst v0  }
0x198: {  	[tilespmem:$0x1CF80] =	vst v0  }
0x199: {  	[tilespmem:$0x1CF90] =	vst v0  }
0x19a: {  	[tilespmem:$0x1CFA0] =	vst v0  }
0x19b: {  	[tilespmem:$0x1CFB0] =	vst v0  }
0x19c: {  	[tilespmem:$0x1CFC0] =	vst v0  }
0x19d: {  	[tilespmem:$0x1CFD0] =	vst v0  }
0x19e: {  	[tilespmem:$0x1CFE0] =	vst v0  }
0x19f: {  	[tilespmem:$0x1CFF0] =	vst v0  }
0x1a0: {  	[tilespmem:$0x1D000] =	vst v0  }
0x1a1: {  	[tilespmem:$0x1D010] =	vst v0  }
0x1a2: {  	[tilespmem:$0x1D020] =	vst v0  }
0x1a3: {  	[tilespmem:$0x1D030] =	vst v0  }
0x1a4: {  	[tilespmem:$0x1D040] =	vst v0  }
0x1a5: {  	[tilespmem:$0x1D050] =	vst v0  }
0x1a6: {  	[tilespmem:$0x1D060] =	vst v0  }
0x1a7: {  	[tilespmem:$0x1D070] =	vst v0  }
0x1a8: {  	[tilespmem:$0x1D080] =	vst v0  }
0x1a9: {  	[tilespmem:$0x1D090] =	vst v0  }
0x1aa: {  	[tilespmem:$0x1D0A0] =	vst v0  }
0x1ab: {  	[tilespmem:$0x1D0B0] =	vst v0  }
0x1ac: {  	[tilespmem:$0x1D0C0] =	vst v0  }
0x1ad: {  	[tilespmem:$0x1D0D0] =	vst v0  }
0x1ae: {  	[tilespmem:$0x1D0E0] =	vst v0  }
0x1af: {  	[tilespmem:$0x1D0F0] =	vst v0  }
0x1b0: {  	[tilespmem:$0x1D100] =	vst v0  }
0x1b1: {  	[tilespmem:$0x1D110] =	vst v0  }
0x1b2: {  	[tilespmem:$0x1D120] =	vst v0  }
0x1b3: {  	[tilespmem:$0x1D130] =	vst v0  }
0x1b4: {  	[tilespmem:$0x1D140] =	vst v0  }
0x1b5: {  	[tilespmem:$0x1D150] =	vst v0  }
0x1b6: {  	[tilespmem:$0x1D160] =	vst v0  }
0x1b7: {  	[tilespmem:$0x1D170] =	vst v0  }
0x1b8: {  	[tilespmem:$0x1D180] =	vst v0  }
0x1b9: {  	[tilespmem:$0x1D190] =	vst v0  }
0x1ba: {  	[tilespmem:$0x1D1A0] =	vst v0  }
0x1bb: {  	[tilespmem:$0x1D1B0] =	vst v0  }
0x1bc: {  	[tilespmem:$0x1D1C0] =	vst v0  }
0x1bd: {  	[tilespmem:$0x1D1D0] =	vst v0  }
0x1be: {  	[tilespmem:$0x1D1E0] =	vst v0  }
0x1bf: {  	[tilespmem:$0x1D1F0] =	vst v0  }
0x1c0: {  	[tilespmem:$0x1D200] =	vst v0  }
0x1c1: {  	[tilespmem:$0x1D210] =	vst v0  }
0x1c2: {  	[tilespmem:$0x1D220] =	vst v0  }
0x1c3: {  	[tilespmem:$0x1D230] =	vst v0  }
0x1c4: {  	[tilespmem:$0x1D240] =	vst v0  }
0x1c5: {  	[tilespmem:$0x1D250] =	vst v0  }
0x1c6: {  	[tilespmem:$0x1D260] =	vst v0  }
0x1c7: {  	[tilespmem:$0x1D270] =	vst v0  }
0x1c8: {  	[tilespmem:$0x1D280] =	vst v0  }
0x1c9: {  	[tilespmem:$0x1D290] =	vst v0  }
0x1ca: {  	[tilespmem:$0x1D2A0] =	vst v0  }
0x1cb: {  	[tilespmem:$0x1D2B0] =	vst v0  }
0x1cc: {  	[tilespmem:$0x1D2C0] =	vst v0  }
0x1cd: {  	[tilespmem:$0x1D2D0] =	vst v0  }
0x1ce: {  	[tilespmem:$0x1D2E0] =	vst v0  }
0x1cf: {  	[tilespmem:$0x1D2F0] =	vst v0  }
0x1d0: {  	[tilespmem:$0x1D300] =	vst v0  }
0x1d1: {  	[tilespmem:$0x1D310] =	vst v0  }
0x1d2: {  	[tilespmem:$0x1D320] =	vst v0  }
0x1d3: {  	[tilespmem:$0x1D330] =	vst v0  }
0x1d4: {  	[tilespmem:$0x1D340] =	vst v0  }
0x1d5: {  	[tilespmem:$0x1D350] =	vst v0  }
0x1d6: {  	[tilespmem:$0x1D360] =	vst v0  }
0x1d7: {  	[tilespmem:$0x1D370] =	vst v0  }
0x1d8: {  	[tilespmem:$0x1D380] =	vst v0  }
0x1d9: {  	[tilespmem:$0x1D390] =	vst v0  }
0x1da: {  	[tilespmem:$0x1D3A0] =	vst v0  }
0x1db: {  	[tilespmem:$0x1D3B0] =	vst v0  }
0x1dc: {  	[tilespmem:$0x1D3C0] =	vst v0  }
0x1dd: {  	[tilespmem:$0x1D3D0] =	vst v0  }
0x1de: {  	[tilespmem:$0x1D3E0] =	vst v0  }
0x1df: {  	[tilespmem:$0x1D3F0] =	vst v0  }
0x1e0: {  	[tilespmem:$0x1D400] =	vst v0  }
0x1e1: {  	[tilespmem:$0x1D410] =	vst v0  }
0x1e2: {  	[tilespmem:$0x1D420] =	vst v0  }
0x1e3: {  	[tilespmem:$0x1D430] =	vst v0  }
0x1e4: {  	[tilespmem:$0x1D440] =	vst v0  }
0x1e5: {  	[tilespmem:$0x1D450] =	vst v0  }
0x1e6: {  	[tilespmem:$0x1D460] =	vst v0  }
0x1e7: {  	[tilespmem:$0x1D470] =	vst v0  }
0x1e8: {  	[tilespmem:$0x1D480] =	vst v0  }
0x1e9: {  	[tilespmem:$0x1D490] =	vst v0  }
0x1ea: {  	[tilespmem:$0x1D4A0] =	vst v0  }
0x1eb: {  	[tilespmem:$0x1D4B0] =	vst v0  }
0x1ec: {  	[tilespmem:$0x1D4C0] =	vst v0  }
0x1ed: {  	[tilespmem:$0x1D4D0] =	vst v0  }
0x1ee: {  	[tilespmem:$0x1D4E0] =	vst v0  }
0x1ef: {  	[tilespmem:$0x1D4F0] =	vst v0  }
0x1f0: {  	[tilespmem:$0x1D500] =	vst v0  }
0x1f1: {  	[tilespmem:$0x1D510] =	vst v0  }
0x1f2: {  	[tilespmem:$0x1D520] =	vst v0  }
0x1f3: {  	[tilespmem:$0x1D530] =	vst v0  }
0x1f4: {  	[tilespmem:$0x1D540] =	vst v0  }
0x1f5: {  	[tilespmem:$0x1D550] =	vst v0  }
0x1f6: {  	[tilespmem:$0x1D560] =	vst v0  }
0x1f7: {  	[tilespmem:$0x1D570] =	vst v0  }
0x1f8: {  	[tilespmem:$0x1D580] =	vst v0  }
0x1f9: {  	[tilespmem:$0x1D590] =	vst v0  }
0x1fa: {  	[tilespmem:$0x1D5A0] =	vst v0  }
0x1fb: {  	[tilespmem:$0x1D5B0] =	vst v0  }
0x1fc: {  	[tilespmem:$0x1D5C0] =	vst v0  }
0x1fd: {  	[tilespmem:$0x1D5D0] =	vst v0  }
0x1fe: {  	[tilespmem:$0x1D5E0] =	vst v0  }
0x1ff: {  	[tilespmem:$0x1D5F0] =	vst v0  }
0x200: {  	[tilespmem:$0x1D600] =	vst v0  }
0x201: {  	[tilespmem:$0x1D610] =	vst v0  }
0x202: {  	[tilespmem:$0x1D620] =	vst v0  }
0x203: {  	[tilespmem:$0x1D630] =	vst v0  }
0x204: {  	[tilespmem:$0x1D640] =	vst v0  }
0x205: {  	[tilespmem:$0x1D650] =	vst v0  }
0x206: {  	[tilespmem:$0x1D660] =	vst v0  }
0x207: {  	[tilespmem:$0x1D670] =	vst v0  }
0x208: {  	[tilespmem:$0x1D680] =	vst v0  }
0x209: {  	[tilespmem:$0x1D690] =	vst v0  }
0x20a: {  	[tilespmem:$0x1D6A0] =	vst v0  }
0x20b: {  	[tilespmem:$0x1D6B0] =	vst v0  }
0x20c: {  	[tilespmem:$0x1D6C0] =	vst v0  }
0x20d: {  	[tilespmem:$0x1D6D0] =	vst v0  }
0x20e: {  	[tilespmem:$0x1D6E0] =	vst v0  }
0x20f: {  	[tilespmem:$0x1D6F0] =	vst v0  }
0x210: {  	[tilespmem:$0x1D700] =	vst v0  }
0x211: {  	[tilespmem:$0x1D710] =	vst v0  }
0x212: {  	[tilespmem:$0x1D720] =	vst v0  }
0x213: {  	[tilespmem:$0x1D730] =	vst v0  }
0x214: {  	[tilespmem:$0x1D740] =	vst v0  }
0x215: {  	[tilespmem:$0x1D750] =	vst v0  }
0x216: {  	[tilespmem:$0x1D760] =	vst v0  }
0x217: {  	[tilespmem:$0x1D770] =	vst v0  }
0x218: {  	[tilespmem:$0x1D780] =	vst v0  }
0x219: {  	[tilespmem:$0x1D790] =	vst v0  }
0x21a: {  	[tilespmem:$0x1D7A0] =	vst v0  }
0x21b: {  	[tilespmem:$0x1D7B0] =	vst v0  }
0x21c: {  	[tilespmem:$0x1D7C0] =	vst v0  }
0x21d: {  	[tilespmem:$0x1D7D0] =	vst v0  }
0x21e: {  	[tilespmem:$0x1D7E0] =	vst v0  }
0x21f: {  	[tilespmem:$0x1D7F0] =	vst v0  }
0x220: {  	[tilespmem:$0x1D800] =	vst v0  }
0x221: {  	[tilespmem:$0x1D810] =	vst v0  }
0x222: {  	[tilespmem:$0x1D820] =	vst v0  }
0x223: {  	[tilespmem:$0x1D830] =	vst v0  }
0x224: {  	[tilespmem:$0x1D840] =	vst v0  }
0x225: {  	[tilespmem:$0x1D850] =	vst v0  }
0x226: {  	[tilespmem:$0x1D860] =	vst v0  }
0x227: {  	[tilespmem:$0x1D870] =	vst v0  }
0x228: {  	[tilespmem:$0x1D880] =	vst v0  }
0x229: {  	[tilespmem:$0x1D890] =	vst v0  }
0x22a: {  	[tilespmem:$0x1D8A0] =	vst v0  }
0x22b: {  	[tilespmem:$0x1D8B0] =	vst v0  }
0x22c: {  	[tilespmem:$0x1D8C0] =	vst v0  }
0x22d: {  	[tilespmem:$0x1D8D0] =	vst v0  }
0x22e: {  	[tilespmem:$0x1D8E0] =	vst v0  }
0x22f: {  	[tilespmem:$0x1D8F0] =	vst v0  }
0x230: {  	[tilespmem:$0x1D900] =	vst v0  }
0x231: {  	[tilespmem:$0x1D910] =	vst v0  }
0x232: {  	[tilespmem:$0x1D920] =	vst v0  }
0x233: {  	[tilespmem:$0x1D930] =	vst v0  }
0x234: {  	[tilespmem:$0x1D940] =	vst v0  }
0x235: {  	[tilespmem:$0x1D950] =	vst v0  }
0x236: {  	[tilespmem:$0x1D960] =	vst v0  }
0x237: {  	[tilespmem:$0x1D970] =	vst v0  }
0x238: {  	[tilespmem:$0x1D980] =	vst v0  }
0x239: {  	[tilespmem:$0x1D990] =	vst v0  }
0x23a: {  	[tilespmem:$0x1D9A0] =	vst v0  }
0x23b: {  	[tilespmem:$0x1D9B0] =	vst v0  }
0x23c: {  	[tilespmem:$0x1D9C0] =	vst v0  }
0x23d: {  	[tilespmem:$0x1D9D0] =	vst v0  }
0x23e: {  	[tilespmem:$0x1D9E0] =	vst v0  }
0x23f: {  	[tilespmem:$0x1D9F0] =	vst v0  }
0x240: {  	[tilespmem:$0x1DA00] =	vst v0  }
0x241: {  	[tilespmem:$0x1DA10] =	vst v0  }
0x242: {  	[tilespmem:$0x1DA20] =	vst v0  }
0x243: {  	[tilespmem:$0x1DA30] =	vst v0  }
0x244: {  	[tilespmem:$0x1DA40] =	vst v0  }
0x245: {  	[tilespmem:$0x1DA50] =	vst v0  }
0x246: {  	[tilespmem:$0x1DA60] =	vst v0  }
0x247: {  	[tilespmem:$0x1DA70] =	vst v0  }
0x248: {  	[tilespmem:$0x1DA80] =	vst v0  }
0x249: {  	[tilespmem:$0x1DA90] =	vst v0  }
0x24a: {  	[tilespmem:$0x1DAA0] =	vst v0  }
0x24b: {  	[tilespmem:$0x1DAB0] =	vst v0  }
0x24c: {  	[tilespmem:$0x1DAC0] =	vst v0  }
0x24d: {  	[tilespmem:$0x1DAD0] =	vst v0  }
0x24e: {  	[tilespmem:$0x1DAE0] =	vst v0  }
0x24f: {  	[tilespmem:$0x1DAF0] =	vst v0  }
0x250: {  	[tilespmem:$0x1DB00] =	vst v0  }
0x251: {  	[tilespmem:$0x1DB10] =	vst v0  }
0x252: {  	[tilespmem:$0x1DB20] =	vst v0  }
0x253: {  	[tilespmem:$0x1DB30] =	vst v0  }
0x254: {  	[tilespmem:$0x1DB40] =	vst v0  }
0x255: {  	[tilespmem:$0x1DB50] =	vst v0  }
0x256: {  	[tilespmem:$0x1DB60] =	vst v0  }
0x257: {  	[tilespmem:$0x1DB70] =	vst v0  }
0x258: {  	[tilespmem:$0x1DB80] =	vst v0  }
0x259: {  	[tilespmem:$0x1DB90] =	vst v0  }
0x25a: {  	[tilespmem:$0x1DBA0] =	vst v0  }
0x25b: {  	[tilespmem:$0x1DBB0] =	vst v0  }
0x25c: {  	[tilespmem:$0x1DBC0] =	vst v0  }
0x25d: {  	[tilespmem:$0x1DBD0] =	vst v0  }
0x25e: {  	[tilespmem:$0x1DBE0] =	vst v0  }
0x25f: {  	[tilespmem:$0x1DBF0] =	vst v0  }
0x260: {  	[tilespmem:$0x1DC00] =	vst v0  }
0x261: {  	[tilespmem:$0x1DC10] =	vst v0  }
0x262: {  	[tilespmem:$0x1DC20] =	vst v0  }
0x263: {  	[tilespmem:$0x1DC30] =	vst v0  }
0x264: {  	[tilespmem:$0x1DC40] =	vst v0  }
0x265: {  	[tilespmem:$0x1DC50] =	vst v0  }
0x266: {  	[tilespmem:$0x1DC60] =	vst v0  }
0x267: {  	[tilespmem:$0x1DC70] =	vst v0  }
0x268: {  	[tilespmem:$0x1DC80] =	vst v0  }
0x269: {  	[tilespmem:$0x1DC90] =	vst v0  }
0x26a: {  	[tilespmem:$0x1DCA0] =	vst v0  }
0x26b: {  	[tilespmem:$0x1DCB0] =	vst v0  }
0x26c: {  	[tilespmem:$0x1DCC0] =	vst v0  }
0x26d: {  	[tilespmem:$0x1DCD0] =	vst v0  }
0x26e: {  	[tilespmem:$0x1DCE0] =	vst v0  }
0x26f: {  	[tilespmem:$0x1DCF0] =	vst v0  }
0x270: {  	[tilespmem:$0x1DD00] =	vst v0  }
0x271: {  	[tilespmem:$0x1DD10] =	vst v0  }
0x272: {  	[tilespmem:$0x1DD20] =	vst v0  }
0x273: {  	[tilespmem:$0x1DD30] =	vst v0  }
0x274: {  	[tilespmem:$0x1DD40] =	vst v0  }
0x275: {  	[tilespmem:$0x1DD50] =	vst v0  }
0x276: {  	[tilespmem:$0x1DD60] =	vst v0  }
0x277: {  	[tilespmem:$0x1DD70] =	vst v0  }
0x278: {  	[tilespmem:$0x1DD80] =	vst v0  }
0x279: {  	[tilespmem:$0x1DD90] =	vst v0  }
0x27a: {  	[tilespmem:$0x1DDA0] =	vst v0  }
0x27b: {  	[tilespmem:$0x1DDB0] =	vst v0  }
0x27c: {  	[tilespmem:$0x1DDC0] =	vst v0  }
0x27d: {  	[tilespmem:$0x1DDD0] =	vst v0  }
0x27e: {  	[tilespmem:$0x1DDE0] =	vst v0  }
0x27f: {  	[tilespmem:$0x1DDF0] =	vst v0  }
0x280: {  	[tilespmem:$0x1DE00] =	vst v0  }
0x281: {  	[tilespmem:$0x1DE10] =	vst v0  }
0x282: {  	[tilespmem:$0x1DE20] =	vst v0  }
0x283: {  	[tilespmem:$0x1DE30] =	vst v0  }
0x284: {  	[tilespmem:$0x1DE40] =	vst v0  }
0x285: {  	[tilespmem:$0x1DE50] =	vst v0  }
0x286: {  	[tilespmem:$0x1DE60] =	vst v0  }
0x287: {  	[tilespmem:$0x1DE70] =	vst v0  }
0x288: {  	[tilespmem:$0x1DE80] =	vst v0  }
0x289: {  	[tilespmem:$0x1DE90] =	vst v0  }
0x28a: {  	[tilespmem:$0x1DEA0] =	vst v0  }
0x28b: {  	[tilespmem:$0x1DEB0] =	vst v0  }
0x28c: {  	[tilespmem:$0x1DEC0] =	vst v0  }
0x28d: {  	[tilespmem:$0x1DED0] =	vst v0  }
0x28e: {  	[tilespmem:$0x1DEE0] =	vst v0  }
0x28f: {  	[tilespmem:$0x1DEF0] =	vst v0  }
0x290: {  	[tilespmem:$0x1DF00] =	vst v0  }
0x291: {  	[tilespmem:$0x1DF10] =	vst v0  }
0x292: {  	[tilespmem:$0x1DF20] =	vst v0  }
0x293: {  	[tilespmem:$0x1DF30] =	vst v0  }
0x294: {  	[tilespmem:$0x1DF40] =	vst v0  }
0x295: {  	[tilespmem:$0x1DF50] =	vst v0  }
0x296: {  	[tilespmem:$0x1DF60] =	vst v0  }
0x297: {  	[tilespmem:$0x1DF70] =	vst v0  }
0x298: {  	[tilespmem:$0x1DF80] =	vst v0  }
0x299: {  	[tilespmem:$0x1DF90] =	vst v0  }
0x29a: {  	[tilespmem:$0x1DFA0] =	vst v0  }
0x29b: {  	[tilespmem:$0x1DFB0] =	vst v0  }
0x29c: {  	[tilespmem:$0x1DFC0] =	vst v0  }
0x29d: {  	[tilespmem:$0x1DFD0] =	vst v0  }
0x29e: {  	[tilespmem:$0x1DFE0] =	vst v0  }
0x29f: {  	[tilespmem:$0x1DFF0] =	vst v0  }
0x2a0: {  	[tilespmem:$0x1E000] =	vst v0  }
0x2a1: {  	[tilespmem:$0x1E010] =	vst v0  }
0x2a2: {  	[tilespmem:$0x1E020] =	vst v0  }
0x2a3: {  	[tilespmem:$0x1E030] =	vst v0  }
0x2a4: {  	[tilespmem:$0x1E040] =	vst v0  }
0x2a5: {  	[tilespmem:$0x1E050] =	vst v0  }
0x2a6: {  	[tilespmem:$0x1E060] =	vst v0  }
0x2a7: {  	[tilespmem:$0x1E070] =	vst v0  }
0x2a8: {  	[tilespmem:$0x1E080] =	vst v0  }
0x2a9: {  	[tilespmem:$0x1E090] =	vst v0  }
0x2aa: {  	[tilespmem:$0x1E0A0] =	vst v0  }
0x2ab: {  	[tilespmem:$0x1E0B0] =	vst v0  }
0x2ac: {  	[tilespmem:$0x1E0C0] =	vst v0  }
0x2ad: {  	[tilespmem:$0x1E0D0] =	vst v0  }
0x2ae: {  	[tilespmem:$0x1E0E0] =	vst v0  }
0x2af: {  	[tilespmem:$0x1E0F0] =	vst v0  }
0x2b0: {  	[tilespmem:$0x1E100] =	vst v0  }
0x2b1: {  	[tilespmem:$0x1E110] =	vst v0  }
0x2b2: {  	[tilespmem:$0x1E120] =	vst v0  }
0x2b3: {  	[tilespmem:$0x1E130] =	vst v0  }
0x2b4: {  	[tilespmem:$0x1E140] =	vst v0  }
0x2b5: {  	[tilespmem:$0x1E150] =	vst v0  }
0x2b6: {  	[tilespmem:$0x1E160] =	vst v0  }
0x2b7: {  	[tilespmem:$0x1E170] =	vst v0  }
0x2b8: {  	[tilespmem:$0x1E180] =	vst v0  }
0x2b9: {  	[tilespmem:$0x1E190] =	vst v0  }
0x2ba: {  	[tilespmem:$0x1E1A0] =	vst v0  }
0x2bb: {  	[tilespmem:$0x1E1B0] =	vst v0  }
0x2bc: {  	[tilespmem:$0x1E1C0] =	vst v0  }
0x2bd: {  	[tilespmem:$0x1E1D0] =	vst v0  }
0x2be: {  	[tilespmem:$0x1E1E0] =	vst v0  }
0x2bf: {  	[tilespmem:$0x1E1F0] =	vst v0  }
0x2c0: {  	[tilespmem:$0x1E200] =	vst v0  }
0x2c1: {  	[tilespmem:$0x1E210] =	vst v0  }
0x2c2: {  	[tilespmem:$0x1E220] =	vst v0  }
0x2c3: {  	[tilespmem:$0x1E230] =	vst v0  }
0x2c4: {  	[tilespmem:$0x1E240] =	vst v0  }
0x2c5: {  	[tilespmem:$0x1E250] =	vst v0  }
0x2c6: {  	[tilespmem:$0x1E260] =	vst v0  }
0x2c7: {  	[tilespmem:$0x1E270] =	vst v0  }
0x2c8: {  	[tilespmem:$0x1E280] =	vst v0  }
0x2c9: {  	[tilespmem:$0x1E290] =	vst v0  }
0x2ca: {  	[tilespmem:$0x1E2A0] =	vst v0  }
0x2cb: {  	[tilespmem:$0x1E2B0] =	vst v0  }
0x2cc: {  	[tilespmem:$0x1E2C0] =	vst v0  }
0x2cd: {  	[tilespmem:$0x1E2D0] =	vst v0  }
0x2ce: {  	[tilespmem:$0x1E2E0] =	vst v0  }
0x2cf: {  	s5 =	smov.u32 s17;
	[tilespmem:$0x1E2F0] =	vst v0  }
0x2d0: {  	s6 =	smov.u32 s18;
	s16 =	simm.s32 $0x29;
	[bflag:$0x0] =	sbarrier.arrive $0xFFFF  }
.LBB2_4:
0x2d1: {  	s19 =	sadd.s32 s5, s24  }
0x2d2: {  	[tilespmem:s28], [sflag:$0x4] =	stream.linear.gather [hbm4b:s19+s3], $0x50, $0x38;
	[tilespmem:$0x1E300] =	vst v63  }
0x2d3: {  	_ =	swait.ge [sflag:s26], $0x50  }
0x2d4: {  	[sflag:s26] =	ssyncset.done $0x0  }
0x2d5: {  	s19 =	sadd.s32 s6, s24;
	[sflag:s26] =	ssyncadd.s32 $0xFFFFFFB0  }
0x2d6: {  	[tilespmem:s29], [sflag:$0x4] =	stream.linear.gather [hbm4b:s19+s3], $0x50, $0x38;
	[tilespmem:$0x1E300] =	vst v63  }
0x2d7: {  	_ =	swait.ge [sflag:s26], $0x50  }
0x2d8: {  	[sflag:s26] =	ssyncset.done $0x0  }
0x2d9: {  	[sflag:s26] =	ssyncadd.s32 $0xFFFFFFB0  }
0x2da: {  	[tilespmem:s25], [sflag:$0x1] =	stream.indirect.gather [hbm4b:s4+s30], $0x80, s28, s30, $0xb8;
	[tilespmem:$0x1E300] =	vst v63  }
0x2db: {  	s19 =	sadd.s32 s5, s23  }
0x2dc: {  	[tilespmem:s31], [sflag:$0x4] =	stream.linear.gather [hbm4b:s19+s3], $0x50, $0x38;
	[tilespmem:$0x1E300] =	vst v63  }
0x2dd: {  	_ =	swait.ge [sflag:s26], $0x50  }
0x2de: {  	[sflag:s26] =	ssyncset.done $0x0  }
0x2df: {  	s19 =	sadd.s32 s6, s23;
	[sflag:s26] =	ssyncadd.s32 $0xFFFFFFB0  }
0x2e0: {  	[tilespmem:s0], [sflag:$0x4] =	stream.linear.gather [hbm4b:s19+s3], $0x50, $0x38;
	[tilespmem:$0x1E300] =	vst v63  }
0x2e1: {  	_ =	swait.ge [sflag:s26], $0x50  }
0x2e2: {  	[sflag:s26] =	ssyncset.done $0x0  }
0x2e3: {  	[sflag:s26] =	ssyncadd.s32 $0xFFFFFFB0  }
0x2e4: {  	[tilespmem:s1], [sflag:$0x2] =	stream.indirect.gather [hbm4b:s4+s30], $0x80, s31, s30, $0xb8;
	[tilespmem:$0x1E300] =	vst v63  }
0x2e5: {  	s19 =	sadd.s32 s5, s22  }
0x2e6: {  	[tilespmem:s8], [sflag:$0x4] =	stream.linear.gather [hbm4b:s19+s3], $0x50, $0x38;
	[tilespmem:$0x1E300] =	vst v63  }
0x2e7: {  	_ =	swait.ge [sflag:s26], $0x50  }
0x2e8: {  	[sflag:s26] =	ssyncset.done $0x0  }
0x2e9: {  	s19 =	sadd.s32 s6, s22;
	[sflag:s26] =	ssyncadd.s32 $0xFFFFFFB0  }
0x2ea: {  	[tilespmem:s9], [sflag:$0x4] =	stream.linear.gather [hbm4b:s19+s3], $0x50, $0x38;
	[tilespmem:$0x1E300] =	vst v63  }
0x2eb: {  	_ =	swait.ge [sflag:s26], $0x50  }
0x2ec: {  	[sflag:s26] =	ssyncset.done $0x0  }
0x2ed: {  	[sflag:s26] =	ssyncadd.s32 $0xFFFFFFB0  }
0x2ee: {  	[tilespmem:s10], [sflag:$0x3] =	stream.indirect.gather [hbm4b:s4+s30], $0x80, s8, s30, $0xb8;
	[tilespmem:$0x1E300] =	vst v63  }
0x2ef: {  	_ =	swait.ge [sflag:s11], $0x2800  }
0x2f0: {  	[sflag:s11] =	ssyncset.done $0x0  }
0x2f1: {  	[sflag:s11] =	ssyncadd.s32 $0xFFFFD800  }
0x2f2: {  	[spmem:s2] =	stream.indirect.scatter.add.f32 [tilespmem:s25], [sflag:$0x4], $0x80, s29, s30, $0xb8;
	[tilespmem:$0x1E300] =	vst v63  }
0x2f3: {  	_ =	swait.ge [sflag:s26], $0x2800  }
0x2f4: {  	[sflag:s26] =	ssyncset.done $0x0  }
0x2f5: {  	[sflag:s26] =	ssyncadd.s32 $0xFFFFD800  }
0x2f6: {  	v2 =	vld [tilespmem:$0x1B980];
	_ =	sdelay $0x7  }
0x2f7: {  	[tilespmem:v2+s12+$0x0] =	vst.idx.add.f32.msk $0xffff, v1  }
0x2f8: {  	v2 =	vld [tilespmem:$0x1B990];
	_ =	sdelay $0x7  }
0x2f9: {  	[tilespmem:v2+s12+$0x0] =	vst.idx.add.f32.msk $0xffff, v1  }
0x2fa: {  	v2 =	vld [tilespmem:$0x1B9A0];
	_ =	sdelay $0x7  }
0x2fb: {  	[tilespmem:v2+s12+$0x0] =	vst.idx.add.f32.msk $0xffff, v1  }
0x2fc: {  	v2 =	vld [tilespmem:$0x1B9B0];
	_ =	sdelay $0x7  }
0x2fd: {  	[tilespmem:v2+s12+$0x0] =	vst.idx.add.f32.msk $0xffff, v1  }
0x2fe: {  	v2 =	vld [tilespmem:$0x1B9C0];
	_ =	sdelay $0x7  }
0x2ff: {  	[tilespmem:v2+s12+$0x0] =	vst.idx.add.f32.msk $0xffff, v1  }
0x300: {  	_ =	swait.ge [sflag:s13], $0x2800  }
0x301: {  	[sflag:s13] =	ssyncset.done $0x0  }
0x302: {  	[sflag:s13] =	ssyncadd.s32 $0xFFFFD800  }
0x303: {  	[spmem:s2] =	stream.indirect.scatter.add.f32 [tilespmem:s1], [sflag:$0x4], $0x80, s0, s30, $0xb8;
	[tilespmem:$0x1E300] =	vst v63  }
0x304: {  	_ =	swait.ge [sflag:s26], $0x2800  }
0x305: {  	[sflag:s26] =	ssyncset.done $0x0  }
0x306: {  	[sflag:s26] =	ssyncadd.s32 $0xFFFFD800  }
0x307: {  	v2 =	vld [tilespmem:$0x1BA00];
	_ =	sdelay $0x7  }
0x308: {  	[tilespmem:v2+s12+$0x0] =	vst.idx.add.f32.msk $0xffff, v1  }
0x309: {  	v2 =	vld [tilespmem:$0x1BA10];
	_ =	sdelay $0x7  }
0x30a: {  	[tilespmem:v2+s12+$0x0] =	vst.idx.add.f32.msk $0xffff, v1  }
0x30b: {  	v2 =	vld [tilespmem:$0x1BA20];
	_ =	sdelay $0x7  }
0x30c: {  	[tilespmem:v2+s12+$0x0] =	vst.idx.add.f32.msk $0xffff, v1  }
0x30d: {  	v2 =	vld [tilespmem:$0x1BA30];
	_ =	sdelay $0x7  }
0x30e: {  	[tilespmem:v2+s12+$0x0] =	vst.idx.add.f32.msk $0xffff, v1  }
0x30f: {  	v2 =	vld [tilespmem:$0x1BA40];
	_ =	sdelay $0x7  }
0x310: {  	[tilespmem:v2+s12+$0x0] =	vst.idx.add.f32.msk $0xffff, v1  }
0x311: {  	_ =	swait.ge [sflag:s14], $0x2800  }
0x312: {  	[sflag:s14] =	ssyncset.done $0x0  }
0x313: {  	[sflag:s14] =	ssyncadd.s32 $0xFFFFD800  }
0x314: {  	[spmem:s2] =	stream.indirect.scatter.add.f32 [tilespmem:s10], [sflag:$0x4], $0x80, s9, s30, $0xb8;
	[tilespmem:$0x1E300] =	vst v63  }
0x315: {  	_ =	swait.ge [sflag:s26], $0x2800  }
0x316: {  	[sflag:s26] =	ssyncset.done $0x0  }
0x317: {  	[sflag:s26] =	ssyncadd.s32 $0xFFFFD800  }
0x318: {  	v2 =	vld [tilespmem:$0x1BA80];
	_ =	sdelay $0x7  }
0x319: {  	[tilespmem:v2+s12+$0x0] =	vst.idx.add.f32.msk $0xffff, v1  }
0x31a: {  	v2 =	vld [tilespmem:$0x1BA90];
	_ =	sdelay $0x7  }
0x31b: {  	[tilespmem:v2+s12+$0x0] =	vst.idx.add.f32.msk $0xffff, v1  }
0x31c: {  	v2 =	vld [tilespmem:$0x1BAA0];
	_ =	sdelay $0x7  }
0x31d: {  	[tilespmem:v2+s12+$0x0] =	vst.idx.add.f32.msk $0xffff, v1  }
0x31e: {  	v2 =	vld [tilespmem:$0x1BAB0];
	_ =	sdelay $0x7  }
0x31f: {  	[tilespmem:v2+s12+$0x0] =	vst.idx.add.f32.msk $0xffff, v1  }
0x320: {  	v2 =	vld [tilespmem:$0x1BAC0];
	_ =	sdelay $0x2  }
0x321: {  	p0 =	sne.s32 s16, $0x1  }
.Ltmp1:
0x322: {  	_ = 	snop;
	(pc) =	sbr.rel @p0 .LBB2_4-.Ltmp1, $2  }
0x323: {  	_ =	sdelay $0x2  }
0x324: {  	s16 =	sadd.s32 $0xFFFFFFFF, s16;
	s5 =	sadd.s32 $0x1E, s5;
	s6 =	sadd.s32 $0x1E, s6;
	[tilespmem:v2+s12+$0x0] =	vst.idx.add.f32.msk $0xffff, v1  }
0x325: {  	s5 =	rddreg [dreg:$0xb]  }
0x326: {  	[tilespmem:s28], [sflag:$0x4] =	stream.linear.gather [hbm4b:s5+s3], $0x50, $0x38;
	[tilespmem:$0x1E300] =	vst v63  }
0x327: {  	_ =	swait.ge [sflag:s26], $0x50  }
0x328: {  	[sflag:s26] =	ssyncset.done $0x0  }
0x329: {  	s6 =	rddreg [dreg:$0xc];
	[sflag:s26] =	ssyncadd.s32 $0xFFFFFFB0  }
0x32a: {  	[tilespmem:s29], [sflag:$0x4] =	stream.linear.gather [hbm4b:s6+s3], $0x50, $0x38;
	[tilespmem:$0x1E300] =	vst v63  }
0x32b: {  	_ =	swait.ge [sflag:s26], $0x50  }
0x32c: {  	[sflag:s26] =	ssyncset.done $0x0  }
0x32d: {  	[sflag:s26] =	ssyncadd.s32 $0xFFFFFFB0  }
0x32e: {  	[tilespmem:s25], [sflag:$0x1] =	stream.indirect.gather [hbm4b:s4+s30], $0x80, s28, s30, $0xb8;
	[tilespmem:$0x1E300] =	vst v63  }
0x32f: {  	_ =	swait.ge [sflag:s11], $0x2800  }
0x330: {  	[sflag:s11] =	ssyncset.done $0x0  }
0x331: {  	[sflag:s11] =	ssyncadd.s32 $0xFFFFD800  }
0x332: {  	[spmem:s2] =	stream.indirect.scatter.add.f32 [tilespmem:s25], [sflag:$0x4], $0x80, s29, s30, $0xb8;
	[tilespmem:$0x1E300] =	vst v63  }
0x333: {  	_ =	swait.ge [sflag:s26], $0x2800  }
0x334: {  	[sflag:s26] =	ssyncset.done $0x0  }
0x335: {  	[sflag:s26] =	ssyncadd.s32 $0xFFFFD800  }
0x336: {  	v2 =	vld [tilespmem:$0x1B980];
	_ =	sdelay $0x7  }
0x337: {  	[tilespmem:v2+s12+$0x0] =	vst.idx.add.f32.msk $0xffff, v1  }
0x338: {  	v2 =	vld [tilespmem:$0x1B990];
	_ =	sdelay $0x7  }
0x339: {  	[tilespmem:v2+s12+$0x0] =	vst.idx.add.f32.msk $0xffff, v1  }
0x33a: {  	v2 =	vld [tilespmem:$0x1B9A0];
	_ =	sdelay $0x7  }
0x33b: {  	[tilespmem:v2+s12+$0x0] =	vst.idx.add.f32.msk $0xffff, v1  }
0x33c: {  	v2 =	vld [tilespmem:$0x1B9B0];
	_ =	sdelay $0x7  }
0x33d: {  	[tilespmem:v2+s12+$0x0] =	vst.idx.add.f32.msk $0xffff, v1  }
0x33e: {  	v2 =	vld [tilespmem:$0x1B9C0];
	_ =	sdelay $0x7  }
0x33f: {  	s16 =	rddreg [dreg:$0xd];
	[tilespmem:v2+s12+$0x0] =	vst.idx.add.f32.msk $0xffff, v1  }
0x340: {  	[tilespmem:s28], [sflag:$0x4] =	stream.linear.gather [hbm4b:s16+s3], $0x50, $0x38;
	[tilespmem:$0x1E300] =	vst v63  }
0x341: {  	_ =	swait.ge [sflag:s26], $0x50  }
0x342: {  	[sflag:s26] =	ssyncset.done $0x0  }
0x343: {  	s19 =	rddreg [dreg:$0xe];
	[sflag:s26] =	ssyncadd.s32 $0xFFFFFFB0  }
0x344: {  	[tilespmem:s29], [sflag:$0x4] =	stream.linear.gather [hbm4b:s19+s3], $0x50, $0x38;
	[tilespmem:$0x1E300] =	vst v63  }
0x345: {  	_ =	swait.ge [sflag:s26], $0x50  }
0x346: {  	[sflag:s26] =	ssyncset.done $0x0  }
0x347: {  	[sflag:s26] =	ssyncadd.s32 $0xFFFFFFB0  }
0x348: {  	[tilespmem:s25], [sflag:$0x1] =	stream.indirect.gather [hbm4b:s4+s30], $0x80, s28, s30, $0xb8;
	[tilespmem:$0x1E300] =	vst v63  }
0x349: {  	_ =	swait.ge [sflag:s11], $0x2800  }
0x34a: {  	[sflag:s11] =	ssyncset.done $0x0  }
0x34b: {  	[sflag:s11] =	ssyncadd.s32 $0xFFFFD800  }
0x34c: {  	[spmem:s2] =	stream.indirect.scatter.add.f32 [tilespmem:s25], [sflag:$0x4], $0x80, s29, s30, $0xb8;
	[tilespmem:$0x1E300] =	vst v63  }
0x34d: {  	_ =	swait.ge [sflag:s26], $0x2800  }
0x34e: {  	[sflag:s26] =	ssyncset.done $0x0  }
0x34f: {  	[sflag:s26] =	ssyncadd.s32 $0xFFFFD800  }
0x350: {  	v2 =	vld [tilespmem:$0x1B980];
	_ =	sdelay $0x7  }
0x351: {  	[tilespmem:v2+s12+$0x0] =	vst.idx.add.f32.msk $0xffff, v1  }
0x352: {  	v2 =	vld [tilespmem:$0x1B990];
	_ =	sdelay $0x7  }
0x353: {  	[tilespmem:v2+s12+$0x0] =	vst.idx.add.f32.msk $0xffff, v1  }
0x354: {  	v2 =	vld [tilespmem:$0x1B9A0];
	_ =	sdelay $0x7  }
0x355: {  	[tilespmem:v2+s12+$0x0] =	vst.idx.add.f32.msk $0xffff, v1  }
0x356: {  	v2 =	vld [tilespmem:$0x1B9B0];
	_ =	sdelay $0x7  }
0x357: {  	[tilespmem:v2+s12+$0x0] =	vst.idx.add.f32.msk $0xffff, v1  }
0x358: {  	v2 =	vld [tilespmem:$0x1B9C0];
	_ =	sdelay $0x7  }
0x359: {  	s6 =	stileid.u32;
	[tilespmem:v2+s12+$0x0] =	vst.idx.add.f32.msk $0xffff, v1  }
0x35a: {  	s5 =	sshll.u32 s6, $0x6;
	[bflag:$0x0] =	sbarrier.arrive $0xFFFF  }
0x35b: {  	s6 =	sshrl.u32 s7, $0x3;
	s5 =	sor.u32 $0x1C04, s5;
	s16 =	rddreg [dreg:$0xf]  }
0x35c: {  	[hbm:s16], [sflag:s5] =	dma.local [spmem:s6], $0x2800  }
0x35d: {  	s15 =	sadd.s32 $0x1, s15;
	_ =	swait.ge [sflag:s26], $0x2800  }
0x35e: {  	p0 =	sne.s32 s15, s21;
	s19 =	simm.s32 $0x400;
	[sflag:s26] =	ssyncset.done $0x0  }
.Ltmp2:
0x35f: {  	s16 =	simm.s32 $0x80;
	[sflag:s26] =	ssyncadd.s32 $0xFFFFD800;
	(pc) =	sbr.rel @p0 .LBB2_1-.Ltmp2, $4  }
0x360: {  	[hbm4b:s20+s16] =	stream.strided.scatter [tilespmem:s12], [sflag:$0x4], $0x2800, s19, s16, $0x38;
	[tilespmem:$0x1E300] =	vst v63  }
0x361: {  	_ =	swait.ge [sflag:s26], $0x2800  }
0x362: {  	[sflag:s26] =	ssyncset.done $0x0  }
0x363: {  	[sflag:s26] =	ssyncadd.s32 $0xFFFFD800  }
0x364: {  	_ =	sfence.sel $0x180000  }
0x365: {  	[bflag:$0x0] =	sbarrier.arrive $0xFFFF  }
0x366: {  	_ =	strace $0x90000047  }
0x367: {  	s0 =	stileid.u32;
	[bflag:$0x2] =	sbarrier.arrive $0xFFFF  }
0x368: {  	p0 =	sne.s32 s0, $0x0;
	s0 =	rddreg [dreg:$0x3]  }
0x369: {  	s0 =	sadd.s32 @!p0 $0x100000, s0  }
0x36a: {  	[sflag:s0] =	ssyncadd.tile.s32 @!p0 $0x1;
	_ =	shalt  }
.Lfunc_end2:
_tile_overlayer_lowered:
.L_overlay_start_2:
0x36b: {  	(tag) =	ssettag $0x2  }
0x36c: {  	s0 =	rddreg [dreg:$0x0];
	s2 =	stileid.u32  }
0x36d: {  	s1 =	rddreg [dreg:$0x1];
	p0 =	sne.s32 s2, $0x0  }
0x36e: {  	s3 =	rddreg [dreg:$0x2];
	[bflag:$0x3] =	sbarrier.arrive $0xFFFF;
	s2 =	simm.s32 @!p0 $0x1C04  }
0x36f: {  	[timem:s3], [sflag:s2] =	dma.local @!p0 [hbm:s0], s1  }
0x370: {  	s0 =	simm.s32 @!p0 $0x4  }
0x371: {  	_ =	swait.ge @!p0 [sflag:s0], s1  }
0x372: {  	s1 =	ssub.s32 @!p0 $0x0, s1;
	[sflag:s0] =	ssyncset.done @!p0 $0x0  }
0x373: {  	[sflag:s0] =	ssyncadd.s32 @!p0 s1  }
0x374: {  	[bflag:$0x3] =	sbarrier.arrive $0xFFFF  }
0x375: {  	_ =	shalt  }

// kernel: kernel.9.cloned.1.call-start
scs
__scs_entry_jumppad:
0x0: {  	(pc) =	sbr.rel $0x88, $3  }
0x1: {  	(tag) =	ssettag $0x0;
	lr =	simm.s32 $0x1  }
0x2: {  	[smem:$0x3F99] =	sst lr;
	_ =	strace $0xD0000000  }
0x3: {  	_ = 	snop  }
0x4: {  	_ = 	snop  }
0x5: {  	_ = 	snop  }
0x6: {  	_ = 	snop  }
0x7: {  	_ = 	snop  }
__scs_overlays_trampoline_lowered:
0x8: {  	[smem:$0x3FA8] =	sst s0  }
0x9: {  	[smem:$0x3FA9] =	sst s1  }
0xa: {  	[smem:$0x3FAA] =	sst s2  }
0xb: {  	[smem:$0x3FAB] =	sst s3  }
0xc: {  	[smem:$0x3FAC] =	sst s4  }
0xd: {  	[smem:$0x3FAD] =	sst s5  }
0xe: {  	[smem:$0x3FAE] =	sst s6  }
0xf: {  	[smem:$0x3FAF] =	sst s7  }
0x10: {  	[smem:$0x3FB0] =	sst s8  }
0x11: {  	[smem:$0x3FB1] =	sst s9;
	s0 =	simm.s32 @!p0 $0x0  }
0x12: {  	s1 =	sld [smem:$0x3F97];
	s0 =	simm.s32 @p0 $0x1  }
0x13: {  	[smem:$0x3FB2] =	sst s0;
	s0 =	simm.s32 @!p1 $0x0  }
0x14: {  	s2 =	sld [smem:$0x3F96];
	s0 =	simm.s32 @p1 $0x1  }
0x15: {  	[smem:$0x3FB3] =	sst s0;
	s0 =	simm.s32 @!p2 $0x0  }
0x16: {  	s3 =	sld [smem:$0x3FDB];
	s0 =	simm.s32 @p2 $0x1  }
0x17: {  	s4 =	simm.s32 $0x1BF5;
	[smem:$0x3FB5] =	sst s0  }
0x18: {  	s0 =	sld [smem:$0x3F98];
	_ =	swait.ge [sflag:s4], $0x0  }
0x19: {  	s7 =	sld [smem:$0x3F99]  }
0x1a: {  	s8 =	sadd.s32 $0xFFFFE003, lr  }
0x1b: {  	s9 =	sadd.s32 $0xFFFFFEF7, lr;
	s5 =	simm.s32 $0xFFFFFFFF;
	p2 =	slt.u32 s8, $0xFFFFF086  }
0x1c: {  	p1 =	slt.u32 s9, $0xF7A;
	s5 =	simm.s32 @!p2 $0x0  }
0x1d: {  	s5 =	simm.s32 @p1 $0x1;
	p0 =	seq.s32 s7, s2  }
0x1e: {  	s7 =	smul.u32 @!p0 $0xF7A, s2;
	p2 =	seq.s32 @!p0 s5, $0x0  }
0x1f: {  	s9 =	smul.u32 $0xF7A, s1;
	s8 =	simm.s32 @!p0 $0x1BF5;
	p2 =	por !p2, p0  }
0x20: {  	[sflag:s8] =	ssyncset.s32 @!p0 $0xFFFFF086;
	s6 =	sadd.s32 @!p0 s3, s7;
	s7 =	simm.s32 @!p0 $0x108  }
0x21: {  	s3 =	sadd.s32 s3, s9;
	s6 =	sadd.s32 @!p0 $0x88, s6;
	s7 =	simm.s32 @p2 $0x1082  }
0x22: {  	[simem:s7], [sflag:s8] =	dma.local @!p0 [hbm:s6], $0xF7A  }
0x23: {  	s9 =	sor.u32 $0xD0000000, s2;
	s6 =	simm.s32 $0x108;
	_ =	swait.ge @!p0 [sflag:s8], $0x0  }
0x24: {  	s3 =	sadd.s32 $0x88, s3;
	s6 =	simm.s32 @!p1 $0x1082;
	[sflag:s4] =	ssyncset.s32 $0xFFFFF086  }
0x25: {  	[simem:s6], [sflag:s4] =	dma.local [hbm:s3], $0xF7A  }
0x26: {  	[smem:$0x3F99] =	sst s1;
	(tag) =	ssettag s2;
	_ =	strace s9  }
0x27: {  	s1 =	sld [smem:$0x3FA9]  }
0x28: {  	s2 =	sld [smem:$0x3FAA]  }
0x29: {  	s4 =	sld [smem:$0x3FAC]  }
0x2a: {  	p0 =	seq.s32 s5, $0x0;
	s5 =	sld [smem:$0x3FAD]  }
0x2b: {  	s6 =	sld [smem:$0x3FAE]  }
0x2c: {  	s7 =	sld [smem:$0x3FAF]  }
0x2d: {  	s3 =	simm.s32 $0x108;
	s8 =	sld [smem:$0x3FB0]  }
0x2e: {  	s3 =	simm.s32 @!p0 $0x1082;
	s9 =	sld [smem:$0x3FB1]  }
0x2f: {  	lr =	sadd.s32 s0, s3;
	s0 =	sld [smem:$0x3FA8]  }
0x30: {  	s3 =	sld [smem:$0x3FAB]  }
0x31: {  	[smem:$0x3FB4] =	sst s10  }
0x32: {  	s10 =	sld [smem:$0x3FB2];
	_ =	sdelay $0x3  }
0x33: {  	p0 =	seq.s32 s10, $0x1;
	s10 =	sld [smem:$0x3FB4];
	_ =	sdelay $0x3  }
0x34: {  	[smem:$0x3FB4] =	sst s10  }
0x35: {  	s10 =	sld [smem:$0x3FB3];
	_ =	sdelay $0x3  }
0x36: {  	p1 =	seq.s32 s10, $0x1;
	s10 =	sld [smem:$0x3FB4];
	_ =	sdelay $0x3  }
0x37: {  	[smem:$0x3FB4] =	sst s10  }
0x38: {  	s10 =	sld [smem:$0x3FB5]  }
0x39: {  	_ = 	snop;
	(pc) =	sbr.ind lr, $3  }
0x3a: {  	_ = 	snop  }
0x3b: {  	_ = 	snop  }
0x3c: {  	p2 =	seq.s32 s10, $0x1;
	s10 =	sld [smem:$0x3FB4]  }
0x3d: {  	_ =	shalt  }
0x3e: {  	_ =	shalt  }
0x3f: {  	_ =	shalt  }
0x40: {  	_ =	shalt  }
0x41: {  	_ =	shalt  }
0x42: {  	_ =	shalt  }
0x43: {  	_ =	shalt  }
0x44: {  	_ =	shalt  }
0x45: {  	_ =	shalt  }
0x46: {  	_ =	shalt  }
0x47: {  	_ =	shalt  }
0x48: {  	_ =	shalt  }
0x49: {  	_ =	shalt  }
0x4a: {  	_ =	shalt  }
0x4b: {  	_ =	shalt  }
0x4c: {  	_ =	shalt  }
0x4d: {  	_ =	shalt  }
0x4e: {  	_ =	shalt  }
0x4f: {  	_ =	shalt  }
0x50: {  	_ =	shalt  }
0x51: {  	_ =	shalt  }
0x52: {  	_ =	shalt  }
0x53: {  	_ =	shalt  }
0x54: {  	_ =	shalt  }
0x55: {  	_ =	shalt  }
0x56: {  	_ =	shalt  }
0x57: {  	_ =	shalt  }
0x58: {  	_ =	shalt  }
0x59: {  	_ =	shalt  }
0x5a: {  	_ =	shalt  }
0x5b: {  	_ =	shalt  }
0x5c: {  	_ =	shalt  }
0x5d: {  	_ =	shalt  }
0x5e: {  	_ =	shalt  }
0x5f: {  	_ =	shalt  }
0x60: {  	_ =	shalt  }
0x61: {  	_ =	shalt  }
0x62: {  	_ =	shalt  }
0x63: {  	_ =	shalt  }
0x64: {  	_ =	shalt  }
0x65: {  	_ =	shalt  }
0x66: {  	_ =	shalt  }
0x67: {  	_ =	shalt  }
0x68: {  	_ =	shalt  }
0x69: {  	_ =	shalt  }
0x6a: {  	_ =	shalt  }
0x6b: {  	_ =	shalt  }
0x6c: {  	_ =	shalt  }
0x6d: {  	_ =	shalt  }
0x6e: {  	_ =	shalt  }
0x6f: {  	_ =	shalt  }
0x70: {  	_ =	shalt  }
0x71: {  	_ =	shalt  }
0x72: {  	_ =	shalt  }
0x73: {  	_ =	shalt  }
0x74: {  	_ =	shalt  }
0x75: {  	_ =	shalt  }
0x76: {  	_ =	shalt  }
0x77: {  	_ =	shalt  }
0x78: {  	_ =	shalt  }
0x79: {  	_ =	shalt  }
0x7a: {  	_ =	shalt  }
0x7b: {  	_ =	shalt  }
0x7c: {  	_ =	shalt  }
0x7d: {  	_ =	shalt  }
0x7e: {  	_ =	shalt  }
0x7f: {  	_ =	shalt  }
0x80: {  	_ =	shalt  }
0x81: {  	_ =	shalt  }
0x82: {  	_ =	shalt  }
0x83: {  	_ =	shalt  }
0x84: {  	_ =	shalt  }
0x85: {  	_ =	shalt  }
0x86: {  	_ =	shalt  }
0x87: {  	_ =	shalt  }
.Lfunc_end0:
.L_simem_size_0:
called_computation.1_lowered:
.L_overlay_start_0:
0x88: {  	s2 =	sld [smem:$0x3FD9]  }
0x89: {  	s3 =	sld [smem:$0x3FFE];
	_ =	sdelay $0x1  }
0x8a: {  	s1 =	srdreg.scid  }
0x8b: {  	s0 =	sand.u32 $0x1, s1  }
0x8c: {  	s16 =	sshll.u32 s0, $0xA;
	s2 =	sadd.s32 s3, s2  }
0x8d: {  	s2 =	sadd.s32 s2, s16  }
0x8e: {  	[smem:$0x3FC0] =	sst s2  }
0x8f: {  	_ = 	snop  }
0x90: {  	(tm) =	ssettm $0x1  }
0x91: {  	s17 =	sld [smem:$0x3FFB];
	_ =	sdelay $0x3  }
0x92: {  	_ =	strace s17  }
0x93: {  	s2 =	sld [smem:$0x3FFC];
	_ =	sdelay $0x3  }
0x94: {  	_ =	strace s2  }
0x95: {  	s2 =	sld [smem:$0x3FFD];
	_ =	sdelay $0x3  }
0x96: {  	_ =	strace s2  }
0x97: {  	_ =	strace $0x8FFFFFFF  }
0x98: {  	s18 =	sld [smem:$0x3FDB];
	_ =	sdelay $0x1  }
0x99: {  	s19 =	simm.s32 $_scs_section_size  }
0x9a: {  	s4 =	simm.s32 $_size__tile_overlayer_lowered;
	s5 =	simm.s32 $_tile_overlayer_lowered  }
0x9b: {  	s22 =	simm.s32 $0x1BFF;
	s21 =	sshll.u32 s5, $0x1;
	s2 =	sadd.s32 s19, s18  }
0x9c: {  	s6 =	simm.s32 $0x0;
	s20 =	sshll.u32 s4, $0x1;
	s4 =	sadd.s32 s21, s2  }
0x9d: {  	[timem:s6], [sflag:s22] =	dma.local [hbm:s4], s20  }
0x9e: {  	_ =	swait.ge [sflag:s22], s20  }
0x9f: {  	s3 =	ssub.s32 $0x0, s20;
	[sflag:s22] =	ssyncset.done $0x0  }
0xa0: {  	[sflag:s22] =	ssyncadd.s32 s3;
	_ =	sdelay $0x1  }
0xa1: {  	s23 =	simm.s32 $0x1B8B  }
0xa2: {  	_ =	swait.ge [sflag:s23], $0x1  }
0xa3: {  	[sflag:s23] =	ssyncset.done $0x0  }
0xa4: {  	s25 =	simm.s32 $0x1B8E;
	s24 =	sld [smem:$0x3FFE];
	[sflag:s23] =	ssyncadd.s32 $0xFFFFFFFF  }
0xa5: {  	s26 =	simm.s32 $execute0_lowered;
	[smem:$0x3FD2] =	sst s25  }
0xa6: {  	s4 =	sshll.u32 s26, $0x1;
	_ =	strace $0x80000049;
	[dreg:$0x1] =	wrdreg $0xFFFFFFFF  }
0xa7: {  	s28 =	simm.s32 $_size_execute0_lowered;
	s2 =	sadd.s32 s2, s4;
	[dreg:$0x0] =	wrdreg $0x0  }
0xa8: {  	s4 =	sshll.u32 s28, $0x1;
	[dreg:$0x2] =	wrdreg s2  }
0xa9: {  	[dreg:$0x3] =	wrdreg s4  }
0xaa: {  	[dreg:$0x4] =	wrdreg $0xC0  }
0xab: {  	_ =	task [dreg:s6], $0x5FFFF  }
0xac: {  	[dreg:$0x1] =	wrdreg $0xFFFFFFFF  }
0xad: {  	[dreg:$0x0] =	wrdreg $0x60  }
0xae: {  	[dreg:$0x2] =	wrdreg s24  }
0xaf: {  	[dreg:$0x3] =	wrdreg $0x0  }
0xb0: {  	[dreg:$0x4] =	wrdreg $0x9  }
0xb1: {  	_ =	task.clear_ibuf [dreg:s6], $0x5FFFF;
	_ =	strace $0x90000049  }
0xb2: {  	s29 =	simm.s32 $0x9;
	_ =	strace $0x8000004B  }
0xb3: {  	_ =	swait.ge [sflag:s29], $0x1  }
0xb4: {  	[sflag:s29] =	ssyncadd.s32 $0xFFFFFFFF  }
0xb5: {  	_ =	strace $0x9000004B  }
0xb6: {  	_ =	sfence  }
0xb7: {  	s30 =	sld [smem:$0x0];
	_ =	sdelay $0x2  }
0xb8: {  	s31 =	sshll.u32 s1, $0xD;
	s1 =	sshrl.u32 s1, $0x2  }
0xb9: {  	s3 =	sand.u32 $0x4000, s31;
	s1 =	sadd.s32 s1, s30  }
0xba: {  	s0 =	sor.u32 s3, s0;
	s1 =	sshll.u32 s1, $0x11  }
0xbb: {  	s0 =	sor.u32 s1, s0  }
0xbc: {  	s0 =	sadd.s32 $0x8F2B, s0  }
0xbd: {  	[sflag:s0] =	ssyncadd.remote.s32 $0x1  }
0xbe: {  	_ =	sfence.sel $0xFFFF  }
0xbf: {  	[dreg:$0x0] =	wrdreg $0xFFFFFFFF;
	(pc) =	sbr.abs _section_cstart, $3  }
0xc0: {  	[dreg:$0x1] =	wrdreg $0xFFFFFFFF  }
0xc1: {  	_ =	task.clear_ibuf [dreg:s6], $0x2FFFF;
	_ =	strace $0x9FFFFFFF  }
0xc2: {  	(tm) =	ssettm $0x7FFFFFFF  }
0xc3: {  	_ =	shalt  }
tec
execute0_lowered:
.L_overlay_start_1:
0x0: {  	(tag) =	ssettag $0x1  }
0x1: {  	s0 =	rddreg [dreg:$0x0]  }
0x2: {  	s2 =	rddreg [dreg:$0x1];
	s1 =	srdreg.scid  }
0x3: {  	s12 =	stileid.u32;
	s3 =	simm.s32 $0x0;
	s28 =	simm.s32 $0x1E300  }
0x4: {  	s29 =	simm.s32 $0x19000;
	s30 =	simm.s32 $0x1E180;
	s31 =	simm.s32 $0x1E380  }
0x5: {  	s1 =	sand.u32 $0x1, s1;
	s5 =	smul.u32 $0x2800, s12;
	[smem:$0x7FF] =	sst s3  }
0x6: {  	s4 =	sadd.s32 $0x16000, s0;
	s7 =	sadd.s32 $0xC200, s0;
	s8 =	smul.u32 $0x50000, s12  }
0x7: {  	s18 =	sshll.u32 s12, $0x1;
	s9 =	sadd.s32 $0x2400, s0;
	s21 =	smul.u32 $0x4E20, s12  }
0x8: {  	s6 =	smul.u32 $0x28000, s1;
	_ =	strace $0x8000004A;
	s19 =	sor.u32 s1, s18  }
0x9: {  	s20 =	ssub.s32 $0x2, s1;
	s1 =	smul.u32 $0x2710, s1;
	s8 =	sshrl.u32 s8, $0x2  }
0xa: {  	s10 =	smul.u32 $0x2710, s19;
	s11 =	sshrl.u32 s20, $0x1;
	s5 =	sadd.s32 s5, s6  }
0xb: {  	s6 =	ssub.s32 s20, s11;
	s0 =	sadd.s32 s5, s0;
	s5 =	sadd.s32 s8, s2  }
0xc: {  	s1 =	sadd.s32 s1, s21;
	s10 =	sshrl.u32 s10, $0x3;
	s22 =	sadd.s32 $0x2800, s5  }
0xd: {  	s13 =	sadd.s32 $0xF0, s1;
	s23 =	sadd.s32 $0x5000, s5;
	[dreg:$0xa] =	wrdreg s22  }
0xe: {  	s17 =	sadd.s32 $0xA0, s1;
	s24 =	sadd.s32 $0x7800, s5;
	[dreg:$0xb] =	wrdreg s23  }
0xf: {  	s21 =	sadd.s32 $0x50, s1;
	s25 =	sadd.s32 $0xA000, s5;
	[dreg:$0xc] =	wrdreg s24  }
0x10: {  	s1 =	sshrl.u32 s1, $0x3;
	s26 =	sadd.s32 $0xC800, s5;
	[dreg:$0xd] =	wrdreg s25  }
0x11: {  	s11 =	sadd.s32 $0xF000, s5;
	s12 =	sadd.s32 $0x4D8, s10;
	[dreg:$0xe] =	wrdreg s26  }
0x12: {  	s14 =	sadd.s32 $0x11800, s5;
	s10 =	sshrl.u32 s13, $0x3;
	[dreg:$0xf] =	wrdreg s11  }
0x13: {  	s19 =	sshrl.u32 s17, $0x3;
	[dreg:$0x10] =	wrdreg s14;
	s15 =	sadd.s32 s7, s12  }
0x14: {  	s17 =	sadd.s32 s1, s7;
	s8 =	sadd.s32 s9, s12;
	[dreg:$0x11] =	wrdreg s15  }
0x15: {  	s16 =	sadd.s32 s10, s9;
	s18 =	sadd.s32 s10, s7;
	[dreg:$0x12] =	wrdreg s8  }
0x16: {  	s20 =	sadd.s32 s19, s9;
	s22 =	sadd.s32 s19, s7;
	[dreg:$0x3] =	wrdreg s16  }
0x17: {  	s23 =	sshrl.u32 s21, $0x3;
	s26 =	sadd.s32 s1, s9;
	[dreg:$0x4] =	wrdreg s18  }
0x18: {  	s19 =	simm.s32 $0x5;
	s21 =	simm.s32 $0x1E200;
	[dreg:$0x5] =	wrdreg s20  }
0x19: {  	s1 =	simm.s32 $0x1;
	s15 =	sadd.s32 $0x3E000, s0;
	[dreg:$0x6] =	wrdreg s22  }
0x1a: {  	s24 =	sadd.s32 s23, s9;
	s25 =	sadd.s32 s23, s7;
	s16 =	smax.u32 s6, $0x1  }
0x1b: {  	[dreg:$0x9] =	wrdreg s26;
	s18 =	simm.s32 $0x14000;
	s20 =	simm.s32 $0x1E000  }
0x1c: {  	s22 =	simm.s32 $0x50;
	s23 =	simm.s32 $0x1E080;
	s26 =	simm.s32 $0x1E100  }
0x1d: {  	s0 =	simm.s32 $0x1B800;
	s6 =	simm.s32 $0x2;
	s7 =	simm.s32 $0x3  }
0x1e: {  	s8 =	simm.s32 $0x4;
	s9 =	simm.s32 $0x0;
	[dreg:$0x7] =	wrdreg s24  }
0x1f: {  	v0 =	vimm.f32 $0.0e+00;
	[dreg:$0x8] =	wrdreg s25;
	s24 =	simm.s32 $0x1E280;
	s25 =	simm.s32 $0x16800  }
.LBB2_1:
0x20: {  	s10 =	simm.s32 $0x0;
	s11 =	simm.s32 $0x200  }
.LBB2_2:
0x21: {  	p0 =	sne.s32 s11, $0x9E00;
	[tilespmem:s10+$0x14070] =	vst v0  }
0x22: {  	[tilespmem:s10+$0x14000] =	vst v0  }
0x23: {  	[tilespmem:s10+$0x14010] =	vst v0  }
.Ltmp0:
0x24: {  	[tilespmem:s10+$0x14020] =	vst v0;
	(pc) =	sbr.rel @p0 .LBB2_2-.Ltmp0, $4  }
0x25: {  	[tilespmem:s10+$0x14030] =	vst v0  }
0x26: {  	[tilespmem:s10+$0x14040] =	vst v0  }
0x27: {  	[tilespmem:s10+$0x14050] =	vst v0  }
0x28: {  	[tilespmem:s10+$0x14060] =	vst v0;
	s10 =	sshra.s32 s11, $0x2;
	s11 =	sadd.s32 $0x200, s11  }
0x29: {  	[tilespmem:s10+$0x14070] =	vst v0  }
0x2a: {  	[tilespmem:s10+$0x14000] =	vst v0  }
0x2b: {  	[tilespmem:s10+$0x14010] =	vst v0  }
0x2c: {  	[tilespmem:s10+$0x14020] =	vst v0  }
0x2d: {  	[tilespmem:s10+$0x14030] =	vst v0  }
0x2e: {  	[tilespmem:s10+$0x14040] =	vst v0  }
0x2f: {  	[tilespmem:s10+$0x14050] =	vst v0  }
0x30: {  	[tilespmem:s10+$0x14060] =	vst v0  }
0x31: {  	[spmem:s5] =	stream.linear.scatter [tilespmem:s18], [sflag:$0x5], $0x2800, $0x38;
	[tilespmem:$0x1E400] =	vst v63  }
0x32: {  	_ =	swait.ge [sflag:s19], $0x2800  }
0x33: {  	[sflag:s19] =	ssyncset.done $0x0  }
0x34: {  	s12 =	rddreg [dreg:$0xa];
	[sflag:s19] =	ssyncadd.s32 $0xFFFFD800  }
0x35: {  	[spmem:s12] =	stream.linear.scatter [tilespmem:s18], [sflag:$0x5], $0x2800, $0x38;
	[tilespmem:$0x1E400] =	vst v63  }
0x36: {  	_ =	swait.ge [sflag:s19], $0x2800  }
0x37: {  	[sflag:s19] =	ssyncset.done $0x0  }
0x38: {  	s13 =	rddreg [dreg:$0xb];
	[sflag:s19] =	ssyncadd.s32 $0xFFFFD800  }
0x39: {  	[spmem:s13] =	stream.linear.scatter [tilespmem:s18], [sflag:$0x5], $0x2800, $0x38;
	[tilespmem:$0x1E400] =	vst v63  }
0x3a: {  	_ =	swait.ge [sflag:s19], $0x2800  }
0x3b: {  	[sflag:s19] =	ssyncset.done $0x0  }
0x3c: {  	s14 =	rddreg [dreg:$0xc];
	[sflag:s19] =	ssyncadd.s32 $0xFFFFD800  }
0x3d: {  	[spmem:s14] =	stream.linear.scatter [tilespmem:s18], [sflag:$0x5], $0x2800, $0x38;
	[tilespmem:$0x1E400] =	vst v63  }
0x3e: {  	_ =	swait.ge [sflag:s19], $0x2800  }
0x3f: {  	[sflag:s19] =	ssyncset.done $0x0  }
0x40: {  	s11 =	rddreg [dreg:$0xd];
	[sflag:s19] =	ssyncadd.s32 $0xFFFFD800  }
0x41: {  	[spmem:s11] =	stream.linear.scatter [tilespmem:s18], [sflag:$0x5], $0x2800, $0x38;
	[tilespmem:$0x1E400] =	vst v63  }
0x42: {  	_ =	swait.ge [sflag:s19], $0x2800  }
0x43: {  	[sflag:s19] =	ssyncset.done $0x0  }
0x44: {  	s12 =	rddreg [dreg:$0xe];
	[sflag:s19] =	ssyncadd.s32 $0xFFFFD800  }
0x45: {  	[spmem:s12] =	stream.linear.scatter [tilespmem:s18], [sflag:$0x5], $0x2800, $0x38;
	[tilespmem:$0x1E400] =	vst v63  }
0x46: {  	_ =	swait.ge [sflag:s19], $0x2800  }
0x47: {  	[sflag:s19] =	ssyncset.done $0x0  }
0x48: {  	s13 =	rddreg [dreg:$0xf];
	[sflag:s19] =	ssyncadd.s32 $0xFFFFD800  }
0x49: {  	[spmem:s13] =	stream.linear.scatter [tilespmem:s18], [sflag:$0x5], $0x2800, $0x38;
	[tilespmem:$0x1E400] =	vst v63  }
0x4a: {  	_ =	swait.ge [sflag:s19], $0x2800  }
0x4b: {  	[sflag:s19] =	ssyncset.done $0x0  }
0x4c: {  	s14 =	rddreg [dreg:$0x10];
	[sflag:s19] =	ssyncadd.s32 $0xFFFFD800  }
0x4d: {  	[spmem:s14] =	stream.linear.scatter [tilespmem:s18], [sflag:$0x5], $0x2800, $0x38;
	[tilespmem:$0x1E400] =	vst v63  }
0x4e: {  	_ =	swait.ge [sflag:s19], $0x2800  }
0x4f: {  	[sflag:s19] =	ssyncset.done $0x0  }
0x50: {  	[sflag:s19] =	ssyncadd.s32 $0xFFFFD800  }
0x51: {  	s11 =	sadd.s32 $0x0, s17;
	[bflag:$0x0] =	sbarrier.arrive $0xFFFF  }
0x52: {  	[tilespmem:s20], [sflag:$0x5] =	stream.linear.gather [hbm4b:s11+s3], $0x50, $0x38;
	[tilespmem:$0x1E400] =	vst v63  }
0x53: {  	_ =	swait.ge [sflag:s19], $0x50  }
0x54: {  	s12 =	rddreg [dreg:$0x9];
	[sflag:s19] =	ssyncset.done $0x0  }
0x55: {  	[sflag:s19] =	ssyncadd.s32 $0xFFFFFFB0;
	s10 =	sadd.s32 $0x0, s12  }
0x56: {  	[tilespmem:s21], [sflag:$0x5] =	stream.linear.gather [hbm4b:s10+s3], $0x50, $0x38;
	[tilespmem:$0x1E400] =	vst v63  }
0x57: {  	_ =	swait.ge [sflag:s19], $0x50  }
0x58: {  	[sflag:s19] =	ssyncset.done $0x0  }
0x59: {  	s13 =	rddreg [dreg:$0x8];
	[sflag:s19] =	ssyncadd.s32 $0xFFFFFFB0  }
0x5a: {  	[tilespmem:s18], [sflag:$0x1] =	stream.indirect.gather [hbm4b:s4+s22], $0x80, s20, s22, $0xb8;
	[tilespmem:$0x1E400] =	vst v63  }
0x5b: {  	s10 =	sadd.s32 $0x0, s13  }
0x5c: {  	[tilespmem:s23], [sflag:$0x5] =	stream.linear.gather [hbm4b:s10+s3], $0x50, $0x38;
	[tilespmem:$0x1E400] =	vst v63  }
0x5d: {  	_ =	swait.ge [sflag:s19], $0x50  }
0x5e: {  	s14 =	rddreg [dreg:$0x7];
	[sflag:s19] =	ssyncset.done $0x0  }
0x5f: {  	[sflag:s19] =	ssyncadd.s32 $0xFFFFFFB0;
	s10 =	sadd.s32 $0x0, s14  }
0x60: {  	[tilespmem:s24], [sflag:$0x5] =	stream.linear.gather [hbm4b:s10+s3], $0x50, $0x38;
	[tilespmem:$0x1E400] =	vst v63  }
0x61: {  	_ =	swait.ge [sflag:s19], $0x50  }
0x62: {  	[sflag:s19] =	ssyncset.done $0x0  }
0x63: {  	s11 =	rddreg [dreg:$0x6];
	[sflag:s19] =	ssyncadd.s32 $0xFFFFFFB0  }
0x64: {  	[tilespmem:s25], [sflag:$0x2] =	stream.indirect.gather [hbm4b:s4+s22], $0x80, s23, s22, $0xb8;
	[tilespmem:$0x1E400] =	vst v63  }
0x65: {  	s10 =	sadd.s32 $0x0, s11  }
0x66: {  	[tilespmem:s26], [sflag:$0x5] =	stream.linear.gather [hbm4b:s10+s3], $0x50, $0x38;
	[tilespmem:$0x1E400] =	vst v63  }
0x67: {  	_ =	swait.ge [sflag:s19], $0x50  }
0x68: {  	s12 =	rddreg [dreg:$0x5];
	[sflag:s19] =	ssyncset.done $0x0  }
0x69: {  	[sflag:s19] =	ssyncadd.s32 $0xFFFFFFB0;
	s10 =	sadd.s32 $0x0, s12  }
0x6a: {  	[tilespmem:s28], [sflag:$0x5] =	stream.linear.gather [hbm4b:s10+s3], $0x50, $0x38;
	[tilespmem:$0x1E400] =	vst v63  }
0x6b: {  	_ =	swait.ge [sflag:s19], $0x50  }
0x6c: {  	[sflag:s19] =	ssyncset.done $0x0  }
0x6d: {  	s13 =	rddreg [dreg:$0x4];
	[sflag:s19] =	ssyncadd.s32 $0xFFFFFFB0  }
0x6e: {  	[tilespmem:s29], [sflag:$0x3] =	stream.indirect.gather [hbm4b:s4+s22], $0x80, s26, s22, $0xb8;
	[tilespmem:$0x1E400] =	vst v63  }
0x6f: {  	s10 =	sadd.s32 $0x0, s13  }
0x70: {  	[tilespmem:s30], [sflag:$0x5] =	stream.linear.gather [hbm4b:s10+s3], $0x50, $0x38;
	[tilespmem:$0x1E400] =	vst v63  }
0x71: {  	_ =	swait.ge [sflag:s19], $0x50  }
0x72: {  	s14 =	rddreg [dreg:$0x3];
	[sflag:s19] =	ssyncset.done $0x0  }
0x73: {  	[sflag:s19] =	ssyncadd.s32 $0xFFFFFFB0;
	s10 =	sadd.s32 $0x0, s14  }
0x74: {  	[tilespmem:s31], [sflag:$0x5] =	stream.linear.gather [hbm4b:s10+s3], $0x50, $0x38;
	[tilespmem:$0x1E400] =	vst v63  }
0x75: {  	_ =	swait.ge [sflag:s19], $0x50  }
0x76: {  	[sflag:s19] =	ssyncset.done $0x0  }
0x77: {  	[sflag:s19] =	ssyncadd.s32 $0xFFFFFFB0  }
0x78: {  	[tilespmem:s0], [sflag:$0x4] =	stream.indirect.gather [hbm4b:s4+s22], $0x80, s30, s22, $0xb8;
	[tilespmem:$0x1E400] =	vst v63  }
0x79: {  	_ =	swait.ge [sflag:s1], $0x2800  }
0x7a: {  	[sflag:s1] =	ssyncset.done $0x0  }
0x7b: {  	[sflag:s1] =	ssyncadd.s32 $0xFFFFD800  }
0x7c: {  	[spmem:s2] =	stream.indirect.scatter.add.f32 [tilespmem:s18], [sflag:$0x5], $0x80, s21, s22, $0xb8;
	[tilespmem:$0x1E400] =	vst v63  }
0x7d: {  	_ =	swait.ge [sflag:s19], $0x2800  }
0x7e: {  	[sflag:s19] =	ssyncset.done $0x0  }
0x7f: {  	[sflag:s19] =	ssyncadd.s32 $0xFFFFD800  }
0x80: {  	_ =	swait.ge [sflag:s6], $0x2800  }
0x81: {  	[sflag:s6] =	ssyncset.done $0x0  }
0x82: {  	[sflag:s6] =	ssyncadd.s32 $0xFFFFD800  }
0x83: {  	[spmem:s2] =	stream.indirect.scatter.add.f32 [tilespmem:s25], [sflag:$0x5], $0x80, s24, s22, $0xb8;
	[tilespmem:$0x1E400] =	vst v63  }
0x84: {  	_ =	swait.ge [sflag:s19], $0x2800  }
0x85: {  	[sflag:s19] =	ssyncset.done $0x0  }
0x86: {  	[sflag:s19] =	ssyncadd.s32 $0xFFFFD800  }
0x87: {  	_ =	swait.ge [sflag:s7], $0x2800  }
0x88: {  	[sflag:s7] =	ssyncset.done $0x0  }
0x89: {  	[sflag:s7] =	ssyncadd.s32 $0xFFFFD800  }
0x8a: {  	[spmem:s2] =	stream.indirect.scatter.add.f32 [tilespmem:s29], [sflag:$0x5], $0x80, s28, s22, $0xb8;
	[tilespmem:$0x1E400] =	vst v63  }
0x8b: {  	_ =	swait.ge [sflag:s19], $0x2800  }
0x8c: {  	[sflag:s19] =	ssyncset.done $0x0  }
0x8d: {  	[sflag:s19] =	ssyncadd.s32 $0xFFFFD800  }
0x8e: {  	_ =	swait.ge [sflag:s8], $0x2800  }
0x8f: {  	[sflag:s8] =	ssyncset.done $0x0  }
0x90: {  	[sflag:s8] =	ssyncadd.s32 $0xFFFFD800  }
0x91: {  	[spmem:s2] =	stream.indirect.scatter.add.f32 [tilespmem:s0], [sflag:$0x5], $0x80, s31, s22, $0xb8;
	[tilespmem:$0x1E400] =	vst v63  }
0x92: {  	_ =	swait.ge [sflag:s19], $0x2800  }
0x93: {  	s11 =	simm.s32 $0x50;
	s10 =	simm.s32 $0x28;
	[sflag:s19] =	ssyncset.done $0x0  }
.LBB2_4:
0x94: {  	s14 =	sadd.s32 s10, s17;
	[sflag:s19] =	ssyncadd.s32 $0xFFFFD800  }
0x95: {  	[tilespmem:s20], [sflag:$0x5] =	stream.linear.gather [hbm4b:s14+s3], $0x50, $0x38;
	[tilespmem:$0x1E400] =	vst v63  }
0x96: {  	s12 =	smov.u32 s11;
	_ =	swait.ge [sflag:s19], $0x50  }
0x97: {  	s13 =	sadd.s32 $0x28, s11;
	s14 =	rddreg [dreg:$0x9];
	[sflag:s19] =	ssyncset.done $0x0  }
0x98: {  	p0 =	sne.s32 s11, $0x4B0;
	[sflag:s19] =	ssyncadd.s32 $0xFFFFFFB0;
	s11 =	sadd.s32 s10, s14  }
0x99: {  	[tilespmem:s21], [sflag:$0x5] =	stream.linear.gather [hbm4b:s11+s3], $0x50, $0x38;
	[tilespmem:$0x1E400] =	vst v63  }
0x9a: {  	_ =	swait.ge [sflag:s19], $0x50  }
0x9b: {  	[sflag:s19] =	ssyncset.done $0x0  }
0x9c: {  	s14 =	rddreg [dreg:$0x8];
	[sflag:s19] =	ssyncadd.s32 $0xFFFFFFB0  }
0x9d: {  	[tilespmem:s18], [sflag:$0x1] =	stream.indirect.gather [hbm4b:s4+s22], $0x80, s20, s22, $0xb8;
	[tilespmem:$0x1E400] =	vst v63  }
0x9e: {  	s11 =	sadd.s32 s10, s14  }
0x9f: {  	[tilespmem:s23], [sflag:$0x5] =	stream.linear.gather [hbm4b:s11+s3], $0x50, $0x38;
	[tilespmem:$0x1E400] =	vst v63  }
0xa0: {  	_ =	swait.ge [sflag:s19], $0x50  }
0xa1: {  	s14 =	rddreg [dreg:$0x7];
	[sflag:s19] =	ssyncset.done $0x0  }
0xa2: {  	[sflag:s19] =	ssyncadd.s32 $0xFFFFFFB0;
	s11 =	sadd.s32 s10, s14  }
0xa3: {  	[tilespmem:s24], [sflag:$0x5] =	stream.linear.gather [hbm4b:s11+s3], $0x50, $0x38;
	[tilespmem:$0x1E400] =	vst v63  }
0xa4: {  	_ =	swait.ge [sflag:s19], $0x50  }
0xa5: {  	[sflag:s19] =	ssyncset.done $0x0  }
0xa6: {  	s14 =	rddreg [dreg:$0x6];
	[sflag:s19] =	ssyncadd.s32 $0xFFFFFFB0  }
0xa7: {  	[tilespmem:s25], [sflag:$0x2] =	stream.indirect.gather [hbm4b:s4+s22], $0x80, s23, s22, $0xb8;
	[tilespmem:$0x1E400] =	vst v63  }
0xa8: {  	s11 =	sadd.s32 s10, s14  }
0xa9: {  	[tilespmem:s26], [sflag:$0x5] =	stream.linear.gather [hbm4b:s11+s3], $0x50, $0x38;
	[tilespmem:$0x1E400] =	vst v63  }
0xaa: {  	_ =	swait.ge [sflag:s19], $0x50  }
0xab: {  	s14 =	rddreg [dreg:$0x5];
	[sflag:s19] =	ssyncset.done $0x0  }
0xac: {  	[sflag:s19] =	ssyncadd.s32 $0xFFFFFFB0;
	s11 =	sadd.s32 s10, s14  }
0xad: {  	[tilespmem:s28], [sflag:$0x5] =	stream.linear.gather [hbm4b:s11+s3], $0x50, $0x38;
	[tilespmem:$0x1E400] =	vst v63  }
0xae: {  	_ =	swait.ge [sflag:s19], $0x50  }
0xaf: {  	[sflag:s19] =	ssyncset.done $0x0  }
0xb0: {  	s14 =	rddreg [dreg:$0x4];
	[sflag:s19] =	ssyncadd.s32 $0xFFFFFFB0  }
0xb1: {  	[tilespmem:s29], [sflag:$0x3] =	stream.indirect.gather [hbm4b:s4+s22], $0x80, s26, s22, $0xb8;
	[tilespmem:$0x1E400] =	vst v63  }
0xb2: {  	s11 =	sadd.s32 s10, s14  }
0xb3: {  	[tilespmem:s30], [sflag:$0x5] =	stream.linear.gather [hbm4b:s11+s3], $0x50, $0x38;
	[tilespmem:$0x1E400] =	vst v63  }
0xb4: {  	_ =	swait.ge [sflag:s19], $0x50  }
0xb5: {  	s14 =	rddreg [dreg:$0x3];
	[sflag:s19] =	ssyncset.done $0x0  }
0xb6: {  	[sflag:s19] =	ssyncadd.s32 $0xFFFFFFB0;
	s11 =	sadd.s32 s10, s14  }
0xb7: {  	[tilespmem:s31], [sflag:$0x5] =	stream.linear.gather [hbm4b:s11+s3], $0x50, $0x38;
	[tilespmem:$0x1E400] =	vst v63  }
0xb8: {  	_ =	swait.ge [sflag:s19], $0x50  }
0xb9: {  	[sflag:s19] =	ssyncset.done $0x0  }
0xba: {  	[sflag:s19] =	ssyncadd.s32 $0xFFFFFFB0  }
0xbb: {  	[tilespmem:s0], [sflag:$0x4] =	stream.indirect.gather [hbm4b:s4+s22], $0x80, s30, s22, $0xb8;
	[tilespmem:$0x1E400] =	vst v63  }
0xbc: {  	_ =	swait.ge [sflag:s1], $0x2800  }
0xbd: {  	[sflag:s1] =	ssyncset.done $0x0  }
0xbe: {  	[sflag:s1] =	ssyncadd.s32 $0xFFFFD800  }
0xbf: {  	[spmem:s2] =	stream.indirect.scatter.add.f32 [tilespmem:s18], [sflag:$0x5], $0x80, s21, s22, $0xb8;
	[tilespmem:$0x1E400] =	vst v63  }
0xc0: {  	_ =	swait.ge [sflag:s19], $0x2800  }
0xc1: {  	[sflag:s19] =	ssyncset.done $0x0  }
0xc2: {  	[sflag:s19] =	ssyncadd.s32 $0xFFFFD800  }
0xc3: {  	_ =	swait.ge [sflag:s6], $0x2800  }
0xc4: {  	[sflag:s6] =	ssyncset.done $0x0  }
0xc5: {  	[sflag:s6] =	ssyncadd.s32 $0xFFFFD800  }
0xc6: {  	[spmem:s2] =	stream.indirect.scatter.add.f32 [tilespmem:s25], [sflag:$0x5], $0x80, s24, s22, $0xb8;
	[tilespmem:$0x1E400] =	vst v63  }
0xc7: {  	_ =	swait.ge [sflag:s19], $0x2800  }
0xc8: {  	[sflag:s19] =	ssyncset.done $0x0  }
0xc9: {  	[sflag:s19] =	ssyncadd.s32 $0xFFFFD800  }
0xca: {  	_ =	swait.ge [sflag:s7], $0x2800  }
0xcb: {  	[sflag:s7] =	ssyncset.done $0x0  }
0xcc: {  	[sflag:s7] =	ssyncadd.s32 $0xFFFFD800  }
0xcd: {  	[spmem:s2] =	stream.indirect.scatter.add.f32 [tilespmem:s29], [sflag:$0x5], $0x80, s28, s22, $0xb8;
	[tilespmem:$0x1E400] =	vst v63  }
0xce: {  	_ =	swait.ge [sflag:s19], $0x2800  }
0xcf: {  	[sflag:s19] =	ssyncset.done $0x0  }
0xd0: {  	[sflag:s19] =	ssyncadd.s32 $0xFFFFD800  }
0xd1: {  	_ =	swait.ge [sflag:s8], $0x2800  }
.Ltmp1:
0xd2: {  	[sflag:s8] =	ssyncset.done $0x0;
	(pc) =	sbr.rel @p0 .LBB2_4-.Ltmp1, $4  }
0xd3: {  	[sflag:s8] =	ssyncadd.s32 $0xFFFFD800  }
0xd4: {  	[spmem:s2] =	stream.indirect.scatter.add.f32 [tilespmem:s0], [sflag:$0x5], $0x80, s31, s22, $0xb8;
	[tilespmem:$0x1E400] =	vst v63  }
0xd5: {  	_ =	swait.ge [sflag:s19], $0x2800  }
0xd6: {  	s10 =	smov.u32 s12;
	s11 =	smov.u32 s13;
	[sflag:s19] =	ssyncset.done $0x0  }
0xd7: {  	s11 =	sadd.s32 s10, s17;
	[sflag:s19] =	ssyncadd.s32 $0xFFFFD800  }
0xd8: {  	[tilespmem:s20], [sflag:$0x5] =	stream.linear.gather [hbm4b:s11+s3], $0x50, $0x38;
	[tilespmem:$0x1E400] =	vst v63  }
0xd9: {  	_ =	swait.ge [sflag:s19], $0x50  }
0xda: {  	s13 =	rddreg [dreg:$0x9];
	[sflag:s19] =	ssyncset.done $0x0  }
0xdb: {  	[sflag:s19] =	ssyncadd.s32 $0xFFFFFFB0;
	s11 =	sadd.s32 s10, s13  }
0xdc: {  	[tilespmem:s21], [sflag:$0x5] =	stream.linear.gather [hbm4b:s11+s3], $0x50, $0x38;
	[tilespmem:$0x1E400] =	vst v63  }
0xdd: {  	_ =	swait.ge [sflag:s19], $0x50  }
0xde: {  	[sflag:s19] =	ssyncset.done $0x0  }
0xdf: {  	s14 =	rddreg [dreg:$0x8];
	[sflag:s19] =	ssyncadd.s32 $0xFFFFFFB0  }
0xe0: {  	[tilespmem:s18], [sflag:$0x1] =	stream.indirect.gather [hbm4b:s4+s22], $0x80, s20, s22, $0xb8;
	[tilespmem:$0x1E400] =	vst v63  }
0xe1: {  	s11 =	sadd.s32 s10, s14  }
0xe2: {  	[tilespmem:s23], [sflag:$0x5] =	stream.linear.gather [hbm4b:s11+s3], $0x50, $0x38;
	[tilespmem:$0x1E400] =	vst v63  }
0xe3: {  	_ =	swait.ge [sflag:s19], $0x50  }
0xe4: {  	s12 =	rddreg [dreg:$0x7];
	[sflag:s19] =	ssyncset.done $0x0  }
0xe5: {  	[sflag:s19] =	ssyncadd.s32 $0xFFFFFFB0;
	s11 =	sadd.s32 s10, s12  }
0xe6: {  	[tilespmem:s24], [sflag:$0x5] =	stream.linear.gather [hbm4b:s11+s3], $0x50, $0x38;
	[tilespmem:$0x1E400] =	vst v63  }
0xe7: {  	_ =	swait.ge [sflag:s19], $0x50  }
0xe8: {  	[sflag:s19] =	ssyncset.done $0x0  }
0xe9: {  	s13 =	rddreg [dreg:$0x6];
	[sflag:s19] =	ssyncadd.s32 $0xFFFFFFB0  }
0xea: {  	[tilespmem:s25], [sflag:$0x2] =	stream.indirect.gather [hbm4b:s4+s22], $0x80, s23, s22, $0xb8;
	[tilespmem:$0x1E400] =	vst v63  }
0xeb: {  	s11 =	sadd.s32 s10, s13  }
0xec: {  	[tilespmem:s26], [sflag:$0x5] =	stream.linear.gather [hbm4b:s11+s3], $0x50, $0x38;
	[tilespmem:$0x1E400] =	vst v63  }
0xed: {  	_ =	swait.ge [sflag:s19], $0x50  }
0xee: {  	s14 =	rddreg [dreg:$0x5];
	[sflag:s19] =	ssyncset.done $0x0  }
0xef: {  	[sflag:s19] =	ssyncadd.s32 $0xFFFFFFB0;
	s11 =	sadd.s32 s10, s14  }
0xf0: {  	[tilespmem:s28], [sflag:$0x5] =	stream.linear.gather [hbm4b:s11+s3], $0x50, $0x38;
	[tilespmem:$0x1E400] =	vst v63  }
0xf1: {  	_ =	swait.ge [sflag:s19], $0x50  }
0xf2: {  	[sflag:s19] =	ssyncset.done $0x0  }
0xf3: {  	s12 =	rddreg [dreg:$0x4];
	[sflag:s19] =	ssyncadd.s32 $0xFFFFFFB0  }
0xf4: {  	[tilespmem:s29], [sflag:$0x3] =	stream.indirect.gather [hbm4b:s4+s22], $0x80, s26, s22, $0xb8;
	[tilespmem:$0x1E400] =	vst v63  }
0xf5: {  	s11 =	sadd.s32 s10, s12  }
0xf6: {  	[tilespmem:s30], [sflag:$0x5] =	stream.linear.gather [hbm4b:s11+s3], $0x50, $0x38;
	[tilespmem:$0x1E400] =	vst v63  }
0xf7: {  	_ =	swait.ge [sflag:s19], $0x50  }
0xf8: {  	s13 =	rddreg [dreg:$0x3];
	[sflag:s19] =	ssyncset.done $0x0  }
0xf9: {  	[sflag:s19] =	ssyncadd.s32 $0xFFFFFFB0;
	s14 =	sadd.s32 s10, s13  }
0xfa: {  	[tilespmem:s31], [sflag:$0x5] =	stream.linear.gather [hbm4b:s14+s3], $0x50, $0x38;
	[tilespmem:$0x1E400] =	vst v63  }
0xfb: {  	_ =	swait.ge [sflag:s19], $0x50  }
0xfc: {  	[sflag:s19] =	ssyncset.done $0x0  }
0xfd: {  	[sflag:s19] =	ssyncadd.s32 $0xFFFFFFB0  }
0xfe: {  	[tilespmem:s0], [sflag:$0x4] =	stream.indirect.gather [hbm4b:s4+s22], $0x80, s30, s22, $0xb8;
	[tilespmem:$0x1E400] =	vst v63  }
0xff: {  	_ =	swait.ge [sflag:s1], $0x2800  }
0x100: {  	[sflag:s1] =	ssyncset.done $0x0  }
0x101: {  	[sflag:s1] =	ssyncadd.s32 $0xFFFFD800  }
0x102: {  	[spmem:s2] =	stream.indirect.scatter.add.f32 [tilespmem:s18], [sflag:$0x5], $0x80, s21, s22, $0xb8;
	[tilespmem:$0x1E400] =	vst v63  }
0x103: {  	_ =	swait.ge [sflag:s19], $0x2800  }
0x104: {  	[sflag:s19] =	ssyncset.done $0x0  }
0x105: {  	[sflag:s19] =	ssyncadd.s32 $0xFFFFD800  }
0x106: {  	_ =	swait.ge [sflag:s6], $0x2800  }
0x107: {  	[sflag:s6] =	ssyncset.done $0x0  }
0x108: {  	[sflag:s6] =	ssyncadd.s32 $0xFFFFD800  }
0x109: {  	[spmem:s2] =	stream.indirect.scatter.add.f32 [tilespmem:s25], [sflag:$0x5], $0x80, s24, s22, $0xb8;
	[tilespmem:$0x1E400] =	vst v63  }
0x10a: {  	_ =	swait.ge [sflag:s19], $0x2800  }
0x10b: {  	[sflag:s19] =	ssyncset.done $0x0  }
0x10c: {  	[sflag:s19] =	ssyncadd.s32 $0xFFFFD800  }
0x10d: {  	_ =	swait.ge [sflag:s7], $0x2800  }
0x10e: {  	[sflag:s7] =	ssyncset.done $0x0  }
0x10f: {  	[sflag:s7] =	ssyncadd.s32 $0xFFFFD800  }
0x110: {  	[spmem:s2] =	stream.indirect.scatter.add.f32 [tilespmem:s29], [sflag:$0x5], $0x80, s28, s22, $0xb8;
	[tilespmem:$0x1E400] =	vst v63  }
0x111: {  	_ =	swait.ge [sflag:s19], $0x2800  }
0x112: {  	[sflag:s19] =	ssyncset.done $0x0  }
0x113: {  	[sflag:s19] =	ssyncadd.s32 $0xFFFFD800  }
0x114: {  	_ =	swait.ge [sflag:s8], $0x2800  }
0x115: {  	[sflag:s8] =	ssyncset.done $0x0  }
0x116: {  	[sflag:s8] =	ssyncadd.s32 $0xFFFFD800  }
0x117: {  	[spmem:s2] =	stream.indirect.scatter.add.f32 [tilespmem:s0], [sflag:$0x5], $0x80, s31, s22, $0xb8;
	[tilespmem:$0x1E400] =	vst v63  }
0x118: {  	_ =	swait.ge [sflag:s19], $0x2800  }
0x119: {  	[sflag:s19] =	ssyncset.done $0x0  }
0x11a: {  	s11 =	rddreg [dreg:$0x11];
	[sflag:s19] =	ssyncadd.s32 $0xFFFFD800  }
0x11b: {  	[tilespmem:s20], [sflag:$0x5] =	stream.linear.gather [hbm4b:s11+s3], $0x50, $0x38;
	[tilespmem:$0x1E400] =	vst v63  }
0x11c: {  	_ =	swait.ge [sflag:s19], $0x50  }
0x11d: {  	[sflag:s19] =	ssyncset.done $0x0  }
0x11e: {  	s12 =	rddreg [dreg:$0x12];
	[sflag:s19] =	ssyncadd.s32 $0xFFFFFFB0  }
0x11f: {  	[tilespmem:s21], [sflag:$0x5] =	stream.linear.gather [hbm4b:s12+s3], $0x50, $0x38;
	[tilespmem:$0x1E400] =	vst v63  }
0x120: {  	_ =	swait.ge [sflag:s19], $0x50  }
0x121: {  	[sflag:s19] =	ssyncset.done $0x0  }
0x122: {  	[sflag:s19] =	ssyncadd.s32 $0xFFFFFFB0  }
0x123: {  	[tilespmem:s18], [sflag:$0x1] =	stream.indirect.gather [hbm4b:s4+s22], $0x80, s20, s22, $0xb8;
	[tilespmem:$0x1E400] =	vst v63  }
0x124: {  	_ =	swait.ge [sflag:s1], $0x2800  }
0x125: {  	[sflag:s1] =	ssyncset.done $0x0  }
0x126: {  	[sflag:s1] =	ssyncadd.s32 $0xFFFFD800  }
0x127: {  	[spmem:s2] =	stream.indirect.scatter.add.f32 [tilespmem:s18], [sflag:$0x5], $0x80, s21, s22, $0xb8;
	[tilespmem:$0x1E400] =	vst v63  }
0x128: {  	s9 =	sadd.s32 $0x1, s9;
	_ =	swait.ge [sflag:s19], $0x2800  }
0x129: {  	p0 =	sne.s32 s9, s16;
	s13 =	stileid.u32;
	[sflag:s19] =	ssyncset.done $0x0  }
0x12a: {  	s10 =	sshll.u32 s13, $0x6;
	s14 =	sshrl.u32 s5, $0x3;
	[sflag:s19] =	ssyncadd.s32 $0xFFFFD800  }
.Ltmp2:
0x12b: {  	s10 =	sor.u32 $0x1C05, s10;
	[bflag:$0x0] =	sbarrier.arrive $0xFFFF;
	(pc) =	sbr.rel @p0 .LBB2_1-.Ltmp2, $4  }
0x12c: {  	[hbm:s15], [sflag:s10] =	dma.local [spmem:s14], $0x2800  }
0x12d: {  	_ =	swait.ge [sflag:s19], $0x2800  }
0x12e: {  	[sflag:s19] =	ssyncset.done $0x0  }
0x12f: {  	[sflag:s19] =	ssyncadd.s32 $0xFFFFD800  }
0x130: {  	_ =	sfence.sel $0x180000  }
0x131: {  	[bflag:$0x0] =	sbarrier.arrive $0xFFFF  }
0x132: {  	_ =	strace $0x9000004A  }
0x133: {  	s0 =	stileid.u32;
	[bflag:$0x2] =	sbarrier.arrive $0xFFFF  }
0x134: {  	p0 =	sne.s32 s0, $0x0;
	s0 =	rddreg [dreg:$0x2]  }
0x135: {  	s0 =	sadd.s32 @!p0 $0x100000, s0  }
0x136: {  	[sflag:s0] =	ssyncadd.tile.s32 @!p0 $0x1;
	_ =	shalt  }
.Lfunc_end2:
_tile_overlayer_lowered:
.L_overlay_start_2:
0x137: {  	(tag) =	ssettag $0x2  }
0x138: {  	s0 =	rddreg [dreg:$0x0];
	s2 =	stileid.u32  }
0x139: {  	s1 =	rddreg [dreg:$0x1];
	p0 =	sne.s32 s2, $0x0  }
0x13a: {  	s3 =	rddreg [dreg:$0x2];
	[bflag:$0x3] =	sbarrier.arrive $0xFFFF;
	s2 =	simm.s32 @!p0 $0x1C05  }
0x13b: {  	[timem:s3], [sflag:s2] =	dma.local @!p0 [hbm:s0], s1  }
0x13c: {  	s0 =	simm.s32 @!p0 $0x5  }
0x13d: {  	_ =	swait.ge @!p0 [sflag:s0], s1  }
0x13e: {  	s1 =	ssub.s32 @!p0 $0x0, s1;
	[sflag:s0] =	ssyncset.done @!p0 $0x0  }
0x13f: {  	[sflag:s0] =	ssyncadd.s32 @!p0 s1  }
0x140: {  	[bflag:$0x3] =	sbarrier.arrive $0xFFFF  }
0x141: {  	_ =	shalt  }

</sc_bundles>
